<compile_context>
chip_gen: v7x
topology: tpu7x:2x2x1
jax: 0.10.2.dev20260603
libtpu: 0.0.44.dev20260713+nightly
codegen_flags: <defaults>
</compile_context>

<pallas_src>
import functools
import jax
import jax.numpy as jnp
from jax import lax
from jax.experimental import pallas as pl
from jax.experimental.pallas import tpu as pltpu
from jax.experimental.pallas import tpu_sc as plsc

B = 4096
F = 26
VOCAB = 100000
D = 32

NC = 2
NS = 16
NW = NC * NS
BPW = B // NW
NG = B // 16

VMAIN = 99968
H0 = 50048
H1 = VMAIN - H0
HBUF = H0
TAILW = 128


def _stream_body(xi_hbm, emb_hbm, tails_hbm, parts_hbm,
                 idx_v, buf, tails_v, s_acc, q_acc, sem0, sem1, sem_t):
    c = lax.axis_index("c")
    s = lax.axis_index("s")
    w = s * NC + c

    zero = jnp.zeros((16,), jnp.float32)

    def clear(i, carry):
        s_acc[pl.ds(i * 16, 16)] = zero
        q_acc[pl.ds(i * 16, 16)] = zero
        return carry

    lax.fori_loop(0, NG, clear, 0)

    tail_copies = []
    for f in range(F):
        cp = pltpu.make_async_copy(
            tails_hbm.at[pl.ds((f * D + w) * TAILW, TAILW)],
            tails_v.at[pl.ds(f * TAILW, TAILW)], sem_t)
        tail_copies.append(cp)

    sems = (sem0, sem1)
    HALF = ((0, H0), (H0, H1))

    def fire(f, h):
        st, ln = HALF[h]
        pltpu.make_async_copy(
            emb_hbm.at[f * D + w, pl.ds(st, ln)],
            buf.at[pl.ds(h * HBUF, ln)], sems[h]).start()

    def drain(h):
        st, ln = HALF[h]
        pltpu.make_async_copy(
            emb_hbm.at[0, pl.ds(st, ln)],
            buf.at[pl.ds(h * HBUF, ln)], sems[h]).wait()

    def scan_half(f, h):
        base, hlen = HALF[h]
        boff = h * HBUF

        def scan(g, carry):
            p = pl.ds(g * 16, 16)
            v = idx_v[p]
            voff = v - base
            m = jnp.logical_and(voff >= 0, voff < hlen)
            vv = plsc.load_gather(
                buf, [boff + jnp.where(m, voff, 0)], mask=m)
            vsel = jnp.where(m, vv, 0.0)
            if h == 1:
                toff = v - VMAIN
                mt = toff >= 0
                tv = plsc.load_gather(
                    tails_v, [f * TAILW + jnp.where(mt, toff, 0)], mask=mt)
                vsel = vsel + jnp.where(mt, tv, 0.0)
            s_acc[p] = s_acc[p] + vsel
            q_acc[p] = q_acc[p] + vsel * vsel
            return carry

        lax.fori_loop(0, NG, scan, 0)

    fire(0, 0)

    def step(f, carry):
        pltpu.sync_copy(xi_hbm.at[pl.ds(f * B, B)], idx_v)
        fire(f, 1)
        drain(0)
        scan_half(f, 0)

        @pl.when(f + 1 < F)
        def _():
            fire(f + 1, 0)

        drain(1)
        scan_half(f, 1)
        return carry

    for cp in tail_copies:
        cp.start()
    for cp in tail_copies:
        cp.wait()
    lax.fori_loop(0, F, step, 0)

    def fin(g, carry):
        p = pl.ds(g * 16, 16)
        sa = s_acc[p]
        s_acc[p] = sa * sa - q_acc[p]
        return carry

    lax.fori_loop(0, NG, fin, 0)
    pltpu.sync_copy(s_acc, parts_hbm.at[pl.ds(w * B, B)])


def _reduce_body(parts_hbm, xi_hbm, lin_hbm, bias_hbm, out_hbm,
                 pv, idx_v, lidx, lin_v, out_v, bias_v, sem_p, sem_l):
    c = lax.axis_index("c")
    s = lax.axis_index("s")
    w = s * NC + c

    pltpu.sync_copy(bias_hbm, bias_v)

    stage = []
    for d in range(D):
        stage.append(pltpu.make_async_copy(
            parts_hbm.at[pl.ds(d * B + w * BPW, BPW)],
            pv.at[pl.ds(d * BPW, BPW)], sem_p))
    for f in range(F):
        stage.append(pltpu.make_async_copy(
            xi_hbm.at[pl.ds(f * B + w * BPW, BPW)],
            idx_v.at[pl.ds(f * BPW, BPW)], sem_p))
    for cp in stage:
        cp.start()
    for cp in stage:
        cp.wait()

    def lin_build(f, carry):
        def per_stripe(st, carry2):
            p = pl.ds(f * BPW + st * 16, 16)
            lidx[p] = f * VOCAB + idx_v[p]
            return carry2
        lax.fori_loop(0, BPW // 16, per_stripe, 0)
        return carry

    lax.fori_loop(0, F, lin_build, 0)
    lin_copies = []
    for j in range(F):
        cp = pltpu.make_async_copy(
            lin_hbm.at[lidx.at[pl.ds(j * 128, 128)]],
            lin_v.at[pl.ds(j * 128, 128)], sem_l)
        cp.start()
        lin_copies.append(cp)
    for cp in lin_copies:
        cp.wait()

    bias_vec = bias_v[...]

    def finish(g, carry):
        b0 = g * 16
        t = jnp.zeros((16,), jnp.float32)
        for d in range(D):
            t = t + pv[pl.ds(d * BPW + b0, 16)]
        lsum = bias_vec
        for f in range(F):
            lsum = lsum + lin_v[pl.ds(f * BPW + b0, 16)]
        out_v[pl.ds(b0, 16)] = 0.5 * t + lsum
        return carry

    lax.fori_loop(0, BPW // 16, finish, 0)
    pltpu.sync_copy(out_v, out_hbm.at[pl.ds(w * BPW, BPW)])


_mesh = plsc.VectorSubcoreMesh(core_axis_name="c", subcore_axis_name="s")

_stream = functools.partial(
    pl.kernel,
    mesh=_mesh,
    compiler_params=pltpu.CompilerParams(
        needs_layout_passes=False, use_tc_tiling_on_sc=True),
    out_type=jax.ShapeDtypeStruct((D * B,), jnp.float32),
    scratch_types=[
        pltpu.VMEM((B,), jnp.int32),
        pltpu.VMEM((2 * HBUF,), jnp.float32),
        pltpu.VMEM((F * TAILW,), jnp.float32),
        pltpu.VMEM((B,), jnp.float32),
        pltpu.VMEM((B,), jnp.float32),
        pltpu.SemaphoreType.DMA,
        pltpu.SemaphoreType.DMA,
        pltpu.SemaphoreType.DMA,
    ],
)(_stream_body)

_reduce = functools.partial(
    pl.kernel,
    mesh=_mesh,
    compiler_params=pltpu.CompilerParams(
        needs_layout_passes=False, use_tc_tiling_on_sc=False),
    out_type=jax.ShapeDtypeStruct((B,), jnp.float32),
    scratch_types=[
        pltpu.VMEM((D * BPW,), jnp.float32),
        pltpu.VMEM((F * BPW,), jnp.int32),
        pltpu.VMEM((F * BPW,), jnp.int32),
        pltpu.VMEM((F * BPW,), jnp.float32),
        pltpu.VMEM((BPW,), jnp.float32),
        pltpu.VMEM((16,), jnp.float32),
        pltpu.SemaphoreType.DMA,
        pltpu.SemaphoreType.DMA,
    ],
)(_reduce_body)


@jax.jit
def kernel(Xi, W_lin, W_emb, bias):
    xi = Xi.reshape(B, F).astype(jnp.int32).T.reshape(F * B)
    emb = jnp.transpose(W_emb, (0, 2, 1)).reshape(F * D, VOCAB)
    tails = jnp.transpose(W_emb[:, VMAIN:, :], (0, 2, 1))
    tails = jnp.pad(tails, ((0, 0), (0, 0), (0, TAILW - (VOCAB - VMAIN))))
    tails = tails.reshape(F * D * TAILW)
    lin = W_lin.reshape(F * VOCAB)
    bias16 = jnp.broadcast_to(bias, (16,))
    parts = _stream(xi, emb, tails)
    return _reduce(parts, xi, lin, bias16)

# --- scband reference (transcript-rebuilt; emitter-appended) ---
"""Pipeline reference for scband-fm-12610023981504 (READ-ONLY COPY).

The authoritative reference and input builder live on the scoring server;
editing this copy changes nothing except your own understanding.
"""

import jax, jax.numpy as jnp
import numpy as np

B = 4096
F = 26
VOCAB = 100000
D = 32

def setup_inputs(seed: int = 0) -> dict:
    key = jax.random.key(seed)
    k1, k2, k3 = jax.random.split(key, 3)
    # index input tensor: batch_size x field_size x 1 (EmbeddingBag over a single index == lookup)
    Xi = jax.random.randint(k1, (B, F, 1), 0, VOCAB, dtype=jnp.int64)
    # first-order linear tables: one (vocab, 1) table per field
    W_lin = jax.random.normal(k2, (F, VOCAB, 1), dtype=jnp.float32) * 0.01
    # second-order embedding tables: uniform(-sqrt(1/n), sqrt(1/n)) as in the torch init
    bound = float(np.sqrt(1.0 / VOCAB))
    W_emb = jax.random.uniform(k3, (F, VOCAB, D), dtype=jnp.float32, minval=-bound, maxval=bound)
    bias = jnp.array([0.01], dtype=jnp.float32)
    return {"Xi": Xi, "W_lin": W_lin, "W_emb": W_emb, "bias": bias}

def reference(Xi, W_lin, W_emb, bias):
    idx = Xi[:, :, 0]  # [B, F]; EmbeddingBag(sum) over one index == plain gather
    # per-field gather for first-order terms -> [B, F, 1]
    lin = jax.vmap(lambda w, ix: jnp.take(w, ix, axis=0), in_axes=(0, 1), out_axes=1)(W_lin, idx)
    fm_first_order = lin[:, :, 0]  # [B, F] (torch.cat of [B,1] slices)
    # per-field gather for second-order embeddings -> [B, F, D]
    emb = jax.vmap(lambda w, ix: jnp.take(w, ix, axis=0), in_axes=(0, 1), out_axes=1)(W_emb, idx)
    # FactorizationMachine(reduce_sum=False): 0.5 * ((sum_f v)^2 - sum_f v^2) -> [B, D]
    sum_v = jnp.sum(emb, axis=1)
    sum_v_sq = jnp.sum(emb * emb, axis=1)
    fm_second_order = 0.5 * (sum_v * sum_v - sum_v_sq)
    out = jnp.sum(fm_first_order, axis=1) + jnp.sum(fm_second_order, axis=1) + bias[0]
    return out

if __name__ == "__main__":
    import jax
    _d = setup_inputs()
    print(jax.jit(kernel)(*tuple(_d.values())))

</pallas_src>

<mosaic_0001>
#map = affine_map<(d0, d1) -> (0)>
#map1 = affine_map<(d0, d1) -> (0, 0)>
module attributes {stable_mosaic.version = 14 : i64} {
  func.func @_stream_body(%arg0: i32, %arg1: i32, %arg2: memref<106496xi32, #tpu.memory_space<hbm>>, %arg3: memref<832x100000xf32, #tpu.memory_space<hbm>>, %arg4: memref<106496xf32, #tpu.memory_space<hbm>>, %arg5: memref<131072xf32, #tpu.memory_space<hbm>>, %arg6: memref<4096xi32, #tpu.memory_space<vmem>>, %arg7: memref<100096xf32, #tpu.memory_space<vmem>>, %arg8: memref<3328xf32, #tpu.memory_space<vmem>>, %arg9: memref<4096xf32, #tpu.memory_space<vmem>>, %arg10: memref<4096xf32, #tpu.memory_space<vmem>>, %arg11: memref<!tpu.dma_semaphore, #tpu.memory_space<semaphore_mem>>, %arg12: memref<!tpu.dma_semaphore, #tpu.memory_space<semaphore_mem>>, %arg13: memref<!tpu.dma_semaphore, #tpu.memory_space<semaphore_mem>>) attributes {dimension_semantics = [#tpu.dimension_semantics<core_parallel>, #tpu.dimension_semantics<subcore_parallel>], iteration_bounds = array<i64: 2, 16>, scalar_prefetch = 0 : i64, scratch_operands = 8 : i64, tpu.core_type = #tpu.core_type<sc_vector_subcore>, window_params = [{transform_indices = #map}, {transform_indices = #map1}, {transform_indices = #map}, {transform_indices = #map}]} {
    %mul3A = arith.constant 2 : i32
    %mul3A_0 = arith.muli %arg1, %mul3A : i32
    %add3A = arith.addi %mul3A_0, %arg0 : i32
    %broadcast_in_dim3A = arith.constant 0.000000e+00 : f32
    %broadcast_in_dim3A_1 = vector.broadcast %broadcast_in_dim3A : f32 to vector<16xf32>
    %scan3A = arith.constant 0 : i32
    %scan3A_2 = arith.constant 0 : i32
    %scan3A_3 = arith.constant 256 : i32
    %scan3A_4 = arith.addi %scan3A_2, %scan3A_3 : i32
    %scan3A_5 = arith.constant 1 : i32
    scf.for %scan3A_447 = %scan3A_2 to %scan3A_4 step %scan3A_5  : i32 {
      %mul3A_448 = arith.constant 16 : i32
      %mul3A_449 = arith.muli %scan3A_447, %mul3A_448 : i32
      %swap3A = arith.index_cast %mul3A_449 : i32 to index
      %swap3A_450 = tpu.vector_load %arg9[%swap3A] {strides = array<i32>} : memref<4096xf32, #tpu.memory_space<vmem>>, vector<16xf32>,
      tpu.vector_store %arg9[%swap3A], %broadcast_in_dim3A_1 {strides = array<i32>} : memref<4096xf32, #tpu.memory_space<vmem>>, vector<16xf32>,
      %mul3A_451 = arith.constant 16 : i32
      %mul3A_452 = arith.muli %scan3A_447, %mul3A_451 : i32
      %swap3A_453 = arith.index_cast %mul3A_452 : i32 to index
      %swap3A_454 = tpu.vector_load %arg10[%swap3A_453] {strides = array<i32>} : memref<4096xf32, #tpu.memory_space<vmem>>, vector<16xf32>,
      tpu.vector_store %arg10[%swap3A_453], %broadcast_in_dim3A_1 {strides = array<i32>} : memref<4096xf32, #tpu.memory_space<vmem>>, vector<16xf32>,
    }
    %scan3A_6 = arith.constant 256 : i32
    %add3A_7 = arith.constant 0 : i32
    %add3A_8 = arith.addi %add3A_7, %add3A : i32
    %mul3A_9 = arith.constant 128 : i32
    %mul3A_10 = arith.muli %add3A_8, %mul3A_9 : i32
    %add3A_11 = arith.constant 32 : i32
    %add3A_12 = arith.addi %add3A_11, %add3A : i32
    %mul3A_13 = arith.constant 128 : i32
    %mul3A_14 = arith.muli %add3A_12, %mul3A_13 : i32
    %add3A_15 = arith.constant 64 : i32
    %add3A_16 = arith.addi %add3A_15, %add3A : i32
    %mul3A_17 = arith.constant 128 : i32
    %mul3A_18 = arith.muli %add3A_16, %mul3A_17 : i32
    %add3A_19 = arith.constant 96 : i32
    %add3A_20 = arith.addi %add3A_19, %add3A : i32
    %mul3A_21 = arith.constant 128 : i32
    %mul3A_22 = arith.muli %add3A_20, %mul3A_21 : i32
    %add3A_23 = arith.constant 128 : i32
    %add3A_24 = arith.addi %add3A_23, %add3A : i32
    %mul3A_25 = arith.constant 128 : i32
    %mul3A_26 = arith.muli %add3A_24, %mul3A_25 : i32
    %add3A_27 = arith.constant 160 : i32
    %add3A_28 = arith.addi %add3A_27, %add3A : i32
    %mul3A_29 = arith.constant 128 : i32
    %mul3A_30 = arith.muli %add3A_28, %mul3A_29 : i32
    %add3A_31 = arith.constant 192 : i32
    %add3A_32 = arith.addi %add3A_31, %add3A : i32
    %mul3A_33 = arith.constant 128 : i32
    %mul3A_34 = arith.muli %add3A_32, %mul3A_33 : i32
    %add3A_35 = arith.constant 224 : i32
    %add3A_36 = arith.addi %add3A_35, %add3A : i32
    %mul3A_37 = arith.constant 128 : i32
    %mul3A_38 = arith.muli %add3A_36, %mul3A_37 : i32
    %add3A_39 = arith.constant 256 : i32
    %add3A_40 = arith.addi %add3A_39, %add3A : i32
    %mul3A_41 = arith.constant 128 : i32
    %mul3A_42 = arith.muli %add3A_40, %mul3A_41 : i32
    %add3A_43 = arith.constant 288 : i32
    %add3A_44 = arith.addi %add3A_43, %add3A : i32
    %mul3A_45 = arith.constant 128 : i32
    %mul3A_46 = arith.muli %add3A_44, %mul3A_45 : i32
    %add3A_47 = arith.constant 320 : i32
    %add3A_48 = arith.addi %add3A_47, %add3A : i32
    %mul3A_49 = arith.constant 128 : i32
    %mul3A_50 = arith.muli %add3A_48, %mul3A_49 : i32
    %add3A_51 = arith.constant 352 : i32
    %add3A_52 = arith.addi %add3A_51, %add3A : i32
    %mul3A_53 = arith.constant 128 : i32
    %mul3A_54 = arith.muli %add3A_52, %mul3A_53 : i32
    %add3A_55 = arith.constant 384 : i32
    %add3A_56 = arith.addi %add3A_55, %add3A : i32
    %mul3A_57 = arith.constant 128 : i32
    %mul3A_58 = arith.muli %add3A_56, %mul3A_57 : i32
    %add3A_59 = arith.constant 416 : i32
    %add3A_60 = arith.addi %add3A_59, %add3A : i32
    %mul3A_61 = arith.constant 128 : i32
    %mul3A_62 = arith.muli %add3A_60, %mul3A_61 : i32
    %add3A_63 = arith.constant 448 : i32
    %add3A_64 = arith.addi %add3A_63, %add3A : i32
    %mul3A_65 = arith.constant 128 : i32
    %mul3A_66 = arith.muli %add3A_64, %mul3A_65 : i32
    %add3A_67 = arith.constant 480 : i32
    %add3A_68 = arith.addi %add3A_67, %add3A : i32
    %mul3A_69 = arith.constant 128 : i32
    %mul3A_70 = arith.muli %add3A_68, %mul3A_69 : i32
    %add3A_71 = arith.constant 512 : i32
    %add3A_72 = arith.addi %add3A_71, %add3A : i32
    %mul3A_73 = arith.constant 128 : i32
    %mul3A_74 = arith.muli %add3A_72, %mul3A_73 : i32
    %add3A_75 = arith.constant 544 : i32
    %add3A_76 = arith.addi %add3A_75, %add3A : i32
    %mul3A_77 = arith.constant 128 : i32
    %mul3A_78 = arith.muli %add3A_76, %mul3A_77 : i32
    %add3A_79 = arith.constant 576 : i32
    %add3A_80 = arith.addi %add3A_79, %add3A : i32
    %mul3A_81 = arith.constant 128 : i32
    %mul3A_82 = arith.muli %add3A_80, %mul3A_81 : i32
    %add3A_83 = arith.constant 608 : i32
    %add3A_84 = arith.addi %add3A_83, %add3A : i32
    %mul3A_85 = arith.constant 128 : i32
    %mul3A_86 = arith.muli %add3A_84, %mul3A_85 : i32
    %add3A_87 = arith.constant 640 : i32
    %add3A_88 = arith.addi %add3A_87, %add3A : i32
    %mul3A_89 = arith.constant 128 : i32
    %mul3A_90 = arith.muli %add3A_88, %mul3A_89 : i32
    %add3A_91 = arith.constant 672 : i32
    %add3A_92 = arith.addi %add3A_91, %add3A : i32
    %mul3A_93 = arith.constant 128 : i32
    %mul3A_94 = arith.muli %add3A_92, %mul3A_93 : i32
    %add3A_95 = arith.constant 704 : i32
    %add3A_96 = arith.addi %add3A_95, %add3A : i32
    %mul3A_97 = arith.constant 128 : i32
    %mul3A_98 = arith.muli %add3A_96, %mul3A_97 : i32
    %add3A_99 = arith.constant 736 : i32
    %add3A_100 = arith.addi %add3A_99, %add3A : i32
    %mul3A_101 = arith.constant 128 : i32
    %mul3A_102 = arith.muli %add3A_100, %mul3A_101 : i32
    %add3A_103 = arith.constant 768 : i32
    %add3A_104 = arith.addi %add3A_103, %add3A : i32
    %mul3A_105 = arith.constant 128 : i32
    %mul3A_106 = arith.muli %add3A_104, %mul3A_105 : i32
    %add3A_107 = arith.constant 800 : i32
    %add3A_108 = arith.addi %add3A_107, %add3A : i32
    %mul3A_109 = arith.constant 128 : i32
    %mul3A_110 = arith.muli %add3A_108, %mul3A_109 : i32
    %add3A_111 = arith.constant 0 : i32
    %add3A_112 = arith.addi %add3A_111, %add3A : i32
    %dma_start3A = arith.constant 0 : i32
    %dma_start3A_113 = tpu.memref_slice %arg7[%dma_start3A] : memref<100096xf32, #tpu.memory_space<vmem>> -> memref<50048xf32, #tpu.memory_space<vmem>>
    %dma_start3A_114 = arith.constant 0 : i32
    %dma_start3A_115 = tpu.memref_slice %arg3[%add3A_112, %dma_start3A_114] : memref<832x100000xf32, #tpu.memory_space<hbm>> -> memref<1x50048xf32, #tpu.memory_space<hbm>>
    %dma_start3A_116 = tpu.memref_squeeze %dma_start3A_115 : memref<1x50048xf32, #tpu.memory_space<hbm>> -> memref<50048xf32, #tpu.memory_space<hbm>>
    %dma_start3A_117 = arith.constant 0 : i32
    %dma_start3A_118 = tpu.memref_slice %arg7[%dma_start3A_117] : memref<100096xf32, #tpu.memory_space<vmem>> -> memref<50048xf32, #tpu.memory_space<vmem>>
    %dma_start3A_119 = arith.constant 0 : i32
    %dma_start3A_120 = tpu.memref_slice %arg3[%add3A_112, %dma_start3A_119] : memref<832x100000xf32, #tpu.memory_space<hbm>> -> memref<1x50048xf32, #tpu.memory_space<hbm>>
    %dma_start3A_121 = tpu.memref_squeeze %dma_start3A_120 : memref<1x50048xf32, #tpu.memory_space<hbm>> -> memref<50048xf32, #tpu.memory_space<hbm>>
    tpu.enqueue_dma source(%dma_start3A_121 : memref<50048xf32, #tpu.memory_space<hbm>>) target(%dma_start3A_118 : memref<50048xf32, #tpu.memory_space<vmem>>) target_semaphore(%arg11 : memref<!tpu.dma_semaphore, #tpu.memory_space<semaphore_mem>>)
    %dma_start3A_122 = arith.constant 0 : i32
    %dma_start3A_123 = tpu.memref_slice %arg8[%dma_start3A_122] : memref<3328xf32, #tpu.memory_space<vmem>> -> memref<128xf32, #tpu.memory_space<vmem>>
    %dma_start3A_124 = tpu.memref_slice %arg4[%mul3A_10] : memref<106496xf32, #tpu.memory_space<hbm>> -> memref<128xf32, #tpu.memory_space<hbm>>
    %dma_start3A_125 = arith.constant 0 : i32
    %dma_start3A_126 = tpu.memref_slice %arg8[%dma_start3A_125] : memref<3328xf32, #tpu.memory_space<vmem>> -> memref<128xf32, #tpu.memory_space<vmem>>
    %dma_start3A_127 = tpu.memref_slice %arg4[%mul3A_10] : memref<106496xf32, #tpu.memory_space<hbm>> -> memref<128xf32, #tpu.memory_space<hbm>>
    tpu.enqueue_dma source(%dma_start3A_127 : memref<128xf32, #tpu.memory_space<hbm>>) target(%dma_start3A_126 : memref<128xf32, #tpu.memory_space<vmem>>) target_semaphore(%arg13 : memref<!tpu.dma_semaphore, #tpu.memory_space<semaphore_mem>>)
    %dma_start3A_128 = arith.constant 128 : i32
    %dma_start3A_129 = tpu.memref_slice %arg8[%dma_start3A_128] : memref<3328xf32, #tpu.memory_space<vmem>> -> memref<128xf32, #tpu.memory_space<vmem>>
    %dma_start3A_130 = tpu.memref_slice %arg4[%mul3A_14] : memref<106496xf32, #tpu.memory_space<hbm>> -> memref<128xf32, #tpu.memory_space<hbm>>
    %dma_start3A_131 = arith.constant 128 : i32
    %dma_start3A_132 = tpu.memref_slice %arg8[%dma_start3A_131] : memref<3328xf32, #tpu.memory_space<vmem>> -> memref<128xf32, #tpu.memory_space<vmem>>
    %dma_start3A_133 = tpu.memref_slice %arg4[%mul3A_14] : memref<106496xf32, #tpu.memory_space<hbm>> -> memref<128xf32, #tpu.memory_space<hbm>>
    tpu.enqueue_dma source(%dma_start3A_133 : memref<128xf32, #tpu.memory_space<hbm>>) target(%dma_start3A_132 : memref<128xf32, #tpu.memory_space<vmem>>) target_semaphore(%arg13 : memref<!tpu.dma_semaphore, #tpu.memory_space<semaphore_mem>>)
    %dma_start3A_134 = arith.constant 256 : i32
    %dma_start3A_135 = tpu.memref_slice %arg8[%dma_start3A_134] : memref<3328xf32, #tpu.memory_space<vmem>> -> memref<128xf32, #tpu.memory_space<vmem>>
    %dma_start3A_136 = tpu.memref_slice %arg4[%mul3A_18] : memref<106496xf32, #tpu.memory_space<hbm>> -> memref<128xf32, #tpu.memory_space<hbm>>
    %dma_start3A_137 = arith.constant 256 : i32
    %dma_start3A_138 = tpu.memref_slice %arg8[%dma_start3A_137] : memref<3328xf32, #tpu.memory_space<vmem>> -> memref<128xf32, #tpu.memory_space<vmem>>
    %dma_start3A_139 = tpu.memref_slice %arg4[%mul3A_18] : memref<106496xf32, #tpu.memory_space<hbm>> -> memref<128xf32, #tpu.memory_space<hbm>>
    tpu.enqueue_dma source(%dma_start3A_139 : memref<128xf32, #tpu.memory_space<hbm>>) target(%dma_start3A_138 : memref<128xf32, #tpu.memory_space<vmem>>) target_semaphore(%arg13 : memref<!tpu.dma_semaphore, #tpu.memory_space<semaphore_mem>>)
    %dma_start3A_140 = arith.constant 384 : i32
    %dma_start3A_141 = tpu.memref_slice %arg8[%dma_start3A_140] : memref<3328xf32, #tpu.memory_space<vmem>> -> memref<128xf32, #tpu.memory_space<vmem>>
    %dma_start3A_142 = tpu.memref_slice %arg4[%mul3A_22] : memref<106496xf32, #tpu.memory_space<hbm>> -> memref<128xf32, #tpu.memory_space<hbm>>
    %dma_start3A_143 = arith.constant 384 : i32
    %dma_start3A_144 = tpu.memref_slice %arg8[%dma_start3A_143] : memref<3328xf32, #tpu.memory_space<vmem>> -> memref<128xf32, #tpu.memory_space<vmem>>
    %dma_start3A_145 = tpu.memref_slice %arg4[%mul3A_22] : memref<106496xf32, #tpu.memory_space<hbm>> -> memref<128xf32, #tpu.memory_space<hbm>>
    tpu.enqueue_dma source(%dma_start3A_145 : memref<128xf32, #tpu.memory_space<hbm>>) target(%dma_start3A_144 : memref<128xf32, #tpu.memory_space<vmem>>) target_semaphore(%arg13 : memref<!tpu.dma_semaphore, #tpu.memory_space<semaphore_mem>>)
    %dma_start3A_146 = arith.constant 512 : i32
    %dma_start3A_147 = tpu.memref_slice %arg8[%dma_start3A_146] : memref<3328xf32, #tpu.memory_space<vmem>> -> memref<128xf32, #tpu.memory_space<vmem>>
    %dma_start3A_148 = tpu.memref_slice %arg4[%mul3A_26] : memref<106496xf32, #tpu.memory_space<hbm>> -> memref<128xf32, #tpu.memory_space<hbm>>
    %dma_start3A_149 = arith.constant 512 : i32
    %dma_start3A_150 = tpu.memref_slice %arg8[%dma_start3A_149] : memref<3328xf32, #tpu.memory_space<vmem>> -> memref<128xf32, #tpu.memory_space<vmem>>
    %dma_start3A_151 = tpu.memref_slice %arg4[%mul3A_26] : memref<106496xf32, #tpu.memory_space<hbm>> -> memref<128xf32, #tpu.memory_space<hbm>>
    tpu.enqueue_dma source(%dma_start3A_151 : memref<128xf32, #tpu.memory_space<hbm>>) target(%dma_start3A_150 : memref<128xf32, #tpu.memory_space<vmem>>) target_semaphore(%arg13 : memref<!tpu.dma_semaphore, #tpu.memory_space<semaphore_mem>>)
    %dma_start3A_152 = arith.constant 640 : i32
    %dma_start3A_153 = tpu.memref_slice %arg8[%dma_start3A_152] : memref<3328xf32, #tpu.memory_space<vmem>> -> memref<128xf32, #tpu.memory_space<vmem>>
    %dma_start3A_154 = tpu.memref_slice %arg4[%mul3A_30] : memref<106496xf32, #tpu.memory_space<hbm>> -> memref<128xf32, #tpu.memory_space<hbm>>
    %dma_start3A_155 = arith.constant 640 : i32
    %dma_start3A_156 = tpu.memref_slice %arg8[%dma_start3A_155] : memref<3328xf32, #tpu.memory_space<vmem>> -> memref<128xf32, #tpu.memory_space<vmem>>
    %dma_start3A_157 = tpu.memref_slice %arg4[%mul3A_30] : memref<106496xf32, #tpu.memory_space<hbm>> -> memref<128xf32, #tpu.memory_space<hbm>>
    tpu.enqueue_dma source(%dma_start3A_157 : memref<128xf32, #tpu.memory_space<hbm>>) target(%dma_start3A_156 : memref<128xf32, #tpu.memory_space<vmem>>) target_semaphore(%arg13 : memref<!tpu.dma_semaphore, #tpu.memory_space<semaphore_mem>>)
    %dma_start3A_158 = arith.constant 768 : i32
    %dma_start3A_159 = tpu.memref_slice %arg8[%dma_start3A_158] : memref<3328xf32, #tpu.memory_space<vmem>> -> memref<128xf32, #tpu.memory_space<vmem>>
    %dma_start3A_160 = tpu.memref_slice %arg4[%mul3A_34] : memref<106496xf32, #tpu.memory_space<hbm>> -> memref<128xf32, #tpu.memory_space<hbm>>
    %dma_start3A_161 = arith.constant 768 : i32
    %dma_start3A_162 = tpu.memref_slice %arg8[%dma_start3A_161] : memref<3328xf32, #tpu.memory_space<vmem>> -> memref<128xf32, #tpu.memory_space<vmem>>
    %dma_start3A_163 = tpu.memref_slice %arg4[%mul3A_34] : memref<106496xf32, #tpu.memory_space<hbm>> -> memref<128xf32, #tpu.memory_space<hbm>>
    tpu.enqueue_dma source(%dma_start3A_163 : memref<128xf32, #tpu.memory_space<hbm>>) target(%dma_start3A_162 : memref<128xf32, #tpu.memory_space<vmem>>) target_semaphore(%arg13 : memref<!tpu.dma_semaphore, #tpu.memory_space<semaphore_mem>>)
    %dma_start3A_164 = arith.constant 896 : i32
    %dma_start3A_165 = tpu.memref_slice %arg8[%dma_start3A_164] : memref<3328xf32, #tpu.memory_space<vmem>> -> memref<128xf32, #tpu.memory_space<vmem>>
    %dma_start3A_166 = tpu.memref_slice %arg4[%mul3A_38] : memref<106496xf32, #tpu.memory_space<hbm>> -> memref<128xf32, #tpu.memory_space<hbm>>
    %dma_start3A_167 = arith.constant 896 : i32
    %dma_start3A_168 = tpu.memref_slice %arg8[%dma_start3A_167] : memref<3328xf32, #tpu.memory_space<vmem>> -> memref<128xf32, #tpu.memory_space<vmem>>
    %dma_start3A_169 = tpu.memref_slice %arg4[%mul3A_38] : memref<106496xf32, #tpu.memory_space<hbm>> -> memref<128xf32, #tpu.memory_space<hbm>>
    tpu.enqueue_dma source(%dma_start3A_169 : memref<128xf32, #tpu.memory_space<hbm>>) target(%dma_start3A_168 : memref<128xf32, #tpu.memory_space<vmem>>) target_semaphore(%arg13 : memref<!tpu.dma_semaphore, #tpu.memory_space<semaphore_mem>>)
    %dma_start3A_170 = arith.constant 1024 : i32
    %dma_start3A_171 = tpu.memref_slice %arg8[%dma_start3A_170] : memref<3328xf32, #tpu.memory_space<vmem>> -> memref<128xf32, #tpu.memory_space<vmem>>
    %dma_start3A_172 = tpu.memref_slice %arg4[%mul3A_42] : memref<106496xf32, #tpu.memory_space<hbm>> -> memref<128xf32, #tpu.memory_space<hbm>>
    %dma_start3A_173 = arith.constant 1024 : i32
    %dma_start3A_174 = tpu.memref_slice %arg8[%dma_start3A_173] : memref<3328xf32, #tpu.memory_space<vmem>> -> memref<128xf32, #tpu.memory_space<vmem>>
    %dma_start3A_175 = tpu.memref_slice %arg4[%mul3A_42] : memref<106496xf32, #tpu.memory_space<hbm>> -> memref<128xf32, #tpu.memory_space<hbm>>
    tpu.enqueue_dma source(%dma_start3A_175 : memref<128xf32, #tpu.memory_space<hbm>>) target(%dma_start3A_174 : memref<128xf32, #tpu.memory_space<vmem>>) target_semaphore(%arg13 : memref<!tpu.dma_semaphore, #tpu.memory_space<semaphore_mem>>)
    %dma_start3A_176 = arith.constant 1152 : i32
    %dma_start3A_177 = tpu.memref_slice %arg8[%dma_start3A_176] : memref<3328xf32, #tpu.memory_space<vmem>> -> memref<128xf32, #tpu.memory_space<vmem>>
    %dma_start3A_178 = tpu.memref_slice %arg4[%mul3A_46] : memref<106496xf32, #tpu.memory_space<hbm>> -> memref<128xf32, #tpu.memory_space<hbm>>
    %dma_start3A_179 = arith.constant 1152 : i32
    %dma_start3A_180 = tpu.memref_slice %arg8[%dma_start3A_179] : memref<3328xf32, #tpu.memory_space<vmem>> -> memref<128xf32, #tpu.memory_space<vmem>>
    %dma_start3A_181 = tpu.memref_slice %arg4[%mul3A_46] : memref<106496xf32, #tpu.memory_space<hbm>> -> memref<128xf32, #tpu.memory_space<hbm>>
    tpu.enqueue_dma source(%dma_start3A_181 : memref<128xf32, #tpu.memory_space<hbm>>) target(%dma_start3A_180 : memref<128xf32, #tpu.memory_space<vmem>>) target_semaphore(%arg13 : memref<!tpu.dma_semaphore, #tpu.memory_space<semaphore_mem>>)
    %dma_start3A_182 = arith.constant 1280 : i32
    %dma_start3A_183 = tpu.memref_slice %arg8[%dma_start3A_182] : memref<3328xf32, #tpu.memory_space<vmem>> -> memref<128xf32, #tpu.memory_space<vmem>>
    %dma_start3A_184 = tpu.memref_slice %arg4[%mul3A_50] : memref<106496xf32, #tpu.memory_space<hbm>> -> memref<128xf32, #tpu.memory_space<hbm>>
    %dma_start3A_185 = arith.constant 1280 : i32
    %dma_start3A_186 = tpu.memref_slice %arg8[%dma_start3A_185] : memref<3328xf32, #tpu.memory_space<vmem>> -> memref<128xf32, #tpu.memory_space<vmem>>
    %dma_start3A_187 = tpu.memref_slice %arg4[%mul3A_50] : memref<106496xf32, #tpu.memory_space<hbm>> -> memref<128xf32, #tpu.memory_space<hbm>>
    tpu.enqueue_dma source(%dma_start3A_187 : memref<128xf32, #tpu.memory_space<hbm>>) target(%dma_start3A_186 : memref<128xf32, #tpu.memory_space<vmem>>) target_semaphore(%arg13 : memref<!tpu.dma_semaphore, #tpu.memory_space<semaphore_mem>>)
    %dma_start3A_188 = arith.constant 1408 : i32
    %dma_start3A_189 = tpu.memref_slice %arg8[%dma_start3A_188] : memref<3328xf32, #tpu.memory_space<vmem>> -> memref<128xf32, #tpu.memory_space<vmem>>
    %dma_start3A_190 = tpu.memref_slice %arg4[%mul3A_54] : memref<106496xf32, #tpu.memory_space<hbm>> -> memref<128xf32, #tpu.memory_space<hbm>>
    %dma_start3A_191 = arith.constant 1408 : i32
    %dma_start3A_192 = tpu.memref_slice %arg8[%dma_start3A_191] : memref<3328xf32, #tpu.memory_space<vmem>> -> memref<128xf32, #tpu.memory_space<vmem>>
    %dma_start3A_193 = tpu.memref_slice %arg4[%mul3A_54] : memref<106496xf32, #tpu.memory_space<hbm>> -> memref<128xf32, #tpu.memory_space<hbm>>
    tpu.enqueue_dma source(%dma_start3A_193 : memref<128xf32, #tpu.memory_space<hbm>>) target(%dma_start3A_192 : memref<128xf32, #tpu.memory_space<vmem>>) target_semaphore(%arg13 : memref<!tpu.dma_semaphore, #tpu.memory_space<semaphore_mem>>)
    %dma_start3A_194 = arith.constant 1536 : i32
    %dma_start3A_195 = tpu.memref_slice %arg8[%dma_start3A_194] : memref<3328xf32, #tpu.memory_space<vmem>> -> memref<128xf32, #tpu.memory_space<vmem>>
    %dma_start3A_196 = tpu.memref_slice %arg4[%mul3A_58] : memref<106496xf32, #tpu.memory_space<hbm>> -> memref<128xf32, #tpu.memory_space<hbm>>
    %dma_start3A_197 = arith.constant 1536 : i32
    %dma_start3A_198 = tpu.memref_slice %arg8[%dma_start3A_197] : memref<3328xf32, #tpu.memory_space<vmem>> -> memref<128xf32, #tpu.memory_space<vmem>>
    %dma_start3A_199 = tpu.memref_slice %arg4[%mul3A_58] : memref<106496xf32, #tpu.memory_space<hbm>> -> memref<128xf32, #tpu.memory_space<hbm>>
    tpu.enqueue_dma source(%dma_start3A_199 : memref<128xf32, #tpu.memory_space<hbm>>) target(%dma_start3A_198 : memref<128xf32, #tpu.memory_space<vmem>>) target_semaphore(%arg13 : memref<!tpu.dma_semaphore, #tpu.memory_space<semaphore_mem>>)
    %dma_start3A_200 = arith.constant 1664 : i32
    %dma_start3A_201 = tpu.memref_slice %arg8[%dma_start3A_200] : memref<3328xf32, #tpu.memory_space<vmem>> -> memref<128xf32, #tpu.memory_space<vmem>>
    %dma_start3A_202 = tpu.memref_slice %arg4[%mul3A_62] : memref<106496xf32, #tpu.memory_space<hbm>> -> memref<128xf32, #tpu.memory_space<hbm>>
    %dma_start3A_203 = arith.constant 1664 : i32
    %dma_start3A_204 = tpu.memref_slice %arg8[%dma_start3A_203] : memref<3328xf32, #tpu.memory_space<vmem>> -> memref<128xf32, #tpu.memory_space<vmem>>
    %dma_start3A_205 = tpu.memref_slice %arg4[%mul3A_62] : memref<106496xf32, #tpu.memory_space<hbm>> -> memref<128xf32, #tpu.memory_space<hbm>>
    tpu.enqueue_dma source(%dma_start3A_205 : memref<128xf32, #tpu.memory_space<hbm>>) target(%dma_start3A_204 : memref<128xf32, #tpu.memory_space<vmem>>) target_semaphore(%arg13 : memref<!tpu.dma_semaphore, #tpu.memory_space<semaphore_mem>>)
    %dma_start3A_206 = arith.constant 1792 : i32
    %dma_start3A_207 = tpu.memref_slice %arg8[%dma_start3A_206] : memref<3328xf32, #tpu.memory_space<vmem>> -> memref<128xf32, #tpu.memory_space<vmem>>
    %dma_start3A_208 = tpu.memref_slice %arg4[%mul3A_66] : memref<106496xf32, #tpu.memory_space<hbm>> -> memref<128xf32, #tpu.memory_space<hbm>>
    %dma_start3A_209 = arith.constant 1792 : i32
    %dma_start3A_210 = tpu.memref_slice %arg8[%dma_start3A_209] : memref<3328xf32, #tpu.memory_space<vmem>> -> memref<128xf32, #tpu.memory_space<vmem>>
    %dma_start3A_211 = tpu.memref_slice %arg4[%mul3A_66] : memref<106496xf32, #tpu.memory_space<hbm>> -> memref<128xf32, #tpu.memory_space<hbm>>
    tpu.enqueue_dma source(%dma_start3A_211 : memref<128xf32, #tpu.memory_space<hbm>>) target(%dma_start3A_210 : memref<128xf32, #tpu.memory_space<vmem>>) target_semaphore(%arg13 : memref<!tpu.dma_semaphore, #tpu.memory_space<semaphore_mem>>)
    %dma_start3A_212 = arith.constant 1920 : i32
    %dma_start3A_213 = tpu.memref_slice %arg8[%dma_start3A_212] : memref<3328xf32, #tpu.memory_space<vmem>> -> memref<128xf32, #tpu.memory_space<vmem>>
    %dma_start3A_214 = tpu.memref_slice %arg4[%mul3A_70] : memref<106496xf32, #tpu.memory_space<hbm>> -> memref<128xf32, #tpu.memory_space<hbm>>
    %dma_start3A_215 = arith.constant 1920 : i32
    %dma_start3A_216 = tpu.memref_slice %arg8[%dma_start3A_215] : memref<3328xf32, #tpu.memory_space<vmem>> -> memref<128xf32, #tpu.memory_space<vmem>>
    %dma_start3A_217 = tpu.memref_slice %arg4[%mul3A_70] : memref<106496xf32, #tpu.memory_space<hbm>> -> memref<128xf32, #tpu.memory_space<hbm>>
    tpu.enqueue_dma source(%dma_start3A_217 : memref<128xf32, #tpu.memory_space<hbm>>) target(%dma_start3A_216 : memref<128xf32, #tpu.memory_space<vmem>>) target_semaphore(%arg13 : memref<!tpu.dma_semaphore, #tpu.memory_space<semaphore_mem>>)
    %dma_start3A_218 = arith.constant 2048 : i32
    %dma_start3A_219 = tpu.memref_slice %arg8[%dma_start3A_218] : memref<3328xf32, #tpu.memory_space<vmem>> -> memref<128xf32, #tpu.memory_space<vmem>>
    %dma_start3A_220 = tpu.memref_slice %arg4[%mul3A_74] : memref<106496xf32, #tpu.memory_space<hbm>> -> memref<128xf32, #tpu.memory_space<hbm>>
    %dma_start3A_221 = arith.constant 2048 : i32
    %dma_start3A_222 = tpu.memref_slice %arg8[%dma_start3A_221] : memref<3328xf32, #tpu.memory_space<vmem>> -> memref<128xf32, #tpu.memory_space<vmem>>
    %dma_start3A_223 = tpu.memref_slice %arg4[%mul3A_74] : memref<106496xf32, #tpu.memory_space<hbm>> -> memref<128xf32, #tpu.memory_space<hbm>>
    tpu.enqueue_dma source(%dma_start3A_223 : memref<128xf32, #tpu.memory_space<hbm>>) target(%dma_start3A_222 : memref<128xf32, #tpu.memory_space<vmem>>) target_semaphore(%arg13 : memref<!tpu.dma_semaphore, #tpu.memory_space<semaphore_mem>>)
    %dma_start3A_224 = arith.constant 2176 : i32
    %dma_start3A_225 = tpu.memref_slice %arg8[%dma_start3A_224] : memref<3328xf32, #tpu.memory_space<vmem>> -> memref<128xf32, #tpu.memory_space<vmem>>
    %dma_start3A_226 = tpu.memref_slice %arg4[%mul3A_78] : memref<106496xf32, #tpu.memory_space<hbm>> -> memref<128xf32, #tpu.memory_space<hbm>>
    %dma_start3A_227 = arith.constant 2176 : i32
    %dma_start3A_228 = tpu.memref_slice %arg8[%dma_start3A_227] : memref<3328xf32, #tpu.memory_space<vmem>> -> memref<128xf32, #tpu.memory_space<vmem>>
    %dma_start3A_229 = tpu.memref_slice %arg4[%mul3A_78] : memref<106496xf32, #tpu.memory_space<hbm>> -> memref<128xf32, #tpu.memory_space<hbm>>
    tpu.enqueue_dma source(%dma_start3A_229 : memref<128xf32, #tpu.memory_space<hbm>>) target(%dma_start3A_228 : memref<128xf32, #tpu.memory_space<vmem>>) target_semaphore(%arg13 : memref<!tpu.dma_semaphore, #tpu.memory_space<semaphore_mem>>)
    %dma_start3A_230 = arith.constant 2304 : i32
    %dma_start3A_231 = tpu.memref_slice %arg8[%dma_start3A_230] : memref<3328xf32, #tpu.memory_space<vmem>> -> memref<128xf32, #tpu.memory_space<vmem>>
    %dma_start3A_232 = tpu.memref_slice %arg4[%mul3A_82] : memref<106496xf32, #tpu.memory_space<hbm>> -> memref<128xf32, #tpu.memory_space<hbm>>
    %dma_start3A_233 = arith.constant 2304 : i32
    %dma_start3A_234 = tpu.memref_slice %arg8[%dma_start3A_233] : memref<3328xf32, #tpu.memory_space<vmem>> -> memref<128xf32, #tpu.memory_space<vmem>>
    %dma_start3A_235 = tpu.memref_slice %arg4[%mul3A_82] : memref<106496xf32, #tpu.memory_space<hbm>> -> memref<128xf32, #tpu.memory_space<hbm>>
    tpu.enqueue_dma source(%dma_start3A_235 : memref<128xf32, #tpu.memory_space<hbm>>) target(%dma_start3A_234 : memref<128xf32, #tpu.memory_space<vmem>>) target_semaphore(%arg13 : memref<!tpu.dma_semaphore, #tpu.memory_space<semaphore_mem>>)
    %dma_start3A_236 = arith.constant 2432 : i32
    %dma_start3A_237 = tpu.memref_slice %arg8[%dma_start3A_236] : memref<3328xf32, #tpu.memory_space<vmem>> -> memref<128xf32, #tpu.memory_space<vmem>>
    %dma_start3A_238 = tpu.memref_slice %arg4[%mul3A_86] : memref<106496xf32, #tpu.memory_space<hbm>> -> memref<128xf32, #tpu.memory_space<hbm>>
    %dma_start3A_239 = arith.constant 2432 : i32
    %dma_start3A_240 = tpu.memref_slice %arg8[%dma_start3A_239] : memref<3328xf32, #tpu.memory_space<vmem>> -> memref<128xf32, #tpu.memory_space<vmem>>
    %dma_start3A_241 = tpu.memref_slice %arg4[%mul3A_86] : memref<106496xf32, #tpu.memory_space<hbm>> -> memref<128xf32, #tpu.memory_space<hbm>>
    tpu.enqueue_dma source(%dma_start3A_241 : memref<128xf32, #tpu.memory_space<hbm>>) target(%dma_start3A_240 : memref<128xf32, #tpu.memory_space<vmem>>) target_semaphore(%arg13 : memref<!tpu.dma_semaphore, #tpu.memory_space<semaphore_mem>>)
    %dma_start3A_242 = arith.constant 2560 : i32
    %dma_start3A_243 = tpu.memref_slice %arg8[%dma_start3A_242] : memref<3328xf32, #tpu.memory_space<vmem>> -> memref<128xf32, #tpu.memory_space<vmem>>
    %dma_start3A_244 = tpu.memref_slice %arg4[%mul3A_90] : memref<106496xf32, #tpu.memory_space<hbm>> -> memref<128xf32, #tpu.memory_space<hbm>>
    %dma_start3A_245 = arith.constant 2560 : i32
    %dma_start3A_246 = tpu.memref_slice %arg8[%dma_start3A_245] : memref<3328xf32, #tpu.memory_space<vmem>> -> memref<128xf32, #tpu.memory_space<vmem>>
    %dma_start3A_247 = tpu.memref_slice %arg4[%mul3A_90] : memref<106496xf32, #tpu.memory_space<hbm>> -> memref<128xf32, #tpu.memory_space<hbm>>
    tpu.enqueue_dma source(%dma_start3A_247 : memref<128xf32, #tpu.memory_space<hbm>>) target(%dma_start3A_246 : memref<128xf32, #tpu.memory_space<vmem>>) target_semaphore(%arg13 : memref<!tpu.dma_semaphore, #tpu.memory_space<semaphore_mem>>)
    %dma_start3A_248 = arith.constant 2688 : i32
    %dma_start3A_249 = tpu.memref_slice %arg8[%dma_start3A_248] : memref<3328xf32, #tpu.memory_space<vmem>> -> memref<128xf32, #tpu.memory_space<vmem>>
    %dma_start3A_250 = tpu.memref_slice %arg4[%mul3A_94] : memref<106496xf32, #tpu.memory_space<hbm>> -> memref<128xf32, #tpu.memory_space<hbm>>
    %dma_start3A_251 = arith.constant 2688 : i32
    %dma_start3A_252 = tpu.memref_slice %arg8[%dma_start3A_251] : memref<3328xf32, #tpu.memory_space<vmem>> -> memref<128xf32, #tpu.memory_space<vmem>>
    %dma_start3A_253 = tpu.memref_slice %arg4[%mul3A_94] : memref<106496xf32, #tpu.memory_space<hbm>> -> memref<128xf32, #tpu.memory_space<hbm>>
    tpu.enqueue_dma source(%dma_start3A_253 : memref<128xf32, #tpu.memory_space<hbm>>) target(%dma_start3A_252 : memref<128xf32, #tpu.memory_space<vmem>>) target_semaphore(%arg13 : memref<!tpu.dma_semaphore, #tpu.memory_space<semaphore_mem>>)
    %dma_start3A_254 = arith.constant 2816 : i32
    %dma_start3A_255 = tpu.memref_slice %arg8[%dma_start3A_254] : memref<3328xf32, #tpu.memory_space<vmem>> -> memref<128xf32, #tpu.memory_space<vmem>>
    %dma_start3A_256 = tpu.memref_slice %arg4[%mul3A_98] : memref<106496xf32, #tpu.memory_space<hbm>> -> memref<128xf32, #tpu.memory_space<hbm>>
    %dma_start3A_257 = arith.constant 2816 : i32
    %dma_start3A_258 = tpu.memref_slice %arg8[%dma_start3A_257] : memref<3328xf32, #tpu.memory_space<vmem>> -> memref<128xf32, #tpu.memory_space<vmem>>
    %dma_start3A_259 = tpu.memref_slice %arg4[%mul3A_98] : memref<106496xf32, #tpu.memory_space<hbm>> -> memref<128xf32, #tpu.memory_space<hbm>>
    tpu.enqueue_dma source(%dma_start3A_259 : memref<128xf32, #tpu.memory_space<hbm>>) target(%dma_start3A_258 : memref<128xf32, #tpu.memory_space<vmem>>) target_semaphore(%arg13 : memref<!tpu.dma_semaphore, #tpu.memory_space<semaphore_mem>>)
    %dma_start3A_260 = arith.constant 2944 : i32
    %dma_start3A_261 = tpu.memref_slice %arg8[%dma_start3A_260] : memref<3328xf32, #tpu.memory_space<vmem>> -> memref<128xf32, #tpu.memory_space<vmem>>
    %dma_start3A_262 = tpu.memref_slice %arg4[%mul3A_102] : memref<106496xf32, #tpu.memory_space<hbm>> -> memref<128xf32, #tpu.memory_space<hbm>>
    %dma_start3A_263 = arith.constant 2944 : i32
    %dma_start3A_264 = tpu.memref_slice %arg8[%dma_start3A_263] : memref<3328xf32, #tpu.memory_space<vmem>> -> memref<128xf32, #tpu.memory_space<vmem>>
    %dma_start3A_265 = tpu.memref_slice %arg4[%mul3A_102] : memref<106496xf32, #tpu.memory_space<hbm>> -> memref<128xf32, #tpu.memory_space<hbm>>
    tpu.enqueue_dma source(%dma_start3A_265 : memref<128xf32, #tpu.memory_space<hbm>>) target(%dma_start3A_264 : memref<128xf32, #tpu.memory_space<vmem>>) target_semaphore(%arg13 : memref<!tpu.dma_semaphore, #tpu.memory_space<semaphore_mem>>)
    %dma_start3A_266 = arith.constant 3072 : i32
    %dma_start3A_267 = tpu.memref_slice %arg8[%dma_start3A_266] : memref<3328xf32, #tpu.memory_space<vmem>> -> memref<128xf32, #tpu.memory_space<vmem>>
    %dma_start3A_268 = tpu.memref_slice %arg4[%mul3A_106] : memref<106496xf32, #tpu.memory_space<hbm>> -> memref<128xf32, #tpu.memory_space<hbm>>
    %dma_start3A_269 = arith.constant 3072 : i32
    %dma_start3A_270 = tpu.memref_slice %arg8[%dma_start3A_269] : memref<3328xf32, #tpu.memory_space<vmem>> -> memref<128xf32, #tpu.memory_space<vmem>>
    %dma_start3A_271 = tpu.memref_slice %arg4[%mul3A_106] : memref<106496xf32, #tpu.memory_space<hbm>> -> memref<128xf32, #tpu.memory_space<hbm>>
    tpu.enqueue_dma source(%dma_start3A_271 : memref<128xf32, #tpu.memory_space<hbm>>) target(%dma_start3A_270 : memref<128xf32, #tpu.memory_space<vmem>>) target_semaphore(%arg13 : memref<!tpu.dma_semaphore, #tpu.memory_space<semaphore_mem>>)
    %dma_start3A_272 = arith.constant 3200 : i32
    %dma_start3A_273 = tpu.memref_slice %arg8[%dma_start3A_272] : memref<3328xf32, #tpu.memory_space<vmem>> -> memref<128xf32, #tpu.memory_space<vmem>>
    %dma_start3A_274 = tpu.memref_slice %arg4[%mul3A_110] : memref<106496xf32, #tpu.memory_space<hbm>> -> memref<128xf32, #tpu.memory_space<hbm>>
    %dma_start3A_275 = arith.constant 3200 : i32
    %dma_start3A_276 = tpu.memref_slice %arg8[%dma_start3A_275] : memref<3328xf32, #tpu.memory_space<vmem>> -> memref<128xf32, #tpu.memory_space<vmem>>
    %dma_start3A_277 = tpu.memref_slice %arg4[%mul3A_110] : memref<106496xf32, #tpu.memory_space<hbm>> -> memref<128xf32, #tpu.memory_space<hbm>>
    tpu.enqueue_dma source(%dma_start3A_277 : memref<128xf32, #tpu.memory_space<hbm>>) target(%dma_start3A_276 : memref<128xf32, #tpu.memory_space<vmem>>) target_semaphore(%arg13 : memref<!tpu.dma_semaphore, #tpu.memory_space<semaphore_mem>>)
    %dma_wait3A = arith.constant 0 : i32
    %dma_wait3A_278 = tpu.memref_slice %arg8[%dma_wait3A] : memref<3328xf32, #tpu.memory_space<vmem>> -> memref<128xf32, #tpu.memory_space<vmem>>
    %dma_wait3A_279 = tpu.memref_slice %arg4[%mul3A_10] : memref<106496xf32, #tpu.memory_space<hbm>> -> memref<128xf32, #tpu.memory_space<hbm>>
    %dma_wait3A_280 = arith.constant 0 : i32
    %dma_wait3A_281 = tpu.memref_slice %arg8[%dma_wait3A_280] : memref<3328xf32, #tpu.memory_space<vmem>> -> memref<128xf32, #tpu.memory_space<vmem>>
    %dma_wait3A_282 = tpu.memref_slice %arg4[%mul3A_10] : memref<106496xf32, #tpu.memory_space<hbm>> -> memref<128xf32, #tpu.memory_space<hbm>>
    tpu.wait_dma2 semaphore(%arg13 : memref<!tpu.dma_semaphore, #tpu.memory_space<semaphore_mem>>) src(%dma_wait3A_282 : memref<128xf32, #tpu.memory_space<hbm>>) dst(%dma_wait3A_281 : memref<128xf32, #tpu.memory_space<vmem>>)
    %dma_wait3A_283 = arith.constant 128 : i32
    %dma_wait3A_284 = tpu.memref_slice %arg8[%dma_wait3A_283] : memref<3328xf32, #tpu.memory_space<vmem>> -> memref<128xf32, #tpu.memory_space<vmem>>
    %dma_wait3A_285 = tpu.memref_slice %arg4[%mul3A_14] : memref<106496xf32, #tpu.memory_space<hbm>> -> memref<128xf32, #tpu.memory_space<hbm>>
    %dma_wait3A_286 = arith.constant 128 : i32
    %dma_wait3A_287 = tpu.memref_slice %arg8[%dma_wait3A_286] : memref<3328xf32, #tpu.memory_space<vmem>> -> memref<128xf32, #tpu.memory_space<vmem>>
    %dma_wait3A_288 = tpu.memref_slice %arg4[%mul3A_14] : memref<106496xf32, #tpu.memory_space<hbm>> -> memref<128xf32, #tpu.memory_space<hbm>>
    tpu.wait_dma2 semaphore(%arg13 : memref<!tpu.dma_semaphore, #tpu.memory_space<semaphore_mem>>) src(%dma_wait3A_288 : memref<128xf32, #tpu.memory_space<hbm>>) dst(%dma_wait3A_287 : memref<128xf32, #tpu.memory_space<vmem>>)
    %dma_wait3A_289 = arith.constant 256 : i32
    %dma_wait3A_290 = tpu.memref_slice %arg8[%dma_wait3A_289] : memref<3328xf32, #tpu.memory_space<vmem>> -> memref<128xf32, #tpu.memory_space<vmem>>
    %dma_wait3A_291 = tpu.memref_slice %arg4[%mul3A_18] : memref<106496xf32, #tpu.memory_space<hbm>> -> memref<128xf32, #tpu.memory_space<hbm>>
    %dma_wait3A_292 = arith.constant 256 : i32
    %dma_wait3A_293 = tpu.memref_slice %arg8[%dma_wait3A_292] : memref<3328xf32, #tpu.memory_space<vmem>> -> memref<128xf32, #tpu.memory_space<vmem>>
    %dma_wait3A_294 = tpu.memref_slice %arg4[%mul3A_18] : memref<106496xf32, #tpu.memory_space<hbm>> -> memref<128xf32, #tpu.memory_space<hbm>>
    tpu.wait_dma2 semaphore(%arg13 : memref<!tpu.dma_semaphore, #tpu.memory_space<semaphore_mem>>) src(%dma_wait3A_294 : memref<128xf32, #tpu.memory_space<hbm>>) dst(%dma_wait3A_293 : memref<128xf32, #tpu.memory_space<vmem>>)
    %dma_wait3A_295 = arith.constant 384 : i32
    %dma_wait3A_296 = tpu.memref_slice %arg8[%dma_wait3A_295] : memref<3328xf32, #tpu.memory_space<vmem>> -> memref<128xf32, #tpu.memory_space<vmem>>
    %dma_wait3A_297 = tpu.memref_slice %arg4[%mul3A_22] : memref<106496xf32, #tpu.memory_space<hbm>> -> memref<128xf32, #tpu.memory_space<hbm>>
    %dma_wait3A_298 = arith.constant 384 : i32
    %dma_wait3A_299 = tpu.memref_slice %arg8[%dma_wait3A_298] : memref<3328xf32, #tpu.memory_space<vmem>> -> memref<128xf32, #tpu.memory_space<vmem>>
    %dma_wait3A_300 = tpu.memref_slice %arg4[%mul3A_22] : memref<106496xf32, #tpu.memory_space<hbm>> -> memref<128xf32, #tpu.memory_space<hbm>>
    tpu.wait_dma2 semaphore(%arg13 : memref<!tpu.dma_semaphore, #tpu.memory_space<semaphore_mem>>) src(%dma_wait3A_300 : memref<128xf32, #tpu.memory_space<hbm>>) dst(%dma_wait3A_299 : memref<128xf32, #tpu.memory_space<vmem>>)
    %dma_wait3A_301 = arith.constant 512 : i32
    %dma_wait3A_302 = tpu.memref_slice %arg8[%dma_wait3A_301] : memref<3328xf32, #tpu.memory_space<vmem>> -> memref<128xf32, #tpu.memory_space<vmem>>
    %dma_wait3A_303 = tpu.memref_slice %arg4[%mul3A_26] : memref<106496xf32, #tpu.memory_space<hbm>> -> memref<128xf32, #tpu.memory_space<hbm>>
    %dma_wait3A_304 = arith.constant 512 : i32
    %dma_wait3A_305 = tpu.memref_slice %arg8[%dma_wait3A_304] : memref<3328xf32, #tpu.memory_space<vmem>> -> memref<128xf32, #tpu.memory_space<vmem>>
    %dma_wait3A_306 = tpu.memref_slice %arg4[%mul3A_26] : memref<106496xf32, #tpu.memory_space<hbm>> -> memref<128xf32, #tpu.memory_space<hbm>>
    tpu.wait_dma2 semaphore(%arg13 : memref<!tpu.dma_semaphore, #tpu.memory_space<semaphore_mem>>) src(%dma_wait3A_306 : memref<128xf32, #tpu.memory_space<hbm>>) dst(%dma_wait3A_305 : memref<128xf32, #tpu.memory_space<vmem>>)
    %dma_wait3A_307 = arith.constant 640 : i32
    %dma_wait3A_308 = tpu.memref_slice %arg8[%dma_wait3A_307] : memref<3328xf32, #tpu.memory_space<vmem>> -> memref<128xf32, #tpu.memory_space<vmem>>
    %dma_wait3A_309 = tpu.memref_slice %arg4[%mul3A_30] : memref<106496xf32, #tpu.memory_space<hbm>> -> memref<128xf32, #tpu.memory_space<hbm>>
    %dma_wait3A_310 = arith.constant 640 : i32
    %dma_wait3A_311 = tpu.memref_slice %arg8[%dma_wait3A_310] : memref<3328xf32, #tpu.memory_space<vmem>> -> memref<128xf32, #tpu.memory_space<vmem>>
    %dma_wait3A_312 = tpu.memref_slice %arg4[%mul3A_30] : memref<106496xf32, #tpu.memory_space<hbm>> -> memref<128xf32, #tpu.memory_space<hbm>>
    tpu.wait_dma2 semaphore(%arg13 : memref<!tpu.dma_semaphore, #tpu.memory_space<semaphore_mem>>) src(%dma_wait3A_312 : memref<128xf32, #tpu.memory_space<hbm>>) dst(%dma_wait3A_311 : memref<128xf32, #tpu.memory_space<vmem>>)
    %dma_wait3A_313 = arith.constant 768 : i32
    %dma_wait3A_314 = tpu.memref_slice %arg8[%dma_wait3A_313] : memref<3328xf32, #tpu.memory_space<vmem>> -> memref<128xf32, #tpu.memory_space<vmem>>
    %dma_wait3A_315 = tpu.memref_slice %arg4[%mul3A_34] : memref<106496xf32, #tpu.memory_space<hbm>> -> memref<128xf32, #tpu.memory_space<hbm>>
    %dma_wait3A_316 = arith.constant 768 : i32
    %dma_wait3A_317 = tpu.memref_slice %arg8[%dma_wait3A_316] : memref<3328xf32, #tpu.memory_space<vmem>> -> memref<128xf32, #tpu.memory_space<vmem>>
    %dma_wait3A_318 = tpu.memref_slice %arg4[%mul3A_34] : memref<106496xf32, #tpu.memory_space<hbm>> -> memref<128xf32, #tpu.memory_space<hbm>>
    tpu.wait_dma2 semaphore(%arg13 : memref<!tpu.dma_semaphore, #tpu.memory_space<semaphore_mem>>) src(%dma_wait3A_318 : memref<128xf32, #tpu.memory_space<hbm>>) dst(%dma_wait3A_317 : memref<128xf32, #tpu.memory_space<vmem>>)
    %dma_wait3A_319 = arith.constant 896 : i32
    %dma_wait3A_320 = tpu.memref_slice %arg8[%dma_wait3A_319] : memref<3328xf32, #tpu.memory_space<vmem>> -> memref<128xf32, #tpu.memory_space<vmem>>
    %dma_wait3A_321 = tpu.memref_slice %arg4[%mul3A_38] : memref<106496xf32, #tpu.memory_space<hbm>> -> memref<128xf32, #tpu.memory_space<hbm>>
    %dma_wait3A_322 = arith.constant 896 : i32
    %dma_wait3A_323 = tpu.memref_slice %arg8[%dma_wait3A_322] : memref<3328xf32, #tpu.memory_space<vmem>> -> memref<128xf32, #tpu.memory_space<vmem>>
    %dma_wait3A_324 = tpu.memref_slice %arg4[%mul3A_38] : memref<106496xf32, #tpu.memory_space<hbm>> -> memref<128xf32, #tpu.memory_space<hbm>>
    tpu.wait_dma2 semaphore(%arg13 : memref<!tpu.dma_semaphore, #tpu.memory_space<semaphore_mem>>) src(%dma_wait3A_324 : memref<128xf32, #tpu.memory_space<hbm>>) dst(%dma_wait3A_323 : memref<128xf32, #tpu.memory_space<vmem>>)
    %dma_wait3A_325 = arith.constant 1024 : i32
    %dma_wait3A_326 = tpu.memref_slice %arg8[%dma_wait3A_325] : memref<3328xf32, #tpu.memory_space<vmem>> -> memref<128xf32, #tpu.memory_space<vmem>>
    %dma_wait3A_327 = tpu.memref_slice %arg4[%mul3A_42] : memref<106496xf32, #tpu.memory_space<hbm>> -> memref<128xf32, #tpu.memory_space<hbm>>
    %dma_wait3A_328 = arith.constant 1024 : i32
    %dma_wait3A_329 = tpu.memref_slice %arg8[%dma_wait3A_328] : memref<3328xf32, #tpu.memory_space<vmem>> -> memref<128xf32, #tpu.memory_space<vmem>>
    %dma_wait3A_330 = tpu.memref_slice %arg4[%mul3A_42] : memref<106496xf32, #tpu.memory_space<hbm>> -> memref<128xf32, #tpu.memory_space<hbm>>
    tpu.wait_dma2 semaphore(%arg13 : memref<!tpu.dma_semaphore, #tpu.memory_space<semaphore_mem>>) src(%dma_wait3A_330 : memref<128xf32, #tpu.memory_space<hbm>>) dst(%dma_wait3A_329 : memref<128xf32, #tpu.memory_space<vmem>>)
    %dma_wait3A_331 = arith.constant 1152 : i32
    %dma_wait3A_332 = tpu.memref_slice %arg8[%dma_wait3A_331] : memref<3328xf32, #tpu.memory_space<vmem>> -> memref<128xf32, #tpu.memory_space<vmem>>
    %dma_wait3A_333 = tpu.memref_slice %arg4[%mul3A_46] : memref<106496xf32, #tpu.memory_space<hbm>> -> memref<128xf32, #tpu.memory_space<hbm>>
    %dma_wait3A_334 = arith.constant 1152 : i32
    %dma_wait3A_335 = tpu.memref_slice %arg8[%dma_wait3A_334] : memref<3328xf32, #tpu.memory_space<vmem>> -> memref<128xf32, #tpu.memory_space<vmem>>
    %dma_wait3A_336 = tpu.memref_slice %arg4[%mul3A_46] : memref<106496xf32, #tpu.memory_space<hbm>> -> memref<128xf32, #tpu.memory_space<hbm>>
    tpu.wait_dma2 semaphore(%arg13 : memref<!tpu.dma_semaphore, #tpu.memory_space<semaphore_mem>>) src(%dma_wait3A_336 : memref<128xf32, #tpu.memory_space<hbm>>) dst(%dma_wait3A_335 : memref<128xf32, #tpu.memory_space<vmem>>)
    %dma_wait3A_337 = arith.constant 1280 : i32
    %dma_wait3A_338 = tpu.memref_slice %arg8[%dma_wait3A_337] : memref<3328xf32, #tpu.memory_space<vmem>> -> memref<128xf32, #tpu.memory_space<vmem>>
    %dma_wait3A_339 = tpu.memref_slice %arg4[%mul3A_50] : memref<106496xf32, #tpu.memory_space<hbm>> -> memref<128xf32, #tpu.memory_space<hbm>>
    %dma_wait3A_340 = arith.constant 1280 : i32
    %dma_wait3A_341 = tpu.memref_slice %arg8[%dma_wait3A_340] : memref<3328xf32, #tpu.memory_space<vmem>> -> memref<128xf32, #tpu.memory_space<vmem>>
    %dma_wait3A_342 = tpu.memref_slice %arg4[%mul3A_50] : memref<106496xf32, #tpu.memory_space<hbm>> -> memref<128xf32, #tpu.memory_space<hbm>>
    tpu.wait_dma2 semaphore(%arg13 : memref<!tpu.dma_semaphore, #tpu.memory_space<semaphore_mem>>) src(%dma_wait3A_342 : memref<128xf32, #tpu.memory_space<hbm>>) dst(%dma_wait3A_341 : memref<128xf32, #tpu.memory_space<vmem>>)
    %dma_wait3A_343 = arith.constant 1408 : i32
    %dma_wait3A_344 = tpu.memref_slice %arg8[%dma_wait3A_343] : memref<3328xf32, #tpu.memory_space<vmem>> -> memref<128xf32, #tpu.memory_space<vmem>>
    %dma_wait3A_345 = tpu.memref_slice %arg4[%mul3A_54] : memref<106496xf32, #tpu.memory_space<hbm>> -> memref<128xf32, #tpu.memory_space<hbm>>
    %dma_wait3A_346 = arith.constant 1408 : i32
    %dma_wait3A_347 = tpu.memref_slice %arg8[%dma_wait3A_346] : memref<3328xf32, #tpu.memory_space<vmem>> -> memref<128xf32, #tpu.memory_space<vmem>>
    %dma_wait3A_348 = tpu.memref_slice %arg4[%mul3A_54] : memref<106496xf32, #tpu.memory_space<hbm>> -> memref<128xf32, #tpu.memory_space<hbm>>
    tpu.wait_dma2 semaphore(%arg13 : memref<!tpu.dma_semaphore, #tpu.memory_space<semaphore_mem>>) src(%dma_wait3A_348 : memref<128xf32, #tpu.memory_space<hbm>>) dst(%dma_wait3A_347 : memref<128xf32, #tpu.memory_space<vmem>>)
    %dma_wait3A_349 = arith.constant 1536 : i32
    %dma_wait3A_350 = tpu.memref_slice %arg8[%dma_wait3A_349] : memref<3328xf32, #tpu.memory_space<vmem>> -> memref<128xf32, #tpu.memory_space<vmem>>
    %dma_wait3A_351 = tpu.memref_slice %arg4[%mul3A_58] : memref<106496xf32, #tpu.memory_space<hbm>> -> memref<128xf32, #tpu.memory_space<hbm>>
    %dma_wait3A_352 = arith.constant 1536 : i32
    %dma_wait3A_353 = tpu.memref_slice %arg8[%dma_wait3A_352] : memref<3328xf32, #tpu.memory_space<vmem>> -> memref<128xf32, #tpu.memory_space<vmem>>
    %dma_wait3A_354 = tpu.memref_slice %arg4[%mul3A_58] : memref<106496xf32, #tpu.memory_space<hbm>> -> memref<128xf32, #tpu.memory_space<hbm>>
    tpu.wait_dma2 semaphore(%arg13 : memref<!tpu.dma_semaphore, #tpu.memory_space<semaphore_mem>>) src(%dma_wait3A_354 : memref<128xf32, #tpu.memory_space<hbm>>) dst(%dma_wait3A_353 : memref<128xf32, #tpu.memory_space<vmem>>)
    %dma_wait3A_355 = arith.constant 1664 : i32
    %dma_wait3A_356 = tpu.memref_slice %arg8[%dma_wait3A_355] : memref<3328xf32, #tpu.memory_space<vmem>> -> memref<128xf32, #tpu.memory_space<vmem>>
    %dma_wait3A_357 = tpu.memref_slice %arg4[%mul3A_62] : memref<106496xf32, #tpu.memory_space<hbm>> -> memref<128xf32, #tpu.memory_space<hbm>>
    %dma_wait3A_358 = arith.constant 1664 : i32
    %dma_wait3A_359 = tpu.memref_slice %arg8[%dma_wait3A_358] : memref<3328xf32, #tpu.memory_space<vmem>> -> memref<128xf32, #tpu.memory_space<vmem>>
    %dma_wait3A_360 = tpu.memref_slice %arg4[%mul3A_62] : memref<106496xf32, #tpu.memory_space<hbm>> -> memref<128xf32, #tpu.memory_space<hbm>>
    tpu.wait_dma2 semaphore(%arg13 : memref<!tpu.dma_semaphore, #tpu.memory_space<semaphore_mem>>) src(%dma_wait3A_360 : memref<128xf32, #tpu.memory_space<hbm>>) dst(%dma_wait3A_359 : memref<128xf32, #tpu.memory_space<vmem>>)
    %dma_wait3A_361 = arith.constant 1792 : i32
    %dma_wait3A_362 = tpu.memref_slice %arg8[%dma_wait3A_361] : memref<3328xf32, #tpu.memory_space<vmem>> -> memref<128xf32, #tpu.memory_space<vmem>>
    %dma_wait3A_363 = tpu.memref_slice %arg4[%mul3A_66] : memref<106496xf32, #tpu.memory_space<hbm>> -> memref<128xf32, #tpu.memory_space<hbm>>
    %dma_wait3A_364 = arith.constant 1792 : i32
    %dma_wait3A_365 = tpu.memref_slice %arg8[%dma_wait3A_364] : memref<3328xf32, #tpu.memory_space<vmem>> -> memref<128xf32, #tpu.memory_space<vmem>>
    %dma_wait3A_366 = tpu.memref_slice %arg4[%mul3A_66] : memref<106496xf32, #tpu.memory_space<hbm>> -> memref<128xf32, #tpu.memory_space<hbm>>
    tpu.wait_dma2 semaphore(%arg13 : memref<!tpu.dma_semaphore, #tpu.memory_space<semaphore_mem>>) src(%dma_wait3A_366 : memref<128xf32, #tpu.memory_space<hbm>>) dst(%dma_wait3A_365 : memref<128xf32, #tpu.memory_space<vmem>>)
    %dma_wait3A_367 = arith.constant 1920 : i32
    %dma_wait3A_368 = tpu.memref_slice %arg8[%dma_wait3A_367] : memref<3328xf32, #tpu.memory_space<vmem>> -> memref<128xf32, #tpu.memory_space<vmem>>
    %dma_wait3A_369 = tpu.memref_slice %arg4[%mul3A_70] : memref<106496xf32, #tpu.memory_space<hbm>> -> memref<128xf32, #tpu.memory_space<hbm>>
    %dma_wait3A_370 = arith.constant 1920 : i32
    %dma_wait3A_371 = tpu.memref_slice %arg8[%dma_wait3A_370] : memref<3328xf32, #tpu.memory_space<vmem>> -> memref<128xf32, #tpu.memory_space<vmem>>
    %dma_wait3A_372 = tpu.memref_slice %arg4[%mul3A_70] : memref<106496xf32, #tpu.memory_space<hbm>> -> memref<128xf32, #tpu.memory_space<hbm>>
    tpu.wait_dma2 semaphore(%arg13 : memref<!tpu.dma_semaphore, #tpu.memory_space<semaphore_mem>>) src(%dma_wait3A_372 : memref<128xf32, #tpu.memory_space<hbm>>) dst(%dma_wait3A_371 : memref<128xf32, #tpu.memory_space<vmem>>)
    %dma_wait3A_373 = arith.constant 2048 : i32
    %dma_wait3A_374 = tpu.memref_slice %arg8[%dma_wait3A_373] : memref<3328xf32, #tpu.memory_space<vmem>> -> memref<128xf32, #tpu.memory_space<vmem>>
    %dma_wait3A_375 = tpu.memref_slice %arg4[%mul3A_74] : memref<106496xf32, #tpu.memory_space<hbm>> -> memref<128xf32, #tpu.memory_space<hbm>>
    %dma_wait3A_376 = arith.constant 2048 : i32
    %dma_wait3A_377 = tpu.memref_slice %arg8[%dma_wait3A_376] : memref<3328xf32, #tpu.memory_space<vmem>> -> memref<128xf32, #tpu.memory_space<vmem>>
    %dma_wait3A_378 = tpu.memref_slice %arg4[%mul3A_74] : memref<106496xf32, #tpu.memory_space<hbm>> -> memref<128xf32, #tpu.memory_space<hbm>>
    tpu.wait_dma2 semaphore(%arg13 : memref<!tpu.dma_semaphore, #tpu.memory_space<semaphore_mem>>) src(%dma_wait3A_378 : memref<128xf32, #tpu.memory_space<hbm>>) dst(%dma_wait3A_377 : memref<128xf32, #tpu.memory_space<vmem>>)
    %dma_wait3A_379 = arith.constant 2176 : i32
    %dma_wait3A_380 = tpu.memref_slice %arg8[%dma_wait3A_379] : memref<3328xf32, #tpu.memory_space<vmem>> -> memref<128xf32, #tpu.memory_space<vmem>>
    %dma_wait3A_381 = tpu.memref_slice %arg4[%mul3A_78] : memref<106496xf32, #tpu.memory_space<hbm>> -> memref<128xf32, #tpu.memory_space<hbm>>
    %dma_wait3A_382 = arith.constant 2176 : i32
    %dma_wait3A_383 = tpu.memref_slice %arg8[%dma_wait3A_382] : memref<3328xf32, #tpu.memory_space<vmem>> -> memref<128xf32, #tpu.memory_space<vmem>>
    %dma_wait3A_384 = tpu.memref_slice %arg4[%mul3A_78] : memref<106496xf32, #tpu.memory_space<hbm>> -> memref<128xf32, #tpu.memory_space<hbm>>
    tpu.wait_dma2 semaphore(%arg13 : memref<!tpu.dma_semaphore, #tpu.memory_space<semaphore_mem>>) src(%dma_wait3A_384 : memref<128xf32, #tpu.memory_space<hbm>>) dst(%dma_wait3A_383 : memref<128xf32, #tpu.memory_space<vmem>>)
    %dma_wait3A_385 = arith.constant 2304 : i32
    %dma_wait3A_386 = tpu.memref_slice %arg8[%dma_wait3A_385] : memref<3328xf32, #tpu.memory_space<vmem>> -> memref<128xf32, #tpu.memory_space<vmem>>
    %dma_wait3A_387 = tpu.memref_slice %arg4[%mul3A_82] : memref<106496xf32, #tpu.memory_space<hbm>> -> memref<128xf32, #tpu.memory_space<hbm>>
    %dma_wait3A_388 = arith.constant 2304 : i32
    %dma_wait3A_389 = tpu.memref_slice %arg8[%dma_wait3A_388] : memref<3328xf32, #tpu.memory_space<vmem>> -> memref<128xf32, #tpu.memory_space<vmem>>
    %dma_wait3A_390 = tpu.memref_slice %arg4[%mul3A_82] : memref<106496xf32, #tpu.memory_space<hbm>> -> memref<128xf32, #tpu.memory_space<hbm>>
    tpu.wait_dma2 semaphore(%arg13 : memref<!tpu.dma_semaphore, #tpu.memory_space<semaphore_mem>>) src(%dma_wait3A_390 : memref<128xf32, #tpu.memory_space<hbm>>) dst(%dma_wait3A_389 : memref<128xf32, #tpu.memory_space<vmem>>)
    %dma_wait3A_391 = arith.constant 2432 : i32
    %dma_wait3A_392 = tpu.memref_slice %arg8[%dma_wait3A_391] : memref<3328xf32, #tpu.memory_space<vmem>> -> memref<128xf32, #tpu.memory_space<vmem>>
    %dma_wait3A_393 = tpu.memref_slice %arg4[%mul3A_86] : memref<106496xf32, #tpu.memory_space<hbm>> -> memref<128xf32, #tpu.memory_space<hbm>>
    %dma_wait3A_394 = arith.constant 2432 : i32
    %dma_wait3A_395 = tpu.memref_slice %arg8[%dma_wait3A_394] : memref<3328xf32, #tpu.memory_space<vmem>> -> memref<128xf32, #tpu.memory_space<vmem>>
    %dma_wait3A_396 = tpu.memref_slice %arg4[%mul3A_86] : memref<106496xf32, #tpu.memory_space<hbm>> -> memref<128xf32, #tpu.memory_space<hbm>>
    tpu.wait_dma2 semaphore(%arg13 : memref<!tpu.dma_semaphore, #tpu.memory_space<semaphore_mem>>) src(%dma_wait3A_396 : memref<128xf32, #tpu.memory_space<hbm>>) dst(%dma_wait3A_395 : memref<128xf32, #tpu.memory_space<vmem>>)
    %dma_wait3A_397 = arith.constant 2560 : i32
    %dma_wait3A_398 = tpu.memref_slice %arg8[%dma_wait3A_397] : memref<3328xf32, #tpu.memory_space<vmem>> -> memref<128xf32, #tpu.memory_space<vmem>>
    %dma_wait3A_399 = tpu.memref_slice %arg4[%mul3A_90] : memref<106496xf32, #tpu.memory_space<hbm>> -> memref<128xf32, #tpu.memory_space<hbm>>
    %dma_wait3A_400 = arith.constant 2560 : i32
    %dma_wait3A_401 = tpu.memref_slice %arg8[%dma_wait3A_400] : memref<3328xf32, #tpu.memory_space<vmem>> -> memref<128xf32, #tpu.memory_space<vmem>>
    %dma_wait3A_402 = tpu.memref_slice %arg4[%mul3A_90] : memref<106496xf32, #tpu.memory_space<hbm>> -> memref<128xf32, #tpu.memory_space<hbm>>
    tpu.wait_dma2 semaphore(%arg13 : memref<!tpu.dma_semaphore, #tpu.memory_space<semaphore_mem>>) src(%dma_wait3A_402 : memref<128xf32, #tpu.memory_space<hbm>>) dst(%dma_wait3A_401 : memref<128xf32, #tpu.memory_space<vmem>>)
    %dma_wait3A_403 = arith.constant 2688 : i32
    %dma_wait3A_404 = tpu.memref_slice %arg8[%dma_wait3A_403] : memref<3328xf32, #tpu.memory_space<vmem>> -> memref<128xf32, #tpu.memory_space<vmem>>
    %dma_wait3A_405 = tpu.memref_slice %arg4[%mul3A_94] : memref<106496xf32, #tpu.memory_space<hbm>> -> memref<128xf32, #tpu.memory_space<hbm>>
    %dma_wait3A_406 = arith.constant 2688 : i32
    %dma_wait3A_407 = tpu.memref_slice %arg8[%dma_wait3A_406] : memref<3328xf32, #tpu.memory_space<vmem>> -> memref<128xf32, #tpu.memory_space<vmem>>
    %dma_wait3A_408 = tpu.memref_slice %arg4[%mul3A_94] : memref<106496xf32, #tpu.memory_space<hbm>> -> memref<128xf32, #tpu.memory_space<hbm>>
    tpu.wait_dma2 semaphore(%arg13 : memref<!tpu.dma_semaphore, #tpu.memory_space<semaphore_mem>>) src(%dma_wait3A_408 : memref<128xf32, #tpu.memory_space<hbm>>) dst(%dma_wait3A_407 : memref<128xf32, #tpu.memory_space<vmem>>)
    %dma_wait3A_409 = arith.constant 2816 : i32
    %dma_wait3A_410 = tpu.memref_slice %arg8[%dma_wait3A_409] : memref<3328xf32, #tpu.memory_space<vmem>> -> memref<128xf32, #tpu.memory_space<vmem>>
    %dma_wait3A_411 = tpu.memref_slice %arg4[%mul3A_98] : memref<106496xf32, #tpu.memory_space<hbm>> -> memref<128xf32, #tpu.memory_space<hbm>>
    %dma_wait3A_412 = arith.constant 2816 : i32
    %dma_wait3A_413 = tpu.memref_slice %arg8[%dma_wait3A_412] : memref<3328xf32, #tpu.memory_space<vmem>> -> memref<128xf32, #tpu.memory_space<vmem>>
    %dma_wait3A_414 = tpu.memref_slice %arg4[%mul3A_98] : memref<106496xf32, #tpu.memory_space<hbm>> -> memref<128xf32, #tpu.memory_space<hbm>>
    tpu.wait_dma2 semaphore(%arg13 : memref<!tpu.dma_semaphore, #tpu.memory_space<semaphore_mem>>) src(%dma_wait3A_414 : memref<128xf32, #tpu.memory_space<hbm>>) dst(%dma_wait3A_413 : memref<128xf32, #tpu.memory_space<vmem>>)
    %dma_wait3A_415 = arith.constant 2944 : i32
    %dma_wait3A_416 = tpu.memref_slice %arg8[%dma_wait3A_415] : memref<3328xf32, #tpu.memory_space<vmem>> -> memref<128xf32, #tpu.memory_space<vmem>>
    %dma_wait3A_417 = tpu.memref_slice %arg4[%mul3A_102] : memref<106496xf32, #tpu.memory_space<hbm>> -> memref<128xf32, #tpu.memory_space<hbm>>
    %dma_wait3A_418 = arith.constant 2944 : i32
    %dma_wait3A_419 = tpu.memref_slice %arg8[%dma_wait3A_418] : memref<3328xf32, #tpu.memory_space<vmem>> -> memref<128xf32, #tpu.memory_space<vmem>>
    %dma_wait3A_420 = tpu.memref_slice %arg4[%mul3A_102] : memref<106496xf32, #tpu.memory_space<hbm>> -> memref<128xf32, #tpu.memory_space<hbm>>
    tpu.wait_dma2 semaphore(%arg13 : memref<!tpu.dma_semaphore, #tpu.memory_space<semaphore_mem>>) src(%dma_wait3A_420 : memref<128xf32, #tpu.memory_space<hbm>>) dst(%dma_wait3A_419 : memref<128xf32, #tpu.memory_space<vmem>>)
    %dma_wait3A_421 = arith.constant 3072 : i32
    %dma_wait3A_422 = tpu.memref_slice %arg8[%dma_wait3A_421] : memref<3328xf32, #tpu.memory_space<vmem>> -> memref<128xf32, #tpu.memory_space<vmem>>
    %dma_wait3A_423 = tpu.memref_slice %arg4[%mul3A_106] : memref<106496xf32, #tpu.memory_space<hbm>> -> memref<128xf32, #tpu.memory_space<hbm>>
    %dma_wait3A_424 = arith.constant 3072 : i32
    %dma_wait3A_425 = tpu.memref_slice %arg8[%dma_wait3A_424] : memref<3328xf32, #tpu.memory_space<vmem>> -> memref<128xf32, #tpu.memory_space<vmem>>
    %dma_wait3A_426 = tpu.memref_slice %arg4[%mul3A_106] : memref<106496xf32, #tpu.memory_space<hbm>> -> memref<128xf32, #tpu.memory_space<hbm>>
    tpu.wait_dma2 semaphore(%arg13 : memref<!tpu.dma_semaphore, #tpu.memory_space<semaphore_mem>>) src(%dma_wait3A_426 : memref<128xf32, #tpu.memory_space<hbm>>) dst(%dma_wait3A_425 : memref<128xf32, #tpu.memory_space<vmem>>)
    %dma_wait3A_427 = arith.constant 3200 : i32
    %dma_wait3A_428 = tpu.memref_slice %arg8[%dma_wait3A_427] : memref<3328xf32, #tpu.memory_space<vmem>> -> memref<128xf32, #tpu.memory_space<vmem>>
    %dma_wait3A_429 = tpu.memref_slice %arg4[%mul3A_110] : memref<106496xf32, #tpu.memory_space<hbm>> -> memref<128xf32, #tpu.memory_space<hbm>>
    %dma_wait3A_430 = arith.constant 3200 : i32
    %dma_wait3A_431 = tpu.memref_slice %arg8[%dma_wait3A_430] : memref<3328xf32, #tpu.memory_space<vmem>> -> memref<128xf32, #tpu.memory_space<vmem>>
    %dma_wait3A_432 = tpu.memref_slice %arg4[%mul3A_110] : memref<106496xf32, #tpu.memory_space<hbm>> -> memref<128xf32, #tpu.memory_space<hbm>>
    tpu.wait_dma2 semaphore(%arg13 : memref<!tpu.dma_semaphore, #tpu.memory_space<semaphore_mem>>) src(%dma_wait3A_432 : memref<128xf32, #tpu.memory_space<hbm>>) dst(%dma_wait3A_431 : memref<128xf32, #tpu.memory_space<vmem>>)
    %scan3A_433 = arith.constant 0 : i32
    %scan3A_434 = arith.constant 0 : i32
    %scan3A_435 = arith.constant 26 : i32
    %scan3A_436 = arith.addi %scan3A_434, %scan3A_435 : i32
    %scan3A_437 = arith.constant 1 : i32
    scf.for %scan3A_447 = %scan3A_434 to %scan3A_436 step %scan3A_437  : i32 {
      %mul3A_448 = arith.constant 4096 : i32
      %mul3A_449 = arith.muli %scan3A_447, %mul3A_448 : i32
      "tpu.region"() ({
        %run_scoped3A = tpu.sem_alloc : memref<!tpu.dma_semaphore, #tpu.memory_space<semaphore_mem>>
        %dma_start3A_501 = tpu.memref_slice %arg2[%mul3A_449] : memref<106496xi32, #tpu.memory_space<hbm>> -> memref<4096xi32, #tpu.memory_space<hbm>>
        %dma_start3A_502 = tpu.memref_slice %arg2[%mul3A_449] : memref<106496xi32, #tpu.memory_space<hbm>> -> memref<4096xi32, #tpu.memory_space<hbm>>
        tpu.enqueue_dma source(%dma_start3A_502 : memref<4096xi32, #tpu.memory_space<hbm>>) target(%arg6 : memref<4096xi32, #tpu.memory_space<vmem>>) target_semaphore(%run_scoped3A : memref<!tpu.dma_semaphore, #tpu.memory_space<semaphore_mem>>)
        %dma_wait3A_503 = tpu.memref_slice %arg2[%mul3A_449] : memref<106496xi32, #tpu.memory_space<hbm>> -> memref<4096xi32, #tpu.memory_space<hbm>>
        %dma_wait3A_504 = tpu.memref_slice %arg2[%mul3A_449] : memref<106496xi32, #tpu.memory_space<hbm>> -> memref<4096xi32, #tpu.memory_space<hbm>>
        tpu.wait_dma2 semaphore(%run_scoped3A : memref<!tpu.dma_semaphore, #tpu.memory_space<semaphore_mem>>) src(%dma_wait3A_504 : memref<4096xi32, #tpu.memory_space<hbm>>) dst(%arg6 : memref<4096xi32, #tpu.memory_space<vmem>>)
        tpu.yield
      }) : () -> ()
      %mul3A_450 = arith.constant 32 : i32
      %mul3A_451 = arith.muli %scan3A_447, %mul3A_450 : i32
      %add3A_452 = arith.addi %mul3A_451, %add3A : i32
      %dma_start3A_453 = arith.constant 50048 : i32
      %dma_start3A_454 = tpu.memref_slice %arg7[%dma_start3A_453] : memref<100096xf32, #tpu.memory_space<vmem>> -> memref<49920xf32, #tpu.memory_space<vmem>>
      %dma_start3A_455 = arith.constant 50048 : i32
      %dma_start3A_456 = tpu.memref_slice %arg3[%add3A_452, %dma_start3A_455] : memref<832x100000xf32, #tpu.memory_space<hbm>> -> memref<1x49920xf32, #tpu.memory_space<hbm>>
      %dma_start3A_457 = tpu.memref_squeeze %dma_start3A_456 : memref<1x49920xf32, #tpu.memory_space<hbm>> -> memref<49920xf32, #tpu.memory_space<hbm>>
      %dma_start3A_458 = arith.constant 50048 : i32
      %dma_start3A_459 = tpu.memref_slice %arg7[%dma_start3A_458] : memref<100096xf32, #tpu.memory_space<vmem>> -> memref<49920xf32, #tpu.memory_space<vmem>>
      %dma_start3A_460 = arith.constant 50048 : i32
      %dma_start3A_461 = tpu.memref_slice %arg3[%add3A_452, %dma_start3A_460] : memref<832x100000xf32, #tpu.memory_space<hbm>> -> memref<1x49920xf32, #tpu.memory_space<hbm>>
      %dma_start3A_462 = tpu.memref_squeeze %dma_start3A_461 : memref<1x49920xf32, #tpu.memory_space<hbm>> -> memref<49920xf32, #tpu.memory_space<hbm>>
      tpu.enqueue_dma source(%dma_start3A_462 : memref<49920xf32, #tpu.memory_space<hbm>>) target(%dma_start3A_459 : memref<49920xf32, #tpu.memory_space<vmem>>) target_semaphore(%arg12 : memref<!tpu.dma_semaphore, #tpu.memory_space<semaphore_mem>>)
      %dma_wait3A_463 = arith.constant 0 : i32
      %dma_wait3A_464 = arith.constant 0 : i32
      %dma_wait3A_465 = tpu.memref_slice %arg7[%dma_wait3A_464] : memref<100096xf32, #tpu.memory_space<vmem>> -> memref<50048xf32, #tpu.memory_space<vmem>>
      %dma_wait3A_466 = arith.constant 0 : i32
      %dma_wait3A_467 = tpu.memref_slice %arg3[%dma_wait3A_463, %dma_wait3A_466] : memref<832x100000xf32, #tpu.memory_space<hbm>> -> memref<1x50048xf32, #tpu.memory_space<hbm>>
      %dma_wait3A_468 = tpu.memref_squeeze %dma_wait3A_467 : memref<1x50048xf32, #tpu.memory_space<hbm>> -> memref<50048xf32, #tpu.memory_space<hbm>>
      %dma_wait3A_469 = arith.constant 0 : i32
      %dma_wait3A_470 = tpu.memref_slice %arg7[%dma_wait3A_469] : memref<100096xf32, #tpu.memory_space<vmem>> -> memref<50048xf32, #tpu.memory_space<vmem>>
      %dma_wait3A_471 = arith.constant 0 : i32
      %dma_wait3A_472 = tpu.memref_slice %arg3[%dma_wait3A_463, %dma_wait3A_471] : memref<832x100000xf32, #tpu.memory_space<hbm>> -> memref<1x50048xf32, #tpu.memory_space<hbm>>
      %dma_wait3A_473 = tpu.memref_squeeze %dma_wait3A_472 : memref<1x50048xf32, #tpu.memory_space<hbm>> -> memref<50048xf32, #tpu.memory_space<hbm>>
      tpu.wait_dma2 semaphore(%arg11 : memref<!tpu.dma_semaphore, #tpu.memory_space<semaphore_mem>>) src(%dma_wait3A_473 : memref<50048xf32, #tpu.memory_space<hbm>>) dst(%dma_wait3A_470 : memref<50048xf32, #tpu.memory_space<vmem>>)
      %scan3A_474 = arith.constant 0 : i32
      %scan3A_475 = arith.constant 0 : i32
      %scan3A_476 = arith.constant 256 : i32
      %scan3A_477 = arith.addi %scan3A_475, %scan3A_476 : i32
      %scan3A_478 = arith.constant 1 : i32
      scf.for %scan3A_501 = %scan3A_475 to %scan3A_477 step %scan3A_478  : i32 {
        %mul3A_502 = arith.constant 16 : i32
        %mul3A_503 = arith.muli %scan3A_501, %mul3A_502 : i32
        %get3A = arith.index_cast %mul3A_503 : i32 to index
        %get3A_504 = tpu.vector_load %arg6[%get3A] {strides = array<i32>} : memref<4096xi32, #tpu.memory_space<vmem>>, vector<16xi32>,
        %sub3A = arith.constant 0 : i32
        %sub3A_505 = vector.broadcast %sub3A : i32 to vector<16xi32>
        %sub3A_506 = arith.subi %get3A_504, %sub3A_505 : vector<16xi32>
        %ge3A = arith.constant 0 : i32
        %ge3A_507 = vector.broadcast %ge3A : i32 to vector<16xi32>
        %ge3A_508 = arith.cmpi sge, %sub3A_506, %ge3A_507 : vector<16xi32>
        %lt3A_509 = arith.constant 50048 : i32
        %lt3A_510 = vector.broadcast %lt3A_509 : i32 to vector<16xi32>
        %lt3A_511 = arith.cmpi slt, %sub3A_506, %lt3A_510 : vector<16xi32>
        %and3A = arith.andi %ge3A_508, %lt3A_511 : vector<16xi1>
        %jit3A = arith.constant 0 : i32
        %broadcast_in_dim3A_512 = vector.broadcast %jit3A : i32 to vector<16xi32>
        %select_n3A = arith.select %and3A, %sub3A_506, %broadcast_in_dim3A_512 : vector<16xi1>, vector<16xi32>
        %add3A_513 = arith.constant 0 : i32
        %add3A_514 = vector.broadcast %add3A_513 : i32 to vector<16xi32>
        %add3A_515 = arith.addi %add3A_514, %select_n3A : vector<16xi32>
        %gather3A = tpu.vector_load_idx %arg7[%add3A_515] masked %and3A : memref<100096xf32, #tpu.memory_space<vmem>>[vector<16xi32>], vector<16xf32>, vector<16xi1>
        %jit3A_516 = arith.constant 0.000000e+00 : f32
        %broadcast_in_dim3A_517 = vector.broadcast %jit3A_516 : f32 to vector<16xf32>
        %select_n3A_518 = arith.select %and3A, %gather3A, %broadcast_in_dim3A_517 : vector<16xi1>, vector<16xf32>
        %get3A_519 = arith.index_cast %mul3A_503 : i32 to index
        %get3A_520 = tpu.vector_load %arg9[%get3A_519] {strides = array<i32>} : memref<4096xf32, #tpu.memory_space<vmem>>, vector<16xf32>,
        %add3A_521 = arith.addf %get3A_520, %select_n3A_518 : vector<16xf32>
        %swap3A = arith.index_cast %mul3A_503 : i32 to index
        %swap3A_522 = tpu.vector_load %arg9[%swap3A] {strides = array<i32>} : memref<4096xf32, #tpu.memory_space<vmem>>, vector<16xf32>,
        tpu.vector_store %arg9[%swap3A], %add3A_521 {strides = array<i32>} : memref<4096xf32, #tpu.memory_space<vmem>>, vector<16xf32>,
        %get3A_523 = arith.index_cast %mul3A_503 : i32 to index
        %get3A_524 = tpu.vector_load %arg10[%get3A_523] {strides = array<i32>} : memref<4096xf32, #tpu.memory_space<vmem>>, vector<16xf32>,
        %mul3A_525 = arith.mulf %select_n3A_518, %select_n3A_518 : vector<16xf32>
        %add3A_526 = arith.addf %get3A_524, %mul3A_525 : vector<16xf32>
        %swap3A_527 = arith.index_cast %mul3A_503 : i32 to index
        %swap3A_528 = tpu.vector_load %arg10[%swap3A_527] {strides = array<i32>} : memref<4096xf32, #tpu.memory_space<vmem>>, vector<16xf32>,
        tpu.vector_store %arg10[%swap3A_527], %add3A_526 {strides = array<i32>} : memref<4096xf32, #tpu.memory_space<vmem>>, vector<16xf32>,
      }
      %scan3A_479 = arith.constant 256 : i32
      %add3A_480 = arith.constant 1 : i32
      %add3A_481 = arith.addi %scan3A_447, %add3A_480 : i32
      %lt3A = arith.constant 26 : i32
      %lt3A_482 = arith.cmpi slt, %add3A_481, %lt3A : i32
      %convert_element_type3A = arith.extui %lt3A_482 : i1 to i32
      %cond3A = arith.constant 0 : i32
      %cond3A_483 = arith.cmpi ne, %convert_element_type3A, %cond3A : i32
      scf.if %cond3A_483 {
        %add3A_501 = arith.constant 1 : i32
        %add3A_502 = arith.addi %scan3A_447, %add3A_501 : i32
        %mul3A_503 = arith.constant 32 : i32
        %mul3A_504 = arith.muli %add3A_502, %mul3A_503 : i32
        %add3A_505 = arith.addi %mul3A_504, %add3A : i32
        %dma_start3A_506 = arith.constant 0 : i32
        %dma_start3A_507 = tpu.memref_slice %arg7[%dma_start3A_506] : memref<100096xf32, #tpu.memory_space<vmem>> -> memref<50048xf32, #tpu.memory_space<vmem>>
        %dma_start3A_508 = arith.constant 0 : i32
        %dma_start3A_509 = tpu.memref_slice %arg3[%add3A_505, %dma_start3A_508] : memref<832x100000xf32, #tpu.memory_space<hbm>> -> memref<1x50048xf32, #tpu.memory_space<hbm>>
        %dma_start3A_510 = tpu.memref_squeeze %dma_start3A_509 : memref<1x50048xf32, #tpu.memory_space<hbm>> -> memref<50048xf32, #tpu.memory_space<hbm>>
        %dma_start3A_511 = arith.constant 0 : i32
        %dma_start3A_512 = tpu.memref_slice %arg7[%dma_start3A_511] : memref<100096xf32, #tpu.memory_space<vmem>> -> memref<50048xf32, #tpu.memory_space<vmem>>
        %dma_start3A_513 = arith.constant 0 : i32
        %dma_start3A_514 = tpu.memref_slice %arg3[%add3A_505, %dma_start3A_513] : memref<832x100000xf32, #tpu.memory_space<hbm>> -> memref<1x50048xf32, #tpu.memory_space<hbm>>
        %dma_start3A_515 = tpu.memref_squeeze %dma_start3A_514 : memref<1x50048xf32, #tpu.memory_space<hbm>> -> memref<50048xf32, #tpu.memory_space<hbm>>
        tpu.enqueue_dma source(%dma_start3A_515 : memref<50048xf32, #tpu.memory_space<hbm>>) target(%dma_start3A_512 : memref<50048xf32, #tpu.memory_space<vmem>>) target_semaphore(%arg11 : memref<!tpu.dma_semaphore, #tpu.memory_space<semaphore_mem>>)
      } else {
      }
      %dma_wait3A_484 = arith.constant 0 : i32
      %dma_wait3A_485 = arith.constant 50048 : i32
      %dma_wait3A_486 = tpu.memref_slice %arg7[%dma_wait3A_485] : memref<100096xf32, #tpu.memory_space<vmem>> -> memref<49920xf32, #tpu.memory_space<vmem>>
      %dma_wait3A_487 = arith.constant 50048 : i32
      %dma_wait3A_488 = tpu.memref_slice %arg3[%dma_wait3A_484, %dma_wait3A_487] : memref<832x100000xf32, #tpu.memory_space<hbm>> -> memref<1x49920xf32, #tpu.memory_space<hbm>>
      %dma_wait3A_489 = tpu.memref_squeeze %dma_wait3A_488 : memref<1x49920xf32, #tpu.memory_space<hbm>> -> memref<49920xf32, #tpu.memory_space<hbm>>
      %dma_wait3A_490 = arith.constant 50048 : i32
      %dma_wait3A_491 = tpu.memref_slice %arg7[%dma_wait3A_490] : memref<100096xf32, #tpu.memory_space<vmem>> -> memref<49920xf32, #tpu.memory_space<vmem>>
      %dma_wait3A_492 = arith.constant 50048 : i32
      %dma_wait3A_493 = tpu.memref_slice %arg3[%dma_wait3A_484, %dma_wait3A_492] : memref<832x100000xf32, #tpu.memory_space<hbm>> -> memref<1x49920xf32, #tpu.memory_space<hbm>>
      %dma_wait3A_494 = tpu.memref_squeeze %dma_wait3A_493 : memref<1x49920xf32, #tpu.memory_space<hbm>> -> memref<49920xf32, #tpu.memory_space<hbm>>
      tpu.wait_dma2 semaphore(%arg12 : memref<!tpu.dma_semaphore, #tpu.memory_space<semaphore_mem>>) src(%dma_wait3A_494 : memref<49920xf32, #tpu.memory_space<hbm>>) dst(%dma_wait3A_491 : memref<49920xf32, #tpu.memory_space<vmem>>)
      %scan3A_495 = arith.constant 0 : i32
      %scan3A_496 = arith.constant 0 : i32
      %scan3A_497 = arith.constant 256 : i32
      %scan3A_498 = arith.addi %scan3A_496, %scan3A_497 : i32
      %scan3A_499 = arith.constant 1 : i32
      scf.for %scan3A_501 = %scan3A_496 to %scan3A_498 step %scan3A_499  : i32 {
        %mul3A_502 = arith.constant 16 : i32
        %mul3A_503 = arith.muli %scan3A_501, %mul3A_502 : i32
        %get3A = arith.index_cast %mul3A_503 : i32 to index
        %get3A_504 = tpu.vector_load %arg6[%get3A] {strides = array<i32>} : memref<4096xi32, #tpu.memory_space<vmem>>, vector<16xi32>,
        %sub3A = arith.constant 50048 : i32
        %sub3A_505 = vector.broadcast %sub3A : i32 to vector<16xi32>
        %sub3A_506 = arith.subi %get3A_504, %sub3A_505 : vector<16xi32>
        %ge3A = arith.constant 0 : i32
        %ge3A_507 = vector.broadcast %ge3A : i32 to vector<16xi32>
        %ge3A_508 = arith.cmpi sge, %sub3A_506, %ge3A_507 : vector<16xi32>
        %lt3A_509 = arith.constant 49920 : i32
        %lt3A_510 = vector.broadcast %lt3A_509 : i32 to vector<16xi32>
        %lt3A_511 = arith.cmpi slt, %sub3A_506, %lt3A_510 : vector<16xi32>
        %and3A = arith.andi %ge3A_508, %lt3A_511 : vector<16xi1>
        %jit3A = arith.constant 0 : i32
        %broadcast_in_dim3A_512 = vector.broadcast %jit3A : i32 to vector<16xi32>
        %select_n3A = arith.select %and3A, %sub3A_506, %broadcast_in_dim3A_512 : vector<16xi1>, vector<16xi32>
        %add3A_513 = arith.constant 50048 : i32
        %add3A_514 = vector.broadcast %add3A_513 : i32 to vector<16xi32>
        %add3A_515 = arith.addi %add3A_514, %select_n3A : vector<16xi32>
        %gather3A = tpu.vector_load_idx %arg7[%add3A_515] masked %and3A : memref<100096xf32, #tpu.memory_space<vmem>>[vector<16xi32>], vector<16xf32>, vector<16xi1>
        %jit3A_516 = arith.constant 0.000000e+00 : f32
        %broadcast_in_dim3A_517 = vector.broadcast %jit3A_516 : f32 to vector<16xf32>
        %select_n3A_518 = arith.select %and3A, %gather3A, %broadcast_in_dim3A_517 : vector<16xi1>, vector<16xf32>
        %sub3A_519 = arith.constant 99968 : i32
        %sub3A_520 = vector.broadcast %sub3A_519 : i32 to vector<16xi32>
        %sub3A_521 = arith.subi %get3A_504, %sub3A_520 : vector<16xi32>
        %ge3A_522 = arith.constant 0 : i32
        %ge3A_523 = vector.broadcast %ge3A_522 : i32 to vector<16xi32>
        %ge3A_524 = arith.cmpi sge, %sub3A_521, %ge3A_523 : vector<16xi32>
        %mul3A_525 = arith.constant 128 : i32
        %mul3A_526 = arith.muli %scan3A_447, %mul3A_525 : i32
        %jit3A_527 = arith.constant 0 : i32
        %broadcast_in_dim3A_528 = vector.broadcast %jit3A_527 : i32 to vector<16xi32>
        %select_n3A_529 = arith.select %ge3A_524, %sub3A_521, %broadcast_in_dim3A_528 : vector<16xi1>, vector<16xi32>
        %add3A_530 = vector.broadcast %mul3A_526 : i32 to vector<16xi32>
        %add3A_531 = arith.addi %add3A_530, %select_n3A_529 : vector<16xi32>
        %gather3A_532 = tpu.vector_load_idx %arg8[%add3A_531] masked %ge3A_524 : memref<3328xf32, #tpu.memory_space<vmem>>[vector<16xi32>], vector<16xf32>, vector<16xi1>
        %jit3A_533 = arith.constant 0.000000e+00 : f32
        %broadcast_in_dim3A_534 = vector.broadcast %jit3A_533 : f32 to vector<16xf32>
        %select_n3A_535 = arith.select %ge3A_524, %gather3A_532, %broadcast_in_dim3A_534 : vector<16xi1>, vector<16xf32>
        %add3A_536 = arith.addf %select_n3A_518, %select_n3A_535 : vector<16xf32>
        %get3A_537 = arith.index_cast %mul3A_503 : i32 to index
        %get3A_538 = tpu.vector_load %arg9[%get3A_537] {strides = array<i32>} : memref<4096xf32, #tpu.memory_space<vmem>>, vector<16xf32>,
        %add3A_539 = arith.addf %get3A_538, %add3A_536 : vector<16xf32>
        %swap3A = arith.index_cast %mul3A_503 : i32 to index
        %swap3A_540 = tpu.vector_load %arg9[%swap3A] {strides = array<i32>} : memref<4096xf32, #tpu.memory_space<vmem>>, vector<16xf32>,
        tpu.vector_store %arg9[%swap3A], %add3A_539 {strides = array<i32>} : memref<4096xf32, #tpu.memory_space<vmem>>, vector<16xf32>,
        %get3A_541 = arith.index_cast %mul3A_503 : i32 to index
        %get3A_542 = tpu.vector_load %arg10[%get3A_541] {strides = array<i32>} : memref<4096xf32, #tpu.memory_space<vmem>>, vector<16xf32>,
        %mul3A_543 = arith.mulf %add3A_536, %add3A_536 : vector<16xf32>
        %add3A_544 = arith.addf %get3A_542, %mul3A_543 : vector<16xf32>
        %swap3A_545 = arith.index_cast %mul3A_503 : i32 to index
        %swap3A_546 = tpu.vector_load %arg10[%swap3A_545] {strides = array<i32>} : memref<4096xf32, #tpu.memory_space<vmem>>, vector<16xf32>,
        tpu.vector_store %arg10[%swap3A_545], %add3A_544 {strides = array<i32>} : memref<4096xf32, #tpu.memory_space<vmem>>, vector<16xf32>,
      }
      %scan3A_500 = arith.constant 256 : i32
    }
    %scan3A_438 = arith.constant 26 : i32
    %scan3A_439 = arith.constant 0 : i32
    %scan3A_440 = arith.constant 0 : i32
    %scan3A_441 = arith.constant 256 : i32
    %scan3A_442 = arith.addi %scan3A_440, %scan3A_441 : i32
    %scan3A_443 = arith.constant 1 : i32
    scf.for %scan3A_447 = %scan3A_440 to %scan3A_442 step %scan3A_443  : i32 {
      %mul3A_448 = arith.constant 16 : i32
      %mul3A_449 = arith.muli %scan3A_447, %mul3A_448 : i32
      %get3A = arith.index_cast %mul3A_449 : i32 to index
      %get3A_450 = tpu.vector_load %arg9[%get3A] {strides = array<i32>} : memref<4096xf32, #tpu.memory_space<vmem>>, vector<16xf32>,
      %mul3A_451 = arith.mulf %get3A_450, %get3A_450 : vector<16xf32>
      %get3A_452 = arith.index_cast %mul3A_449 : i32 to index
      %get3A_453 = tpu.vector_load %arg10[%get3A_452] {strides = array<i32>} : memref<4096xf32, #tpu.memory_space<vmem>>, vector<16xf32>,
      %sub3A = arith.subf %mul3A_451, %get3A_453 : vector<16xf32>
      %swap3A = arith.index_cast %mul3A_449 : i32 to index
      %swap3A_454 = tpu.vector_load %arg9[%swap3A] {strides = array<i32>} : memref<4096xf32, #tpu.memory_space<vmem>>, vector<16xf32>,
      tpu.vector_store %arg9[%swap3A], %sub3A {strides = array<i32>} : memref<4096xf32, #tpu.memory_space<vmem>>, vector<16xf32>,
    }
    %scan3A_444 = arith.constant 256 : i32
    %mul3A_445 = arith.constant 4096 : i32
    %mul3A_446 = arith.muli %add3A, %mul3A_445 : i32
    "tpu.region"() ({
      %run_scoped3A = tpu.sem_alloc : memref<!tpu.dma_semaphore, #tpu.memory_space<semaphore_mem>>
      %dma_start3A_447 = tpu.memref_slice %arg5[%mul3A_446] : memref<131072xf32, #tpu.memory_space<hbm>> -> memref<4096xf32, #tpu.memory_space<hbm>>
      %dma_start3A_448 = tpu.memref_slice %arg5[%mul3A_446] : memref<131072xf32, #tpu.memory_space<hbm>> -> memref<4096xf32, #tpu.memory_space<hbm>>
      tpu.enqueue_dma source(%arg9 : memref<4096xf32, #tpu.memory_space<vmem>>) target(%dma_start3A_448 : memref<4096xf32, #tpu.memory_space<hbm>>) target_semaphore(%run_scoped3A : memref<!tpu.dma_semaphore, #tpu.memory_space<semaphore_mem>>)
      %dma_wait3A_449 = tpu.memref_slice %arg5[%mul3A_446] : memref<131072xf32, #tpu.memory_space<hbm>> -> memref<4096xf32, #tpu.memory_space<hbm>>
      %dma_wait3A_450 = tpu.memref_slice %arg5[%mul3A_446] : memref<131072xf32, #tpu.memory_space<hbm>> -> memref<4096xf32, #tpu.memory_space<hbm>>
      tpu.wait_dma2 semaphore(%run_scoped3A : memref<!tpu.dma_semaphore, #tpu.memory_space<semaphore_mem>>) src(%arg9 : memref<4096xf32, #tpu.memory_space<vmem>>) dst(%dma_wait3A_450 : memref<4096xf32, #tpu.memory_space<hbm>>)
      tpu.yield
    }) : () -> ()
    return
  }
}

#map = affine_map<(d0, d1) -> (0)>
module attributes {stable_mosaic.version = 14 : i64} {
  func.func @_reduce_body(%arg0: i32, %arg1: i32, %arg2: memref<131072xf32, #tpu.memory_space<hbm>>, %arg3: memref<106496xi32, #tpu.memory_space<hbm>>, %arg4: memref<2600000xf32, #tpu.memory_space<hbm>>, %arg5: memref<16xf32, #tpu.memory_space<hbm>>, %arg6: memref<4096xf32, #tpu.memory_space<hbm>>, %arg7: memref<4096xf32, #tpu.memory_space<vmem>>, %arg8: memref<3328xi32, #tpu.memory_space<vmem>>, %arg9: memref<3328xi32, #tpu.memory_space<vmem>>, %arg10: memref<3328xf32, #tpu.memory_space<vmem>>, %arg11: memref<128xf32, #tpu.memory_space<vmem>>, %arg12: memref<16xf32, #tpu.memory_space<vmem>>, %arg13: memref<!tpu.dma_semaphore, #tpu.memory_space<semaphore_mem>>, %arg14: memref<!tpu.dma_semaphore, #tpu.memory_space<semaphore_mem>>) attributes {dimension_semantics = [#tpu.dimension_semantics<core_parallel>, #tpu.dimension_semantics<subcore_parallel>], iteration_bounds = array<i64: 2, 16>, scalar_prefetch = 0 : i64, scratch_operands = 8 : i64, tpu.core_type = #tpu.core_type<sc_vector_subcore>, window_params = [{transform_indices = #map}, {transform_indices = #map}, {transform_indices = #map}, {transform_indices = #map}, {transform_indices = #map}]} {
    %mul3A = arith.constant 2 : i32
    %mul3A_0 = arith.muli %arg1, %mul3A : i32
    %add3A = arith.addi %mul3A_0, %arg0 : i32
    "tpu.region"() ({
      %run_scoped3A = tpu.sem_alloc : memref<!tpu.dma_semaphore, #tpu.memory_space<semaphore_mem>>
      tpu.enqueue_dma source(%arg5 : memref<16xf32, #tpu.memory_space<hbm>>) target(%arg12 : memref<16xf32, #tpu.memory_space<vmem>>) target_semaphore(%run_scoped3A : memref<!tpu.dma_semaphore, #tpu.memory_space<semaphore_mem>>)
      tpu.wait_dma2 semaphore(%run_scoped3A : memref<!tpu.dma_semaphore, #tpu.memory_space<semaphore_mem>>) src(%arg5 : memref<16xf32, #tpu.memory_space<hbm>>) dst(%arg12 : memref<16xf32, #tpu.memory_space<vmem>>)
      tpu.yield
    }) : () -> ()
    %mul3A_1 = arith.constant 128 : i32
    %mul3A_2 = arith.muli %add3A, %mul3A_1 : i32
    %add3A_3 = arith.constant 0 : i32
    %add3A_4 = arith.addi %add3A_3, %mul3A_2 : i32
    %mul3A_5 = arith.constant 128 : i32
    %mul3A_6 = arith.muli %add3A, %mul3A_5 : i32
    %add3A_7 = arith.constant 4096 : i32
    %add3A_8 = arith.addi %add3A_7, %mul3A_6 : i32
    %mul3A_9 = arith.constant 128 : i32
    %mul3A_10 = arith.muli %add3A, %mul3A_9 : i32
    %add3A_11 = arith.constant 8192 : i32
    %add3A_12 = arith.addi %add3A_11, %mul3A_10 : i32
    %mul3A_13 = arith.constant 128 : i32
    %mul3A_14 = arith.muli %add3A, %mul3A_13 : i32
    %add3A_15 = arith.constant 12288 : i32
    %add3A_16 = arith.addi %add3A_15, %mul3A_14 : i32
    %mul3A_17 = arith.constant 128 : i32
    %mul3A_18 = arith.muli %add3A, %mul3A_17 : i32
    %add3A_19 = arith.constant 16384 : i32
    %add3A_20 = arith.addi %add3A_19, %mul3A_18 : i32
    %mul3A_21 = arith.constant 128 : i32
    %mul3A_22 = arith.muli %add3A, %mul3A_21 : i32
    %add3A_23 = arith.constant 20480 : i32
    %add3A_24 = arith.addi %add3A_23, %mul3A_22 : i32
    %mul3A_25 = arith.constant 128 : i32
    %mul3A_26 = arith.muli %add3A, %mul3A_25 : i32
    %add3A_27 = arith.constant 24576 : i32
    %add3A_28 = arith.addi %add3A_27, %mul3A_26 : i32
    %mul3A_29 = arith.constant 128 : i32
    %mul3A_30 = arith.muli %add3A, %mul3A_29 : i32
    %add3A_31 = arith.constant 28672 : i32
    %add3A_32 = arith.addi %add3A_31, %mul3A_30 : i32
    %mul3A_33 = arith.constant 128 : i32
    %mul3A_34 = arith.muli %add3A, %mul3A_33 : i32
    %add3A_35 = arith.constant 32768 : i32
    %add3A_36 = arith.addi %add3A_35, %mul3A_34 : i32
    %mul3A_37 = arith.constant 128 : i32
    %mul3A_38 = arith.muli %add3A, %mul3A_37 : i32
    %add3A_39 = arith.constant 36864 : i32
    %add3A_40 = arith.addi %add3A_39, %mul3A_38 : i32
    %mul3A_41 = arith.constant 128 : i32
    %mul3A_42 = arith.muli %add3A, %mul3A_41 : i32
    %add3A_43 = arith.constant 40960 : i32
    %add3A_44 = arith.addi %add3A_43, %mul3A_42 : i32
    %mul3A_45 = arith.constant 128 : i32
    %mul3A_46 = arith.muli %add3A, %mul3A_45 : i32
    %add3A_47 = arith.constant 45056 : i32
    %add3A_48 = arith.addi %add3A_47, %mul3A_46 : i32
    %mul3A_49 = arith.constant 128 : i32
    %mul3A_50 = arith.muli %add3A, %mul3A_49 : i32
    %add3A_51 = arith.constant 49152 : i32
    %add3A_52 = arith.addi %add3A_51, %mul3A_50 : i32
    %mul3A_53 = arith.constant 128 : i32
    %mul3A_54 = arith.muli %add3A, %mul3A_53 : i32
    %add3A_55 = arith.constant 53248 : i32
    %add3A_56 = arith.addi %add3A_55, %mul3A_54 : i32
    %mul3A_57 = arith.constant 128 : i32
    %mul3A_58 = arith.muli %add3A, %mul3A_57 : i32
    %add3A_59 = arith.constant 57344 : i32
    %add3A_60 = arith.addi %add3A_59, %mul3A_58 : i32
    %mul3A_61 = arith.constant 128 : i32
    %mul3A_62 = arith.muli %add3A, %mul3A_61 : i32
    %add3A_63 = arith.constant 61440 : i32
    %add3A_64 = arith.addi %add3A_63, %mul3A_62 : i32
    %mul3A_65 = arith.constant 128 : i32
    %mul3A_66 = arith.muli %add3A, %mul3A_65 : i32
    %add3A_67 = arith.constant 65536 : i32
    %add3A_68 = arith.addi %add3A_67, %mul3A_66 : i32
    %mul3A_69 = arith.constant 128 : i32
    %mul3A_70 = arith.muli %add3A, %mul3A_69 : i32
    %add3A_71 = arith.constant 69632 : i32
    %add3A_72 = arith.addi %add3A_71, %mul3A_70 : i32
    %mul3A_73 = arith.constant 128 : i32
    %mul3A_74 = arith.muli %add3A, %mul3A_73 : i32
    %add3A_75 = arith.constant 73728 : i32
    %add3A_76 = arith.addi %add3A_75, %mul3A_74 : i32
    %mul3A_77 = arith.constant 128 : i32
    %mul3A_78 = arith.muli %add3A, %mul3A_77 : i32
    %add3A_79 = arith.constant 77824 : i32
    %add3A_80 = arith.addi %add3A_79, %mul3A_78 : i32
    %mul3A_81 = arith.constant 128 : i32
    %mul3A_82 = arith.muli %add3A, %mul3A_81 : i32
    %add3A_83 = arith.constant 81920 : i32
    %add3A_84 = arith.addi %add3A_83, %mul3A_82 : i32
    %mul3A_85 = arith.constant 128 : i32
    %mul3A_86 = arith.muli %add3A, %mul3A_85 : i32
    %add3A_87 = arith.constant 86016 : i32
    %add3A_88 = arith.addi %add3A_87, %mul3A_86 : i32
    %mul3A_89 = arith.constant 128 : i32
    %mul3A_90 = arith.muli %add3A, %mul3A_89 : i32
    %add3A_91 = arith.constant 90112 : i32
    %add3A_92 = arith.addi %add3A_91, %mul3A_90 : i32
    %mul3A_93 = arith.constant 128 : i32
    %mul3A_94 = arith.muli %add3A, %mul3A_93 : i32
    %add3A_95 = arith.constant 94208 : i32
    %add3A_96 = arith.addi %add3A_95, %mul3A_94 : i32
    %mul3A_97 = arith.constant 128 : i32
    %mul3A_98 = arith.muli %add3A, %mul3A_97 : i32
    %add3A_99 = arith.constant 98304 : i32
    %add3A_100 = arith.addi %add3A_99, %mul3A_98 : i32
    %mul3A_101 = arith.constant 128 : i32
    %mul3A_102 = arith.muli %add3A, %mul3A_101 : i32
    %add3A_103 = arith.constant 102400 : i32
    %add3A_104 = arith.addi %add3A_103, %mul3A_102 : i32
    %mul3A_105 = arith.constant 128 : i32
    %mul3A_106 = arith.muli %add3A, %mul3A_105 : i32
    %add3A_107 = arith.constant 106496 : i32
    %add3A_108 = arith.addi %add3A_107, %mul3A_106 : i32
    %mul3A_109 = arith.constant 128 : i32
    %mul3A_110 = arith.muli %add3A, %mul3A_109 : i32
    %add3A_111 = arith.constant 110592 : i32
    %add3A_112 = arith.addi %add3A_111, %mul3A_110 : i32
    %mul3A_113 = arith.constant 128 : i32
    %mul3A_114 = arith.muli %add3A, %mul3A_113 : i32
    %add3A_115 = arith.constant 114688 : i32
    %add3A_116 = arith.addi %add3A_115, %mul3A_114 : i32
    %mul3A_117 = arith.constant 128 : i32
    %mul3A_118 = arith.muli %add3A, %mul3A_117 : i32
    %add3A_119 = arith.constant 118784 : i32
    %add3A_120 = arith.addi %add3A_119, %mul3A_118 : i32
    %mul3A_121 = arith.constant 128 : i32
    %mul3A_122 = arith.muli %add3A, %mul3A_121 : i32
    %add3A_123 = arith.constant 122880 : i32
    %add3A_124 = arith.addi %add3A_123, %mul3A_122 : i32
    %mul3A_125 = arith.constant 128 : i32
    %mul3A_126 = arith.muli %add3A, %mul3A_125 : i32
    %add3A_127 = arith.constant 126976 : i32
    %add3A_128 = arith.addi %add3A_127, %mul3A_126 : i32
    %mul3A_129 = arith.constant 128 : i32
    %mul3A_130 = arith.muli %add3A, %mul3A_129 : i32
    %add3A_131 = arith.constant 0 : i32
    %add3A_132 = arith.addi %add3A_131, %mul3A_130 : i32
    %mul3A_133 = arith.constant 128 : i32
    %mul3A_134 = arith.muli %add3A, %mul3A_133 : i32
    %add3A_135 = arith.constant 4096 : i32
    %add3A_136 = arith.addi %add3A_135, %mul3A_134 : i32
    %mul3A_137 = arith.constant 128 : i32
    %mul3A_138 = arith.muli %add3A, %mul3A_137 : i32
    %add3A_139 = arith.constant 8192 : i32
    %add3A_140 = arith.addi %add3A_139, %mul3A_138 : i32
    %mul3A_141 = arith.constant 128 : i32
    %mul3A_142 = arith.muli %add3A, %mul3A_141 : i32
    %add3A_143 = arith.constant 12288 : i32
    %add3A_144 = arith.addi %add3A_143, %mul3A_142 : i32
    %mul3A_145 = arith.constant 128 : i32
    %mul3A_146 = arith.muli %add3A, %mul3A_145 : i32
    %add3A_147 = arith.constant 16384 : i32
    %add3A_148 = arith.addi %add3A_147, %mul3A_146 : i32
    %mul3A_149 = arith.constant 128 : i32
    %mul3A_150 = arith.muli %add3A, %mul3A_149 : i32
    %add3A_151 = arith.constant 20480 : i32
    %add3A_152 = arith.addi %add3A_151, %mul3A_150 : i32
    %mul3A_153 = arith.constant 128 : i32
    %mul3A_154 = arith.muli %add3A, %mul3A_153 : i32
    %add3A_155 = arith.constant 24576 : i32
    %add3A_156 = arith.addi %add3A_155, %mul3A_154 : i32
    %mul3A_157 = arith.constant 128 : i32
    %mul3A_158 = arith.muli %add3A, %mul3A_157 : i32
    %add3A_159 = arith.constant 28672 : i32
    %add3A_160 = arith.addi %add3A_159, %mul3A_158 : i32
    %mul3A_161 = arith.constant 128 : i32
    %mul3A_162 = arith.muli %add3A, %mul3A_161 : i32
    %add3A_163 = arith.constant 32768 : i32
    %add3A_164 = arith.addi %add3A_163, %mul3A_162 : i32
    %mul3A_165 = arith.constant 128 : i32
    %mul3A_166 = arith.muli %add3A, %mul3A_165 : i32
    %add3A_167 = arith.constant 36864 : i32
    %add3A_168 = arith.addi %add3A_167, %mul3A_166 : i32
    %mul3A_169 = arith.constant 128 : i32
    %mul3A_170 = arith.muli %add3A, %mul3A_169 : i32
    %add3A_171 = arith.constant 40960 : i32
    %add3A_172 = arith.addi %add3A_171, %mul3A_170 : i32
    %mul3A_173 = arith.constant 128 : i32
    %mul3A_174 = arith.muli %add3A, %mul3A_173 : i32
    %add3A_175 = arith.constant 45056 : i32
    %add3A_176 = arith.addi %add3A_175, %mul3A_174 : i32
    %mul3A_177 = arith.constant 128 : i32
    %mul3A_178 = arith.muli %add3A, %mul3A_177 : i32
    %add3A_179 = arith.constant 49152 : i32
    %add3A_180 = arith.addi %add3A_179, %mul3A_178 : i32
    %mul3A_181 = arith.constant 128 : i32
    %mul3A_182 = arith.muli %add3A, %mul3A_181 : i32
    %add3A_183 = arith.constant 53248 : i32
    %add3A_184 = arith.addi %add3A_183, %mul3A_182 : i32
    %mul3A_185 = arith.constant 128 : i32
    %mul3A_186 = arith.muli %add3A, %mul3A_185 : i32
    %add3A_187 = arith.constant 57344 : i32
    %add3A_188 = arith.addi %add3A_187, %mul3A_186 : i32
    %mul3A_189 = arith.constant 128 : i32
    %mul3A_190 = arith.muli %add3A, %mul3A_189 : i32
    %add3A_191 = arith.constant 61440 : i32
    %add3A_192 = arith.addi %add3A_191, %mul3A_190 : i32
    %mul3A_193 = arith.constant 128 : i32
    %mul3A_194 = arith.muli %add3A, %mul3A_193 : i32
    %add3A_195 = arith.constant 65536 : i32
    %add3A_196 = arith.addi %add3A_195, %mul3A_194 : i32
    %mul3A_197 = arith.constant 128 : i32
    %mul3A_198 = arith.muli %add3A, %mul3A_197 : i32
    %add3A_199 = arith.constant 69632 : i32
    %add3A_200 = arith.addi %add3A_199, %mul3A_198 : i32
    %mul3A_201 = arith.constant 128 : i32
    %mul3A_202 = arith.muli %add3A, %mul3A_201 : i32
    %add3A_203 = arith.constant 73728 : i32
    %add3A_204 = arith.addi %add3A_203, %mul3A_202 : i32
    %mul3A_205 = arith.constant 128 : i32
    %mul3A_206 = arith.muli %add3A, %mul3A_205 : i32
    %add3A_207 = arith.constant 77824 : i32
    %add3A_208 = arith.addi %add3A_207, %mul3A_206 : i32
    %mul3A_209 = arith.constant 128 : i32
    %mul3A_210 = arith.muli %add3A, %mul3A_209 : i32
    %add3A_211 = arith.constant 81920 : i32
    %add3A_212 = arith.addi %add3A_211, %mul3A_210 : i32
    %mul3A_213 = arith.constant 128 : i32
    %mul3A_214 = arith.muli %add3A, %mul3A_213 : i32
    %add3A_215 = arith.constant 86016 : i32
    %add3A_216 = arith.addi %add3A_215, %mul3A_214 : i32
    %mul3A_217 = arith.constant 128 : i32
    %mul3A_218 = arith.muli %add3A, %mul3A_217 : i32
    %add3A_219 = arith.constant 90112 : i32
    %add3A_220 = arith.addi %add3A_219, %mul3A_218 : i32
    %mul3A_221 = arith.constant 128 : i32
    %mul3A_222 = arith.muli %add3A, %mul3A_221 : i32
    %add3A_223 = arith.constant 94208 : i32
    %add3A_224 = arith.addi %add3A_223, %mul3A_222 : i32
    %mul3A_225 = arith.constant 128 : i32
    %mul3A_226 = arith.muli %add3A, %mul3A_225 : i32
    %add3A_227 = arith.constant 98304 : i32
    %add3A_228 = arith.addi %add3A_227, %mul3A_226 : i32
    %mul3A_229 = arith.constant 128 : i32
    %mul3A_230 = arith.muli %add3A, %mul3A_229 : i32
    %add3A_231 = arith.constant 102400 : i32
    %add3A_232 = arith.addi %add3A_231, %mul3A_230 : i32
    %dma_start3A = arith.constant 0 : i32
    %dma_start3A_233 = tpu.memref_slice %arg7[%dma_start3A] : memref<4096xf32, #tpu.memory_space<vmem>> -> memref<128xf32, #tpu.memory_space<vmem>>
    %dma_start3A_234 = tpu.memref_slice %arg2[%add3A_4] : memref<131072xf32, #tpu.memory_space<hbm>> -> memref<128xf32, #tpu.memory_space<hbm>>
    %dma_start3A_235 = arith.constant 0 : i32
    %dma_start3A_236 = tpu.memref_slice %arg7[%dma_start3A_235] : memref<4096xf32, #tpu.memory_space<vmem>> -> memref<128xf32, #tpu.memory_space<vmem>>
    %dma_start3A_237 = tpu.memref_slice %arg2[%add3A_4] : memref<131072xf32, #tpu.memory_space<hbm>> -> memref<128xf32, #tpu.memory_space<hbm>>
    tpu.enqueue_dma source(%dma_start3A_237 : memref<128xf32, #tpu.memory_space<hbm>>) target(%dma_start3A_236 : memref<128xf32, #tpu.memory_space<vmem>>) target_semaphore(%arg13 : memref<!tpu.dma_semaphore, #tpu.memory_space<semaphore_mem>>)
    %dma_start3A_238 = arith.constant 128 : i32
    %dma_start3A_239 = tpu.memref_slice %arg7[%dma_start3A_238] : memref<4096xf32, #tpu.memory_space<vmem>> -> memref<128xf32, #tpu.memory_space<vmem>>
    %dma_start3A_240 = tpu.memref_slice %arg2[%add3A_8] : memref<131072xf32, #tpu.memory_space<hbm>> -> memref<128xf32, #tpu.memory_space<hbm>>
    %dma_start3A_241 = arith.constant 128 : i32
    %dma_start3A_242 = tpu.memref_slice %arg7[%dma_start3A_241] : memref<4096xf32, #tpu.memory_space<vmem>> -> memref<128xf32, #tpu.memory_space<vmem>>
    %dma_start3A_243 = tpu.memref_slice %arg2[%add3A_8] : memref<131072xf32, #tpu.memory_space<hbm>> -> memref<128xf32, #tpu.memory_space<hbm>>
    tpu.enqueue_dma source(%dma_start3A_243 : memref<128xf32, #tpu.memory_space<hbm>>) target(%dma_start3A_242 : memref<128xf32, #tpu.memory_space<vmem>>) target_semaphore(%arg13 : memref<!tpu.dma_semaphore, #tpu.memory_space<semaphore_mem>>)
    %dma_start3A_244 = arith.constant 256 : i32
    %dma_start3A_245 = tpu.memref_slice %arg7[%dma_start3A_244] : memref<4096xf32, #tpu.memory_space<vmem>> -> memref<128xf32, #tpu.memory_space<vmem>>
    %dma_start3A_246 = tpu.memref_slice %arg2[%add3A_12] : memref<131072xf32, #tpu.memory_space<hbm>> -> memref<128xf32, #tpu.memory_space<hbm>>
    %dma_start3A_247 = arith.constant 256 : i32
    %dma_start3A_248 = tpu.memref_slice %arg7[%dma_start3A_247] : memref<4096xf32, #tpu.memory_space<vmem>> -> memref<128xf32, #tpu.memory_space<vmem>>
    %dma_start3A_249 = tpu.memref_slice %arg2[%add3A_12] : memref<131072xf32, #tpu.memory_space<hbm>> -> memref<128xf32, #tpu.memory_space<hbm>>
    tpu.enqueue_dma source(%dma_start3A_249 : memref<128xf32, #tpu.memory_space<hbm>>) target(%dma_start3A_248 : memref<128xf32, #tpu.memory_space<vmem>>) target_semaphore(%arg13 : memref<!tpu.dma_semaphore, #tpu.memory_space<semaphore_mem>>)
    %dma_start3A_250 = arith.constant 384 : i32
    %dma_start3A_251 = tpu.memref_slice %arg7[%dma_start3A_250] : memref<4096xf32, #tpu.memory_space<vmem>> -> memref<128xf32, #tpu.memory_space<vmem>>
    %dma_start3A_252 = tpu.memref_slice %arg2[%add3A_16] : memref<131072xf32, #tpu.memory_space<hbm>> -> memref<128xf32, #tpu.memory_space<hbm>>
    %dma_start3A_253 = arith.constant 384 : i32
    %dma_start3A_254 = tpu.memref_slice %arg7[%dma_start3A_253] : memref<4096xf32, #tpu.memory_space<vmem>> -> memref<128xf32, #tpu.memory_space<vmem>>
    %dma_start3A_255 = tpu.memref_slice %arg2[%add3A_16] : memref<131072xf32, #tpu.memory_space<hbm>> -> memref<128xf32, #tpu.memory_space<hbm>>
    tpu.enqueue_dma source(%dma_start3A_255 : memref<128xf32, #tpu.memory_space<hbm>>) target(%dma_start3A_254 : memref<128xf32, #tpu.memory_space<vmem>>) target_semaphore(%arg13 : memref<!tpu.dma_semaphore, #tpu.memory_space<semaphore_mem>>)
    %dma_start3A_256 = arith.constant 512 : i32
    %dma_start3A_257 = tpu.memref_slice %arg7[%dma_start3A_256] : memref<4096xf32, #tpu.memory_space<vmem>> -> memref<128xf32, #tpu.memory_space<vmem>>
    %dma_start3A_258 = tpu.memref_slice %arg2[%add3A_20] : memref<131072xf32, #tpu.memory_space<hbm>> -> memref<128xf32, #tpu.memory_space<hbm>>
    %dma_start3A_259 = arith.constant 512 : i32
    %dma_start3A_260 = tpu.memref_slice %arg7[%dma_start3A_259] : memref<4096xf32, #tpu.memory_space<vmem>> -> memref<128xf32, #tpu.memory_space<vmem>>
    %dma_start3A_261 = tpu.memref_slice %arg2[%add3A_20] : memref<131072xf32, #tpu.memory_space<hbm>> -> memref<128xf32, #tpu.memory_space<hbm>>
    tpu.enqueue_dma source(%dma_start3A_261 : memref<128xf32, #tpu.memory_space<hbm>>) target(%dma_start3A_260 : memref<128xf32, #tpu.memory_space<vmem>>) target_semaphore(%arg13 : memref<!tpu.dma_semaphore, #tpu.memory_space<semaphore_mem>>)
    %dma_start3A_262 = arith.constant 640 : i32
    %dma_start3A_263 = tpu.memref_slice %arg7[%dma_start3A_262] : memref<4096xf32, #tpu.memory_space<vmem>> -> memref<128xf32, #tpu.memory_space<vmem>>
    %dma_start3A_264 = tpu.memref_slice %arg2[%add3A_24] : memref<131072xf32, #tpu.memory_space<hbm>> -> memref<128xf32, #tpu.memory_space<hbm>>
    %dma_start3A_265 = arith.constant 640 : i32
    %dma_start3A_266 = tpu.memref_slice %arg7[%dma_start3A_265] : memref<4096xf32, #tpu.memory_space<vmem>> -> memref<128xf32, #tpu.memory_space<vmem>>
    %dma_start3A_267 = tpu.memref_slice %arg2[%add3A_24] : memref<131072xf32, #tpu.memory_space<hbm>> -> memref<128xf32, #tpu.memory_space<hbm>>
    tpu.enqueue_dma source(%dma_start3A_267 : memref<128xf32, #tpu.memory_space<hbm>>) target(%dma_start3A_266 : memref<128xf32, #tpu.memory_space<vmem>>) target_semaphore(%arg13 : memref<!tpu.dma_semaphore, #tpu.memory_space<semaphore_mem>>)
    %dma_start3A_268 = arith.constant 768 : i32
    %dma_start3A_269 = tpu.memref_slice %arg7[%dma_start3A_268] : memref<4096xf32, #tpu.memory_space<vmem>> -> memref<128xf32, #tpu.memory_space<vmem>>
    %dma_start3A_270 = tpu.memref_slice %arg2[%add3A_28] : memref<131072xf32, #tpu.memory_space<hbm>> -> memref<128xf32, #tpu.memory_space<hbm>>
    %dma_start3A_271 = arith.constant 768 : i32
    %dma_start3A_272 = tpu.memref_slice %arg7[%dma_start3A_271] : memref<4096xf32, #tpu.memory_space<vmem>> -> memref<128xf32, #tpu.memory_space<vmem>>
    %dma_start3A_273 = tpu.memref_slice %arg2[%add3A_28] : memref<131072xf32, #tpu.memory_space<hbm>> -> memref<128xf32, #tpu.memory_space<hbm>>
    tpu.enqueue_dma source(%dma_start3A_273 : memref<128xf32, #tpu.memory_space<hbm>>) target(%dma_start3A_272 : memref<128xf32, #tpu.memory_space<vmem>>) target_semaphore(%arg13 : memref<!tpu.dma_semaphore, #tpu.memory_space<semaphore_mem>>)
    %dma_start3A_274 = arith.constant 896 : i32
    %dma_start3A_275 = tpu.memref_slice %arg7[%dma_start3A_274] : memref<4096xf32, #tpu.memory_space<vmem>> -> memref<128xf32, #tpu.memory_space<vmem>>
    %dma_start3A_276 = tpu.memref_slice %arg2[%add3A_32] : memref<131072xf32, #tpu.memory_space<hbm>> -> memref<128xf32, #tpu.memory_space<hbm>>
    %dma_start3A_277 = arith.constant 896 : i32
    %dma_start3A_278 = tpu.memref_slice %arg7[%dma_start3A_277] : memref<4096xf32, #tpu.memory_space<vmem>> -> memref<128xf32, #tpu.memory_space<vmem>>
    %dma_start3A_279 = tpu.memref_slice %arg2[%add3A_32] : memref<131072xf32, #tpu.memory_space<hbm>> -> memref<128xf32, #tpu.memory_space<hbm>>
    tpu.enqueue_dma source(%dma_start3A_279 : memref<128xf32, #tpu.memory_space<hbm>>) target(%dma_start3A_278 : memref<128xf32, #tpu.memory_space<vmem>>) target_semaphore(%arg13 : memref<!tpu.dma_semaphore, #tpu.memory_space<semaphore_mem>>)
    %dma_start3A_280 = arith.constant 1024 : i32
    %dma_start3A_281 = tpu.memref_slice %arg7[%dma_start3A_280] : memref<4096xf32, #tpu.memory_space<vmem>> -> memref<128xf32, #tpu.memory_space<vmem>>
    %dma_start3A_282 = tpu.memref_slice %arg2[%add3A_36] : memref<131072xf32, #tpu.memory_space<hbm>> -> memref<128xf32, #tpu.memory_space<hbm>>
    %dma_start3A_283 = arith.constant 1024 : i32
    %dma_start3A_284 = tpu.memref_slice %arg7[%dma_start3A_283] : memref<4096xf32, #tpu.memory_space<vmem>> -> memref<128xf32, #tpu.memory_space<vmem>>
    %dma_start3A_285 = tpu.memref_slice %arg2[%add3A_36] : memref<131072xf32, #tpu.memory_space<hbm>> -> memref<128xf32, #tpu.memory_space<hbm>>
    tpu.enqueue_dma source(%dma_start3A_285 : memref<128xf32, #tpu.memory_space<hbm>>) target(%dma_start3A_284 : memref<128xf32, #tpu.memory_space<vmem>>) target_semaphore(%arg13 : memref<!tpu.dma_semaphore, #tpu.memory_space<semaphore_mem>>)
    %dma_start3A_286 = arith.constant 1152 : i32
    %dma_start3A_287 = tpu.memref_slice %arg7[%dma_start3A_286] : memref<4096xf32, #tpu.memory_space<vmem>> -> memref<128xf32, #tpu.memory_space<vmem>>
    %dma_start3A_288 = tpu.memref_slice %arg2[%add3A_40] : memref<131072xf32, #tpu.memory_space<hbm>> -> memref<128xf32, #tpu.memory_space<hbm>>
    %dma_start3A_289 = arith.constant 1152 : i32
    %dma_start3A_290 = tpu.memref_slice %arg7[%dma_start3A_289] : memref<4096xf32, #tpu.memory_space<vmem>> -> memref<128xf32, #tpu.memory_space<vmem>>
    %dma_start3A_291 = tpu.memref_slice %arg2[%add3A_40] : memref<131072xf32, #tpu.memory_space<hbm>> -> memref<128xf32, #tpu.memory_space<hbm>>
    tpu.enqueue_dma source(%dma_start3A_291 : memref<128xf32, #tpu.memory_space<hbm>>) target(%dma_start3A_290 : memref<128xf32, #tpu.memory_space<vmem>>) target_semaphore(%arg13 : memref<!tpu.dma_semaphore, #tpu.memory_space<semaphore_mem>>)
    %dma_start3A_292 = arith.constant 1280 : i32
    %dma_start3A_293 = tpu.memref_slice %arg7[%dma_start3A_292] : memref<4096xf32, #tpu.memory_space<vmem>> -> memref<128xf32, #tpu.memory_space<vmem>>
    %dma_start3A_294 = tpu.memref_slice %arg2[%add3A_44] : memref<131072xf32, #tpu.memory_space<hbm>> -> memref<128xf32, #tpu.memory_space<hbm>>
    %dma_start3A_295 = arith.constant 1280 : i32
    %dma_start3A_296 = tpu.memref_slice %arg7[%dma_start3A_295] : memref<4096xf32, #tpu.memory_space<vmem>> -> memref<128xf32, #tpu.memory_space<vmem>>
    %dma_start3A_297 = tpu.memref_slice %arg2[%add3A_44] : memref<131072xf32, #tpu.memory_space<hbm>> -> memref<128xf32, #tpu.memory_space<hbm>>
    tpu.enqueue_dma source(%dma_start3A_297 : memref<128xf32, #tpu.memory_space<hbm>>) target(%dma_start3A_296 : memref<128xf32, #tpu.memory_space<vmem>>) target_semaphore(%arg13 : memref<!tpu.dma_semaphore, #tpu.memory_space<semaphore_mem>>)
    %dma_start3A_298 = arith.constant 1408 : i32
    %dma_start3A_299 = tpu.memref_slice %arg7[%dma_start3A_298] : memref<4096xf32, #tpu.memory_space<vmem>> -> memref<128xf32, #tpu.memory_space<vmem>>
    %dma_start3A_300 = tpu.memref_slice %arg2[%add3A_48] : memref<131072xf32, #tpu.memory_space<hbm>> -> memref<128xf32, #tpu.memory_space<hbm>>
    %dma_start3A_301 = arith.constant 1408 : i32
    %dma_start3A_302 = tpu.memref_slice %arg7[%dma_start3A_301] : memref<4096xf32, #tpu.memory_space<vmem>> -> memref<128xf32, #tpu.memory_space<vmem>>
    %dma_start3A_303 = tpu.memref_slice %arg2[%add3A_48] : memref<131072xf32, #tpu.memory_space<hbm>> -> memref<128xf32, #tpu.memory_space<hbm>>
    tpu.enqueue_dma source(%dma_start3A_303 : memref<128xf32, #tpu.memory_space<hbm>>) target(%dma_start3A_302 : memref<128xf32, #tpu.memory_space<vmem>>) target_semaphore(%arg13 : memref<!tpu.dma_semaphore, #tpu.memory_space<semaphore_mem>>)
    %dma_start3A_304 = arith.constant 1536 : i32
    %dma_start3A_305 = tpu.memref_slice %arg7[%dma_start3A_304] : memref<4096xf32, #tpu.memory_space<vmem>> -> memref<128xf32, #tpu.memory_space<vmem>>
    %dma_start3A_306 = tpu.memref_slice %arg2[%add3A_52] : memref<131072xf32, #tpu.memory_space<hbm>> -> memref<128xf32, #tpu.memory_space<hbm>>
    %dma_start3A_307 = arith.constant 1536 : i32
    %dma_start3A_308 = tpu.memref_slice %arg7[%dma_start3A_307] : memref<4096xf32, #tpu.memory_space<vmem>> -> memref<128xf32, #tpu.memory_space<vmem>>
    %dma_start3A_309 = tpu.memref_slice %arg2[%add3A_52] : memref<131072xf32, #tpu.memory_space<hbm>> -> memref<128xf32, #tpu.memory_space<hbm>>
    tpu.enqueue_dma source(%dma_start3A_309 : memref<128xf32, #tpu.memory_space<hbm>>) target(%dma_start3A_308 : memref<128xf32, #tpu.memory_space<vmem>>) target_semaphore(%arg13 : memref<!tpu.dma_semaphore, #tpu.memory_space<semaphore_mem>>)
    %dma_start3A_310 = arith.constant 1664 : i32
    %dma_start3A_311 = tpu.memref_slice %arg7[%dma_start3A_310] : memref<4096xf32, #tpu.memory_space<vmem>> -> memref<128xf32, #tpu.memory_space<vmem>>
    %dma_start3A_312 = tpu.memref_slice %arg2[%add3A_56] : memref<131072xf32, #tpu.memory_space<hbm>> -> memref<128xf32, #tpu.memory_space<hbm>>
    %dma_start3A_313 = arith.constant 1664 : i32
    %dma_start3A_314 = tpu.memref_slice %arg7[%dma_start3A_313] : memref<4096xf32, #tpu.memory_space<vmem>> -> memref<128xf32, #tpu.memory_space<vmem>>
    %dma_start3A_315 = tpu.memref_slice %arg2[%add3A_56] : memref<131072xf32, #tpu.memory_space<hbm>> -> memref<128xf32, #tpu.memory_space<hbm>>
    tpu.enqueue_dma source(%dma_start3A_315 : memref<128xf32, #tpu.memory_space<hbm>>) target(%dma_start3A_314 : memref<128xf32, #tpu.memory_space<vmem>>) target_semaphore(%arg13 : memref<!tpu.dma_semaphore, #tpu.memory_space<semaphore_mem>>)
    %dma_start3A_316 = arith.constant 1792 : i32
    %dma_start3A_317 = tpu.memref_slice %arg7[%dma_start3A_316] : memref<4096xf32, #tpu.memory_space<vmem>> -> memref<128xf32, #tpu.memory_space<vmem>>
    %dma_start3A_318 = tpu.memref_slice %arg2[%add3A_60] : memref<131072xf32, #tpu.memory_space<hbm>> -> memref<128xf32, #tpu.memory_space<hbm>>
    %dma_start3A_319 = arith.constant 1792 : i32
    %dma_start3A_320 = tpu.memref_slice %arg7[%dma_start3A_319] : memref<4096xf32, #tpu.memory_space<vmem>> -> memref<128xf32, #tpu.memory_space<vmem>>
    %dma_start3A_321 = tpu.memref_slice %arg2[%add3A_60] : memref<131072xf32, #tpu.memory_space<hbm>> -> memref<128xf32, #tpu.memory_space<hbm>>
    tpu.enqueue_dma source(%dma_start3A_321 : memref<128xf32, #tpu.memory_space<hbm>>) target(%dma_start3A_320 : memref<128xf32, #tpu.memory_space<vmem>>) target_semaphore(%arg13 : memref<!tpu.dma_semaphore, #tpu.memory_space<semaphore_mem>>)
    %dma_start3A_322 = arith.constant 1920 : i32
    %dma_start3A_323 = tpu.memref_slice %arg7[%dma_start3A_322] : memref<4096xf32, #tpu.memory_space<vmem>> -> memref<128xf32, #tpu.memory_space<vmem>>
    %dma_start3A_324 = tpu.memref_slice %arg2[%add3A_64] : memref<131072xf32, #tpu.memory_space<hbm>> -> memref<128xf32, #tpu.memory_space<hbm>>
    %dma_start3A_325 = arith.constant 1920 : i32
    %dma_start3A_326 = tpu.memref_slice %arg7[%dma_start3A_325] : memref<4096xf32, #tpu.memory_space<vmem>> -> memref<128xf32, #tpu.memory_space<vmem>>
    %dma_start3A_327 = tpu.memref_slice %arg2[%add3A_64] : memref<131072xf32, #tpu.memory_space<hbm>> -> memref<128xf32, #tpu.memory_space<hbm>>
    tpu.enqueue_dma source(%dma_start3A_327 : memref<128xf32, #tpu.memory_space<hbm>>) target(%dma_start3A_326 : memref<128xf32, #tpu.memory_space<vmem>>) target_semaphore(%arg13 : memref<!tpu.dma_semaphore, #tpu.memory_space<semaphore_mem>>)
    %dma_start3A_328 = arith.constant 2048 : i32
    %dma_start3A_329 = tpu.memref_slice %arg7[%dma_start3A_328] : memref<4096xf32, #tpu.memory_space<vmem>> -> memref<128xf32, #tpu.memory_space<vmem>>
    %dma_start3A_330 = tpu.memref_slice %arg2[%add3A_68] : memref<131072xf32, #tpu.memory_space<hbm>> -> memref<128xf32, #tpu.memory_space<hbm>>
    %dma_start3A_331 = arith.constant 2048 : i32
    %dma_start3A_332 = tpu.memref_slice %arg7[%dma_start3A_331] : memref<4096xf32, #tpu.memory_space<vmem>> -> memref<128xf32, #tpu.memory_space<vmem>>
    %dma_start3A_333 = tpu.memref_slice %arg2[%add3A_68] : memref<131072xf32, #tpu.memory_space<hbm>> -> memref<128xf32, #tpu.memory_space<hbm>>
    tpu.enqueue_dma source(%dma_start3A_333 : memref<128xf32, #tpu.memory_space<hbm>>) target(%dma_start3A_332 : memref<128xf32, #tpu.memory_space<vmem>>) target_semaphore(%arg13 : memref<!tpu.dma_semaphore, #tpu.memory_space<semaphore_mem>>)
    %dma_start3A_334 = arith.constant 2176 : i32
    %dma_start3A_335 = tpu.memref_slice %arg7[%dma_start3A_334] : memref<4096xf32, #tpu.memory_space<vmem>> -> memref<128xf32, #tpu.memory_space<vmem>>
    %dma_start3A_336 = tpu.memref_slice %arg2[%add3A_72] : memref<131072xf32, #tpu.memory_space<hbm>> -> memref<128xf32, #tpu.memory_space<hbm>>
    %dma_start3A_337 = arith.constant 2176 : i32
    %dma_start3A_338 = tpu.memref_slice %arg7[%dma_start3A_337] : memref<4096xf32, #tpu.memory_space<vmem>> -> memref<128xf32, #tpu.memory_space<vmem>>
    %dma_start3A_339 = tpu.memref_slice %arg2[%add3A_72] : memref<131072xf32, #tpu.memory_space<hbm>> -> memref<128xf32, #tpu.memory_space<hbm>>
    tpu.enqueue_dma source(%dma_start3A_339 : memref<128xf32, #tpu.memory_space<hbm>>) target(%dma_start3A_338 : memref<128xf32, #tpu.memory_space<vmem>>) target_semaphore(%arg13 : memref<!tpu.dma_semaphore, #tpu.memory_space<semaphore_mem>>)
    %dma_start3A_340 = arith.constant 2304 : i32
    %dma_start3A_341 = tpu.memref_slice %arg7[%dma_start3A_340] : memref<4096xf32, #tpu.memory_space<vmem>> -> memref<128xf32, #tpu.memory_space<vmem>>
    %dma_start3A_342 = tpu.memref_slice %arg2[%add3A_76] : memref<131072xf32, #tpu.memory_space<hbm>> -> memref<128xf32, #tpu.memory_space<hbm>>
    %dma_start3A_343 = arith.constant 2304 : i32
    %dma_start3A_344 = tpu.memref_slice %arg7[%dma_start3A_343] : memref<4096xf32, #tpu.memory_space<vmem>> -> memref<128xf32, #tpu.memory_space<vmem>>
    %dma_start3A_345 = tpu.memref_slice %arg2[%add3A_76] : memref<131072xf32, #tpu.memory_space<hbm>> -> memref<128xf32, #tpu.memory_space<hbm>>
    tpu.enqueue_dma source(%dma_start3A_345 : memref<128xf32, #tpu.memory_space<hbm>>) target(%dma_start3A_344 : memref<128xf32, #tpu.memory_space<vmem>>) target_semaphore(%arg13 : memref<!tpu.dma_semaphore, #tpu.memory_space<semaphore_mem>>)
    %dma_start3A_346 = arith.constant 2432 : i32
    %dma_start3A_347 = tpu.memref_slice %arg7[%dma_start3A_346] : memref<4096xf32, #tpu.memory_space<vmem>> -> memref<128xf32, #tpu.memory_space<vmem>>
    %dma_start3A_348 = tpu.memref_slice %arg2[%add3A_80] : memref<131072xf32, #tpu.memory_space<hbm>> -> memref<128xf32, #tpu.memory_space<hbm>>
    %dma_start3A_349 = arith.constant 2432 : i32
    %dma_start3A_350 = tpu.memref_slice %arg7[%dma_start3A_349] : memref<4096xf32, #tpu.memory_space<vmem>> -> memref<128xf32, #tpu.memory_space<vmem>>
    %dma_start3A_351 = tpu.memref_slice %arg2[%add3A_80] : memref<131072xf32, #tpu.memory_space<hbm>> -> memref<128xf32, #tpu.memory_space<hbm>>
    tpu.enqueue_dma source(%dma_start3A_351 : memref<128xf32, #tpu.memory_space<hbm>>) target(%dma_start3A_350 : memref<128xf32, #tpu.memory_space<vmem>>) target_semaphore(%arg13 : memref<!tpu.dma_semaphore, #tpu.memory_space<semaphore_mem>>)
    %dma_start3A_352 = arith.constant 2560 : i32
    %dma_start3A_353 = tpu.memref_slice %arg7[%dma_start3A_352] : memref<4096xf32, #tpu.memory_space<vmem>> -> memref<128xf32, #tpu.memory_space<vmem>>
    %dma_start3A_354 = tpu.memref_slice %arg2[%add3A_84] : memref<131072xf32, #tpu.memory_space<hbm>> -> memref<128xf32, #tpu.memory_space<hbm>>
    %dma_start3A_355 = arith.constant 2560 : i32
    %dma_start3A_356 = tpu.memref_slice %arg7[%dma_start3A_355] : memref<4096xf32, #tpu.memory_space<vmem>> -> memref<128xf32, #tpu.memory_space<vmem>>
    %dma_start3A_357 = tpu.memref_slice %arg2[%add3A_84] : memref<131072xf32, #tpu.memory_space<hbm>> -> memref<128xf32, #tpu.memory_space<hbm>>
    tpu.enqueue_dma source(%dma_start3A_357 : memref<128xf32, #tpu.memory_space<hbm>>) target(%dma_start3A_356 : memref<128xf32, #tpu.memory_space<vmem>>) target_semaphore(%arg13 : memref<!tpu.dma_semaphore, #tpu.memory_space<semaphore_mem>>)
    %dma_start3A_358 = arith.constant 2688 : i32
    %dma_start3A_359 = tpu.memref_slice %arg7[%dma_start3A_358] : memref<4096xf32, #tpu.memory_space<vmem>> -> memref<128xf32, #tpu.memory_space<vmem>>
    %dma_start3A_360 = tpu.memref_slice %arg2[%add3A_88] : memref<131072xf32, #tpu.memory_space<hbm>> -> memref<128xf32, #tpu.memory_space<hbm>>
    %dma_start3A_361 = arith.constant 2688 : i32
    %dma_start3A_362 = tpu.memref_slice %arg7[%dma_start3A_361] : memref<4096xf32, #tpu.memory_space<vmem>> -> memref<128xf32, #tpu.memory_space<vmem>>
    %dma_start3A_363 = tpu.memref_slice %arg2[%add3A_88] : memref<131072xf32, #tpu.memory_space<hbm>> -> memref<128xf32, #tpu.memory_space<hbm>>
    tpu.enqueue_dma source(%dma_start3A_363 : memref<128xf32, #tpu.memory_space<hbm>>) target(%dma_start3A_362 : memref<128xf32, #tpu.memory_space<vmem>>) target_semaphore(%arg13 : memref<!tpu.dma_semaphore, #tpu.memory_space<semaphore_mem>>)
    %dma_start3A_364 = arith.constant 2816 : i32
    %dma_start3A_365 = tpu.memref_slice %arg7[%dma_start3A_364] : memref<4096xf32, #tpu.memory_space<vmem>> -> memref<128xf32, #tpu.memory_space<vmem>>
    %dma_start3A_366 = tpu.memref_slice %arg2[%add3A_92] : memref<131072xf32, #tpu.memory_space<hbm>> -> memref<128xf32, #tpu.memory_space<hbm>>
    %dma_start3A_367 = arith.constant 2816 : i32
    %dma_start3A_368 = tpu.memref_slice %arg7[%dma_start3A_367] : memref<4096xf32, #tpu.memory_space<vmem>> -> memref<128xf32, #tpu.memory_space<vmem>>
    %dma_start3A_369 = tpu.memref_slice %arg2[%add3A_92] : memref<131072xf32, #tpu.memory_space<hbm>> -> memref<128xf32, #tpu.memory_space<hbm>>
    tpu.enqueue_dma source(%dma_start3A_369 : memref<128xf32, #tpu.memory_space<hbm>>) target(%dma_start3A_368 : memref<128xf32, #tpu.memory_space<vmem>>) target_semaphore(%arg13 : memref<!tpu.dma_semaphore, #tpu.memory_space<semaphore_mem>>)
    %dma_start3A_370 = arith.constant 2944 : i32
    %dma_start3A_371 = tpu.memref_slice %arg7[%dma_start3A_370] : memref<4096xf32, #tpu.memory_space<vmem>> -> memref<128xf32, #tpu.memory_space<vmem>>
    %dma_start3A_372 = tpu.memref_slice %arg2[%add3A_96] : memref<131072xf32, #tpu.memory_space<hbm>> -> memref<128xf32, #tpu.memory_space<hbm>>
    %dma_start3A_373 = arith.constant 2944 : i32
    %dma_start3A_374 = tpu.memref_slice %arg7[%dma_start3A_373] : memref<4096xf32, #tpu.memory_space<vmem>> -> memref<128xf32, #tpu.memory_space<vmem>>
    %dma_start3A_375 = tpu.memref_slice %arg2[%add3A_96] : memref<131072xf32, #tpu.memory_space<hbm>> -> memref<128xf32, #tpu.memory_space<hbm>>
    tpu.enqueue_dma source(%dma_start3A_375 : memref<128xf32, #tpu.memory_space<hbm>>) target(%dma_start3A_374 : memref<128xf32, #tpu.memory_space<vmem>>) target_semaphore(%arg13 : memref<!tpu.dma_semaphore, #tpu.memory_space<semaphore_mem>>)
    %dma_start3A_376 = arith.constant 3072 : i32
    %dma_start3A_377 = tpu.memref_slice %arg7[%dma_start3A_376] : memref<4096xf32, #tpu.memory_space<vmem>> -> memref<128xf32, #tpu.memory_space<vmem>>
    %dma_start3A_378 = tpu.memref_slice %arg2[%add3A_100] : memref<131072xf32, #tpu.memory_space<hbm>> -> memref<128xf32, #tpu.memory_space<hbm>>
    %dma_start3A_379 = arith.constant 3072 : i32
    %dma_start3A_380 = tpu.memref_slice %arg7[%dma_start3A_379] : memref<4096xf32, #tpu.memory_space<vmem>> -> memref<128xf32, #tpu.memory_space<vmem>>
    %dma_start3A_381 = tpu.memref_slice %arg2[%add3A_100] : memref<131072xf32, #tpu.memory_space<hbm>> -> memref<128xf32, #tpu.memory_space<hbm>>
    tpu.enqueue_dma source(%dma_start3A_381 : memref<128xf32, #tpu.memory_space<hbm>>) target(%dma_start3A_380 : memref<128xf32, #tpu.memory_space<vmem>>) target_semaphore(%arg13 : memref<!tpu.dma_semaphore, #tpu.memory_space<semaphore_mem>>)
    %dma_start3A_382 = arith.constant 3200 : i32
    %dma_start3A_383 = tpu.memref_slice %arg7[%dma_start3A_382] : memref<4096xf32, #tpu.memory_space<vmem>> -> memref<128xf32, #tpu.memory_space<vmem>>
    %dma_start3A_384 = tpu.memref_slice %arg2[%add3A_104] : memref<131072xf32, #tpu.memory_space<hbm>> -> memref<128xf32, #tpu.memory_space<hbm>>
    %dma_start3A_385 = arith.constant 3200 : i32
    %dma_start3A_386 = tpu.memref_slice %arg7[%dma_start3A_385] : memref<4096xf32, #tpu.memory_space<vmem>> -> memref<128xf32, #tpu.memory_space<vmem>>
    %dma_start3A_387 = tpu.memref_slice %arg2[%add3A_104] : memref<131072xf32, #tpu.memory_space<hbm>> -> memref<128xf32, #tpu.memory_space<hbm>>
    tpu.enqueue_dma source(%dma_start3A_387 : memref<128xf32, #tpu.memory_space<hbm>>) target(%dma_start3A_386 : memref<128xf32, #tpu.memory_space<vmem>>) target_semaphore(%arg13 : memref<!tpu.dma_semaphore, #tpu.memory_space<semaphore_mem>>)
    %dma_start3A_388 = arith.constant 3328 : i32
    %dma_start3A_389 = tpu.memref_slice %arg7[%dma_start3A_388] : memref<4096xf32, #tpu.memory_space<vmem>> -> memref<128xf32, #tpu.memory_space<vmem>>
    %dma_start3A_390 = tpu.memref_slice %arg2[%add3A_108] : memref<131072xf32, #tpu.memory_space<hbm>> -> memref<128xf32, #tpu.memory_space<hbm>>
    %dma_start3A_391 = arith.constant 3328 : i32
    %dma_start3A_392 = tpu.memref_slice %arg7[%dma_start3A_391] : memref<4096xf32, #tpu.memory_space<vmem>> -> memref<128xf32, #tpu.memory_space<vmem>>
    %dma_start3A_393 = tpu.memref_slice %arg2[%add3A_108] : memref<131072xf32, #tpu.memory_space<hbm>> -> memref<128xf32, #tpu.memory_space<hbm>>
    tpu.enqueue_dma source(%dma_start3A_393 : memref<128xf32, #tpu.memory_space<hbm>>) target(%dma_start3A_392 : memref<128xf32, #tpu.memory_space<vmem>>) target_semaphore(%arg13 : memref<!tpu.dma_semaphore, #tpu.memory_space<semaphore_mem>>)
    %dma_start3A_394 = arith.constant 3456 : i32
    %dma_start3A_395 = tpu.memref_slice %arg7[%dma_start3A_394] : memref<4096xf32, #tpu.memory_space<vmem>> -> memref<128xf32, #tpu.memory_space<vmem>>
    %dma_start3A_396 = tpu.memref_slice %arg2[%add3A_112] : memref<131072xf32, #tpu.memory_space<hbm>> -> memref<128xf32, #tpu.memory_space<hbm>>
    %dma_start3A_397 = arith.constant 3456 : i32
    %dma_start3A_398 = tpu.memref_slice %arg7[%dma_start3A_397] : memref<4096xf32, #tpu.memory_space<vmem>> -> memref<128xf32, #tpu.memory_space<vmem>>
    %dma_start3A_399 = tpu.memref_slice %arg2[%add3A_112] : memref<131072xf32, #tpu.memory_space<hbm>> -> memref<128xf32, #tpu.memory_space<hbm>>
    tpu.enqueue_dma source(%dma_start3A_399 : memref<128xf32, #tpu.memory_space<hbm>>) target(%dma_start3A_398 : memref<128xf32, #tpu.memory_space<vmem>>) target_semaphore(%arg13 : memref<!tpu.dma_semaphore, #tpu.memory_space<semaphore_mem>>)
    %dma_start3A_400 = arith.constant 3584 : i32
    %dma_start3A_401 = tpu.memref_slice %arg7[%dma_start3A_400] : memref<4096xf32, #tpu.memory_space<vmem>> -> memref<128xf32, #tpu.memory_space<vmem>>
    %dma_start3A_402 = tpu.memref_slice %arg2[%add3A_116] : memref<131072xf32, #tpu.memory_space<hbm>> -> memref<128xf32, #tpu.memory_space<hbm>>
    %dma_start3A_403 = arith.constant 3584 : i32
    %dma_start3A_404 = tpu.memref_slice %arg7[%dma_start3A_403] : memref<4096xf32, #tpu.memory_space<vmem>> -> memref<128xf32, #tpu.memory_space<vmem>>
    %dma_start3A_405 = tpu.memref_slice %arg2[%add3A_116] : memref<131072xf32, #tpu.memory_space<hbm>> -> memref<128xf32, #tpu.memory_space<hbm>>
    tpu.enqueue_dma source(%dma_start3A_405 : memref<128xf32, #tpu.memory_space<hbm>>) target(%dma_start3A_404 : memref<128xf32, #tpu.memory_space<vmem>>) target_semaphore(%arg13 : memref<!tpu.dma_semaphore, #tpu.memory_space<semaphore_mem>>)
    %dma_start3A_406 = arith.constant 3712 : i32
    %dma_start3A_407 = tpu.memref_slice %arg7[%dma_start3A_406] : memref<4096xf32, #tpu.memory_space<vmem>> -> memref<128xf32, #tpu.memory_space<vmem>>
    %dma_start3A_408 = tpu.memref_slice %arg2[%add3A_120] : memref<131072xf32, #tpu.memory_space<hbm>> -> memref<128xf32, #tpu.memory_space<hbm>>
    %dma_start3A_409 = arith.constant 3712 : i32
    %dma_start3A_410 = tpu.memref_slice %arg7[%dma_start3A_409] : memref<4096xf32, #tpu.memory_space<vmem>> -> memref<128xf32, #tpu.memory_space<vmem>>
    %dma_start3A_411 = tpu.memref_slice %arg2[%add3A_120] : memref<131072xf32, #tpu.memory_space<hbm>> -> memref<128xf32, #tpu.memory_space<hbm>>
    tpu.enqueue_dma source(%dma_start3A_411 : memref<128xf32, #tpu.memory_space<hbm>>) target(%dma_start3A_410 : memref<128xf32, #tpu.memory_space<vmem>>) target_semaphore(%arg13 : memref<!tpu.dma_semaphore, #tpu.memory_space<semaphore_mem>>)
    %dma_start3A_412 = arith.constant 3840 : i32
    %dma_start3A_413 = tpu.memref_slice %arg7[%dma_start3A_412] : memref<4096xf32, #tpu.memory_space<vmem>> -> memref<128xf32, #tpu.memory_space<vmem>>
    %dma_start3A_414 = tpu.memref_slice %arg2[%add3A_124] : memref<131072xf32, #tpu.memory_space<hbm>> -> memref<128xf32, #tpu.memory_space<hbm>>
    %dma_start3A_415 = arith.constant 3840 : i32
    %dma_start3A_416 = tpu.memref_slice %arg7[%dma_start3A_415] : memref<4096xf32, #tpu.memory_space<vmem>> -> memref<128xf32, #tpu.memory_space<vmem>>
    %dma_start3A_417 = tpu.memref_slice %arg2[%add3A_124] : memref<131072xf32, #tpu.memory_space<hbm>> -> memref<128xf32, #tpu.memory_space<hbm>>
    tpu.enqueue_dma source(%dma_start3A_417 : memref<128xf32, #tpu.memory_space<hbm>>) target(%dma_start3A_416 : memref<128xf32, #tpu.memory_space<vmem>>) target_semaphore(%arg13 : memref<!tpu.dma_semaphore, #tpu.memory_space<semaphore_mem>>)
    %dma_start3A_418 = arith.constant 3968 : i32
    %dma_start3A_419 = tpu.memref_slice %arg7[%dma_start3A_418] : memref<4096xf32, #tpu.memory_space<vmem>> -> memref<128xf32, #tpu.memory_space<vmem>>
    %dma_start3A_420 = tpu.memref_slice %arg2[%add3A_128] : memref<131072xf32, #tpu.memory_space<hbm>> -> memref<128xf32, #tpu.memory_space<hbm>>
    %dma_start3A_421 = arith.constant 3968 : i32
    %dma_start3A_422 = tpu.memref_slice %arg7[%dma_start3A_421] : memref<4096xf32, #tpu.memory_space<vmem>> -> memref<128xf32, #tpu.memory_space<vmem>>
    %dma_start3A_423 = tpu.memref_slice %arg2[%add3A_128] : memref<131072xf32, #tpu.memory_space<hbm>> -> memref<128xf32, #tpu.memory_space<hbm>>
    tpu.enqueue_dma source(%dma_start3A_423 : memref<128xf32, #tpu.memory_space<hbm>>) target(%dma_start3A_422 : memref<128xf32, #tpu.memory_space<vmem>>) target_semaphore(%arg13 : memref<!tpu.dma_semaphore, #tpu.memory_space<semaphore_mem>>)
    %dma_start3A_424 = arith.constant 0 : i32
    %dma_start3A_425 = tpu.memref_slice %arg8[%dma_start3A_424] : memref<3328xi32, #tpu.memory_space<vmem>> -> memref<128xi32, #tpu.memory_space<vmem>>
    %dma_start3A_426 = tpu.memref_slice %arg3[%add3A_132] : memref<106496xi32, #tpu.memory_space<hbm>> -> memref<128xi32, #tpu.memory_space<hbm>>
    %dma_start3A_427 = arith.constant 0 : i32
    %dma_start3A_428 = tpu.memref_slice %arg8[%dma_start3A_427] : memref<3328xi32, #tpu.memory_space<vmem>> -> memref<128xi32, #tpu.memory_space<vmem>>
    %dma_start3A_429 = tpu.memref_slice %arg3[%add3A_132] : memref<106496xi32, #tpu.memory_space<hbm>> -> memref<128xi32, #tpu.memory_space<hbm>>
    tpu.enqueue_dma source(%dma_start3A_429 : memref<128xi32, #tpu.memory_space<hbm>>) target(%dma_start3A_428 : memref<128xi32, #tpu.memory_space<vmem>>) target_semaphore(%arg13 : memref<!tpu.dma_semaphore, #tpu.memory_space<semaphore_mem>>)
    %dma_start3A_430 = arith.constant 128 : i32
    %dma_start3A_431 = tpu.memref_slice %arg8[%dma_start3A_430] : memref<3328xi32, #tpu.memory_space<vmem>> -> memref<128xi32, #tpu.memory_space<vmem>>
    %dma_start3A_432 = tpu.memref_slice %arg3[%add3A_136] : memref<106496xi32, #tpu.memory_space<hbm>> -> memref<128xi32, #tpu.memory_space<hbm>>
    %dma_start3A_433 = arith.constant 128 : i32
    %dma_start3A_434 = tpu.memref_slice %arg8[%dma_start3A_433] : memref<3328xi32, #tpu.memory_space<vmem>> -> memref<128xi32, #tpu.memory_space<vmem>>
    %dma_start3A_435 = tpu.memref_slice %arg3[%add3A_136] : memref<106496xi32, #tpu.memory_space<hbm>> -> memref<128xi32, #tpu.memory_space<hbm>>
    tpu.enqueue_dma source(%dma_start3A_435 : memref<128xi32, #tpu.memory_space<hbm>>) target(%dma_start3A_434 : memref<128xi32, #tpu.memory_space<vmem>>) target_semaphore(%arg13 : memref<!tpu.dma_semaphore, #tpu.memory_space<semaphore_mem>>)
    %dma_start3A_436 = arith.constant 256 : i32
    %dma_start3A_437 = tpu.memref_slice %arg8[%dma_start3A_436] : memref<3328xi32, #tpu.memory_space<vmem>> -> memref<128xi32, #tpu.memory_space<vmem>>
    %dma_start3A_438 = tpu.memref_slice %arg3[%add3A_140] : memref<106496xi32, #tpu.memory_space<hbm>> -> memref<128xi32, #tpu.memory_space<hbm>>
    %dma_start3A_439 = arith.constant 256 : i32
    %dma_start3A_440 = tpu.memref_slice %arg8[%dma_start3A_439] : memref<3328xi32, #tpu.memory_space<vmem>> -> memref<128xi32, #tpu.memory_space<vmem>>
    %dma_start3A_441 = tpu.memref_slice %arg3[%add3A_140] : memref<106496xi32, #tpu.memory_space<hbm>> -> memref<128xi32, #tpu.memory_space<hbm>>
    tpu.enqueue_dma source(%dma_start3A_441 : memref<128xi32, #tpu.memory_space<hbm>>) target(%dma_start3A_440 : memref<128xi32, #tpu.memory_space<vmem>>) target_semaphore(%arg13 : memref<!tpu.dma_semaphore, #tpu.memory_space<semaphore_mem>>)
    %dma_start3A_442 = arith.constant 384 : i32
    %dma_start3A_443 = tpu.memref_slice %arg8[%dma_start3A_442] : memref<3328xi32, #tpu.memory_space<vmem>> -> memref<128xi32, #tpu.memory_space<vmem>>
    %dma_start3A_444 = tpu.memref_slice %arg3[%add3A_144] : memref<106496xi32, #tpu.memory_space<hbm>> -> memref<128xi32, #tpu.memory_space<hbm>>
    %dma_start3A_445 = arith.constant 384 : i32
    %dma_start3A_446 = tpu.memref_slice %arg8[%dma_start3A_445] : memref<3328xi32, #tpu.memory_space<vmem>> -> memref<128xi32, #tpu.memory_space<vmem>>
    %dma_start3A_447 = tpu.memref_slice %arg3[%add3A_144] : memref<106496xi32, #tpu.memory_space<hbm>> -> memref<128xi32, #tpu.memory_space<hbm>>
    tpu.enqueue_dma source(%dma_start3A_447 : memref<128xi32, #tpu.memory_space<hbm>>) target(%dma_start3A_446 : memref<128xi32, #tpu.memory_space<vmem>>) target_semaphore(%arg13 : memref<!tpu.dma_semaphore, #tpu.memory_space<semaphore_mem>>)
    %dma_start3A_448 = arith.constant 512 : i32
    %dma_start3A_449 = tpu.memref_slice %arg8[%dma_start3A_448] : memref<3328xi32, #tpu.memory_space<vmem>> -> memref<128xi32, #tpu.memory_space<vmem>>
    %dma_start3A_450 = tpu.memref_slice %arg3[%add3A_148] : memref<106496xi32, #tpu.memory_space<hbm>> -> memref<128xi32, #tpu.memory_space<hbm>>
    %dma_start3A_451 = arith.constant 512 : i32
    %dma_start3A_452 = tpu.memref_slice %arg8[%dma_start3A_451] : memref<3328xi32, #tpu.memory_space<vmem>> -> memref<128xi32, #tpu.memory_space<vmem>>
    %dma_start3A_453 = tpu.memref_slice %arg3[%add3A_148] : memref<106496xi32, #tpu.memory_space<hbm>> -> memref<128xi32, #tpu.memory_space<hbm>>
    tpu.enqueue_dma source(%dma_start3A_453 : memref<128xi32, #tpu.memory_space<hbm>>) target(%dma_start3A_452 : memref<128xi32, #tpu.memory_space<vmem>>) target_semaphore(%arg13 : memref<!tpu.dma_semaphore, #tpu.memory_space<semaphore_mem>>)
    %dma_start3A_454 = arith.constant 640 : i32
    %dma_start3A_455 = tpu.memref_slice %arg8[%dma_start3A_454] : memref<3328xi32, #tpu.memory_space<vmem>> -> memref<128xi32, #tpu.memory_space<vmem>>
    %dma_start3A_456 = tpu.memref_slice %arg3[%add3A_152] : memref<106496xi32, #tpu.memory_space<hbm>> -> memref<128xi32, #tpu.memory_space<hbm>>
    %dma_start3A_457 = arith.constant 640 : i32
    %dma_start3A_458 = tpu.memref_slice %arg8[%dma_start3A_457] : memref<3328xi32, #tpu.memory_space<vmem>> -> memref<128xi32, #tpu.memory_space<vmem>>
    %dma_start3A_459 = tpu.memref_slice %arg3[%add3A_152] : memref<106496xi32, #tpu.memory_space<hbm>> -> memref<128xi32, #tpu.memory_space<hbm>>
    tpu.enqueue_dma source(%dma_start3A_459 : memref<128xi32, #tpu.memory_space<hbm>>) target(%dma_start3A_458 : memref<128xi32, #tpu.memory_space<vmem>>) target_semaphore(%arg13 : memref<!tpu.dma_semaphore, #tpu.memory_space<semaphore_mem>>)
    %dma_start3A_460 = arith.constant 768 : i32
    %dma_start3A_461 = tpu.memref_slice %arg8[%dma_start3A_460] : memref<3328xi32, #tpu.memory_space<vmem>> -> memref<128xi32, #tpu.memory_space<vmem>>
    %dma_start3A_462 = tpu.memref_slice %arg3[%add3A_156] : memref<106496xi32, #tpu.memory_space<hbm>> -> memref<128xi32, #tpu.memory_space<hbm>>
    %dma_start3A_463 = arith.constant 768 : i32
    %dma_start3A_464 = tpu.memref_slice %arg8[%dma_start3A_463] : memref<3328xi32, #tpu.memory_space<vmem>> -> memref<128xi32, #tpu.memory_space<vmem>>
    %dma_start3A_465 = tpu.memref_slice %arg3[%add3A_156] : memref<106496xi32, #tpu.memory_space<hbm>> -> memref<128xi32, #tpu.memory_space<hbm>>
    tpu.enqueue_dma source(%dma_start3A_465 : memref<128xi32, #tpu.memory_space<hbm>>) target(%dma_start3A_464 : memref<128xi32, #tpu.memory_space<vmem>>) target_semaphore(%arg13 : memref<!tpu.dma_semaphore, #tpu.memory_space<semaphore_mem>>)
    %dma_start3A_466 = arith.constant 896 : i32
    %dma_start3A_467 = tpu.memref_slice %arg8[%dma_start3A_466] : memref<3328xi32, #tpu.memory_space<vmem>> -> memref<128xi32, #tpu.memory_space<vmem>>
    %dma_start3A_468 = tpu.memref_slice %arg3[%add3A_160] : memref<106496xi32, #tpu.memory_space<hbm>> -> memref<128xi32, #tpu.memory_space<hbm>>
    %dma_start3A_469 = arith.constant 896 : i32
    %dma_start3A_470 = tpu.memref_slice %arg8[%dma_start3A_469] : memref<3328xi32, #tpu.memory_space<vmem>> -> memref<128xi32, #tpu.memory_space<vmem>>
    %dma_start3A_471 = tpu.memref_slice %arg3[%add3A_160] : memref<106496xi32, #tpu.memory_space<hbm>> -> memref<128xi32, #tpu.memory_space<hbm>>
    tpu.enqueue_dma source(%dma_start3A_471 : memref<128xi32, #tpu.memory_space<hbm>>) target(%dma_start3A_470 : memref<128xi32, #tpu.memory_space<vmem>>) target_semaphore(%arg13 : memref<!tpu.dma_semaphore, #tpu.memory_space<semaphore_mem>>)
    %dma_start3A_472 = arith.constant 1024 : i32
    %dma_start3A_473 = tpu.memref_slice %arg8[%dma_start3A_472] : memref<3328xi32, #tpu.memory_space<vmem>> -> memref<128xi32, #tpu.memory_space<vmem>>
    %dma_start3A_474 = tpu.memref_slice %arg3[%add3A_164] : memref<106496xi32, #tpu.memory_space<hbm>> -> memref<128xi32, #tpu.memory_space<hbm>>
    %dma_start3A_475 = arith.constant 1024 : i32
    %dma_start3A_476 = tpu.memref_slice %arg8[%dma_start3A_475] : memref<3328xi32, #tpu.memory_space<vmem>> -> memref<128xi32, #tpu.memory_space<vmem>>
    %dma_start3A_477 = tpu.memref_slice %arg3[%add3A_164] : memref<106496xi32, #tpu.memory_space<hbm>> -> memref<128xi32, #tpu.memory_space<hbm>>
    tpu.enqueue_dma source(%dma_start3A_477 : memref<128xi32, #tpu.memory_space<hbm>>) target(%dma_start3A_476 : memref<128xi32, #tpu.memory_space<vmem>>) target_semaphore(%arg13 : memref<!tpu.dma_semaphore, #tpu.memory_space<semaphore_mem>>)
    %dma_start3A_478 = arith.constant 1152 : i32
    %dma_start3A_479 = tpu.memref_slice %arg8[%dma_start3A_478] : memref<3328xi32, #tpu.memory_space<vmem>> -> memref<128xi32, #tpu.memory_space<vmem>>
    %dma_start3A_480 = tpu.memref_slice %arg3[%add3A_168] : memref<106496xi32, #tpu.memory_space<hbm>> -> memref<128xi32, #tpu.memory_space<hbm>>
    %dma_start3A_481 = arith.constant 1152 : i32
    %dma_start3A_482 = tpu.memref_slice %arg8[%dma_start3A_481] : memref<3328xi32, #tpu.memory_space<vmem>> -> memref<128xi32, #tpu.memory_space<vmem>>
    %dma_start3A_483 = tpu.memref_slice %arg3[%add3A_168] : memref<106496xi32, #tpu.memory_space<hbm>> -> memref<128xi32, #tpu.memory_space<hbm>>
    tpu.enqueue_dma source(%dma_start3A_483 : memref<128xi32, #tpu.memory_space<hbm>>) target(%dma_start3A_482 : memref<128xi32, #tpu.memory_space<vmem>>) target_semaphore(%arg13 : memref<!tpu.dma_semaphore, #tpu.memory_space<semaphore_mem>>)
    %dma_start3A_484 = arith.constant 1280 : i32
    %dma_start3A_485 = tpu.memref_slice %arg8[%dma_start3A_484] : memref<3328xi32, #tpu.memory_space<vmem>> -> memref<128xi32, #tpu.memory_space<vmem>>
    %dma_start3A_486 = tpu.memref_slice %arg3[%add3A_172] : memref<106496xi32, #tpu.memory_space<hbm>> -> memref<128xi32, #tpu.memory_space<hbm>>
    %dma_start3A_487 = arith.constant 1280 : i32
    %dma_start3A_488 = tpu.memref_slice %arg8[%dma_start3A_487] : memref<3328xi32, #tpu.memory_space<vmem>> -> memref<128xi32, #tpu.memory_space<vmem>>
    %dma_start3A_489 = tpu.memref_slice %arg3[%add3A_172] : memref<106496xi32, #tpu.memory_space<hbm>> -> memref<128xi32, #tpu.memory_space<hbm>>
    tpu.enqueue_dma source(%dma_start3A_489 : memref<128xi32, #tpu.memory_space<hbm>>) target(%dma_start3A_488 : memref<128xi32, #tpu.memory_space<vmem>>) target_semaphore(%arg13 : memref<!tpu.dma_semaphore, #tpu.memory_space<semaphore_mem>>)
    %dma_start3A_490 = arith.constant 1408 : i32
    %dma_start3A_491 = tpu.memref_slice %arg8[%dma_start3A_490] : memref<3328xi32, #tpu.memory_space<vmem>> -> memref<128xi32, #tpu.memory_space<vmem>>
    %dma_start3A_492 = tpu.memref_slice %arg3[%add3A_176] : memref<106496xi32, #tpu.memory_space<hbm>> -> memref<128xi32, #tpu.memory_space<hbm>>
    %dma_start3A_493 = arith.constant 1408 : i32
    %dma_start3A_494 = tpu.memref_slice %arg8[%dma_start3A_493] : memref<3328xi32, #tpu.memory_space<vmem>> -> memref<128xi32, #tpu.memory_space<vmem>>
    %dma_start3A_495 = tpu.memref_slice %arg3[%add3A_176] : memref<106496xi32, #tpu.memory_space<hbm>> -> memref<128xi32, #tpu.memory_space<hbm>>
    tpu.enqueue_dma source(%dma_start3A_495 : memref<128xi32, #tpu.memory_space<hbm>>) target(%dma_start3A_494 : memref<128xi32, #tpu.memory_space<vmem>>) target_semaphore(%arg13 : memref<!tpu.dma_semaphore, #tpu.memory_space<semaphore_mem>>)
    %dma_start3A_496 = arith.constant 1536 : i32
    %dma_start3A_497 = tpu.memref_slice %arg8[%dma_start3A_496] : memref<3328xi32, #tpu.memory_space<vmem>> -> memref<128xi32, #tpu.memory_space<vmem>>
    %dma_start3A_498 = tpu.memref_slice %arg3[%add3A_180] : memref<106496xi32, #tpu.memory_space<hbm>> -> memref<128xi32, #tpu.memory_space<hbm>>
    %dma_start3A_499 = arith.constant 1536 : i32
    %dma_start3A_500 = tpu.memref_slice %arg8[%dma_start3A_499] : memref<3328xi32, #tpu.memory_space<vmem>> -> memref<128xi32, #tpu.memory_space<vmem>>
    %dma_start3A_501 = tpu.memref_slice %arg3[%add3A_180] : memref<106496xi32, #tpu.memory_space<hbm>> -> memref<128xi32, #tpu.memory_space<hbm>>
    tpu.enqueue_dma source(%dma_start3A_501 : memref<128xi32, #tpu.memory_space<hbm>>) target(%dma_start3A_500 : memref<128xi32, #tpu.memory_space<vmem>>) target_semaphore(%arg13 : memref<!tpu.dma_semaphore, #tpu.memory_space<semaphore_mem>>)
    %dma_start3A_502 = arith.constant 1664 : i32
    %dma_start3A_503 = tpu.memref_slice %arg8[%dma_start3A_502] : memref<3328xi32, #tpu.memory_space<vmem>> -> memref<128xi32, #tpu.memory_space<vmem>>
    %dma_start3A_504 = tpu.memref_slice %arg3[%add3A_184] : memref<106496xi32, #tpu.memory_space<hbm>> -> memref<128xi32, #tpu.memory_space<hbm>>
    %dma_start3A_505 = arith.constant 1664 : i32
    %dma_start3A_506 = tpu.memref_slice %arg8[%dma_start3A_505] : memref<3328xi32, #tpu.memory_space<vmem>> -> memref<128xi32, #tpu.memory_space<vmem>>
    %dma_start3A_507 = tpu.memref_slice %arg3[%add3A_184] : memref<106496xi32, #tpu.memory_space<hbm>> -> memref<128xi32, #tpu.memory_space<hbm>>
    tpu.enqueue_dma source(%dma_start3A_507 : memref<128xi32, #tpu.memory_space<hbm>>) target(%dma_start3A_506 : memref<128xi32, #tpu.memory_space<vmem>>) target_semaphore(%arg13 : memref<!tpu.dma_semaphore, #tpu.memory_space<semaphore_mem>>)
    %dma_start3A_508 = arith.constant 1792 : i32
    %dma_start3A_509 = tpu.memref_slice %arg8[%dma_start3A_508] : memref<3328xi32, #tpu.memory_space<vmem>> -> memref<128xi32, #tpu.memory_space<vmem>>
    %dma_start3A_510 = tpu.memref_slice %arg3[%add3A_188] : memref<106496xi32, #tpu.memory_space<hbm>> -> memref<128xi32, #tpu.memory_space<hbm>>
    %dma_start3A_511 = arith.constant 1792 : i32
    %dma_start3A_512 = tpu.memref_slice %arg8[%dma_start3A_511] : memref<3328xi32, #tpu.memory_space<vmem>> -> memref<128xi32, #tpu.memory_space<vmem>>
    %dma_start3A_513 = tpu.memref_slice %arg3[%add3A_188] : memref<106496xi32, #tpu.memory_space<hbm>> -> memref<128xi32, #tpu.memory_space<hbm>>
    tpu.enqueue_dma source(%dma_start3A_513 : memref<128xi32, #tpu.memory_space<hbm>>) target(%dma_start3A_512 : memref<128xi32, #tpu.memory_space<vmem>>) target_semaphore(%arg13 : memref<!tpu.dma_semaphore, #tpu.memory_space<semaphore_mem>>)
    %dma_start3A_514 = arith.constant 1920 : i32
    %dma_start3A_515 = tpu.memref_slice %arg8[%dma_start3A_514] : memref<3328xi32, #tpu.memory_space<vmem>> -> memref<128xi32, #tpu.memory_space<vmem>>
    %dma_start3A_516 = tpu.memref_slice %arg3[%add3A_192] : memref<106496xi32, #tpu.memory_space<hbm>> -> memref<128xi32, #tpu.memory_space<hbm>>
    %dma_start3A_517 = arith.constant 1920 : i32
    %dma_start3A_518 = tpu.memref_slice %arg8[%dma_start3A_517] : memref<3328xi32, #tpu.memory_space<vmem>> -> memref<128xi32, #tpu.memory_space<vmem>>
    %dma_start3A_519 = tpu.memref_slice %arg3[%add3A_192] : memref<106496xi32, #tpu.memory_space<hbm>> -> memref<128xi32, #tpu.memory_space<hbm>>
    tpu.enqueue_dma source(%dma_start3A_519 : memref<128xi32, #tpu.memory_space<hbm>>) target(%dma_start3A_518 : memref<128xi32, #tpu.memory_space<vmem>>) target_semaphore(%arg13 : memref<!tpu.dma_semaphore, #tpu.memory_space<semaphore_mem>>)
    %dma_start3A_520 = arith.constant 2048 : i32
    %dma_start3A_521 = tpu.memref_slice %arg8[%dma_start3A_520] : memref<3328xi32, #tpu.memory_space<vmem>> -> memref<128xi32, #tpu.memory_space<vmem>>
    %dma_start3A_522 = tpu.memref_slice %arg3[%add3A_196] : memref<106496xi32, #tpu.memory_space<hbm>> -> memref<128xi32, #tpu.memory_space<hbm>>
    %dma_start3A_523 = arith.constant 2048 : i32
    %dma_start3A_524 = tpu.memref_slice %arg8[%dma_start3A_523] : memref<3328xi32, #tpu.memory_space<vmem>> -> memref<128xi32, #tpu.memory_space<vmem>>
    %dma_start3A_525 = tpu.memref_slice %arg3[%add3A_196] : memref<106496xi32, #tpu.memory_space<hbm>> -> memref<128xi32, #tpu.memory_space<hbm>>
    tpu.enqueue_dma source(%dma_start3A_525 : memref<128xi32, #tpu.memory_space<hbm>>) target(%dma_start3A_524 : memref<128xi32, #tpu.memory_space<vmem>>) target_semaphore(%arg13 : memref<!tpu.dma_semaphore, #tpu.memory_space<semaphore_mem>>)
    %dma_start3A_526 = arith.constant 2176 : i32
    %dma_start3A_527 = tpu.memref_slice %arg8[%dma_start3A_526] : memref<3328xi32, #tpu.memory_space<vmem>> -> memref<128xi32, #tpu.memory_space<vmem>>
    %dma_start3A_528 = tpu.memref_slice %arg3[%add3A_200] : memref<106496xi32, #tpu.memory_space<hbm>> -> memref<128xi32, #tpu.memory_space<hbm>>
    %dma_start3A_529 = arith.constant 2176 : i32
    %dma_start3A_530 = tpu.memref_slice %arg8[%dma_start3A_529] : memref<3328xi32, #tpu.memory_space<vmem>> -> memref<128xi32, #tpu.memory_space<vmem>>
    %dma_start3A_531 = tpu.memref_slice %arg3[%add3A_200] : memref<106496xi32, #tpu.memory_space<hbm>> -> memref<128xi32, #tpu.memory_space<hbm>>
    tpu.enqueue_dma source(%dma_start3A_531 : memref<128xi32, #tpu.memory_space<hbm>>) target(%dma_start3A_530 : memref<128xi32, #tpu.memory_space<vmem>>) target_semaphore(%arg13 : memref<!tpu.dma_semaphore, #tpu.memory_space<semaphore_mem>>)
    %dma_start3A_532 = arith.constant 2304 : i32
    %dma_start3A_533 = tpu.memref_slice %arg8[%dma_start3A_532] : memref<3328xi32, #tpu.memory_space<vmem>> -> memref<128xi32, #tpu.memory_space<vmem>>
    %dma_start3A_534 = tpu.memref_slice %arg3[%add3A_204] : memref<106496xi32, #tpu.memory_space<hbm>> -> memref<128xi32, #tpu.memory_space<hbm>>
    %dma_start3A_535 = arith.constant 2304 : i32
    %dma_start3A_536 = tpu.memref_slice %arg8[%dma_start3A_535] : memref<3328xi32, #tpu.memory_space<vmem>> -> memref<128xi32, #tpu.memory_space<vmem>>
    %dma_start3A_537 = tpu.memref_slice %arg3[%add3A_204] : memref<106496xi32, #tpu.memory_space<hbm>> -> memref<128xi32, #tpu.memory_space<hbm>>
    tpu.enqueue_dma source(%dma_start3A_537 : memref<128xi32, #tpu.memory_space<hbm>>) target(%dma_start3A_536 : memref<128xi32, #tpu.memory_space<vmem>>) target_semaphore(%arg13 : memref<!tpu.dma_semaphore, #tpu.memory_space<semaphore_mem>>)
    %dma_start3A_538 = arith.constant 2432 : i32
    %dma_start3A_539 = tpu.memref_slice %arg8[%dma_start3A_538] : memref<3328xi32, #tpu.memory_space<vmem>> -> memref<128xi32, #tpu.memory_space<vmem>>
    %dma_start3A_540 = tpu.memref_slice %arg3[%add3A_208] : memref<106496xi32, #tpu.memory_space<hbm>> -> memref<128xi32, #tpu.memory_space<hbm>>
    %dma_start3A_541 = arith.constant 2432 : i32
    %dma_start3A_542 = tpu.memref_slice %arg8[%dma_start3A_541] : memref<3328xi32, #tpu.memory_space<vmem>> -> memref<128xi32, #tpu.memory_space<vmem>>
    %dma_start3A_543 = tpu.memref_slice %arg3[%add3A_208] : memref<106496xi32, #tpu.memory_space<hbm>> -> memref<128xi32, #tpu.memory_space<hbm>>
    tpu.enqueue_dma source(%dma_start3A_543 : memref<128xi32, #tpu.memory_space<hbm>>) target(%dma_start3A_542 : memref<128xi32, #tpu.memory_space<vmem>>) target_semaphore(%arg13 : memref<!tpu.dma_semaphore, #tpu.memory_space<semaphore_mem>>)
    %dma_start3A_544 = arith.constant 2560 : i32
    %dma_start3A_545 = tpu.memref_slice %arg8[%dma_start3A_544] : memref<3328xi32, #tpu.memory_space<vmem>> -> memref<128xi32, #tpu.memory_space<vmem>>
    %dma_start3A_546 = tpu.memref_slice %arg3[%add3A_212] : memref<106496xi32, #tpu.memory_space<hbm>> -> memref<128xi32, #tpu.memory_space<hbm>>
    %dma_start3A_547 = arith.constant 2560 : i32
    %dma_start3A_548 = tpu.memref_slice %arg8[%dma_start3A_547] : memref<3328xi32, #tpu.memory_space<vmem>> -> memref<128xi32, #tpu.memory_space<vmem>>
    %dma_start3A_549 = tpu.memref_slice %arg3[%add3A_212] : memref<106496xi32, #tpu.memory_space<hbm>> -> memref<128xi32, #tpu.memory_space<hbm>>
    tpu.enqueue_dma source(%dma_start3A_549 : memref<128xi32, #tpu.memory_space<hbm>>) target(%dma_start3A_548 : memref<128xi32, #tpu.memory_space<vmem>>) target_semaphore(%arg13 : memref<!tpu.dma_semaphore, #tpu.memory_space<semaphore_mem>>)
    %dma_start3A_550 = arith.constant 2688 : i32
    %dma_start3A_551 = tpu.memref_slice %arg8[%dma_start3A_550] : memref<3328xi32, #tpu.memory_space<vmem>> -> memref<128xi32, #tpu.memory_space<vmem>>
    %dma_start3A_552 = tpu.memref_slice %arg3[%add3A_216] : memref<106496xi32, #tpu.memory_space<hbm>> -> memref<128xi32, #tpu.memory_space<hbm>>
    %dma_start3A_553 = arith.constant 2688 : i32
    %dma_start3A_554 = tpu.memref_slice %arg8[%dma_start3A_553] : memref<3328xi32, #tpu.memory_space<vmem>> -> memref<128xi32, #tpu.memory_space<vmem>>
    %dma_start3A_555 = tpu.memref_slice %arg3[%add3A_216] : memref<106496xi32, #tpu.memory_space<hbm>> -> memref<128xi32, #tpu.memory_space<hbm>>
    tpu.enqueue_dma source(%dma_start3A_555 : memref<128xi32, #tpu.memory_space<hbm>>) target(%dma_start3A_554 : memref<128xi32, #tpu.memory_space<vmem>>) target_semaphore(%arg13 : memref<!tpu.dma_semaphore, #tpu.memory_space<semaphore_mem>>)
    %dma_start3A_556 = arith.constant 2816 : i32
    %dma_start3A_557 = tpu.memref_slice %arg8[%dma_start3A_556] : memref<3328xi32, #tpu.memory_space<vmem>> -> memref<128xi32, #tpu.memory_space<vmem>>
    %dma_start3A_558 = tpu.memref_slice %arg3[%add3A_220] : memref<106496xi32, #tpu.memory_space<hbm>> -> memref<128xi32, #tpu.memory_space<hbm>>
    %dma_start3A_559 = arith.constant 2816 : i32
    %dma_start3A_560 = tpu.memref_slice %arg8[%dma_start3A_559] : memref<3328xi32, #tpu.memory_space<vmem>> -> memref<128xi32, #tpu.memory_space<vmem>>
    %dma_start3A_561 = tpu.memref_slice %arg3[%add3A_220] : memref<106496xi32, #tpu.memory_space<hbm>> -> memref<128xi32, #tpu.memory_space<hbm>>
    tpu.enqueue_dma source(%dma_start3A_561 : memref<128xi32, #tpu.memory_space<hbm>>) target(%dma_start3A_560 : memref<128xi32, #tpu.memory_space<vmem>>) target_semaphore(%arg13 : memref<!tpu.dma_semaphore, #tpu.memory_space<semaphore_mem>>)
    %dma_start3A_562 = arith.constant 2944 : i32
    %dma_start3A_563 = tpu.memref_slice %arg8[%dma_start3A_562] : memref<3328xi32, #tpu.memory_space<vmem>> -> memref<128xi32, #tpu.memory_space<vmem>>
    %dma_start3A_564 = tpu.memref_slice %arg3[%add3A_224] : memref<106496xi32, #tpu.memory_space<hbm>> -> memref<128xi32, #tpu.memory_space<hbm>>
    %dma_start3A_565 = arith.constant 2944 : i32
    %dma_start3A_566 = tpu.memref_slice %arg8[%dma_start3A_565] : memref<3328xi32, #tpu.memory_space<vmem>> -> memref<128xi32, #tpu.memory_space<vmem>>
    %dma_start3A_567 = tpu.memref_slice %arg3[%add3A_224] : memref<106496xi32, #tpu.memory_space<hbm>> -> memref<128xi32, #tpu.memory_space<hbm>>
    tpu.enqueue_dma source(%dma_start3A_567 : memref<128xi32, #tpu.memory_space<hbm>>) target(%dma_start3A_566 : memref<128xi32, #tpu.memory_space<vmem>>) target_semaphore(%arg13 : memref<!tpu.dma_semaphore, #tpu.memory_space<semaphore_mem>>)
    %dma_start3A_568 = arith.constant 3072 : i32
    %dma_start3A_569 = tpu.memref_slice %arg8[%dma_start3A_568] : memref<3328xi32, #tpu.memory_space<vmem>> -> memref<128xi32, #tpu.memory_space<vmem>>
    %dma_start3A_570 = tpu.memref_slice %arg3[%add3A_228] : memref<106496xi32, #tpu.memory_space<hbm>> -> memref<128xi32, #tpu.memory_space<hbm>>
    %dma_start3A_571 = arith.constant 3072 : i32
    %dma_start3A_572 = tpu.memref_slice %arg8[%dma_start3A_571] : memref<3328xi32, #tpu.memory_space<vmem>> -> memref<128xi32, #tpu.memory_space<vmem>>
    %dma_start3A_573 = tpu.memref_slice %arg3[%add3A_228] : memref<106496xi32, #tpu.memory_space<hbm>> -> memref<128xi32, #tpu.memory_space<hbm>>
    tpu.enqueue_dma source(%dma_start3A_573 : memref<128xi32, #tpu.memory_space<hbm>>) target(%dma_start3A_572 : memref<128xi32, #tpu.memory_space<vmem>>) target_semaphore(%arg13 : memref<!tpu.dma_semaphore, #tpu.memory_space<semaphore_mem>>)
    %dma_start3A_574 = arith.constant 3200 : i32
    %dma_start3A_575 = tpu.memref_slice %arg8[%dma_start3A_574] : memref<3328xi32, #tpu.memory_space<vmem>> -> memref<128xi32, #tpu.memory_space<vmem>>
    %dma_start3A_576 = tpu.memref_slice %arg3[%add3A_232] : memref<106496xi32, #tpu.memory_space<hbm>> -> memref<128xi32, #tpu.memory_space<hbm>>
    %dma_start3A_577 = arith.constant 3200 : i32
    %dma_start3A_578 = tpu.memref_slice %arg8[%dma_start3A_577] : memref<3328xi32, #tpu.memory_space<vmem>> -> memref<128xi32, #tpu.memory_space<vmem>>
    %dma_start3A_579 = tpu.memref_slice %arg3[%add3A_232] : memref<106496xi32, #tpu.memory_space<hbm>> -> memref<128xi32, #tpu.memory_space<hbm>>
    tpu.enqueue_dma source(%dma_start3A_579 : memref<128xi32, #tpu.memory_space<hbm>>) target(%dma_start3A_578 : memref<128xi32, #tpu.memory_space<vmem>>) target_semaphore(%arg13 : memref<!tpu.dma_semaphore, #tpu.memory_space<semaphore_mem>>)
    %dma_wait3A = arith.constant 0 : i32
    %dma_wait3A_580 = tpu.memref_slice %arg7[%dma_wait3A] : memref<4096xf32, #tpu.memory_space<vmem>> -> memref<128xf32, #tpu.memory_space<vmem>>
    %dma_wait3A_581 = tpu.memref_slice %arg2[%add3A_4] : memref<131072xf32, #tpu.memory_space<hbm>> -> memref<128xf32, #tpu.memory_space<hbm>>
    %dma_wait3A_582 = arith.constant 0 : i32
    %dma_wait3A_583 = tpu.memref_slice %arg7[%dma_wait3A_582] : memref<4096xf32, #tpu.memory_space<vmem>> -> memref<128xf32, #tpu.memory_space<vmem>>
    %dma_wait3A_584 = tpu.memref_slice %arg2[%add3A_4] : memref<131072xf32, #tpu.memory_space<hbm>> -> memref<128xf32, #tpu.memory_space<hbm>>
    tpu.wait_dma2 semaphore(%arg13 : memref<!tpu.dma_semaphore, #tpu.memory_space<semaphore_mem>>) src(%dma_wait3A_584 : memref<128xf32, #tpu.memory_space<hbm>>) dst(%dma_wait3A_583 : memref<128xf32, #tpu.memory_space<vmem>>)
    %dma_wait3A_585 = arith.constant 128 : i32
    %dma_wait3A_586 = tpu.memref_slice %arg7[%dma_wait3A_585] : memref<4096xf32, #tpu.memory_space<vmem>> -> memref<128xf32, #tpu.memory_space<vmem>>
    %dma_wait3A_587 = tpu.memref_slice %arg2[%add3A_8] : memref<131072xf32, #tpu.memory_space<hbm>> -> memref<128xf32, #tpu.memory_space<hbm>>
    %dma_wait3A_588 = arith.constant 128 : i32
    %dma_wait3A_589 = tpu.memref_slice %arg7[%dma_wait3A_588] : memref<4096xf32, #tpu.memory_space<vmem>> -> memref<128xf32, #tpu.memory_space<vmem>>
    %dma_wait3A_590 = tpu.memref_slice %arg2[%add3A_8] : memref<131072xf32, #tpu.memory_space<hbm>> -> memref<128xf32, #tpu.memory_space<hbm>>
    tpu.wait_dma2 semaphore(%arg13 : memref<!tpu.dma_semaphore, #tpu.memory_space<semaphore_mem>>) src(%dma_wait3A_590 : memref<128xf32, #tpu.memory_space<hbm>>) dst(%dma_wait3A_589 : memref<128xf32, #tpu.memory_space<vmem>>)
    %dma_wait3A_591 = arith.constant 256 : i32
    %dma_wait3A_592 = tpu.memref_slice %arg7[%dma_wait3A_591] : memref<4096xf32, #tpu.memory_space<vmem>> -> memref<128xf32, #tpu.memory_space<vmem>>
    %dma_wait3A_593 = tpu.memref_slice %arg2[%add3A_12] : memref<131072xf32, #tpu.memory_space<hbm>> -> memref<128xf32, #tpu.memory_space<hbm>>
    %dma_wait3A_594 = arith.constant 256 : i32
    %dma_wait3A_595 = tpu.memref_slice %arg7[%dma_wait3A_594] : memref<4096xf32, #tpu.memory_space<vmem>> -> memref<128xf32, #tpu.memory_space<vmem>>
    %dma_wait3A_596 = tpu.memref_slice %arg2[%add3A_12] : memref<131072xf32, #tpu.memory_space<hbm>> -> memref<128xf32, #tpu.memory_space<hbm>>
    tpu.wait_dma2 semaphore(%arg13 : memref<!tpu.dma_semaphore, #tpu.memory_space<semaphore_mem>>) src(%dma_wait3A_596 : memref<128xf32, #tpu.memory_space<hbm>>) dst(%dma_wait3A_595 : memref<128xf32, #tpu.memory_space<vmem>>)
    %dma_wait3A_597 = arith.constant 384 : i32
    %dma_wait3A_598 = tpu.memref_slice %arg7[%dma_wait3A_597] : memref<4096xf32, #tpu.memory_space<vmem>> -> memref<128xf32, #tpu.memory_space<vmem>>
    %dma_wait3A_599 = tpu.memref_slice %arg2[%add3A_16] : memref<131072xf32, #tpu.memory_space<hbm>> -> memref<128xf32, #tpu.memory_space<hbm>>
    %dma_wait3A_600 = arith.constant 384 : i32
    %dma_wait3A_601 = tpu.memref_slice %arg7[%dma_wait3A_600] : memref<4096xf32, #tpu.memory_space<vmem>> -> memref<128xf32, #tpu.memory_space<vmem>>
    %dma_wait3A_602 = tpu.memref_slice %arg2[%add3A_16] : memref<131072xf32, #tpu.memory_space<hbm>> -> memref<128xf32, #tpu.memory_space<hbm>>
    tpu.wait_dma2 semaphore(%arg13 : memref<!tpu.dma_semaphore, #tpu.memory_space<semaphore_mem>>) src(%dma_wait3A_602 : memref<128xf32, #tpu.memory_space<hbm>>) dst(%dma_wait3A_601 : memref<128xf32, #tpu.memory_space<vmem>>)
    %dma_wait3A_603 = arith.constant 512 : i32
    %dma_wait3A_604 = tpu.memref_slice %arg7[%dma_wait3A_603] : memref<4096xf32, #tpu.memory_space<vmem>> -> memref<128xf32, #tpu.memory_space<vmem>>
    %dma_wait3A_605 = tpu.memref_slice %arg2[%add3A_20] : memref<131072xf32, #tpu.memory_space<hbm>> -> memref<128xf32, #tpu.memory_space<hbm>>
    %dma_wait3A_606 = arith.constant 512 : i32
    %dma_wait3A_607 = tpu.memref_slice %arg7[%dma_wait3A_606] : memref<4096xf32, #tpu.memory_space<vmem>> -> memref<128xf32, #tpu.memory_space<vmem>>
    %dma_wait3A_608 = tpu.memref_slice %arg2[%add3A_20] : memref<131072xf32, #tpu.memory_space<hbm>> -> memref<128xf32, #tpu.memory_space<hbm>>
    tpu.wait_dma2 semaphore(%arg13 : memref<!tpu.dma_semaphore, #tpu.memory_space<semaphore_mem>>) src(%dma_wait3A_608 : memref<128xf32, #tpu.memory_space<hbm>>) dst(%dma_wait3A_607 : memref<128xf32, #tpu.memory_space<vmem>>)
    %dma_wait3A_609 = arith.constant 640 : i32
    %dma_wait3A_610 = tpu.memref_slice %arg7[%dma_wait3A_609] : memref<4096xf32, #tpu.memory_space<vmem>> -> memref<128xf32, #tpu.memory_space<vmem>>
    %dma_wait3A_611 = tpu.memref_slice %arg2[%add3A_24] : memref<131072xf32, #tpu.memory_space<hbm>> -> memref<128xf32, #tpu.memory_space<hbm>>
    %dma_wait3A_612 = arith.constant 640 : i32
    %dma_wait3A_613 = tpu.memref_slice %arg7[%dma_wait3A_612] : memref<4096xf32, #tpu.memory_space<vmem>> -> memref<128xf32, #tpu.memory_space<vmem>>
    %dma_wait3A_614 = tpu.memref_slice %arg2[%add3A_24] : memref<131072xf32, #tpu.memory_space<hbm>> -> memref<128xf32, #tpu.memory_space<hbm>>
    tpu.wait_dma2 semaphore(%arg13 : memref<!tpu.dma_semaphore, #tpu.memory_space<semaphore_mem>>) src(%dma_wait3A_614 : memref<128xf32, #tpu.memory_space<hbm>>) dst(%dma_wait3A_613 : memref<128xf32, #tpu.memory_space<vmem>>)
    %dma_wait3A_615 = arith.constant 768 : i32
    %dma_wait3A_616 = tpu.memref_slice %arg7[%dma_wait3A_615] : memref<4096xf32, #tpu.memory_space<vmem>> -> memref<128xf32, #tpu.memory_space<vmem>>
    %dma_wait3A_617 = tpu.memref_slice %arg2[%add3A_28] : memref<131072xf32, #tpu.memory_space<hbm>> -> memref<128xf32, #tpu.memory_space<hbm>>
    %dma_wait3A_618 = arith.constant 768 : i32
    %dma_wait3A_619 = tpu.memref_slice %arg7[%dma_wait3A_618] : memref<4096xf32, #tpu.memory_space<vmem>> -> memref<128xf32, #tpu.memory_space<vmem>>
    %dma_wait3A_620 = tpu.memref_slice %arg2[%add3A_28] : memref<131072xf32, #tpu.memory_space<hbm>> -> memref<128xf32, #tpu.memory_space<hbm>>
    tpu.wait_dma2 semaphore(%arg13 : memref<!tpu.dma_semaphore, #tpu.memory_space<semaphore_mem>>) src(%dma_wait3A_620 : memref<128xf32, #tpu.memory_space<hbm>>) dst(%dma_wait3A_619 : memref<128xf32, #tpu.memory_space<vmem>>)
    %dma_wait3A_621 = arith.constant 896 : i32
    %dma_wait3A_622 = tpu.memref_slice %arg7[%dma_wait3A_621] : memref<4096xf32, #tpu.memory_space<vmem>> -> memref<128xf32, #tpu.memory_space<vmem>>
    %dma_wait3A_623 = tpu.memref_slice %arg2[%add3A_32] : memref<131072xf32, #tpu.memory_space<hbm>> -> memref<128xf32, #tpu.memory_space<hbm>>
    %dma_wait3A_624 = arith.constant 896 : i32
    %dma_wait3A_625 = tpu.memref_slice %arg7[%dma_wait3A_624] : memref<4096xf32, #tpu.memory_space<vmem>> -> memref<128xf32, #tpu.memory_space<vmem>>
    %dma_wait3A_626 = tpu.memref_slice %arg2[%add3A_32] : memref<131072xf32, #tpu.memory_space<hbm>> -> memref<128xf32, #tpu.memory_space<hbm>>
    tpu.wait_dma2 semaphore(%arg13 : memref<!tpu.dma_semaphore, #tpu.memory_space<semaphore_mem>>) src(%dma_wait3A_626 : memref<128xf32, #tpu.memory_space<hbm>>) dst(%dma_wait3A_625 : memref<128xf32, #tpu.memory_space<vmem>>)
    %dma_wait3A_627 = arith.constant 1024 : i32
    %dma_wait3A_628 = tpu.memref_slice %arg7[%dma_wait3A_627] : memref<4096xf32, #tpu.memory_space<vmem>> -> memref<128xf32, #tpu.memory_space<vmem>>
    %dma_wait3A_629 = tpu.memref_slice %arg2[%add3A_36] : memref<131072xf32, #tpu.memory_space<hbm>> -> memref<128xf32, #tpu.memory_space<hbm>>
    %dma_wait3A_630 = arith.constant 1024 : i32
    %dma_wait3A_631 = tpu.memref_slice %arg7[%dma_wait3A_630] : memref<4096xf32, #tpu.memory_space<vmem>> -> memref<128xf32, #tpu.memory_space<vmem>>
    %dma_wait3A_632 = tpu.memref_slice %arg2[%add3A_36] : memref<131072xf32, #tpu.memory_space<hbm>> -> memref<128xf32, #tpu.memory_space<hbm>>
    tpu.wait_dma2 semaphore(%arg13 : memref<!tpu.dma_semaphore, #tpu.memory_space<semaphore_mem>>) src(%dma_wait3A_632 : memref<128xf32, #tpu.memory_space<hbm>>) dst(%dma_wait3A_631 : memref<128xf32, #tpu.memory_space<vmem>>)
    %dma_wait3A_633 = arith.constant 1152 : i32
    %dma_wait3A_634 = tpu.memref_slice %arg7[%dma_wait3A_633] : memref<4096xf32, #tpu.memory_space<vmem>> -> memref<128xf32, #tpu.memory_space<vmem>>
    %dma_wait3A_635 = tpu.memref_slice %arg2[%add3A_40] : memref<131072xf32, #tpu.memory_space<hbm>> -> memref<128xf32, #tpu.memory_space<hbm>>
    %dma_wait3A_636 = arith.constant 1152 : i32
    %dma_wait3A_637 = tpu.memref_slice %arg7[%dma_wait3A_636] : memref<4096xf32, #tpu.memory_space<vmem>> -> memref<128xf32, #tpu.memory_space<vmem>>
    %dma_wait3A_638 = tpu.memref_slice %arg2[%add3A_40] : memref<131072xf32, #tpu.memory_space<hbm>> -> memref<128xf32, #tpu.memory_space<hbm>>
    tpu.wait_dma2 semaphore(%arg13 : memref<!tpu.dma_semaphore, #tpu.memory_space<semaphore_mem>>) src(%dma_wait3A_638 : memref<128xf32, #tpu.memory_space<hbm>>) dst(%dma_wait3A_637 : memref<128xf32, #tpu.memory_space<vmem>>)
    %dma_wait3A_639 = arith.constant 1280 : i32
    %dma_wait3A_640 = tpu.memref_slice %arg7[%dma_wait3A_639] : memref<4096xf32, #tpu.memory_space<vmem>> -> memref<128xf32, #tpu.memory_space<vmem>>
    %dma_wait3A_641 = tpu.memref_slice %arg2[%add3A_44] : memref<131072xf32, #tpu.memory_space<hbm>> -> memref<128xf32, #tpu.memory_space<hbm>>
    %dma_wait3A_642 = arith.constant 1280 : i32
    %dma_wait3A_643 = tpu.memref_slice %arg7[%dma_wait3A_642] : memref<4096xf32, #tpu.memory_space<vmem>> -> memref<128xf32, #tpu.memory_space<vmem>>
    %dma_wait3A_644 = tpu.memref_slice %arg2[%add3A_44] : memref<131072xf32, #tpu.memory_space<hbm>> -> memref<128xf32, #tpu.memory_space<hbm>>
    tpu.wait_dma2 semaphore(%arg13 : memref<!tpu.dma_semaphore, #tpu.memory_space<semaphore_mem>>) src(%dma_wait3A_644 : memref<128xf32, #tpu.memory_space<hbm>>) dst(%dma_wait3A_643 : memref<128xf32, #tpu.memory_space<vmem>>)
    %dma_wait3A_645 = arith.constant 1408 : i32
    %dma_wait3A_646 = tpu.memref_slice %arg7[%dma_wait3A_645] : memref<4096xf32, #tpu.memory_space<vmem>> -> memref<128xf32, #tpu.memory_space<vmem>>
    %dma_wait3A_647 = tpu.memref_slice %arg2[%add3A_48] : memref<131072xf32, #tpu.memory_space<hbm>> -> memref<128xf32, #tpu.memory_space<hbm>>
    %dma_wait3A_648 = arith.constant 1408 : i32
    %dma_wait3A_649 = tpu.memref_slice %arg7[%dma_wait3A_648] : memref<4096xf32, #tpu.memory_space<vmem>> -> memref<128xf32, #tpu.memory_space<vmem>>
    %dma_wait3A_650 = tpu.memref_slice %arg2[%add3A_48] : memref<131072xf32, #tpu.memory_space<hbm>> -> memref<128xf32, #tpu.memory_space<hbm>>
    tpu.wait_dma2 semaphore(%arg13 : memref<!tpu.dma_semaphore, #tpu.memory_space<semaphore_mem>>) src(%dma_wait3A_650 : memref<128xf32, #tpu.memory_space<hbm>>) dst(%dma_wait3A_649 : memref<128xf32, #tpu.memory_space<vmem>>)
    %dma_wait3A_651 = arith.constant 1536 : i32
    %dma_wait3A_652 = tpu.memref_slice %arg7[%dma_wait3A_651] : memref<4096xf32, #tpu.memory_space<vmem>> -> memref<128xf32, #tpu.memory_space<vmem>>
    %dma_wait3A_653 = tpu.memref_slice %arg2[%add3A_52] : memref<131072xf32, #tpu.memory_space<hbm>> -> memref<128xf32, #tpu.memory_space<hbm>>
    %dma_wait3A_654 = arith.constant 1536 : i32
    %dma_wait3A_655 = tpu.memref_slice %arg7[%dma_wait3A_654] : memref<4096xf32, #tpu.memory_space<vmem>> -> memref<128xf32, #tpu.memory_space<vmem>>
    %dma_wait3A_656 = tpu.memref_slice %arg2[%add3A_52] : memref<131072xf32, #tpu.memory_space<hbm>> -> memref<128xf32, #tpu.memory_space<hbm>>
    tpu.wait_dma2 semaphore(%arg13 : memref<!tpu.dma_semaphore, #tpu.memory_space<semaphore_mem>>) src(%dma_wait3A_656 : memref<128xf32, #tpu.memory_space<hbm>>) dst(%dma_wait3A_655 : memref<128xf32, #tpu.memory_space<vmem>>)
    %dma_wait3A_657 = arith.constant 1664 : i32
    %dma_wait3A_658 = tpu.memref_slice %arg7[%dma_wait3A_657] : memref<4096xf32, #tpu.memory_space<vmem>> -> memref<128xf32, #tpu.memory_space<vmem>>
    %dma_wait3A_659 = tpu.memref_slice %arg2[%add3A_56] : memref<131072xf32, #tpu.memory_space<hbm>> -> memref<128xf32, #tpu.memory_space<hbm>>
    %dma_wait3A_660 = arith.constant 1664 : i32
    %dma_wait3A_661 = tpu.memref_slice %arg7[%dma_wait3A_660] : memref<4096xf32, #tpu.memory_space<vmem>> -> memref<128xf32, #tpu.memory_space<vmem>>
    %dma_wait3A_662 = tpu.memref_slice %arg2[%add3A_56] : memref<131072xf32, #tpu.memory_space<hbm>> -> memref<128xf32, #tpu.memory_space<hbm>>
    tpu.wait_dma2 semaphore(%arg13 : memref<!tpu.dma_semaphore, #tpu.memory_space<semaphore_mem>>) src(%dma_wait3A_662 : memref<128xf32, #tpu.memory_space<hbm>>) dst(%dma_wait3A_661 : memref<128xf32, #tpu.memory_space<vmem>>)
    %dma_wait3A_663 = arith.constant 1792 : i32
    %dma_wait3A_664 = tpu.memref_slice %arg7[%dma_wait3A_663] : memref<4096xf32, #tpu.memory_space<vmem>> -> memref<128xf32, #tpu.memory_space<vmem>>
    %dma_wait3A_665 = tpu.memref_slice %arg2[%add3A_60] : memref<131072xf32, #tpu.memory_space<hbm>> -> memref<128xf32, #tpu.memory_space<hbm>>
    %dma_wait3A_666 = arith.constant 1792 : i32
    %dma_wait3A_667 = tpu.memref_slice %arg7[%dma_wait3A_666] : memref<4096xf32, #tpu.memory_space<vmem>> -> memref<128xf32, #tpu.memory_space<vmem>>
    %dma_wait3A_668 = tpu.memref_slice %arg2[%add3A_60] : memref<131072xf32, #tpu.memory_space<hbm>> -> memref<128xf32, #tpu.memory_space<hbm>>
    tpu.wait_dma2 semaphore(%arg13 : memref<!tpu.dma_semaphore, #tpu.memory_space<semaphore_mem>>) src(%dma_wait3A_668 : memref<128xf32, #tpu.memory_space<hbm>>) dst(%dma_wait3A_667 : memref<128xf32, #tpu.memory_space<vmem>>)
    %dma_wait3A_669 = arith.constant 1920 : i32
    %dma_wait3A_670 = tpu.memref_slice %arg7[%dma_wait3A_669] : memref<4096xf32, #tpu.memory_space<vmem>> -> memref<128xf32, #tpu.memory_space<vmem>>
    %dma_wait3A_671 = tpu.memref_slice %arg2[%add3A_64] : memref<131072xf32, #tpu.memory_space<hbm>> -> memref<128xf32, #tpu.memory_space<hbm>>
    %dma_wait3A_672 = arith.constant 1920 : i32
    %dma_wait3A_673 = tpu.memref_slice %arg7[%dma_wait3A_672] : memref<4096xf32, #tpu.memory_space<vmem>> -> memref<128xf32, #tpu.memory_space<vmem>>
    %dma_wait3A_674 = tpu.memref_slice %arg2[%add3A_64] : memref<131072xf32, #tpu.memory_space<hbm>> -> memref<128xf32, #tpu.memory_space<hbm>>
    tpu.wait_dma2 semaphore(%arg13 : memref<!tpu.dma_semaphore, #tpu.memory_space<semaphore_mem>>) src(%dma_wait3A_674 : memref<128xf32, #tpu.memory_space<hbm>>) dst(%dma_wait3A_673 : memref<128xf32, #tpu.memory_space<vmem>>)
    %dma_wait3A_675 = arith.constant 2048 : i32
    %dma_wait3A_676 = tpu.memref_slice %arg7[%dma_wait3A_675] : memref<4096xf32, #tpu.memory_space<vmem>> -> memref<128xf32, #tpu.memory_space<vmem>>
    %dma_wait3A_677 = tpu.memref_slice %arg2[%add3A_68] : memref<131072xf32, #tpu.memory_space<hbm>> -> memref<128xf32, #tpu.memory_space<hbm>>
    %dma_wait3A_678 = arith.constant 2048 : i32
    %dma_wait3A_679 = tpu.memref_slice %arg7[%dma_wait3A_678] : memref<4096xf32, #tpu.memory_space<vmem>> -> memref<128xf32, #tpu.memory_space<vmem>>
    %dma_wait3A_680 = tpu.memref_slice %arg2[%add3A_68] : memref<131072xf32, #tpu.memory_space<hbm>> -> memref<128xf32, #tpu.memory_space<hbm>>
    tpu.wait_dma2 semaphore(%arg13 : memref<!tpu.dma_semaphore, #tpu.memory_space<semaphore_mem>>) src(%dma_wait3A_680 : memref<128xf32, #tpu.memory_space<hbm>>) dst(%dma_wait3A_679 : memref<128xf32, #tpu.memory_space<vmem>>)
    %dma_wait3A_681 = arith.constant 2176 : i32
    %dma_wait3A_682 = tpu.memref_slice %arg7[%dma_wait3A_681] : memref<4096xf32, #tpu.memory_space<vmem>> -> memref<128xf32, #tpu.memory_space<vmem>>
    %dma_wait3A_683 = tpu.memref_slice %arg2[%add3A_72] : memref<131072xf32, #tpu.memory_space<hbm>> -> memref<128xf32, #tpu.memory_space<hbm>>
    %dma_wait3A_684 = arith.constant 2176 : i32
    %dma_wait3A_685 = tpu.memref_slice %arg7[%dma_wait3A_684] : memref<4096xf32, #tpu.memory_space<vmem>> -> memref<128xf32, #tpu.memory_space<vmem>>
    %dma_wait3A_686 = tpu.memref_slice %arg2[%add3A_72] : memref<131072xf32, #tpu.memory_space<hbm>> -> memref<128xf32, #tpu.memory_space<hbm>>
    tpu.wait_dma2 semaphore(%arg13 : memref<!tpu.dma_semaphore, #tpu.memory_space<semaphore_mem>>) src(%dma_wait3A_686 : memref<128xf32, #tpu.memory_space<hbm>>) dst(%dma_wait3A_685 : memref<128xf32, #tpu.memory_space<vmem>>)
    %dma_wait3A_687 = arith.constant 2304 : i32
    %dma_wait3A_688 = tpu.memref_slice %arg7[%dma_wait3A_687] : memref<4096xf32, #tpu.memory_space<vmem>> -> memref<128xf32, #tpu.memory_space<vmem>>
    %dma_wait3A_689 = tpu.memref_slice %arg2[%add3A_76] : memref<131072xf32, #tpu.memory_space<hbm>> -> memref<128xf32, #tpu.memory_space<hbm>>
    %dma_wait3A_690 = arith.constant 2304 : i32
    %dma_wait3A_691 = tpu.memref_slice %arg7[%dma_wait3A_690] : memref<4096xf32, #tpu.memory_space<vmem>> -> memref<128xf32, #tpu.memory_space<vmem>>
    %dma_wait3A_692 = tpu.memref_slice %arg2[%add3A_76] : memref<131072xf32, #tpu.memory_space<hbm>> -> memref<128xf32, #tpu.memory_space<hbm>>
    tpu.wait_dma2 semaphore(%arg13 : memref<!tpu.dma_semaphore, #tpu.memory_space<semaphore_mem>>) src(%dma_wait3A_692 : memref<128xf32, #tpu.memory_space<hbm>>) dst(%dma_wait3A_691 : memref<128xf32, #tpu.memory_space<vmem>>)
    %dma_wait3A_693 = arith.constant 2432 : i32
    %dma_wait3A_694 = tpu.memref_slice %arg7[%dma_wait3A_693] : memref<4096xf32, #tpu.memory_space<vmem>> -> memref<128xf32, #tpu.memory_space<vmem>>
    %dma_wait3A_695 = tpu.memref_slice %arg2[%add3A_80] : memref<131072xf32, #tpu.memory_space<hbm>> -> memref<128xf32, #tpu.memory_space<hbm>>
    %dma_wait3A_696 = arith.constant 2432 : i32
    %dma_wait3A_697 = tpu.memref_slice %arg7[%dma_wait3A_696] : memref<4096xf32, #tpu.memory_space<vmem>> -> memref<128xf32, #tpu.memory_space<vmem>>
    %dma_wait3A_698 = tpu.memref_slice %arg2[%add3A_80] : memref<131072xf32, #tpu.memory_space<hbm>> -> memref<128xf32, #tpu.memory_space<hbm>>
    tpu.wait_dma2 semaphore(%arg13 : memref<!tpu.dma_semaphore, #tpu.memory_space<semaphore_mem>>) src(%dma_wait3A_698 : memref<128xf32, #tpu.memory_space<hbm>>) dst(%dma_wait3A_697 : memref<128xf32, #tpu.memory_space<vmem>>)
    %dma_wait3A_699 = arith.constant 2560 : i32
    %dma_wait3A_700 = tpu.memref_slice %arg7[%dma_wait3A_699] : memref<4096xf32, #tpu.memory_space<vmem>> -> memref<128xf32, #tpu.memory_space<vmem>>
    %dma_wait3A_701 = tpu.memref_slice %arg2[%add3A_84] : memref<131072xf32, #tpu.memory_space<hbm>> -> memref<128xf32, #tpu.memory_space<hbm>>
    %dma_wait3A_702 = arith.constant 2560 : i32
    %dma_wait3A_703 = tpu.memref_slice %arg7[%dma_wait3A_702] : memref<4096xf32, #tpu.memory_space<vmem>> -> memref<128xf32, #tpu.memory_space<vmem>>
    %dma_wait3A_704 = tpu.memref_slice %arg2[%add3A_84] : memref<131072xf32, #tpu.memory_space<hbm>> -> memref<128xf32, #tpu.memory_space<hbm>>
    tpu.wait_dma2 semaphore(%arg13 : memref<!tpu.dma_semaphore, #tpu.memory_space<semaphore_mem>>) src(%dma_wait3A_704 : memref<128xf32, #tpu.memory_space<hbm>>) dst(%dma_wait3A_703 : memref<128xf32, #tpu.memory_space<vmem>>)
    %dma_wait3A_705 = arith.constant 2688 : i32
    %dma_wait3A_706 = tpu.memref_slice %arg7[%dma_wait3A_705] : memref<4096xf32, #tpu.memory_space<vmem>> -> memref<128xf32, #tpu.memory_space<vmem>>
    %dma_wait3A_707 = tpu.memref_slice %arg2[%add3A_88] : memref<131072xf32, #tpu.memory_space<hbm>> -> memref<128xf32, #tpu.memory_space<hbm>>
    %dma_wait3A_708 = arith.constant 2688 : i32
    %dma_wait3A_709 = tpu.memref_slice %arg7[%dma_wait3A_708] : memref<4096xf32, #tpu.memory_space<vmem>> -> memref<128xf32, #tpu.memory_space<vmem>>
    %dma_wait3A_710 = tpu.memref_slice %arg2[%add3A_88] : memref<131072xf32, #tpu.memory_space<hbm>> -> memref<128xf32, #tpu.memory_space<hbm>>
    tpu.wait_dma2 semaphore(%arg13 : memref<!tpu.dma_semaphore, #tpu.memory_space<semaphore_mem>>) src(%dma_wait3A_710 : memref<128xf32, #tpu.memory_space<hbm>>) dst(%dma_wait3A_709 : memref<128xf32, #tpu.memory_space<vmem>>)
    %dma_wait3A_711 = arith.constant 2816 : i32
    %dma_wait3A_712 = tpu.memref_slice %arg7[%dma_wait3A_711] : memref<4096xf32, #tpu.memory_space<vmem>> -> memref<128xf32, #tpu.memory_space<vmem>>
    %dma_wait3A_713 = tpu.memref_slice %arg2[%add3A_92] : memref<131072xf32, #tpu.memory_space<hbm>> -> memref<128xf32, #tpu.memory_space<hbm>>
    %dma_wait3A_714 = arith.constant 2816 : i32
    %dma_wait3A_715 = tpu.memref_slice %arg7[%dma_wait3A_714] : memref<4096xf32, #tpu.memory_space<vmem>> -> memref<128xf32, #tpu.memory_space<vmem>>
    %dma_wait3A_716 = tpu.memref_slice %arg2[%add3A_92] : memref<131072xf32, #tpu.memory_space<hbm>> -> memref<128xf32, #tpu.memory_space<hbm>>
    tpu.wait_dma2 semaphore(%arg13 : memref<!tpu.dma_semaphore, #tpu.memory_space<semaphore_mem>>) src(%dma_wait3A_716 : memref<128xf32, #tpu.memory_space<hbm>>) dst(%dma_wait3A_715 : memref<128xf32, #tpu.memory_space<vmem>>)
    %dma_wait3A_717 = arith.constant 2944 : i32
    %dma_wait3A_718 = tpu.memref_slice %arg7[%dma_wait3A_717] : memref<4096xf32, #tpu.memory_space<vmem>> -> memref<128xf32, #tpu.memory_space<vmem>>
    %dma_wait3A_719 = tpu.memref_slice %arg2[%add3A_96] : memref<131072xf32, #tpu.memory_space<hbm>> -> memref<128xf32, #tpu.memory_space<hbm>>
    %dma_wait3A_720 = arith.constant 2944 : i32
    %dma_wait3A_721 = tpu.memref_slice %arg7[%dma_wait3A_720] : memref<4096xf32, #tpu.memory_space<vmem>> -> memref<128xf32, #tpu.memory_space<vmem>>
    %dma_wait3A_722 = tpu.memref_slice %arg2[%add3A_96] : memref<131072xf32, #tpu.memory_space<hbm>> -> memref<128xf32, #tpu.memory_space<hbm>>
    tpu.wait_dma2 semaphore(%arg13 : memref<!tpu.dma_semaphore, #tpu.memory_space<semaphore_mem>>) src(%dma_wait3A_722 : memref<128xf32, #tpu.memory_space<hbm>>) dst(%dma_wait3A_721 : memref<128xf32, #tpu.memory_space<vmem>>)
    %dma_wait3A_723 = arith.constant 3072 : i32
    %dma_wait3A_724 = tpu.memref_slice %arg7[%dma_wait3A_723] : memref<4096xf32, #tpu.memory_space<vmem>> -> memref<128xf32, #tpu.memory_space<vmem>>
    %dma_wait3A_725 = tpu.memref_slice %arg2[%add3A_100] : memref<131072xf32, #tpu.memory_space<hbm>> -> memref<128xf32, #tpu.memory_space<hbm>>
    %dma_wait3A_726 = arith.constant 3072 : i32
    %dma_wait3A_727 = tpu.memref_slice %arg7[%dma_wait3A_726] : memref<4096xf32, #tpu.memory_space<vmem>> -> memref<128xf32, #tpu.memory_space<vmem>>
    %dma_wait3A_728 = tpu.memref_slice %arg2[%add3A_100] : memref<131072xf32, #tpu.memory_space<hbm>> -> memref<128xf32, #tpu.memory_space<hbm>>
    tpu.wait_dma2 semaphore(%arg13 : memref<!tpu.dma_semaphore, #tpu.memory_space<semaphore_mem>>) src(%dma_wait3A_728 : memref<128xf32, #tpu.memory_space<hbm>>) dst(%dma_wait3A_727 : memref<128xf32, #tpu.memory_space<vmem>>)
    %dma_wait3A_729 = arith.constant 3200 : i32
    %dma_wait3A_730 = tpu.memref_slice %arg7[%dma_wait3A_729] : memref<4096xf32, #tpu.memory_space<vmem>> -> memref<128xf32, #tpu.memory_space<vmem>>
    %dma_wait3A_731 = tpu.memref_slice %arg2[%add3A_104] : memref<131072xf32, #tpu.memory_space<hbm>> -> memref<128xf32, #tpu.memory_space<hbm>>
    %dma_wait3A_732 = arith.constant 3200 : i32
    %dma_wait3A_733 = tpu.memref_slice %arg7[%dma_wait3A_732] : memref<4096xf32, #tpu.memory_space<vmem>> -> memref<128xf32, #tpu.memory_space<vmem>>
    %dma_wait3A_734 = tpu.memref_slice %arg2[%add3A_104] : memref<131072xf32, #tpu.memory_space<hbm>> -> memref<128xf32, #tpu.memory_space<hbm>>
    tpu.wait_dma2 semaphore(%arg13 : memref<!tpu.dma_semaphore, #tpu.memory_space<semaphore_mem>>) src(%dma_wait3A_734 : memref<128xf32, #tpu.memory_space<hbm>>) dst(%dma_wait3A_733 : memref<128xf32, #tpu.memory_space<vmem>>)
    %dma_wait3A_735 = arith.constant 3328 : i32
    %dma_wait3A_736 = tpu.memref_slice %arg7[%dma_wait3A_735] : memref<4096xf32, #tpu.memory_space<vmem>> -> memref<128xf32, #tpu.memory_space<vmem>>
    %dma_wait3A_737 = tpu.memref_slice %arg2[%add3A_108] : memref<131072xf32, #tpu.memory_space<hbm>> -> memref<128xf32, #tpu.memory_space<hbm>>
    %dma_wait3A_738 = arith.constant 3328 : i32
    %dma_wait3A_739 = tpu.memref_slice %arg7[%dma_wait3A_738] : memref<4096xf32, #tpu.memory_space<vmem>> -> memref<128xf32, #tpu.memory_space<vmem>>
    %dma_wait3A_740 = tpu.memref_slice %arg2[%add3A_108] : memref<131072xf32, #tpu.memory_space<hbm>> -> memref<128xf32, #tpu.memory_space<hbm>>
    tpu.wait_dma2 semaphore(%arg13 : memref<!tpu.dma_semaphore, #tpu.memory_space<semaphore_mem>>) src(%dma_wait3A_740 : memref<128xf32, #tpu.memory_space<hbm>>) dst(%dma_wait3A_739 : memref<128xf32, #tpu.memory_space<vmem>>)
    %dma_wait3A_741 = arith.constant 3456 : i32
    %dma_wait3A_742 = tpu.memref_slice %arg7[%dma_wait3A_741] : memref<4096xf32, #tpu.memory_space<vmem>> -> memref<128xf32, #tpu.memory_space<vmem>>
    %dma_wait3A_743 = tpu.memref_slice %arg2[%add3A_112] : memref<131072xf32, #tpu.memory_space<hbm>> -> memref<128xf32, #tpu.memory_space<hbm>>
    %dma_wait3A_744 = arith.constant 3456 : i32
    %dma_wait3A_745 = tpu.memref_slice %arg7[%dma_wait3A_744] : memref<4096xf32, #tpu.memory_space<vmem>> -> memref<128xf32, #tpu.memory_space<vmem>>
    %dma_wait3A_746 = tpu.memref_slice %arg2[%add3A_112] : memref<131072xf32, #tpu.memory_space<hbm>> -> memref<128xf32, #tpu.memory_space<hbm>>
    tpu.wait_dma2 semaphore(%arg13 : memref<!tpu.dma_semaphore, #tpu.memory_space<semaphore_mem>>) src(%dma_wait3A_746 : memref<128xf32, #tpu.memory_space<hbm>>) dst(%dma_wait3A_745 : memref<128xf32, #tpu.memory_space<vmem>>)
    %dma_wait3A_747 = arith.constant 3584 : i32
    %dma_wait3A_748 = tpu.memref_slice %arg7[%dma_wait3A_747] : memref<4096xf32, #tpu.memory_space<vmem>> -> memref<128xf32, #tpu.memory_space<vmem>>
    %dma_wait3A_749 = tpu.memref_slice %arg2[%add3A_116] : memref<131072xf32, #tpu.memory_space<hbm>> -> memref<128xf32, #tpu.memory_space<hbm>>
    %dma_wait3A_750 = arith.constant 3584 : i32
    %dma_wait3A_751 = tpu.memref_slice %arg7[%dma_wait3A_750] : memref<4096xf32, #tpu.memory_space<vmem>> -> memref<128xf32, #tpu.memory_space<vmem>>
    %dma_wait3A_752 = tpu.memref_slice %arg2[%add3A_116] : memref<131072xf32, #tpu.memory_space<hbm>> -> memref<128xf32, #tpu.memory_space<hbm>>
    tpu.wait_dma2 semaphore(%arg13 : memref<!tpu.dma_semaphore, #tpu.memory_space<semaphore_mem>>) src(%dma_wait3A_752 : memref<128xf32, #tpu.memory_space<hbm>>) dst(%dma_wait3A_751 : memref<128xf32, #tpu.memory_space<vmem>>)
    %dma_wait3A_753 = arith.constant 3712 : i32
    %dma_wait3A_754 = tpu.memref_slice %arg7[%dma_wait3A_753] : memref<4096xf32, #tpu.memory_space<vmem>> -> memref<128xf32, #tpu.memory_space<vmem>>
    %dma_wait3A_755 = tpu.memref_slice %arg2[%add3A_120] : memref<131072xf32, #tpu.memory_space<hbm>> -> memref<128xf32, #tpu.memory_space<hbm>>
    %dma_wait3A_756 = arith.constant 3712 : i32
    %dma_wait3A_757 = tpu.memref_slice %arg7[%dma_wait3A_756] : memref<4096xf32, #tpu.memory_space<vmem>> -> memref<128xf32, #tpu.memory_space<vmem>>
    %dma_wait3A_758 = tpu.memref_slice %arg2[%add3A_120] : memref<131072xf32, #tpu.memory_space<hbm>> -> memref<128xf32, #tpu.memory_space<hbm>>
    tpu.wait_dma2 semaphore(%arg13 : memref<!tpu.dma_semaphore, #tpu.memory_space<semaphore_mem>>) src(%dma_wait3A_758 : memref<128xf32, #tpu.memory_space<hbm>>) dst(%dma_wait3A_757 : memref<128xf32, #tpu.memory_space<vmem>>)
    %dma_wait3A_759 = arith.constant 3840 : i32
    %dma_wait3A_760 = tpu.memref_slice %arg7[%dma_wait3A_759] : memref<4096xf32, #tpu.memory_space<vmem>> -> memref<128xf32, #tpu.memory_space<vmem>>
    %dma_wait3A_761 = tpu.memref_slice %arg2[%add3A_124] : memref<131072xf32, #tpu.memory_space<hbm>> -> memref<128xf32, #tpu.memory_space<hbm>>
    %dma_wait3A_762 = arith.constant 3840 : i32
    %dma_wait3A_763 = tpu.memref_slice %arg7[%dma_wait3A_762] : memref<4096xf32, #tpu.memory_space<vmem>> -> memref<128xf32, #tpu.memory_space<vmem>>
    %dma_wait3A_764 = tpu.memref_slice %arg2[%add3A_124] : memref<131072xf32, #tpu.memory_space<hbm>> -> memref<128xf32, #tpu.memory_space<hbm>>
    tpu.wait_dma2 semaphore(%arg13 : memref<!tpu.dma_semaphore, #tpu.memory_space<semaphore_mem>>) src(%dma_wait3A_764 : memref<128xf32, #tpu.memory_space<hbm>>) dst(%dma_wait3A_763 : memref<128xf32, #tpu.memory_space<vmem>>)
    %dma_wait3A_765 = arith.constant 3968 : i32
    %dma_wait3A_766 = tpu.memref_slice %arg7[%dma_wait3A_765] : memref<4096xf32, #tpu.memory_space<vmem>> -> memref<128xf32, #tpu.memory_space<vmem>>
    %dma_wait3A_767 = tpu.memref_slice %arg2[%add3A_128] : memref<131072xf32, #tpu.memory_space<hbm>> -> memref<128xf32, #tpu.memory_space<hbm>>
    %dma_wait3A_768 = arith.constant 3968 : i32
    %dma_wait3A_769 = tpu.memref_slice %arg7[%dma_wait3A_768] : memref<4096xf32, #tpu.memory_space<vmem>> -> memref<128xf32, #tpu.memory_space<vmem>>
    %dma_wait3A_770 = tpu.memref_slice %arg2[%add3A_128] : memref<131072xf32, #tpu.memory_space<hbm>> -> memref<128xf32, #tpu.memory_space<hbm>>
    tpu.wait_dma2 semaphore(%arg13 : memref<!tpu.dma_semaphore, #tpu.memory_space<semaphore_mem>>) src(%dma_wait3A_770 : memref<128xf32, #tpu.memory_space<hbm>>) dst(%dma_wait3A_769 : memref<128xf32, #tpu.memory_space<vmem>>)
    %dma_wait3A_771 = arith.constant 0 : i32
    %dma_wait3A_772 = tpu.memref_slice %arg8[%dma_wait3A_771] : memref<3328xi32, #tpu.memory_space<vmem>> -> memref<128xi32, #tpu.memory_space<vmem>>
    %dma_wait3A_773 = tpu.memref_slice %arg3[%add3A_132] : memref<106496xi32, #tpu.memory_space<hbm>> -> memref<128xi32, #tpu.memory_space<hbm>>
    %dma_wait3A_774 = arith.constant 0 : i32
    %dma_wait3A_775 = tpu.memref_slice %arg8[%dma_wait3A_774] : memref<3328xi32, #tpu.memory_space<vmem>> -> memref<128xi32, #tpu.memory_space<vmem>>
    %dma_wait3A_776 = tpu.memref_slice %arg3[%add3A_132] : memref<106496xi32, #tpu.memory_space<hbm>> -> memref<128xi32, #tpu.memory_space<hbm>>
    tpu.wait_dma2 semaphore(%arg13 : memref<!tpu.dma_semaphore, #tpu.memory_space<semaphore_mem>>) src(%dma_wait3A_776 : memref<128xi32, #tpu.memory_space<hbm>>) dst(%dma_wait3A_775 : memref<128xi32, #tpu.memory_space<vmem>>)
    %dma_wait3A_777 = arith.constant 128 : i32
    %dma_wait3A_778 = tpu.memref_slice %arg8[%dma_wait3A_777] : memref<3328xi32, #tpu.memory_space<vmem>> -> memref<128xi32, #tpu.memory_space<vmem>>
    %dma_wait3A_779 = tpu.memref_slice %arg3[%add3A_136] : memref<106496xi32, #tpu.memory_space<hbm>> -> memref<128xi32, #tpu.memory_space<hbm>>
    %dma_wait3A_780 = arith.constant 128 : i32
    %dma_wait3A_781 = tpu.memref_slice %arg8[%dma_wait3A_780] : memref<3328xi32, #tpu.memory_space<vmem>> -> memref<128xi32, #tpu.memory_space<vmem>>
    %dma_wait3A_782 = tpu.memref_slice %arg3[%add3A_136] : memref<106496xi32, #tpu.memory_space<hbm>> -> memref<128xi32, #tpu.memory_space<hbm>>
    tpu.wait_dma2 semaphore(%arg13 : memref<!tpu.dma_semaphore, #tpu.memory_space<semaphore_mem>>) src(%dma_wait3A_782 : memref<128xi32, #tpu.memory_space<hbm>>) dst(%dma_wait3A_781 : memref<128xi32, #tpu.memory_space<vmem>>)
    %dma_wait3A_783 = arith.constant 256 : i32
    %dma_wait3A_784 = tpu.memref_slice %arg8[%dma_wait3A_783] : memref<3328xi32, #tpu.memory_space<vmem>> -> memref<128xi32, #tpu.memory_space<vmem>>
    %dma_wait3A_785 = tpu.memref_slice %arg3[%add3A_140] : memref<106496xi32, #tpu.memory_space<hbm>> -> memref<128xi32, #tpu.memory_space<hbm>>
    %dma_wait3A_786 = arith.constant 256 : i32
    %dma_wait3A_787 = tpu.memref_slice %arg8[%dma_wait3A_786] : memref<3328xi32, #tpu.memory_space<vmem>> -> memref<128xi32, #tpu.memory_space<vmem>>
    %dma_wait3A_788 = tpu.memref_slice %arg3[%add3A_140] : memref<106496xi32, #tpu.memory_space<hbm>> -> memref<128xi32, #tpu.memory_space<hbm>>
    tpu.wait_dma2 semaphore(%arg13 : memref<!tpu.dma_semaphore, #tpu.memory_space<semaphore_mem>>) src(%dma_wait3A_788 : memref<128xi32, #tpu.memory_space<hbm>>) dst(%dma_wait3A_787 : memref<128xi32, #tpu.memory_space<vmem>>)
    %dma_wait3A_789 = arith.constant 384 : i32
    %dma_wait3A_790 = tpu.memref_slice %arg8[%dma_wait3A_789] : memref<3328xi32, #tpu.memory_space<vmem>> -> memref<128xi32, #tpu.memory_space<vmem>>
    %dma_wait3A_791 = tpu.memref_slice %arg3[%add3A_144] : memref<106496xi32, #tpu.memory_space<hbm>> -> memref<128xi32, #tpu.memory_space<hbm>>
    %dma_wait3A_792 = arith.constant 384 : i32
    %dma_wait3A_793 = tpu.memref_slice %arg8[%dma_wait3A_792] : memref<3328xi32, #tpu.memory_space<vmem>> -> memref<128xi32, #tpu.memory_space<vmem>>
    %dma_wait3A_794 = tpu.memref_slice %arg3[%add3A_144] : memref<106496xi32, #tpu.memory_space<hbm>> -> memref<128xi32, #tpu.memory_space<hbm>>
    tpu.wait_dma2 semaphore(%arg13 : memref<!tpu.dma_semaphore, #tpu.memory_space<semaphore_mem>>) src(%dma_wait3A_794 : memref<128xi32, #tpu.memory_space<hbm>>) dst(%dma_wait3A_793 : memref<128xi32, #tpu.memory_space<vmem>>)
    %dma_wait3A_795 = arith.constant 512 : i32
    %dma_wait3A_796 = tpu.memref_slice %arg8[%dma_wait3A_795] : memref<3328xi32, #tpu.memory_space<vmem>> -> memref<128xi32, #tpu.memory_space<vmem>>
    %dma_wait3A_797 = tpu.memref_slice %arg3[%add3A_148] : memref<106496xi32, #tpu.memory_space<hbm>> -> memref<128xi32, #tpu.memory_space<hbm>>
    %dma_wait3A_798 = arith.constant 512 : i32
    %dma_wait3A_799 = tpu.memref_slice %arg8[%dma_wait3A_798] : memref<3328xi32, #tpu.memory_space<vmem>> -> memref<128xi32, #tpu.memory_space<vmem>>
    %dma_wait3A_800 = tpu.memref_slice %arg3[%add3A_148] : memref<106496xi32, #tpu.memory_space<hbm>> -> memref<128xi32, #tpu.memory_space<hbm>>
    tpu.wait_dma2 semaphore(%arg13 : memref<!tpu.dma_semaphore, #tpu.memory_space<semaphore_mem>>) src(%dma_wait3A_800 : memref<128xi32, #tpu.memory_space<hbm>>) dst(%dma_wait3A_799 : memref<128xi32, #tpu.memory_space<vmem>>)
    %dma_wait3A_801 = arith.constant 640 : i32
    %dma_wait3A_802 = tpu.memref_slice %arg8[%dma_wait3A_801] : memref<3328xi32, #tpu.memory_space<vmem>> -> memref<128xi32, #tpu.memory_space<vmem>>
    %dma_wait3A_803 = tpu.memref_slice %arg3[%add3A_152] : memref<106496xi32, #tpu.memory_space<hbm>> -> memref<128xi32, #tpu.memory_space<hbm>>
    %dma_wait3A_804 = arith.constant 640 : i32
    %dma_wait3A_805 = tpu.memref_slice %arg8[%dma_wait3A_804] : memref<3328xi32, #tpu.memory_space<vmem>> -> memref<128xi32, #tpu.memory_space<vmem>>
    %dma_wait3A_806 = tpu.memref_slice %arg3[%add3A_152] : memref<106496xi32, #tpu.memory_space<hbm>> -> memref<128xi32, #tpu.memory_space<hbm>>
    tpu.wait_dma2 semaphore(%arg13 : memref<!tpu.dma_semaphore, #tpu.memory_space<semaphore_mem>>) src(%dma_wait3A_806 : memref<128xi32, #tpu.memory_space<hbm>>) dst(%dma_wait3A_805 : memref<128xi32, #tpu.memory_space<vmem>>)
    %dma_wait3A_807 = arith.constant 768 : i32
    %dma_wait3A_808 = tpu.memref_slice %arg8[%dma_wait3A_807] : memref<3328xi32, #tpu.memory_space<vmem>> -> memref<128xi32, #tpu.memory_space<vmem>>
    %dma_wait3A_809 = tpu.memref_slice %arg3[%add3A_156] : memref<106496xi32, #tpu.memory_space<hbm>> -> memref<128xi32, #tpu.memory_space<hbm>>
    %dma_wait3A_810 = arith.constant 768 : i32
    %dma_wait3A_811 = tpu.memref_slice %arg8[%dma_wait3A_810] : memref<3328xi32, #tpu.memory_space<vmem>> -> memref<128xi32, #tpu.memory_space<vmem>>
    %dma_wait3A_812 = tpu.memref_slice %arg3[%add3A_156] : memref<106496xi32, #tpu.memory_space<hbm>> -> memref<128xi32, #tpu.memory_space<hbm>>
    tpu.wait_dma2 semaphore(%arg13 : memref<!tpu.dma_semaphore, #tpu.memory_space<semaphore_mem>>) src(%dma_wait3A_812 : memref<128xi32, #tpu.memory_space<hbm>>) dst(%dma_wait3A_811 : memref<128xi32, #tpu.memory_space<vmem>>)
    %dma_wait3A_813 = arith.constant 896 : i32
    %dma_wait3A_814 = tpu.memref_slice %arg8[%dma_wait3A_813] : memref<3328xi32, #tpu.memory_space<vmem>> -> memref<128xi32, #tpu.memory_space<vmem>>
    %dma_wait3A_815 = tpu.memref_slice %arg3[%add3A_160] : memref<106496xi32, #tpu.memory_space<hbm>> -> memref<128xi32, #tpu.memory_space<hbm>>
    %dma_wait3A_816 = arith.constant 896 : i32
    %dma_wait3A_817 = tpu.memref_slice %arg8[%dma_wait3A_816] : memref<3328xi32, #tpu.memory_space<vmem>> -> memref<128xi32, #tpu.memory_space<vmem>>
    %dma_wait3A_818 = tpu.memref_slice %arg3[%add3A_160] : memref<106496xi32, #tpu.memory_space<hbm>> -> memref<128xi32, #tpu.memory_space<hbm>>
    tpu.wait_dma2 semaphore(%arg13 : memref<!tpu.dma_semaphore, #tpu.memory_space<semaphore_mem>>) src(%dma_wait3A_818 : memref<128xi32, #tpu.memory_space<hbm>>) dst(%dma_wait3A_817 : memref<128xi32, #tpu.memory_space<vmem>>)
    %dma_wait3A_819 = arith.constant 1024 : i32
    %dma_wait3A_820 = tpu.memref_slice %arg8[%dma_wait3A_819] : memref<3328xi32, #tpu.memory_space<vmem>> -> memref<128xi32, #tpu.memory_space<vmem>>
    %dma_wait3A_821 = tpu.memref_slice %arg3[%add3A_164] : memref<106496xi32, #tpu.memory_space<hbm>> -> memref<128xi32, #tpu.memory_space<hbm>>
    %dma_wait3A_822 = arith.constant 1024 : i32
    %dma_wait3A_823 = tpu.memref_slice %arg8[%dma_wait3A_822] : memref<3328xi32, #tpu.memory_space<vmem>> -> memref<128xi32, #tpu.memory_space<vmem>>
    %dma_wait3A_824 = tpu.memref_slice %arg3[%add3A_164] : memref<106496xi32, #tpu.memory_space<hbm>> -> memref<128xi32, #tpu.memory_space<hbm>>
    tpu.wait_dma2 semaphore(%arg13 : memref<!tpu.dma_semaphore, #tpu.memory_space<semaphore_mem>>) src(%dma_wait3A_824 : memref<128xi32, #tpu.memory_space<hbm>>) dst(%dma_wait3A_823 : memref<128xi32, #tpu.memory_space<vmem>>)
    %dma_wait3A_825 = arith.constant 1152 : i32
    %dma_wait3A_826 = tpu.memref_slice %arg8[%dma_wait3A_825] : memref<3328xi32, #tpu.memory_space<vmem>> -> memref<128xi32, #tpu.memory_space<vmem>>
    %dma_wait3A_827 = tpu.memref_slice %arg3[%add3A_168] : memref<106496xi32, #tpu.memory_space<hbm>> -> memref<128xi32, #tpu.memory_space<hbm>>
    %dma_wait3A_828 = arith.constant 1152 : i32
    %dma_wait3A_829 = tpu.memref_slice %arg8[%dma_wait3A_828] : memref<3328xi32, #tpu.memory_space<vmem>> -> memref<128xi32, #tpu.memory_space<vmem>>
    %dma_wait3A_830 = tpu.memref_slice %arg3[%add3A_168] : memref<106496xi32, #tpu.memory_space<hbm>> -> memref<128xi32, #tpu.memory_space<hbm>>
    tpu.wait_dma2 semaphore(%arg13 : memref<!tpu.dma_semaphore, #tpu.memory_space<semaphore_mem>>) src(%dma_wait3A_830 : memref<128xi32, #tpu.memory_space<hbm>>) dst(%dma_wait3A_829 : memref<128xi32, #tpu.memory_space<vmem>>)
    %dma_wait3A_831 = arith.constant 1280 : i32
    %dma_wait3A_832 = tpu.memref_slice %arg8[%dma_wait3A_831] : memref<3328xi32, #tpu.memory_space<vmem>> -> memref<128xi32, #tpu.memory_space<vmem>>
    %dma_wait3A_833 = tpu.memref_slice %arg3[%add3A_172] : memref<106496xi32, #tpu.memory_space<hbm>> -> memref<128xi32, #tpu.memory_space<hbm>>
    %dma_wait3A_834 = arith.constant 1280 : i32
    %dma_wait3A_835 = tpu.memref_slice %arg8[%dma_wait3A_834] : memref<3328xi32, #tpu.memory_space<vmem>> -> memref<128xi32, #tpu.memory_space<vmem>>
    %dma_wait3A_836 = tpu.memref_slice %arg3[%add3A_172] : memref<106496xi32, #tpu.memory_space<hbm>> -> memref<128xi32, #tpu.memory_space<hbm>>
    tpu.wait_dma2 semaphore(%arg13 : memref<!tpu.dma_semaphore, #tpu.memory_space<semaphore_mem>>) src(%dma_wait3A_836 : memref<128xi32, #tpu.memory_space<hbm>>) dst(%dma_wait3A_835 : memref<128xi32, #tpu.memory_space<vmem>>)
    %dma_wait3A_837 = arith.constant 1408 : i32
    %dma_wait3A_838 = tpu.memref_slice %arg8[%dma_wait3A_837] : memref<3328xi32, #tpu.memory_space<vmem>> -> memref<128xi32, #tpu.memory_space<vmem>>
    %dma_wait3A_839 = tpu.memref_slice %arg3[%add3A_176] : memref<106496xi32, #tpu.memory_space<hbm>> -> memref<128xi32, #tpu.memory_space<hbm>>
    %dma_wait3A_840 = arith.constant 1408 : i32
    %dma_wait3A_841 = tpu.memref_slice %arg8[%dma_wait3A_840] : memref<3328xi32, #tpu.memory_space<vmem>> -> memref<128xi32, #tpu.memory_space<vmem>>
    %dma_wait3A_842 = tpu.memref_slice %arg3[%add3A_176] : memref<106496xi32, #tpu.memory_space<hbm>> -> memref<128xi32, #tpu.memory_space<hbm>>
    tpu.wait_dma2 semaphore(%arg13 : memref<!tpu.dma_semaphore, #tpu.memory_space<semaphore_mem>>) src(%dma_wait3A_842 : memref<128xi32, #tpu.memory_space<hbm>>) dst(%dma_wait3A_841 : memref<128xi32, #tpu.memory_space<vmem>>)
    %dma_wait3A_843 = arith.constant 1536 : i32
    %dma_wait3A_844 = tpu.memref_slice %arg8[%dma_wait3A_843] : memref<3328xi32, #tpu.memory_space<vmem>> -> memref<128xi32, #tpu.memory_space<vmem>>
    %dma_wait3A_845 = tpu.memref_slice %arg3[%add3A_180] : memref<106496xi32, #tpu.memory_space<hbm>> -> memref<128xi32, #tpu.memory_space<hbm>>
    %dma_wait3A_846 = arith.constant 1536 : i32
    %dma_wait3A_847 = tpu.memref_slice %arg8[%dma_wait3A_846] : memref<3328xi32, #tpu.memory_space<vmem>> -> memref<128xi32, #tpu.memory_space<vmem>>
    %dma_wait3A_848 = tpu.memref_slice %arg3[%add3A_180] : memref<106496xi32, #tpu.memory_space<hbm>> -> memref<128xi32, #tpu.memory_space<hbm>>
    tpu.wait_dma2 semaphore(%arg13 : memref<!tpu.dma_semaphore, #tpu.memory_space<semaphore_mem>>) src(%dma_wait3A_848 : memref<128xi32, #tpu.memory_space<hbm>>) dst(%dma_wait3A_847 : memref<128xi32, #tpu.memory_space<vmem>>)
    %dma_wait3A_849 = arith.constant 1664 : i32
    %dma_wait3A_850 = tpu.memref_slice %arg8[%dma_wait3A_849] : memref<3328xi32, #tpu.memory_space<vmem>> -> memref<128xi32, #tpu.memory_space<vmem>>
    %dma_wait3A_851 = tpu.memref_slice %arg3[%add3A_184] : memref<106496xi32, #tpu.memory_space<hbm>> -> memref<128xi32, #tpu.memory_space<hbm>>
    %dma_wait3A_852 = arith.constant 1664 : i32
    %dma_wait3A_853 = tpu.memref_slice %arg8[%dma_wait3A_852] : memref<3328xi32, #tpu.memory_space<vmem>> -> memref<128xi32, #tpu.memory_space<vmem>>
    %dma_wait3A_854 = tpu.memref_slice %arg3[%add3A_184] : memref<106496xi32, #tpu.memory_space<hbm>> -> memref<128xi32, #tpu.memory_space<hbm>>
    tpu.wait_dma2 semaphore(%arg13 : memref<!tpu.dma_semaphore, #tpu.memory_space<semaphore_mem>>) src(%dma_wait3A_854 : memref<128xi32, #tpu.memory_space<hbm>>) dst(%dma_wait3A_853 : memref<128xi32, #tpu.memory_space<vmem>>)
    %dma_wait3A_855 = arith.constant 1792 : i32
    %dma_wait3A_856 = tpu.memref_slice %arg8[%dma_wait3A_855] : memref<3328xi32, #tpu.memory_space<vmem>> -> memref<128xi32, #tpu.memory_space<vmem>>
    %dma_wait3A_857 = tpu.memref_slice %arg3[%add3A_188] : memref<106496xi32, #tpu.memory_space<hbm>> -> memref<128xi32, #tpu.memory_space<hbm>>
    %dma_wait3A_858 = arith.constant 1792 : i32
    %dma_wait3A_859 = tpu.memref_slice %arg8[%dma_wait3A_858] : memref<3328xi32, #tpu.memory_space<vmem>> -> memref<128xi32, #tpu.memory_space<vmem>>
    %dma_wait3A_860 = tpu.memref_slice %arg3[%add3A_188] : memref<106496xi32, #tpu.memory_space<hbm>> -> memref<128xi32, #tpu.memory_space<hbm>>
    tpu.wait_dma2 semaphore(%arg13 : memref<!tpu.dma_semaphore, #tpu.memory_space<semaphore_mem>>) src(%dma_wait3A_860 : memref<128xi32, #tpu.memory_space<hbm>>) dst(%dma_wait3A_859 : memref<128xi32, #tpu.memory_space<vmem>>)
    %dma_wait3A_861 = arith.constant 1920 : i32
    %dma_wait3A_862 = tpu.memref_slice %arg8[%dma_wait3A_861] : memref<3328xi32, #tpu.memory_space<vmem>> -> memref<128xi32, #tpu.memory_space<vmem>>
    %dma_wait3A_863 = tpu.memref_slice %arg3[%add3A_192] : memref<106496xi32, #tpu.memory_space<hbm>> -> memref<128xi32, #tpu.memory_space<hbm>>
    %dma_wait3A_864 = arith.constant 1920 : i32
    %dma_wait3A_865 = tpu.memref_slice %arg8[%dma_wait3A_864] : memref<3328xi32, #tpu.memory_space<vmem>> -> memref<128xi32, #tpu.memory_space<vmem>>
    %dma_wait3A_866 = tpu.memref_slice %arg3[%add3A_192] : memref<106496xi32, #tpu.memory_space<hbm>> -> memref<128xi32, #tpu.memory_space<hbm>>
    tpu.wait_dma2 semaphore(%arg13 : memref<!tpu.dma_semaphore, #tpu.memory_space<semaphore_mem>>) src(%dma_wait3A_866 : memref<128xi32, #tpu.memory_space<hbm>>) dst(%dma_wait3A_865 : memref<128xi32, #tpu.memory_space<vmem>>)
    %dma_wait3A_867 = arith.constant 2048 : i32
    %dma_wait3A_868 = tpu.memref_slice %arg8[%dma_wait3A_867] : memref<3328xi32, #tpu.memory_space<vmem>> -> memref<128xi32, #tpu.memory_space<vmem>>
    %dma_wait3A_869 = tpu.memref_slice %arg3[%add3A_196] : memref<106496xi32, #tpu.memory_space<hbm>> -> memref<128xi32, #tpu.memory_space<hbm>>
    %dma_wait3A_870 = arith.constant 2048 : i32
    %dma_wait3A_871 = tpu.memref_slice %arg8[%dma_wait3A_870] : memref<3328xi32, #tpu.memory_space<vmem>> -> memref<128xi32, #tpu.memory_space<vmem>>
    %dma_wait3A_872 = tpu.memref_slice %arg3[%add3A_196] : memref<106496xi32, #tpu.memory_space<hbm>> -> memref<128xi32, #tpu.memory_space<hbm>>
    tpu.wait_dma2 semaphore(%arg13 : memref<!tpu.dma_semaphore, #tpu.memory_space<semaphore_mem>>) src(%dma_wait3A_872 : memref<128xi32, #tpu.memory_space<hbm>>) dst(%dma_wait3A_871 : memref<128xi32, #tpu.memory_space<vmem>>)
    %dma_wait3A_873 = arith.constant 2176 : i32
    %dma_wait3A_874 = tpu.memref_slice %arg8[%dma_wait3A_873] : memref<3328xi32, #tpu.memory_space<vmem>> -> memref<128xi32, #tpu.memory_space<vmem>>
    %dma_wait3A_875 = tpu.memref_slice %arg3[%add3A_200] : memref<106496xi32, #tpu.memory_space<hbm>> -> memref<128xi32, #tpu.memory_space<hbm>>
    %dma_wait3A_876 = arith.constant 2176 : i32
    %dma_wait3A_877 = tpu.memref_slice %arg8[%dma_wait3A_876] : memref<3328xi32, #tpu.memory_space<vmem>> -> memref<128xi32, #tpu.memory_space<vmem>>
    %dma_wait3A_878 = tpu.memref_slice %arg3[%add3A_200] : memref<106496xi32, #tpu.memory_space<hbm>> -> memref<128xi32, #tpu.memory_space<hbm>>
    tpu.wait_dma2 semaphore(%arg13 : memref<!tpu.dma_semaphore, #tpu.memory_space<semaphore_mem>>) src(%dma_wait3A_878 : memref<128xi32, #tpu.memory_space<hbm>>) dst(%dma_wait3A_877 : memref<128xi32, #tpu.memory_space<vmem>>)
    %dma_wait3A_879 = arith.constant 2304 : i32
    %dma_wait3A_880 = tpu.memref_slice %arg8[%dma_wait3A_879] : memref<3328xi32, #tpu.memory_space<vmem>> -> memref<128xi32, #tpu.memory_space<vmem>>
    %dma_wait3A_881 = tpu.memref_slice %arg3[%add3A_204] : memref<106496xi32, #tpu.memory_space<hbm>> -> memref<128xi32, #tpu.memory_space<hbm>>
    %dma_wait3A_882 = arith.constant 2304 : i32
    %dma_wait3A_883 = tpu.memref_slice %arg8[%dma_wait3A_882] : memref<3328xi32, #tpu.memory_space<vmem>> -> memref<128xi32, #tpu.memory_space<vmem>>
    %dma_wait3A_884 = tpu.memref_slice %arg3[%add3A_204] : memref<106496xi32, #tpu.memory_space<hbm>> -> memref<128xi32, #tpu.memory_space<hbm>>
    tpu.wait_dma2 semaphore(%arg13 : memref<!tpu.dma_semaphore, #tpu.memory_space<semaphore_mem>>) src(%dma_wait3A_884 : memref<128xi32, #tpu.memory_space<hbm>>) dst(%dma_wait3A_883 : memref<128xi32, #tpu.memory_space<vmem>>)
    %dma_wait3A_885 = arith.constant 2432 : i32
    %dma_wait3A_886 = tpu.memref_slice %arg8[%dma_wait3A_885] : memref<3328xi32, #tpu.memory_space<vmem>> -> memref<128xi32, #tpu.memory_space<vmem>>
    %dma_wait3A_887 = tpu.memref_slice %arg3[%add3A_208] : memref<106496xi32, #tpu.memory_space<hbm>> -> memref<128xi32, #tpu.memory_space<hbm>>
    %dma_wait3A_888 = arith.constant 2432 : i32
    %dma_wait3A_889 = tpu.memref_slice %arg8[%dma_wait3A_888] : memref<3328xi32, #tpu.memory_space<vmem>> -> memref<128xi32, #tpu.memory_space<vmem>>
    %dma_wait3A_890 = tpu.memref_slice %arg3[%add3A_208] : memref<106496xi32, #tpu.memory_space<hbm>> -> memref<128xi32, #tpu.memory_space<hbm>>
    tpu.wait_dma2 semaphore(%arg13 : memref<!tpu.dma_semaphore, #tpu.memory_space<semaphore_mem>>) src(%dma_wait3A_890 : memref<128xi32, #tpu.memory_space<hbm>>) dst(%dma_wait3A_889 : memref<128xi32, #tpu.memory_space<vmem>>)
    %dma_wait3A_891 = arith.constant 2560 : i32
    %dma_wait3A_892 = tpu.memref_slice %arg8[%dma_wait3A_891] : memref<3328xi32, #tpu.memory_space<vmem>> -> memref<128xi32, #tpu.memory_space<vmem>>
    %dma_wait3A_893 = tpu.memref_slice %arg3[%add3A_212] : memref<106496xi32, #tpu.memory_space<hbm>> -> memref<128xi32, #tpu.memory_space<hbm>>
    %dma_wait3A_894 = arith.constant 2560 : i32
    %dma_wait3A_895 = tpu.memref_slice %arg8[%dma_wait3A_894] : memref<3328xi32, #tpu.memory_space<vmem>> -> memref<128xi32, #tpu.memory_space<vmem>>
    %dma_wait3A_896 = tpu.memref_slice %arg3[%add3A_212] : memref<106496xi32, #tpu.memory_space<hbm>> -> memref<128xi32, #tpu.memory_space<hbm>>
    tpu.wait_dma2 semaphore(%arg13 : memref<!tpu.dma_semaphore, #tpu.memory_space<semaphore_mem>>) src(%dma_wait3A_896 : memref<128xi32, #tpu.memory_space<hbm>>) dst(%dma_wait3A_895 : memref<128xi32, #tpu.memory_space<vmem>>)
    %dma_wait3A_897 = arith.constant 2688 : i32
    %dma_wait3A_898 = tpu.memref_slice %arg8[%dma_wait3A_897] : memref<3328xi32, #tpu.memory_space<vmem>> -> memref<128xi32, #tpu.memory_space<vmem>>
    %dma_wait3A_899 = tpu.memref_slice %arg3[%add3A_216] : memref<106496xi32, #tpu.memory_space<hbm>> -> memref<128xi32, #tpu.memory_space<hbm>>
    %dma_wait3A_900 = arith.constant 2688 : i32
    %dma_wait3A_901 = tpu.memref_slice %arg8[%dma_wait3A_900] : memref<3328xi32, #tpu.memory_space<vmem>> -> memref<128xi32, #tpu.memory_space<vmem>>
    %dma_wait3A_902 = tpu.memref_slice %arg3[%add3A_216] : memref<106496xi32, #tpu.memory_space<hbm>> -> memref<128xi32, #tpu.memory_space<hbm>>
    tpu.wait_dma2 semaphore(%arg13 : memref<!tpu.dma_semaphore, #tpu.memory_space<semaphore_mem>>) src(%dma_wait3A_902 : memref<128xi32, #tpu.memory_space<hbm>>) dst(%dma_wait3A_901 : memref<128xi32, #tpu.memory_space<vmem>>)
    %dma_wait3A_903 = arith.constant 2816 : i32
    %dma_wait3A_904 = tpu.memref_slice %arg8[%dma_wait3A_903] : memref<3328xi32, #tpu.memory_space<vmem>> -> memref<128xi32, #tpu.memory_space<vmem>>
    %dma_wait3A_905 = tpu.memref_slice %arg3[%add3A_220] : memref<106496xi32, #tpu.memory_space<hbm>> -> memref<128xi32, #tpu.memory_space<hbm>>
    %dma_wait3A_906 = arith.constant 2816 : i32
    %dma_wait3A_907 = tpu.memref_slice %arg8[%dma_wait3A_906] : memref<3328xi32, #tpu.memory_space<vmem>> -> memref<128xi32, #tpu.memory_space<vmem>>
    %dma_wait3A_908 = tpu.memref_slice %arg3[%add3A_220] : memref<106496xi32, #tpu.memory_space<hbm>> -> memref<128xi32, #tpu.memory_space<hbm>>
    tpu.wait_dma2 semaphore(%arg13 : memref<!tpu.dma_semaphore, #tpu.memory_space<semaphore_mem>>) src(%dma_wait3A_908 : memref<128xi32, #tpu.memory_space<hbm>>) dst(%dma_wait3A_907 : memref<128xi32, #tpu.memory_space<vmem>>)
    %dma_wait3A_909 = arith.constant 2944 : i32
    %dma_wait3A_910 = tpu.memref_slice %arg8[%dma_wait3A_909] : memref<3328xi32, #tpu.memory_space<vmem>> -> memref<128xi32, #tpu.memory_space<vmem>>
    %dma_wait3A_911 = tpu.memref_slice %arg3[%add3A_224] : memref<106496xi32, #tpu.memory_space<hbm>> -> memref<128xi32, #tpu.memory_space<hbm>>
    %dma_wait3A_912 = arith.constant 2944 : i32
    %dma_wait3A_913 = tpu.memref_slice %arg8[%dma_wait3A_912] : memref<3328xi32, #tpu.memory_space<vmem>> -> memref<128xi32, #tpu.memory_space<vmem>>
    %dma_wait3A_914 = tpu.memref_slice %arg3[%add3A_224] : memref<106496xi32, #tpu.memory_space<hbm>> -> memref<128xi32, #tpu.memory_space<hbm>>
    tpu.wait_dma2 semaphore(%arg13 : memref<!tpu.dma_semaphore, #tpu.memory_space<semaphore_mem>>) src(%dma_wait3A_914 : memref<128xi32, #tpu.memory_space<hbm>>) dst(%dma_wait3A_913 : memref<128xi32, #tpu.memory_space<vmem>>)
    %dma_wait3A_915 = arith.constant 3072 : i32
    %dma_wait3A_916 = tpu.memref_slice %arg8[%dma_wait3A_915] : memref<3328xi32, #tpu.memory_space<vmem>> -> memref<128xi32, #tpu.memory_space<vmem>>
    %dma_wait3A_917 = tpu.memref_slice %arg3[%add3A_228] : memref<106496xi32, #tpu.memory_space<hbm>> -> memref<128xi32, #tpu.memory_space<hbm>>
    %dma_wait3A_918 = arith.constant 3072 : i32
    %dma_wait3A_919 = tpu.memref_slice %arg8[%dma_wait3A_918] : memref<3328xi32, #tpu.memory_space<vmem>> -> memref<128xi32, #tpu.memory_space<vmem>>
    %dma_wait3A_920 = tpu.memref_slice %arg3[%add3A_228] : memref<106496xi32, #tpu.memory_space<hbm>> -> memref<128xi32, #tpu.memory_space<hbm>>
    tpu.wait_dma2 semaphore(%arg13 : memref<!tpu.dma_semaphore, #tpu.memory_space<semaphore_mem>>) src(%dma_wait3A_920 : memref<128xi32, #tpu.memory_space<hbm>>) dst(%dma_wait3A_919 : memref<128xi32, #tpu.memory_space<vmem>>)
    %dma_wait3A_921 = arith.constant 3200 : i32
    %dma_wait3A_922 = tpu.memref_slice %arg8[%dma_wait3A_921] : memref<3328xi32, #tpu.memory_space<vmem>> -> memref<128xi32, #tpu.memory_space<vmem>>
    %dma_wait3A_923 = tpu.memref_slice %arg3[%add3A_232] : memref<106496xi32, #tpu.memory_space<hbm>> -> memref<128xi32, #tpu.memory_space<hbm>>
    %dma_wait3A_924 = arith.constant 3200 : i32
    %dma_wait3A_925 = tpu.memref_slice %arg8[%dma_wait3A_924] : memref<3328xi32, #tpu.memory_space<vmem>> -> memref<128xi32, #tpu.memory_space<vmem>>
    %dma_wait3A_926 = tpu.memref_slice %arg3[%add3A_232] : memref<106496xi32, #tpu.memory_space<hbm>> -> memref<128xi32, #tpu.memory_space<hbm>>
    tpu.wait_dma2 semaphore(%arg13 : memref<!tpu.dma_semaphore, #tpu.memory_space<semaphore_mem>>) src(%dma_wait3A_926 : memref<128xi32, #tpu.memory_space<hbm>>) dst(%dma_wait3A_925 : memref<128xi32, #tpu.memory_space<vmem>>)
    %scan3A = arith.constant 0 : i32
    %scan3A_927 = arith.constant 0 : i32
    %scan3A_928 = arith.constant 26 : i32
    %scan3A_929 = arith.addi %scan3A_927, %scan3A_928 : i32
    %scan3A_930 = arith.constant 1 : i32
    scf.for %scan3A_1253 = %scan3A_927 to %scan3A_929 step %scan3A_930  : i32 {
      %scan3A_1254 = arith.constant 0 : i32
      %scan3A_1255 = arith.constant 0 : i32
      %scan3A_1256 = arith.constant 8 : i32
      %scan3A_1257 = arith.addi %scan3A_1255, %scan3A_1256 : i32
      %scan3A_1258 = arith.constant 1 : i32
      scf.for %scan3A_1260 = %scan3A_1255 to %scan3A_1257 step %scan3A_1258  : i32 {
        %mul3A_1261 = arith.constant 128 : i32
        %mul3A_1262 = arith.muli %scan3A_1253, %mul3A_1261 : i32
        %mul3A_1263 = arith.constant 16 : i32
        %mul3A_1264 = arith.muli %scan3A_1260, %mul3A_1263 : i32
        %add3A_1265 = arith.addi %mul3A_1262, %mul3A_1264 : i32
        %mul3A_1266 = arith.constant 100000 : i32
        %mul3A_1267 = arith.muli %scan3A_1253, %mul3A_1266 : i32
        %get3A_1268 = arith.index_cast %add3A_1265 : i32 to index
        %get3A_1269 = tpu.vector_load %arg8[%get3A_1268] {strides = array<i32>} : memref<3328xi32, #tpu.memory_space<vmem>>, vector<16xi32>,
        %add3A_1270 = vector.broadcast %mul3A_1267 : i32 to vector<16xi32>
        %add3A_1271 = arith.addi %add3A_1270, %get3A_1269 : vector<16xi32>
        %swap3A = arith.index_cast %add3A_1265 : i32 to index
        %swap3A_1272 = tpu.vector_load %arg9[%swap3A] {strides = array<i32>} : memref<3328xi32, #tpu.memory_space<vmem>>, vector<16xi32>,
        tpu.vector_store %arg9[%swap3A], %add3A_1271 {strides = array<i32>} : memref<3328xi32, #tpu.memory_space<vmem>>, vector<16xi32>,
      }
      %scan3A_1259 = arith.constant 8 : i32
    }
    %scan3A_931 = arith.constant 26 : i32
    %dma_start3A_932 = arith.constant 0 : i32
    %dma_start3A_933 = tpu.memref_slice %arg10[%dma_start3A_932] : memref<3328xf32, #tpu.memory_space<vmem>> -> memref<128xf32, #tpu.memory_space<vmem>>
    %dma_start3A_934 = arith.constant 0 : i32
    %dma_start3A_935 = tpu.memref_slice %arg9[%dma_start3A_934] : memref<3328xi32, #tpu.memory_space<vmem>> -> memref<128xi32, #tpu.memory_space<vmem>>
    %dma_start3A_936 = arith.constant 0 : i32
    %dma_start3A_937 = tpu.memref_slice %arg4[%dma_start3A_936] : memref<2600000xf32, #tpu.memory_space<hbm>> -> memref<2600000xf32, #tpu.memory_space<hbm>>
    tpu.enqueue_indirect_dma source(%dma_start3A_937 : memref<2600000xf32, #tpu.memory_space<hbm>>) target(%dma_start3A_933 : memref<128xf32, #tpu.memory_space<vmem>>) offsets(%dma_start3A_935 : memref<128xi32, #tpu.memory_space<vmem>>) semaphore(%arg14 : memref<!tpu.dma_semaphore, #tpu.memory_space<semaphore_mem>>)
    %dma_start3A_938 = arith.constant 128 : i32
    %dma_start3A_939 = tpu.memref_slice %arg10[%dma_start3A_938] : memref<3328xf32, #tpu.memory_space<vmem>> -> memref<128xf32, #tpu.memory_space<vmem>>
    %dma_start3A_940 = arith.constant 128 : i32
    %dma_start3A_941 = tpu.memref_slice %arg9[%dma_start3A_940] : memref<3328xi32, #tpu.memory_space<vmem>> -> memref<128xi32, #tpu.memory_space<vmem>>
    %dma_start3A_942 = arith.constant 0 : i32
    %dma_start3A_943 = tpu.memref_slice %arg4[%dma_start3A_942] : memref<2600000xf32, #tpu.memory_space<hbm>> -> memref<2600000xf32, #tpu.memory_space<hbm>>
    tpu.enqueue_indirect_dma source(%dma_start3A_943 : memref<2600000xf32, #tpu.memory_space<hbm>>) target(%dma_start3A_939 : memref<128xf32, #tpu.memory_space<vmem>>) offsets(%dma_start3A_941 : memref<128xi32, #tpu.memory_space<vmem>>) semaphore(%arg14 : memref<!tpu.dma_semaphore, #tpu.memory_space<semaphore_mem>>)
    %dma_start3A_944 = arith.constant 256 : i32
    %dma_start3A_945 = tpu.memref_slice %arg10[%dma_start3A_944] : memref<3328xf32, #tpu.memory_space<vmem>> -> memref<128xf32, #tpu.memory_space<vmem>>
    %dma_start3A_946 = arith.constant 256 : i32
    %dma_start3A_947 = tpu.memref_slice %arg9[%dma_start3A_946] : memref<3328xi32, #tpu.memory_space<vmem>> -> memref<128xi32, #tpu.memory_space<vmem>>
    %dma_start3A_948 = arith.constant 0 : i32
    %dma_start3A_949 = tpu.memref_slice %arg4[%dma_start3A_948] : memref<2600000xf32, #tpu.memory_space<hbm>> -> memref<2600000xf32, #tpu.memory_space<hbm>>
    tpu.enqueue_indirect_dma source(%dma_start3A_949 : memref<2600000xf32, #tpu.memory_space<hbm>>) target(%dma_start3A_945 : memref<128xf32, #tpu.memory_space<vmem>>) offsets(%dma_start3A_947 : memref<128xi32, #tpu.memory_space<vmem>>) semaphore(%arg14 : memref<!tpu.dma_semaphore, #tpu.memory_space<semaphore_mem>>)
    %dma_start3A_950 = arith.constant 384 : i32
    %dma_start3A_951 = tpu.memref_slice %arg10[%dma_start3A_950] : memref<3328xf32, #tpu.memory_space<vmem>> -> memref<128xf32, #tpu.memory_space<vmem>>
    %dma_start3A_952 = arith.constant 384 : i32
    %dma_start3A_953 = tpu.memref_slice %arg9[%dma_start3A_952] : memref<3328xi32, #tpu.memory_space<vmem>> -> memref<128xi32, #tpu.memory_space<vmem>>
    %dma_start3A_954 = arith.constant 0 : i32
    %dma_start3A_955 = tpu.memref_slice %arg4[%dma_start3A_954] : memref<2600000xf32, #tpu.memory_space<hbm>> -> memref<2600000xf32, #tpu.memory_space<hbm>>
    tpu.enqueue_indirect_dma source(%dma_start3A_955 : memref<2600000xf32, #tpu.memory_space<hbm>>) target(%dma_start3A_951 : memref<128xf32, #tpu.memory_space<vmem>>) offsets(%dma_start3A_953 : memref<128xi32, #tpu.memory_space<vmem>>) semaphore(%arg14 : memref<!tpu.dma_semaphore, #tpu.memory_space<semaphore_mem>>)
    %dma_start3A_956 = arith.constant 512 : i32
    %dma_start3A_957 = tpu.memref_slice %arg10[%dma_start3A_956] : memref<3328xf32, #tpu.memory_space<vmem>> -> memref<128xf32, #tpu.memory_space<vmem>>
    %dma_start3A_958 = arith.constant 512 : i32
    %dma_start3A_959 = tpu.memref_slice %arg9[%dma_start3A_958] : memref<3328xi32, #tpu.memory_space<vmem>> -> memref<128xi32, #tpu.memory_space<vmem>>
    %dma_start3A_960 = arith.constant 0 : i32
    %dma_start3A_961 = tpu.memref_slice %arg4[%dma_start3A_960] : memref<2600000xf32, #tpu.memory_space<hbm>> -> memref<2600000xf32, #tpu.memory_space<hbm>>
    tpu.enqueue_indirect_dma source(%dma_start3A_961 : memref<2600000xf32, #tpu.memory_space<hbm>>) target(%dma_start3A_957 : memref<128xf32, #tpu.memory_space<vmem>>) offsets(%dma_start3A_959 : memref<128xi32, #tpu.memory_space<vmem>>) semaphore(%arg14 : memref<!tpu.dma_semaphore, #tpu.memory_space<semaphore_mem>>)
    %dma_start3A_962 = arith.constant 640 : i32
    %dma_start3A_963 = tpu.memref_slice %arg10[%dma_start3A_962] : memref<3328xf32, #tpu.memory_space<vmem>> -> memref<128xf32, #tpu.memory_space<vmem>>
    %dma_start3A_964 = arith.constant 640 : i32
    %dma_start3A_965 = tpu.memref_slice %arg9[%dma_start3A_964] : memref<3328xi32, #tpu.memory_space<vmem>> -> memref<128xi32, #tpu.memory_space<vmem>>
    %dma_start3A_966 = arith.constant 0 : i32
    %dma_start3A_967 = tpu.memref_slice %arg4[%dma_start3A_966] : memref<2600000xf32, #tpu.memory_space<hbm>> -> memref<2600000xf32, #tpu.memory_space<hbm>>
    tpu.enqueue_indirect_dma source(%dma_start3A_967 : memref<2600000xf32, #tpu.memory_space<hbm>>) target(%dma_start3A_963 : memref<128xf32, #tpu.memory_space<vmem>>) offsets(%dma_start3A_965 : memref<128xi32, #tpu.memory_space<vmem>>) semaphore(%arg14 : memref<!tpu.dma_semaphore, #tpu.memory_space<semaphore_mem>>)
    %dma_start3A_968 = arith.constant 768 : i32
    %dma_start3A_969 = tpu.memref_slice %arg10[%dma_start3A_968] : memref<3328xf32, #tpu.memory_space<vmem>> -> memref<128xf32, #tpu.memory_space<vmem>>
    %dma_start3A_970 = arith.constant 768 : i32
    %dma_start3A_971 = tpu.memref_slice %arg9[%dma_start3A_970] : memref<3328xi32, #tpu.memory_space<vmem>> -> memref<128xi32, #tpu.memory_space<vmem>>
    %dma_start3A_972 = arith.constant 0 : i32
    %dma_start3A_973 = tpu.memref_slice %arg4[%dma_start3A_972] : memref<2600000xf32, #tpu.memory_space<hbm>> -> memref<2600000xf32, #tpu.memory_space<hbm>>
    tpu.enqueue_indirect_dma source(%dma_start3A_973 : memref<2600000xf32, #tpu.memory_space<hbm>>) target(%dma_start3A_969 : memref<128xf32, #tpu.memory_space<vmem>>) offsets(%dma_start3A_971 : memref<128xi32, #tpu.memory_space<vmem>>) semaphore(%arg14 : memref<!tpu.dma_semaphore, #tpu.memory_space<semaphore_mem>>)
    %dma_start3A_974 = arith.constant 896 : i32
    %dma_start3A_975 = tpu.memref_slice %arg10[%dma_start3A_974] : memref<3328xf32, #tpu.memory_space<vmem>> -> memref<128xf32, #tpu.memory_space<vmem>>
    %dma_start3A_976 = arith.constant 896 : i32
    %dma_start3A_977 = tpu.memref_slice %arg9[%dma_start3A_976] : memref<3328xi32, #tpu.memory_space<vmem>> -> memref<128xi32, #tpu.memory_space<vmem>>
    %dma_start3A_978 = arith.constant 0 : i32
    %dma_start3A_979 = tpu.memref_slice %arg4[%dma_start3A_978] : memref<2600000xf32, #tpu.memory_space<hbm>> -> memref<2600000xf32, #tpu.memory_space<hbm>>
    tpu.enqueue_indirect_dma source(%dma_start3A_979 : memref<2600000xf32, #tpu.memory_space<hbm>>) target(%dma_start3A_975 : memref<128xf32, #tpu.memory_space<vmem>>) offsets(%dma_start3A_977 : memref<128xi32, #tpu.memory_space<vmem>>) semaphore(%arg14 : memref<!tpu.dma_semaphore, #tpu.memory_space<semaphore_mem>>)
    %dma_start3A_980 = arith.constant 1024 : i32
    %dma_start3A_981 = tpu.memref_slice %arg10[%dma_start3A_980] : memref<3328xf32, #tpu.memory_space<vmem>> -> memref<128xf32, #tpu.memory_space<vmem>>
    %dma_start3A_982 = arith.constant 1024 : i32
    %dma_start3A_983 = tpu.memref_slice %arg9[%dma_start3A_982] : memref<3328xi32, #tpu.memory_space<vmem>> -> memref<128xi32, #tpu.memory_space<vmem>>
    %dma_start3A_984 = arith.constant 0 : i32
    %dma_start3A_985 = tpu.memref_slice %arg4[%dma_start3A_984] : memref<2600000xf32, #tpu.memory_space<hbm>> -> memref<2600000xf32, #tpu.memory_space<hbm>>
    tpu.enqueue_indirect_dma source(%dma_start3A_985 : memref<2600000xf32, #tpu.memory_space<hbm>>) target(%dma_start3A_981 : memref<128xf32, #tpu.memory_space<vmem>>) offsets(%dma_start3A_983 : memref<128xi32, #tpu.memory_space<vmem>>) semaphore(%arg14 : memref<!tpu.dma_semaphore, #tpu.memory_space<semaphore_mem>>)
    %dma_start3A_986 = arith.constant 1152 : i32
    %dma_start3A_987 = tpu.memref_slice %arg10[%dma_start3A_986] : memref<3328xf32, #tpu.memory_space<vmem>> -> memref<128xf32, #tpu.memory_space<vmem>>
    %dma_start3A_988 = arith.constant 1152 : i32
    %dma_start3A_989 = tpu.memref_slice %arg9[%dma_start3A_988] : memref<3328xi32, #tpu.memory_space<vmem>> -> memref<128xi32, #tpu.memory_space<vmem>>
    %dma_start3A_990 = arith.constant 0 : i32
    %dma_start3A_991 = tpu.memref_slice %arg4[%dma_start3A_990] : memref<2600000xf32, #tpu.memory_space<hbm>> -> memref<2600000xf32, #tpu.memory_space<hbm>>
    tpu.enqueue_indirect_dma source(%dma_start3A_991 : memref<2600000xf32, #tpu.memory_space<hbm>>) target(%dma_start3A_987 : memref<128xf32, #tpu.memory_space<vmem>>) offsets(%dma_start3A_989 : memref<128xi32, #tpu.memory_space<vmem>>) semaphore(%arg14 : memref<!tpu.dma_semaphore, #tpu.memory_space<semaphore_mem>>)
    %dma_start3A_992 = arith.constant 1280 : i32
    %dma_start3A_993 = tpu.memref_slice %arg10[%dma_start3A_992] : memref<3328xf32, #tpu.memory_space<vmem>> -> memref<128xf32, #tpu.memory_space<vmem>>
    %dma_start3A_994 = arith.constant 1280 : i32
    %dma_start3A_995 = tpu.memref_slice %arg9[%dma_start3A_994] : memref<3328xi32, #tpu.memory_space<vmem>> -> memref<128xi32, #tpu.memory_space<vmem>>
    %dma_start3A_996 = arith.constant 0 : i32
    %dma_start3A_997 = tpu.memref_slice %arg4[%dma_start3A_996] : memref<2600000xf32, #tpu.memory_space<hbm>> -> memref<2600000xf32, #tpu.memory_space<hbm>>
    tpu.enqueue_indirect_dma source(%dma_start3A_997 : memref<2600000xf32, #tpu.memory_space<hbm>>) target(%dma_start3A_993 : memref<128xf32, #tpu.memory_space<vmem>>) offsets(%dma_start3A_995 : memref<128xi32, #tpu.memory_space<vmem>>) semaphore(%arg14 : memref<!tpu.dma_semaphore, #tpu.memory_space<semaphore_mem>>)
    %dma_start3A_998 = arith.constant 1408 : i32
    %dma_start3A_999 = tpu.memref_slice %arg10[%dma_start3A_998] : memref<3328xf32, #tpu.memory_space<vmem>> -> memref<128xf32, #tpu.memory_space<vmem>>
    %dma_start3A_1000 = arith.constant 1408 : i32
    %dma_start3A_1001 = tpu.memref_slice %arg9[%dma_start3A_1000] : memref<3328xi32, #tpu.memory_space<vmem>> -> memref<128xi32, #tpu.memory_space<vmem>>
    %dma_start3A_1002 = arith.constant 0 : i32
    %dma_start3A_1003 = tpu.memref_slice %arg4[%dma_start3A_1002] : memref<2600000xf32, #tpu.memory_space<hbm>> -> memref<2600000xf32, #tpu.memory_space<hbm>>
    tpu.enqueue_indirect_dma source(%dma_start3A_1003 : memref<2600000xf32, #tpu.memory_space<hbm>>) target(%dma_start3A_999 : memref<128xf32, #tpu.memory_space<vmem>>) offsets(%dma_start3A_1001 : memref<128xi32, #tpu.memory_space<vmem>>) semaphore(%arg14 : memref<!tpu.dma_semaphore, #tpu.memory_space<semaphore_mem>>)
    %dma_start3A_1004 = arith.constant 1536 : i32
    %dma_start3A_1005 = tpu.memref_slice %arg10[%dma_start3A_1004] : memref<3328xf32, #tpu.memory_space<vmem>> -> memref<128xf32, #tpu.memory_space<vmem>>
    %dma_start3A_1006 = arith.constant 1536 : i32
    %dma_start3A_1007 = tpu.memref_slice %arg9[%dma_start3A_1006] : memref<3328xi32, #tpu.memory_space<vmem>> -> memref<128xi32, #tpu.memory_space<vmem>>
    %dma_start3A_1008 = arith.constant 0 : i32
    %dma_start3A_1009 = tpu.memref_slice %arg4[%dma_start3A_1008] : memref<2600000xf32, #tpu.memory_space<hbm>> -> memref<2600000xf32, #tpu.memory_space<hbm>>
    tpu.enqueue_indirect_dma source(%dma_start3A_1009 : memref<2600000xf32, #tpu.memory_space<hbm>>) target(%dma_start3A_1005 : memref<128xf32, #tpu.memory_space<vmem>>) offsets(%dma_start3A_1007 : memref<128xi32, #tpu.memory_space<vmem>>) semaphore(%arg14 : memref<!tpu.dma_semaphore, #tpu.memory_space<semaphore_mem>>)
    %dma_start3A_1010 = arith.constant 1664 : i32
    %dma_start3A_1011 = tpu.memref_slice %arg10[%dma_start3A_1010] : memref<3328xf32, #tpu.memory_space<vmem>> -> memref<128xf32, #tpu.memory_space<vmem>>
    %dma_start3A_1012 = arith.constant 1664 : i32
    %dma_start3A_1013 = tpu.memref_slice %arg9[%dma_start3A_1012] : memref<3328xi32, #tpu.memory_space<vmem>> -> memref<128xi32, #tpu.memory_space<vmem>>
    %dma_start3A_1014 = arith.constant 0 : i32
    %dma_start3A_1015 = tpu.memref_slice %arg4[%dma_start3A_1014] : memref<2600000xf32, #tpu.memory_space<hbm>> -> memref<2600000xf32, #tpu.memory_space<hbm>>
    tpu.enqueue_indirect_dma source(%dma_start3A_1015 : memref<2600000xf32, #tpu.memory_space<hbm>>) target(%dma_start3A_1011 : memref<128xf32, #tpu.memory_space<vmem>>) offsets(%dma_start3A_1013 : memref<128xi32, #tpu.memory_space<vmem>>) semaphore(%arg14 : memref<!tpu.dma_semaphore, #tpu.memory_space<semaphore_mem>>)
    %dma_start3A_1016 = arith.constant 1792 : i32
    %dma_start3A_1017 = tpu.memref_slice %arg10[%dma_start3A_1016] : memref<3328xf32, #tpu.memory_space<vmem>> -> memref<128xf32, #tpu.memory_space<vmem>>
    %dma_start3A_1018 = arith.constant 1792 : i32
    %dma_start3A_1019 = tpu.memref_slice %arg9[%dma_start3A_1018] : memref<3328xi32, #tpu.memory_space<vmem>> -> memref<128xi32, #tpu.memory_space<vmem>>
    %dma_start3A_1020 = arith.constant 0 : i32
    %dma_start3A_1021 = tpu.memref_slice %arg4[%dma_start3A_1020] : memref<2600000xf32, #tpu.memory_space<hbm>> -> memref<2600000xf32, #tpu.memory_space<hbm>>
    tpu.enqueue_indirect_dma source(%dma_start3A_1021 : memref<2600000xf32, #tpu.memory_space<hbm>>) target(%dma_start3A_1017 : memref<128xf32, #tpu.memory_space<vmem>>) offsets(%dma_start3A_1019 : memref<128xi32, #tpu.memory_space<vmem>>) semaphore(%arg14 : memref<!tpu.dma_semaphore, #tpu.memory_space<semaphore_mem>>)
    %dma_start3A_1022 = arith.constant 1920 : i32
    %dma_start3A_1023 = tpu.memref_slice %arg10[%dma_start3A_1022] : memref<3328xf32, #tpu.memory_space<vmem>> -> memref<128xf32, #tpu.memory_space<vmem>>
    %dma_start3A_1024 = arith.constant 1920 : i32
    %dma_start3A_1025 = tpu.memref_slice %arg9[%dma_start3A_1024] : memref<3328xi32, #tpu.memory_space<vmem>> -> memref<128xi32, #tpu.memory_space<vmem>>
    %dma_start3A_1026 = arith.constant 0 : i32
    %dma_start3A_1027 = tpu.memref_slice %arg4[%dma_start3A_1026] : memref<2600000xf32, #tpu.memory_space<hbm>> -> memref<2600000xf32, #tpu.memory_space<hbm>>
    tpu.enqueue_indirect_dma source(%dma_start3A_1027 : memref<2600000xf32, #tpu.memory_space<hbm>>) target(%dma_start3A_1023 : memref<128xf32, #tpu.memory_space<vmem>>) offsets(%dma_start3A_1025 : memref<128xi32, #tpu.memory_space<vmem>>) semaphore(%arg14 : memref<!tpu.dma_semaphore, #tpu.memory_space<semaphore_mem>>)
    %dma_start3A_1028 = arith.constant 2048 : i32
    %dma_start3A_1029 = tpu.memref_slice %arg10[%dma_start3A_1028] : memref<3328xf32, #tpu.memory_space<vmem>> -> memref<128xf32, #tpu.memory_space<vmem>>
    %dma_start3A_1030 = arith.constant 2048 : i32
    %dma_start3A_1031 = tpu.memref_slice %arg9[%dma_start3A_1030] : memref<3328xi32, #tpu.memory_space<vmem>> -> memref<128xi32, #tpu.memory_space<vmem>>
    %dma_start3A_1032 = arith.constant 0 : i32
    %dma_start3A_1033 = tpu.memref_slice %arg4[%dma_start3A_1032] : memref<2600000xf32, #tpu.memory_space<hbm>> -> memref<2600000xf32, #tpu.memory_space<hbm>>
    tpu.enqueue_indirect_dma source(%dma_start3A_1033 : memref<2600000xf32, #tpu.memory_space<hbm>>) target(%dma_start3A_1029 : memref<128xf32, #tpu.memory_space<vmem>>) offsets(%dma_start3A_1031 : memref<128xi32, #tpu.memory_space<vmem>>) semaphore(%arg14 : memref<!tpu.dma_semaphore, #tpu.memory_space<semaphore_mem>>)
    %dma_start3A_1034 = arith.constant 2176 : i32
    %dma_start3A_1035 = tpu.memref_slice %arg10[%dma_start3A_1034] : memref<3328xf32, #tpu.memory_space<vmem>> -> memref<128xf32, #tpu.memory_space<vmem>>
    %dma_start3A_1036 = arith.constant 2176 : i32
    %dma_start3A_1037 = tpu.memref_slice %arg9[%dma_start3A_1036] : memref<3328xi32, #tpu.memory_space<vmem>> -> memref<128xi32, #tpu.memory_space<vmem>>
    %dma_start3A_1038 = arith.constant 0 : i32
    %dma_start3A_1039 = tpu.memref_slice %arg4[%dma_start3A_1038] : memref<2600000xf32, #tpu.memory_space<hbm>> -> memref<2600000xf32, #tpu.memory_space<hbm>>
    tpu.enqueue_indirect_dma source(%dma_start3A_1039 : memref<2600000xf32, #tpu.memory_space<hbm>>) target(%dma_start3A_1035 : memref<128xf32, #tpu.memory_space<vmem>>) offsets(%dma_start3A_1037 : memref<128xi32, #tpu.memory_space<vmem>>) semaphore(%arg14 : memref<!tpu.dma_semaphore, #tpu.memory_space<semaphore_mem>>)
    %dma_start3A_1040 = arith.constant 2304 : i32
    %dma_start3A_1041 = tpu.memref_slice %arg10[%dma_start3A_1040] : memref<3328xf32, #tpu.memory_space<vmem>> -> memref<128xf32, #tpu.memory_space<vmem>>
    %dma_start3A_1042 = arith.constant 2304 : i32
    %dma_start3A_1043 = tpu.memref_slice %arg9[%dma_start3A_1042] : memref<3328xi32, #tpu.memory_space<vmem>> -> memref<128xi32, #tpu.memory_space<vmem>>
    %dma_start3A_1044 = arith.constant 0 : i32
    %dma_start3A_1045 = tpu.memref_slice %arg4[%dma_start3A_1044] : memref<2600000xf32, #tpu.memory_space<hbm>> -> memref<2600000xf32, #tpu.memory_space<hbm>>
    tpu.enqueue_indirect_dma source(%dma_start3A_1045 : memref<2600000xf32, #tpu.memory_space<hbm>>) target(%dma_start3A_1041 : memref<128xf32, #tpu.memory_space<vmem>>) offsets(%dma_start3A_1043 : memref<128xi32, #tpu.memory_space<vmem>>) semaphore(%arg14 : memref<!tpu.dma_semaphore, #tpu.memory_space<semaphore_mem>>)
    %dma_start3A_1046 = arith.constant 2432 : i32
    %dma_start3A_1047 = tpu.memref_slice %arg10[%dma_start3A_1046] : memref<3328xf32, #tpu.memory_space<vmem>> -> memref<128xf32, #tpu.memory_space<vmem>>
    %dma_start3A_1048 = arith.constant 2432 : i32
    %dma_start3A_1049 = tpu.memref_slice %arg9[%dma_start3A_1048] : memref<3328xi32, #tpu.memory_space<vmem>> -> memref<128xi32, #tpu.memory_space<vmem>>
    %dma_start3A_1050 = arith.constant 0 : i32
    %dma_start3A_1051 = tpu.memref_slice %arg4[%dma_start3A_1050] : memref<2600000xf32, #tpu.memory_space<hbm>> -> memref<2600000xf32, #tpu.memory_space<hbm>>
    tpu.enqueue_indirect_dma source(%dma_start3A_1051 : memref<2600000xf32, #tpu.memory_space<hbm>>) target(%dma_start3A_1047 : memref<128xf32, #tpu.memory_space<vmem>>) offsets(%dma_start3A_1049 : memref<128xi32, #tpu.memory_space<vmem>>) semaphore(%arg14 : memref<!tpu.dma_semaphore, #tpu.memory_space<semaphore_mem>>)
    %dma_start3A_1052 = arith.constant 2560 : i32
    %dma_start3A_1053 = tpu.memref_slice %arg10[%dma_start3A_1052] : memref<3328xf32, #tpu.memory_space<vmem>> -> memref<128xf32, #tpu.memory_space<vmem>>
    %dma_start3A_1054 = arith.constant 2560 : i32
    %dma_start3A_1055 = tpu.memref_slice %arg9[%dma_start3A_1054] : memref<3328xi32, #tpu.memory_space<vmem>> -> memref<128xi32, #tpu.memory_space<vmem>>
    %dma_start3A_1056 = arith.constant 0 : i32
    %dma_start3A_1057 = tpu.memref_slice %arg4[%dma_start3A_1056] : memref<2600000xf32, #tpu.memory_space<hbm>> -> memref<2600000xf32, #tpu.memory_space<hbm>>
    tpu.enqueue_indirect_dma source(%dma_start3A_1057 : memref<2600000xf32, #tpu.memory_space<hbm>>) target(%dma_start3A_1053 : memref<128xf32, #tpu.memory_space<vmem>>) offsets(%dma_start3A_1055 : memref<128xi32, #tpu.memory_space<vmem>>) semaphore(%arg14 : memref<!tpu.dma_semaphore, #tpu.memory_space<semaphore_mem>>)
    %dma_start3A_1058 = arith.constant 2688 : i32
    %dma_start3A_1059 = tpu.memref_slice %arg10[%dma_start3A_1058] : memref<3328xf32, #tpu.memory_space<vmem>> -> memref<128xf32, #tpu.memory_space<vmem>>
    %dma_start3A_1060 = arith.constant 2688 : i32
    %dma_start3A_1061 = tpu.memref_slice %arg9[%dma_start3A_1060] : memref<3328xi32, #tpu.memory_space<vmem>> -> memref<128xi32, #tpu.memory_space<vmem>>
    %dma_start3A_1062 = arith.constant 0 : i32
    %dma_start3A_1063 = tpu.memref_slice %arg4[%dma_start3A_1062] : memref<2600000xf32, #tpu.memory_space<hbm>> -> memref<2600000xf32, #tpu.memory_space<hbm>>
    tpu.enqueue_indirect_dma source(%dma_start3A_1063 : memref<2600000xf32, #tpu.memory_space<hbm>>) target(%dma_start3A_1059 : memref<128xf32, #tpu.memory_space<vmem>>) offsets(%dma_start3A_1061 : memref<128xi32, #tpu.memory_space<vmem>>) semaphore(%arg14 : memref<!tpu.dma_semaphore, #tpu.memory_space<semaphore_mem>>)
    %dma_start3A_1064 = arith.constant 2816 : i32
    %dma_start3A_1065 = tpu.memref_slice %arg10[%dma_start3A_1064] : memref<3328xf32, #tpu.memory_space<vmem>> -> memref<128xf32, #tpu.memory_space<vmem>>
    %dma_start3A_1066 = arith.constant 2816 : i32
    %dma_start3A_1067 = tpu.memref_slice %arg9[%dma_start3A_1066] : memref<3328xi32, #tpu.memory_space<vmem>> -> memref<128xi32, #tpu.memory_space<vmem>>
    %dma_start3A_1068 = arith.constant 0 : i32
    %dma_start3A_1069 = tpu.memref_slice %arg4[%dma_start3A_1068] : memref<2600000xf32, #tpu.memory_space<hbm>> -> memref<2600000xf32, #tpu.memory_space<hbm>>
    tpu.enqueue_indirect_dma source(%dma_start3A_1069 : memref<2600000xf32, #tpu.memory_space<hbm>>) target(%dma_start3A_1065 : memref<128xf32, #tpu.memory_space<vmem>>) offsets(%dma_start3A_1067 : memref<128xi32, #tpu.memory_space<vmem>>) semaphore(%arg14 : memref<!tpu.dma_semaphore, #tpu.memory_space<semaphore_mem>>)
    %dma_start3A_1070 = arith.constant 2944 : i32
    %dma_start3A_1071 = tpu.memref_slice %arg10[%dma_start3A_1070] : memref<3328xf32, #tpu.memory_space<vmem>> -> memref<128xf32, #tpu.memory_space<vmem>>
    %dma_start3A_1072 = arith.constant 2944 : i32
    %dma_start3A_1073 = tpu.memref_slice %arg9[%dma_start3A_1072] : memref<3328xi32, #tpu.memory_space<vmem>> -> memref<128xi32, #tpu.memory_space<vmem>>
    %dma_start3A_1074 = arith.constant 0 : i32
    %dma_start3A_1075 = tpu.memref_slice %arg4[%dma_start3A_1074] : memref<2600000xf32, #tpu.memory_space<hbm>> -> memref<2600000xf32, #tpu.memory_space<hbm>>
    tpu.enqueue_indirect_dma source(%dma_start3A_1075 : memref<2600000xf32, #tpu.memory_space<hbm>>) target(%dma_start3A_1071 : memref<128xf32, #tpu.memory_space<vmem>>) offsets(%dma_start3A_1073 : memref<128xi32, #tpu.memory_space<vmem>>) semaphore(%arg14 : memref<!tpu.dma_semaphore, #tpu.memory_space<semaphore_mem>>)
    %dma_start3A_1076 = arith.constant 3072 : i32
    %dma_start3A_1077 = tpu.memref_slice %arg10[%dma_start3A_1076] : memref<3328xf32, #tpu.memory_space<vmem>> -> memref<128xf32, #tpu.memory_space<vmem>>
    %dma_start3A_1078 = arith.constant 3072 : i32
    %dma_start3A_1079 = tpu.memref_slice %arg9[%dma_start3A_1078] : memref<3328xi32, #tpu.memory_space<vmem>> -> memref<128xi32, #tpu.memory_space<vmem>>
    %dma_start3A_1080 = arith.constant 0 : i32
    %dma_start3A_1081 = tpu.memref_slice %arg4[%dma_start3A_1080] : memref<2600000xf32, #tpu.memory_space<hbm>> -> memref<2600000xf32, #tpu.memory_space<hbm>>
    tpu.enqueue_indirect_dma source(%dma_start3A_1081 : memref<2600000xf32, #tpu.memory_space<hbm>>) target(%dma_start3A_1077 : memref<128xf32, #tpu.memory_space<vmem>>) offsets(%dma_start3A_1079 : memref<128xi32, #tpu.memory_space<vmem>>) semaphore(%arg14 : memref<!tpu.dma_semaphore, #tpu.memory_space<semaphore_mem>>)
    %dma_start3A_1082 = arith.constant 3200 : i32
    %dma_start3A_1083 = tpu.memref_slice %arg10[%dma_start3A_1082] : memref<3328xf32, #tpu.memory_space<vmem>> -> memref<128xf32, #tpu.memory_space<vmem>>
    %dma_start3A_1084 = arith.constant 3200 : i32
    %dma_start3A_1085 = tpu.memref_slice %arg9[%dma_start3A_1084] : memref<3328xi32, #tpu.memory_space<vmem>> -> memref<128xi32, #tpu.memory_space<vmem>>
    %dma_start3A_1086 = arith.constant 0 : i32
    %dma_start3A_1087 = tpu.memref_slice %arg4[%dma_start3A_1086] : memref<2600000xf32, #tpu.memory_space<hbm>> -> memref<2600000xf32, #tpu.memory_space<hbm>>
    tpu.enqueue_indirect_dma source(%dma_start3A_1087 : memref<2600000xf32, #tpu.memory_space<hbm>>) target(%dma_start3A_1083 : memref<128xf32, #tpu.memory_space<vmem>>) offsets(%dma_start3A_1085 : memref<128xi32, #tpu.memory_space<vmem>>) semaphore(%arg14 : memref<!tpu.dma_semaphore, #tpu.memory_space<semaphore_mem>>)
    %dma_wait3A_1088 = arith.constant 0 : i32
    %dma_wait3A_1089 = tpu.memref_slice %arg10[%dma_wait3A_1088] : memref<3328xf32, #tpu.memory_space<vmem>> -> memref<128xf32, #tpu.memory_space<vmem>>
    %dma_wait3A_1090 = arith.constant 0 : i32
    %dma_wait3A_1091 = tpu.memref_slice %arg9[%dma_wait3A_1090] : memref<3328xi32, #tpu.memory_space<vmem>> -> memref<128xi32, #tpu.memory_space<vmem>>
    %dma_wait3A_1092 = arith.constant 0 : i32
    %dma_wait3A_1093 = tpu.memref_slice %arg4[%dma_wait3A_1092] : memref<2600000xf32, #tpu.memory_space<hbm>> -> memref<2600000xf32, #tpu.memory_space<hbm>>
    tpu.wait_indirect_dma semaphore(%arg14 : memref<!tpu.dma_semaphore, #tpu.memory_space<semaphore_mem>>) src(%dma_wait3A_1093 : memref<2600000xf32, #tpu.memory_space<hbm>>) dst(%dma_wait3A_1089 : memref<128xf32, #tpu.memory_space<vmem>>)
    %dma_wait3A_1094 = arith.constant 128 : i32
    %dma_wait3A_1095 = tpu.memref_slice %arg10[%dma_wait3A_1094] : memref<3328xf32, #tpu.memory_space<vmem>> -> memref<128xf32, #tpu.memory_space<vmem>>
    %dma_wait3A_1096 = arith.constant 128 : i32
    %dma_wait3A_1097 = tpu.memref_slice %arg9[%dma_wait3A_1096] : memref<3328xi32, #tpu.memory_space<vmem>> -> memref<128xi32, #tpu.memory_space<vmem>>
    %dma_wait3A_1098 = arith.constant 0 : i32
    %dma_wait3A_1099 = tpu.memref_slice %arg4[%dma_wait3A_1098] : memref<2600000xf32, #tpu.memory_space<hbm>> -> memref<2600000xf32, #tpu.memory_space<hbm>>
    tpu.wait_indirect_dma semaphore(%arg14 : memref<!tpu.dma_semaphore, #tpu.memory_space<semaphore_mem>>) src(%dma_wait3A_1099 : memref<2600000xf32, #tpu.memory_space<hbm>>) dst(%dma_wait3A_1095 : memref<128xf32, #tpu.memory_space<vmem>>)
    %dma_wait3A_1100 = arith.constant 256 : i32
    %dma_wait3A_1101 = tpu.memref_slice %arg10[%dma_wait3A_1100] : memref<3328xf32, #tpu.memory_space<vmem>> -> memref<128xf32, #tpu.memory_space<vmem>>
    %dma_wait3A_1102 = arith.constant 256 : i32
    %dma_wait3A_1103 = tpu.memref_slice %arg9[%dma_wait3A_1102] : memref<3328xi32, #tpu.memory_space<vmem>> -> memref<128xi32, #tpu.memory_space<vmem>>
    %dma_wait3A_1104 = arith.constant 0 : i32
    %dma_wait3A_1105 = tpu.memref_slice %arg4[%dma_wait3A_1104] : memref<2600000xf32, #tpu.memory_space<hbm>> -> memref<2600000xf32, #tpu.memory_space<hbm>>
    tpu.wait_indirect_dma semaphore(%arg14 : memref<!tpu.dma_semaphore, #tpu.memory_space<semaphore_mem>>) src(%dma_wait3A_1105 : memref<2600000xf32, #tpu.memory_space<hbm>>) dst(%dma_wait3A_1101 : memref<128xf32, #tpu.memory_space<vmem>>)
    %dma_wait3A_1106 = arith.constant 384 : i32
    %dma_wait3A_1107 = tpu.memref_slice %arg10[%dma_wait3A_1106] : memref<3328xf32, #tpu.memory_space<vmem>> -> memref<128xf32, #tpu.memory_space<vmem>>
    %dma_wait3A_1108 = arith.constant 384 : i32
    %dma_wait3A_1109 = tpu.memref_slice %arg9[%dma_wait3A_1108] : memref<3328xi32, #tpu.memory_space<vmem>> -> memref<128xi32, #tpu.memory_space<vmem>>
    %dma_wait3A_1110 = arith.constant 0 : i32
    %dma_wait3A_1111 = tpu.memref_slice %arg4[%dma_wait3A_1110] : memref<2600000xf32, #tpu.memory_space<hbm>> -> memref<2600000xf32, #tpu.memory_space<hbm>>
    tpu.wait_indirect_dma semaphore(%arg14 : memref<!tpu.dma_semaphore, #tpu.memory_space<semaphore_mem>>) src(%dma_wait3A_1111 : memref<2600000xf32, #tpu.memory_space<hbm>>) dst(%dma_wait3A_1107 : memref<128xf32, #tpu.memory_space<vmem>>)
    %dma_wait3A_1112 = arith.constant 512 : i32
    %dma_wait3A_1113 = tpu.memref_slice %arg10[%dma_wait3A_1112] : memref<3328xf32, #tpu.memory_space<vmem>> -> memref<128xf32, #tpu.memory_space<vmem>>
    %dma_wait3A_1114 = arith.constant 512 : i32
    %dma_wait3A_1115 = tpu.memref_slice %arg9[%dma_wait3A_1114] : memref<3328xi32, #tpu.memory_space<vmem>> -> memref<128xi32, #tpu.memory_space<vmem>>
    %dma_wait3A_1116 = arith.constant 0 : i32
    %dma_wait3A_1117 = tpu.memref_slice %arg4[%dma_wait3A_1116] : memref<2600000xf32, #tpu.memory_space<hbm>> -> memref<2600000xf32, #tpu.memory_space<hbm>>
    tpu.wait_indirect_dma semaphore(%arg14 : memref<!tpu.dma_semaphore, #tpu.memory_space<semaphore_mem>>) src(%dma_wait3A_1117 : memref<2600000xf32, #tpu.memory_space<hbm>>) dst(%dma_wait3A_1113 : memref<128xf32, #tpu.memory_space<vmem>>)
    %dma_wait3A_1118 = arith.constant 640 : i32
    %dma_wait3A_1119 = tpu.memref_slice %arg10[%dma_wait3A_1118] : memref<3328xf32, #tpu.memory_space<vmem>> -> memref<128xf32, #tpu.memory_space<vmem>>
    %dma_wait3A_1120 = arith.constant 640 : i32
    %dma_wait3A_1121 = tpu.memref_slice %arg9[%dma_wait3A_1120] : memref<3328xi32, #tpu.memory_space<vmem>> -> memref<128xi32, #tpu.memory_space<vmem>>
    %dma_wait3A_1122 = arith.constant 0 : i32
    %dma_wait3A_1123 = tpu.memref_slice %arg4[%dma_wait3A_1122] : memref<2600000xf32, #tpu.memory_space<hbm>> -> memref<2600000xf32, #tpu.memory_space<hbm>>
    tpu.wait_indirect_dma semaphore(%arg14 : memref<!tpu.dma_semaphore, #tpu.memory_space<semaphore_mem>>) src(%dma_wait3A_1123 : memref<2600000xf32, #tpu.memory_space<hbm>>) dst(%dma_wait3A_1119 : memref<128xf32, #tpu.memory_space<vmem>>)
    %dma_wait3A_1124 = arith.constant 768 : i32
    %dma_wait3A_1125 = tpu.memref_slice %arg10[%dma_wait3A_1124] : memref<3328xf32, #tpu.memory_space<vmem>> -> memref<128xf32, #tpu.memory_space<vmem>>
    %dma_wait3A_1126 = arith.constant 768 : i32
    %dma_wait3A_1127 = tpu.memref_slice %arg9[%dma_wait3A_1126] : memref<3328xi32, #tpu.memory_space<vmem>> -> memref<128xi32, #tpu.memory_space<vmem>>
    %dma_wait3A_1128 = arith.constant 0 : i32
    %dma_wait3A_1129 = tpu.memref_slice %arg4[%dma_wait3A_1128] : memref<2600000xf32, #tpu.memory_space<hbm>> -> memref<2600000xf32, #tpu.memory_space<hbm>>
    tpu.wait_indirect_dma semaphore(%arg14 : memref<!tpu.dma_semaphore, #tpu.memory_space<semaphore_mem>>) src(%dma_wait3A_1129 : memref<2600000xf32, #tpu.memory_space<hbm>>) dst(%dma_wait3A_1125 : memref<128xf32, #tpu.memory_space<vmem>>)
    %dma_wait3A_1130 = arith.constant 896 : i32
    %dma_wait3A_1131 = tpu.memref_slice %arg10[%dma_wait3A_1130] : memref<3328xf32, #tpu.memory_space<vmem>> -> memref<128xf32, #tpu.memory_space<vmem>>
    %dma_wait3A_1132 = arith.constant 896 : i32
    %dma_wait3A_1133 = tpu.memref_slice %arg9[%dma_wait3A_1132] : memref<3328xi32, #tpu.memory_space<vmem>> -> memref<128xi32, #tpu.memory_space<vmem>>
    %dma_wait3A_1134 = arith.constant 0 : i32
    %dma_wait3A_1135 = tpu.memref_slice %arg4[%dma_wait3A_1134] : memref<2600000xf32, #tpu.memory_space<hbm>> -> memref<2600000xf32, #tpu.memory_space<hbm>>
    tpu.wait_indirect_dma semaphore(%arg14 : memref<!tpu.dma_semaphore, #tpu.memory_space<semaphore_mem>>) src(%dma_wait3A_1135 : memref<2600000xf32, #tpu.memory_space<hbm>>) dst(%dma_wait3A_1131 : memref<128xf32, #tpu.memory_space<vmem>>)
    %dma_wait3A_1136 = arith.constant 1024 : i32
    %dma_wait3A_1137 = tpu.memref_slice %arg10[%dma_wait3A_1136] : memref<3328xf32, #tpu.memory_space<vmem>> -> memref<128xf32, #tpu.memory_space<vmem>>
    %dma_wait3A_1138 = arith.constant 1024 : i32
    %dma_wait3A_1139 = tpu.memref_slice %arg9[%dma_wait3A_1138] : memref<3328xi32, #tpu.memory_space<vmem>> -> memref<128xi32, #tpu.memory_space<vmem>>
    %dma_wait3A_1140 = arith.constant 0 : i32
    %dma_wait3A_1141 = tpu.memref_slice %arg4[%dma_wait3A_1140] : memref<2600000xf32, #tpu.memory_space<hbm>> -> memref<2600000xf32, #tpu.memory_space<hbm>>
    tpu.wait_indirect_dma semaphore(%arg14 : memref<!tpu.dma_semaphore, #tpu.memory_space<semaphore_mem>>) src(%dma_wait3A_1141 : memref<2600000xf32, #tpu.memory_space<hbm>>) dst(%dma_wait3A_1137 : memref<128xf32, #tpu.memory_space<vmem>>)
    %dma_wait3A_1142 = arith.constant 1152 : i32
    %dma_wait3A_1143 = tpu.memref_slice %arg10[%dma_wait3A_1142] : memref<3328xf32, #tpu.memory_space<vmem>> -> memref<128xf32, #tpu.memory_space<vmem>>
    %dma_wait3A_1144 = arith.constant 1152 : i32
    %dma_wait3A_1145 = tpu.memref_slice %arg9[%dma_wait3A_1144] : memref<3328xi32, #tpu.memory_space<vmem>> -> memref<128xi32, #tpu.memory_space<vmem>>
    %dma_wait3A_1146 = arith.constant 0 : i32
    %dma_wait3A_1147 = tpu.memref_slice %arg4[%dma_wait3A_1146] : memref<2600000xf32, #tpu.memory_space<hbm>> -> memref<2600000xf32, #tpu.memory_space<hbm>>
    tpu.wait_indirect_dma semaphore(%arg14 : memref<!tpu.dma_semaphore, #tpu.memory_space<semaphore_mem>>) src(%dma_wait3A_1147 : memref<2600000xf32, #tpu.memory_space<hbm>>) dst(%dma_wait3A_1143 : memref<128xf32, #tpu.memory_space<vmem>>)
    %dma_wait3A_1148 = arith.constant 1280 : i32
    %dma_wait3A_1149 = tpu.memref_slice %arg10[%dma_wait3A_1148] : memref<3328xf32, #tpu.memory_space<vmem>> -> memref<128xf32, #tpu.memory_space<vmem>>
    %dma_wait3A_1150 = arith.constant 1280 : i32
    %dma_wait3A_1151 = tpu.memref_slice %arg9[%dma_wait3A_1150] : memref<3328xi32, #tpu.memory_space<vmem>> -> memref<128xi32, #tpu.memory_space<vmem>>
    %dma_wait3A_1152 = arith.constant 0 : i32
    %dma_wait3A_1153 = tpu.memref_slice %arg4[%dma_wait3A_1152] : memref<2600000xf32, #tpu.memory_space<hbm>> -> memref<2600000xf32, #tpu.memory_space<hbm>>
    tpu.wait_indirect_dma semaphore(%arg14 : memref<!tpu.dma_semaphore, #tpu.memory_space<semaphore_mem>>) src(%dma_wait3A_1153 : memref<2600000xf32, #tpu.memory_space<hbm>>) dst(%dma_wait3A_1149 : memref<128xf32, #tpu.memory_space<vmem>>)
    %dma_wait3A_1154 = arith.constant 1408 : i32
    %dma_wait3A_1155 = tpu.memref_slice %arg10[%dma_wait3A_1154] : memref<3328xf32, #tpu.memory_space<vmem>> -> memref<128xf32, #tpu.memory_space<vmem>>
    %dma_wait3A_1156 = arith.constant 1408 : i32
    %dma_wait3A_1157 = tpu.memref_slice %arg9[%dma_wait3A_1156] : memref<3328xi32, #tpu.memory_space<vmem>> -> memref<128xi32, #tpu.memory_space<vmem>>
    %dma_wait3A_1158 = arith.constant 0 : i32
    %dma_wait3A_1159 = tpu.memref_slice %arg4[%dma_wait3A_1158] : memref<2600000xf32, #tpu.memory_space<hbm>> -> memref<2600000xf32, #tpu.memory_space<hbm>>
    tpu.wait_indirect_dma semaphore(%arg14 : memref<!tpu.dma_semaphore, #tpu.memory_space<semaphore_mem>>) src(%dma_wait3A_1159 : memref<2600000xf32, #tpu.memory_space<hbm>>) dst(%dma_wait3A_1155 : memref<128xf32, #tpu.memory_space<vmem>>)
    %dma_wait3A_1160 = arith.constant 1536 : i32
    %dma_wait3A_1161 = tpu.memref_slice %arg10[%dma_wait3A_1160] : memref<3328xf32, #tpu.memory_space<vmem>> -> memref<128xf32, #tpu.memory_space<vmem>>
    %dma_wait3A_1162 = arith.constant 1536 : i32
    %dma_wait3A_1163 = tpu.memref_slice %arg9[%dma_wait3A_1162] : memref<3328xi32, #tpu.memory_space<vmem>> -> memref<128xi32, #tpu.memory_space<vmem>>
    %dma_wait3A_1164 = arith.constant 0 : i32
    %dma_wait3A_1165 = tpu.memref_slice %arg4[%dma_wait3A_1164] : memref<2600000xf32, #tpu.memory_space<hbm>> -> memref<2600000xf32, #tpu.memory_space<hbm>>
    tpu.wait_indirect_dma semaphore(%arg14 : memref<!tpu.dma_semaphore, #tpu.memory_space<semaphore_mem>>) src(%dma_wait3A_1165 : memref<2600000xf32, #tpu.memory_space<hbm>>) dst(%dma_wait3A_1161 : memref<128xf32, #tpu.memory_space<vmem>>)
    %dma_wait3A_1166 = arith.constant 1664 : i32
    %dma_wait3A_1167 = tpu.memref_slice %arg10[%dma_wait3A_1166] : memref<3328xf32, #tpu.memory_space<vmem>> -> memref<128xf32, #tpu.memory_space<vmem>>
    %dma_wait3A_1168 = arith.constant 1664 : i32
    %dma_wait3A_1169 = tpu.memref_slice %arg9[%dma_wait3A_1168] : memref<3328xi32, #tpu.memory_space<vmem>> -> memref<128xi32, #tpu.memory_space<vmem>>
    %dma_wait3A_1170 = arith.constant 0 : i32
    %dma_wait3A_1171 = tpu.memref_slice %arg4[%dma_wait3A_1170] : memref<2600000xf32, #tpu.memory_space<hbm>> -> memref<2600000xf32, #tpu.memory_space<hbm>>
    tpu.wait_indirect_dma semaphore(%arg14 : memref<!tpu.dma_semaphore, #tpu.memory_space<semaphore_mem>>) src(%dma_wait3A_1171 : memref<2600000xf32, #tpu.memory_space<hbm>>) dst(%dma_wait3A_1167 : memref<128xf32, #tpu.memory_space<vmem>>)
    %dma_wait3A_1172 = arith.constant 1792 : i32
    %dma_wait3A_1173 = tpu.memref_slice %arg10[%dma_wait3A_1172] : memref<3328xf32, #tpu.memory_space<vmem>> -> memref<128xf32, #tpu.memory_space<vmem>>
    %dma_wait3A_1174 = arith.constant 1792 : i32
    %dma_wait3A_1175 = tpu.memref_slice %arg9[%dma_wait3A_1174] : memref<3328xi32, #tpu.memory_space<vmem>> -> memref<128xi32, #tpu.memory_space<vmem>>
    %dma_wait3A_1176 = arith.constant 0 : i32
    %dma_wait3A_1177 = tpu.memref_slice %arg4[%dma_wait3A_1176] : memref<2600000xf32, #tpu.memory_space<hbm>> -> memref<2600000xf32, #tpu.memory_space<hbm>>
    tpu.wait_indirect_dma semaphore(%arg14 : memref<!tpu.dma_semaphore, #tpu.memory_space<semaphore_mem>>) src(%dma_wait3A_1177 : memref<2600000xf32, #tpu.memory_space<hbm>>) dst(%dma_wait3A_1173 : memref<128xf32, #tpu.memory_space<vmem>>)
    %dma_wait3A_1178 = arith.constant 1920 : i32
    %dma_wait3A_1179 = tpu.memref_slice %arg10[%dma_wait3A_1178] : memref<3328xf32, #tpu.memory_space<vmem>> -> memref<128xf32, #tpu.memory_space<vmem>>
    %dma_wait3A_1180 = arith.constant 1920 : i32
    %dma_wait3A_1181 = tpu.memref_slice %arg9[%dma_wait3A_1180] : memref<3328xi32, #tpu.memory_space<vmem>> -> memref<128xi32, #tpu.memory_space<vmem>>
    %dma_wait3A_1182 = arith.constant 0 : i32
    %dma_wait3A_1183 = tpu.memref_slice %arg4[%dma_wait3A_1182] : memref<2600000xf32, #tpu.memory_space<hbm>> -> memref<2600000xf32, #tpu.memory_space<hbm>>
    tpu.wait_indirect_dma semaphore(%arg14 : memref<!tpu.dma_semaphore, #tpu.memory_space<semaphore_mem>>) src(%dma_wait3A_1183 : memref<2600000xf32, #tpu.memory_space<hbm>>) dst(%dma_wait3A_1179 : memref<128xf32, #tpu.memory_space<vmem>>)
    %dma_wait3A_1184 = arith.constant 2048 : i32
    %dma_wait3A_1185 = tpu.memref_slice %arg10[%dma_wait3A_1184] : memref<3328xf32, #tpu.memory_space<vmem>> -> memref<128xf32, #tpu.memory_space<vmem>>
    %dma_wait3A_1186 = arith.constant 2048 : i32
    %dma_wait3A_1187 = tpu.memref_slice %arg9[%dma_wait3A_1186] : memref<3328xi32, #tpu.memory_space<vmem>> -> memref<128xi32, #tpu.memory_space<vmem>>
    %dma_wait3A_1188 = arith.constant 0 : i32
    %dma_wait3A_1189 = tpu.memref_slice %arg4[%dma_wait3A_1188] : memref<2600000xf32, #tpu.memory_space<hbm>> -> memref<2600000xf32, #tpu.memory_space<hbm>>
    tpu.wait_indirect_dma semaphore(%arg14 : memref<!tpu.dma_semaphore, #tpu.memory_space<semaphore_mem>>) src(%dma_wait3A_1189 : memref<2600000xf32, #tpu.memory_space<hbm>>) dst(%dma_wait3A_1185 : memref<128xf32, #tpu.memory_space<vmem>>)
    %dma_wait3A_1190 = arith.constant 2176 : i32
    %dma_wait3A_1191 = tpu.memref_slice %arg10[%dma_wait3A_1190] : memref<3328xf32, #tpu.memory_space<vmem>> -> memref<128xf32, #tpu.memory_space<vmem>>
    %dma_wait3A_1192 = arith.constant 2176 : i32
    %dma_wait3A_1193 = tpu.memref_slice %arg9[%dma_wait3A_1192] : memref<3328xi32, #tpu.memory_space<vmem>> -> memref<128xi32, #tpu.memory_space<vmem>>
    %dma_wait3A_1194 = arith.constant 0 : i32
    %dma_wait3A_1195 = tpu.memref_slice %arg4[%dma_wait3A_1194] : memref<2600000xf32, #tpu.memory_space<hbm>> -> memref<2600000xf32, #tpu.memory_space<hbm>>
    tpu.wait_indirect_dma semaphore(%arg14 : memref<!tpu.dma_semaphore, #tpu.memory_space<semaphore_mem>>) src(%dma_wait3A_1195 : memref<2600000xf32, #tpu.memory_space<hbm>>) dst(%dma_wait3A_1191 : memref<128xf32, #tpu.memory_space<vmem>>)
    %dma_wait3A_1196 = arith.constant 2304 : i32
    %dma_wait3A_1197 = tpu.memref_slice %arg10[%dma_wait3A_1196] : memref<3328xf32, #tpu.memory_space<vmem>> -> memref<128xf32, #tpu.memory_space<vmem>>
    %dma_wait3A_1198 = arith.constant 2304 : i32
    %dma_wait3A_1199 = tpu.memref_slice %arg9[%dma_wait3A_1198] : memref<3328xi32, #tpu.memory_space<vmem>> -> memref<128xi32, #tpu.memory_space<vmem>>
    %dma_wait3A_1200 = arith.constant 0 : i32
    %dma_wait3A_1201 = tpu.memref_slice %arg4[%dma_wait3A_1200] : memref<2600000xf32, #tpu.memory_space<hbm>> -> memref<2600000xf32, #tpu.memory_space<hbm>>
    tpu.wait_indirect_dma semaphore(%arg14 : memref<!tpu.dma_semaphore, #tpu.memory_space<semaphore_mem>>) src(%dma_wait3A_1201 : memref<2600000xf32, #tpu.memory_space<hbm>>) dst(%dma_wait3A_1197 : memref<128xf32, #tpu.memory_space<vmem>>)
    %dma_wait3A_1202 = arith.constant 2432 : i32
    %dma_wait3A_1203 = tpu.memref_slice %arg10[%dma_wait3A_1202] : memref<3328xf32, #tpu.memory_space<vmem>> -> memref<128xf32, #tpu.memory_space<vmem>>
    %dma_wait3A_1204 = arith.constant 2432 : i32
    %dma_wait3A_1205 = tpu.memref_slice %arg9[%dma_wait3A_1204] : memref<3328xi32, #tpu.memory_space<vmem>> -> memref<128xi32, #tpu.memory_space<vmem>>
    %dma_wait3A_1206 = arith.constant 0 : i32
    %dma_wait3A_1207 = tpu.memref_slice %arg4[%dma_wait3A_1206] : memref<2600000xf32, #tpu.memory_space<hbm>> -> memref<2600000xf32, #tpu.memory_space<hbm>>
    tpu.wait_indirect_dma semaphore(%arg14 : memref<!tpu.dma_semaphore, #tpu.memory_space<semaphore_mem>>) src(%dma_wait3A_1207 : memref<2600000xf32, #tpu.memory_space<hbm>>) dst(%dma_wait3A_1203 : memref<128xf32, #tpu.memory_space<vmem>>)
    %dma_wait3A_1208 = arith.constant 2560 : i32
    %dma_wait3A_1209 = tpu.memref_slice %arg10[%dma_wait3A_1208] : memref<3328xf32, #tpu.memory_space<vmem>> -> memref<128xf32, #tpu.memory_space<vmem>>
    %dma_wait3A_1210 = arith.constant 2560 : i32
    %dma_wait3A_1211 = tpu.memref_slice %arg9[%dma_wait3A_1210] : memref<3328xi32, #tpu.memory_space<vmem>> -> memref<128xi32, #tpu.memory_space<vmem>>
    %dma_wait3A_1212 = arith.constant 0 : i32
    %dma_wait3A_1213 = tpu.memref_slice %arg4[%dma_wait3A_1212] : memref<2600000xf32, #tpu.memory_space<hbm>> -> memref<2600000xf32, #tpu.memory_space<hbm>>
    tpu.wait_indirect_dma semaphore(%arg14 : memref<!tpu.dma_semaphore, #tpu.memory_space<semaphore_mem>>) src(%dma_wait3A_1213 : memref<2600000xf32, #tpu.memory_space<hbm>>) dst(%dma_wait3A_1209 : memref<128xf32, #tpu.memory_space<vmem>>)
    %dma_wait3A_1214 = arith.constant 2688 : i32
    %dma_wait3A_1215 = tpu.memref_slice %arg10[%dma_wait3A_1214] : memref<3328xf32, #tpu.memory_space<vmem>> -> memref<128xf32, #tpu.memory_space<vmem>>
    %dma_wait3A_1216 = arith.constant 2688 : i32
    %dma_wait3A_1217 = tpu.memref_slice %arg9[%dma_wait3A_1216] : memref<3328xi32, #tpu.memory_space<vmem>> -> memref<128xi32, #tpu.memory_space<vmem>>
    %dma_wait3A_1218 = arith.constant 0 : i32
    %dma_wait3A_1219 = tpu.memref_slice %arg4[%dma_wait3A_1218] : memref<2600000xf32, #tpu.memory_space<hbm>> -> memref<2600000xf32, #tpu.memory_space<hbm>>
    tpu.wait_indirect_dma semaphore(%arg14 : memref<!tpu.dma_semaphore, #tpu.memory_space<semaphore_mem>>) src(%dma_wait3A_1219 : memref<2600000xf32, #tpu.memory_space<hbm>>) dst(%dma_wait3A_1215 : memref<128xf32, #tpu.memory_space<vmem>>)
    %dma_wait3A_1220 = arith.constant 2816 : i32
    %dma_wait3A_1221 = tpu.memref_slice %arg10[%dma_wait3A_1220] : memref<3328xf32, #tpu.memory_space<vmem>> -> memref<128xf32, #tpu.memory_space<vmem>>
    %dma_wait3A_1222 = arith.constant 2816 : i32
    %dma_wait3A_1223 = tpu.memref_slice %arg9[%dma_wait3A_1222] : memref<3328xi32, #tpu.memory_space<vmem>> -> memref<128xi32, #tpu.memory_space<vmem>>
    %dma_wait3A_1224 = arith.constant 0 : i32
    %dma_wait3A_1225 = tpu.memref_slice %arg4[%dma_wait3A_1224] : memref<2600000xf32, #tpu.memory_space<hbm>> -> memref<2600000xf32, #tpu.memory_space<hbm>>
    tpu.wait_indirect_dma semaphore(%arg14 : memref<!tpu.dma_semaphore, #tpu.memory_space<semaphore_mem>>) src(%dma_wait3A_1225 : memref<2600000xf32, #tpu.memory_space<hbm>>) dst(%dma_wait3A_1221 : memref<128xf32, #tpu.memory_space<vmem>>)
    %dma_wait3A_1226 = arith.constant 2944 : i32
    %dma_wait3A_1227 = tpu.memref_slice %arg10[%dma_wait3A_1226] : memref<3328xf32, #tpu.memory_space<vmem>> -> memref<128xf32, #tpu.memory_space<vmem>>
    %dma_wait3A_1228 = arith.constant 2944 : i32
    %dma_wait3A_1229 = tpu.memref_slice %arg9[%dma_wait3A_1228] : memref<3328xi32, #tpu.memory_space<vmem>> -> memref<128xi32, #tpu.memory_space<vmem>>
    %dma_wait3A_1230 = arith.constant 0 : i32
    %dma_wait3A_1231 = tpu.memref_slice %arg4[%dma_wait3A_1230] : memref<2600000xf32, #tpu.memory_space<hbm>> -> memref<2600000xf32, #tpu.memory_space<hbm>>
    tpu.wait_indirect_dma semaphore(%arg14 : memref<!tpu.dma_semaphore, #tpu.memory_space<semaphore_mem>>) src(%dma_wait3A_1231 : memref<2600000xf32, #tpu.memory_space<hbm>>) dst(%dma_wait3A_1227 : memref<128xf32, #tpu.memory_space<vmem>>)
    %dma_wait3A_1232 = arith.constant 3072 : i32
    %dma_wait3A_1233 = tpu.memref_slice %arg10[%dma_wait3A_1232] : memref<3328xf32, #tpu.memory_space<vmem>> -> memref<128xf32, #tpu.memory_space<vmem>>
    %dma_wait3A_1234 = arith.constant 3072 : i32
    %dma_wait3A_1235 = tpu.memref_slice %arg9[%dma_wait3A_1234] : memref<3328xi32, #tpu.memory_space<vmem>> -> memref<128xi32, #tpu.memory_space<vmem>>
    %dma_wait3A_1236 = arith.constant 0 : i32
    %dma_wait3A_1237 = tpu.memref_slice %arg4[%dma_wait3A_1236] : memref<2600000xf32, #tpu.memory_space<hbm>> -> memref<2600000xf32, #tpu.memory_space<hbm>>
    tpu.wait_indirect_dma semaphore(%arg14 : memref<!tpu.dma_semaphore, #tpu.memory_space<semaphore_mem>>) src(%dma_wait3A_1237 : memref<2600000xf32, #tpu.memory_space<hbm>>) dst(%dma_wait3A_1233 : memref<128xf32, #tpu.memory_space<vmem>>)
    %dma_wait3A_1238 = arith.constant 3200 : i32
    %dma_wait3A_1239 = tpu.memref_slice %arg10[%dma_wait3A_1238] : memref<3328xf32, #tpu.memory_space<vmem>> -> memref<128xf32, #tpu.memory_space<vmem>>
    %dma_wait3A_1240 = arith.constant 3200 : i32
    %dma_wait3A_1241 = tpu.memref_slice %arg9[%dma_wait3A_1240] : memref<3328xi32, #tpu.memory_space<vmem>> -> memref<128xi32, #tpu.memory_space<vmem>>
    %dma_wait3A_1242 = arith.constant 0 : i32
    %dma_wait3A_1243 = tpu.memref_slice %arg4[%dma_wait3A_1242] : memref<2600000xf32, #tpu.memory_space<hbm>> -> memref<2600000xf32, #tpu.memory_space<hbm>>
    tpu.wait_indirect_dma semaphore(%arg14 : memref<!tpu.dma_semaphore, #tpu.memory_space<semaphore_mem>>) src(%dma_wait3A_1243 : memref<2600000xf32, #tpu.memory_space<hbm>>) dst(%dma_wait3A_1239 : memref<128xf32, #tpu.memory_space<vmem>>)
    %get3A = arith.constant 0 : index
    %get3A_1244 = tpu.vector_load %arg12[%get3A] {strides = array<i32>} : memref<16xf32, #tpu.memory_space<vmem>>, vector<16xf32>,
    %scan3A_1245 = arith.constant 0 : i32
    %scan3A_1246 = arith.constant 0 : i32
    %scan3A_1247 = arith.constant 8 : i32
    %scan3A_1248 = arith.addi %scan3A_1246, %scan3A_1247 : i32
    %scan3A_1249 = arith.constant 1 : i32
    scf.for %scan3A_1253 = %scan3A_1246 to %scan3A_1248 step %scan3A_1249  : i32 {
      %mul3A_1254 = arith.constant 16 : i32
      %mul3A_1255 = arith.muli %scan3A_1253, %mul3A_1254 : i32
      %broadcast_in_dim3A = arith.constant 0.000000e+00 : f32
      %broadcast_in_dim3A_1256 = vector.broadcast %broadcast_in_dim3A : f32 to vector<16xf32>
      %add3A_1257 = arith.constant 0 : i32
      %add3A_1258 = arith.addi %add3A_1257, %mul3A_1255 : i32
      %get3A_1259 = arith.index_cast %add3A_1258 : i32 to index
      %get3A_1260 = tpu.vector_load %arg7[%get3A_1259] {strides = array<i32>} : memref<4096xf32, #tpu.memory_space<vmem>>, vector<16xf32>,
      %add3A_1261 = arith.addf %broadcast_in_dim3A_1256, %get3A_1260 : vector<16xf32>
      %add3A_1262 = arith.constant 128 : i32
      %add3A_1263 = arith.addi %add3A_1262, %mul3A_1255 : i32
      %get3A_1264 = arith.index_cast %add3A_1263 : i32 to index
      %get3A_1265 = tpu.vector_load %arg7[%get3A_1264] {strides = array<i32>} : memref<4096xf32, #tpu.memory_space<vmem>>, vector<16xf32>,
      %add3A_1266 = arith.addf %add3A_1261, %get3A_1265 : vector<16xf32>
      %add3A_1267 = arith.constant 256 : i32
      %add3A_1268 = arith.addi %add3A_1267, %mul3A_1255 : i32
      %get3A_1269 = arith.index_cast %add3A_1268 : i32 to index
      %get3A_1270 = tpu.vector_load %arg7[%get3A_1269] {strides = array<i32>} : memref<4096xf32, #tpu.memory_space<vmem>>, vector<16xf32>,
      %add3A_1271 = arith.addf %add3A_1266, %get3A_1270 : vector<16xf32>
      %add3A_1272 = arith.constant 384 : i32
      %add3A_1273 = arith.addi %add3A_1272, %mul3A_1255 : i32
      %get3A_1274 = arith.index_cast %add3A_1273 : i32 to index
      %get3A_1275 = tpu.vector_load %arg7[%get3A_1274] {strides = array<i32>} : memref<4096xf32, #tpu.memory_space<vmem>>, vector<16xf32>,
      %add3A_1276 = arith.addf %add3A_1271, %get3A_1275 : vector<16xf32>
      %add3A_1277 = arith.constant 512 : i32
      %add3A_1278 = arith.addi %add3A_1277, %mul3A_1255 : i32
      %get3A_1279 = arith.index_cast %add3A_1278 : i32 to index
      %get3A_1280 = tpu.vector_load %arg7[%get3A_1279] {strides = array<i32>} : memref<4096xf32, #tpu.memory_space<vmem>>, vector<16xf32>,
      %add3A_1281 = arith.addf %add3A_1276, %get3A_1280 : vector<16xf32>
      %add3A_1282 = arith.constant 640 : i32
      %add3A_1283 = arith.addi %add3A_1282, %mul3A_1255 : i32
      %get3A_1284 = arith.index_cast %add3A_1283 : i32 to index
      %get3A_1285 = tpu.vector_load %arg7[%get3A_1284] {strides = array<i32>} : memref<4096xf32, #tpu.memory_space<vmem>>, vector<16xf32>,
      %add3A_1286 = arith.addf %add3A_1281, %get3A_1285 : vector<16xf32>
      %add3A_1287 = arith.constant 768 : i32
      %add3A_1288 = arith.addi %add3A_1287, %mul3A_1255 : i32
      %get3A_1289 = arith.index_cast %add3A_1288 : i32 to index
      %get3A_1290 = tpu.vector_load %arg7[%get3A_1289] {strides = array<i32>} : memref<4096xf32, #tpu.memory_space<vmem>>, vector<16xf32>,
      %add3A_1291 = arith.addf %add3A_1286, %get3A_1290 : vector<16xf32>
      %add3A_1292 = arith.constant 896 : i32
      %add3A_1293 = arith.addi %add3A_1292, %mul3A_1255 : i32
      %get3A_1294 = arith.index_cast %add3A_1293 : i32 to index
      %get3A_1295 = tpu.vector_load %arg7[%get3A_1294] {strides = array<i32>} : memref<4096xf32, #tpu.memory_space<vmem>>, vector<16xf32>,
      %add3A_1296 = arith.addf %add3A_1291, %get3A_1295 : vector<16xf32>
      %add3A_1297 = arith.constant 1024 : i32
      %add3A_1298 = arith.addi %add3A_1297, %mul3A_1255 : i32
      %get3A_1299 = arith.index_cast %add3A_1298 : i32 to index
      %get3A_1300 = tpu.vector_load %arg7[%get3A_1299] {strides = array<i32>} : memref<4096xf32, #tpu.memory_space<vmem>>, vector<16xf32>,
      %add3A_1301 = arith.addf %add3A_1296, %get3A_1300 : vector<16xf32>
      %add3A_1302 = arith.constant 1152 : i32
      %add3A_1303 = arith.addi %add3A_1302, %mul3A_1255 : i32
      %get3A_1304 = arith.index_cast %add3A_1303 : i32 to index
      %get3A_1305 = tpu.vector_load %arg7[%get3A_1304] {strides = array<i32>} : memref<4096xf32, #tpu.memory_space<vmem>>, vector<16xf32>,
      %add3A_1306 = arith.addf %add3A_1301, %get3A_1305 : vector<16xf32>
      %add3A_1307 = arith.constant 1280 : i32
      %add3A_1308 = arith.addi %add3A_1307, %mul3A_1255 : i32
      %get3A_1309 = arith.index_cast %add3A_1308 : i32 to index
      %get3A_1310 = tpu.vector_load %arg7[%get3A_1309] {strides = array<i32>} : memref<4096xf32, #tpu.memory_space<vmem>>, vector<16xf32>,
      %add3A_1311 = arith.addf %add3A_1306, %get3A_1310 : vector<16xf32>
      %add3A_1312 = arith.constant 1408 : i32
      %add3A_1313 = arith.addi %add3A_1312, %mul3A_1255 : i32
      %get3A_1314 = arith.index_cast %add3A_1313 : i32 to index
      %get3A_1315 = tpu.vector_load %arg7[%get3A_1314] {strides = array<i32>} : memref<4096xf32, #tpu.memory_space<vmem>>, vector<16xf32>,
      %add3A_1316 = arith.addf %add3A_1311, %get3A_1315 : vector<16xf32>
      %add3A_1317 = arith.constant 1536 : i32
      %add3A_1318 = arith.addi %add3A_1317, %mul3A_1255 : i32
      %get3A_1319 = arith.index_cast %add3A_1318 : i32 to index
      %get3A_1320 = tpu.vector_load %arg7[%get3A_1319] {strides = array<i32>} : memref<4096xf32, #tpu.memory_space<vmem>>, vector<16xf32>,
      %add3A_1321 = arith.addf %add3A_1316, %get3A_1320 : vector<16xf32>
      %add3A_1322 = arith.constant 1664 : i32
      %add3A_1323 = arith.addi %add3A_1322, %mul3A_1255 : i32
      %get3A_1324 = arith.index_cast %add3A_1323 : i32 to index
      %get3A_1325 = tpu.vector_load %arg7[%get3A_1324] {strides = array<i32>} : memref<4096xf32, #tpu.memory_space<vmem>>, vector<16xf32>,
      %add3A_1326 = arith.addf %add3A_1321, %get3A_1325 : vector<16xf32>
      %add3A_1327 = arith.constant 1792 : i32
      %add3A_1328 = arith.addi %add3A_1327, %mul3A_1255 : i32
      %get3A_1329 = arith.index_cast %add3A_1328 : i32 to index
      %get3A_1330 = tpu.vector_load %arg7[%get3A_1329] {strides = array<i32>} : memref<4096xf32, #tpu.memory_space<vmem>>, vector<16xf32>,
      %add3A_1331 = arith.addf %add3A_1326, %get3A_1330 : vector<16xf32>
      %add3A_1332 = arith.constant 1920 : i32
      %add3A_1333 = arith.addi %add3A_1332, %mul3A_1255 : i32
      %get3A_1334 = arith.index_cast %add3A_1333 : i32 to index
      %get3A_1335 = tpu.vector_load %arg7[%get3A_1334] {strides = array<i32>} : memref<4096xf32, #tpu.memory_space<vmem>>, vector<16xf32>,
      %add3A_1336 = arith.addf %add3A_1331, %get3A_1335 : vector<16xf32>
      %add3A_1337 = arith.constant 2048 : i32
      %add3A_1338 = arith.addi %add3A_1337, %mul3A_1255 : i32
      %get3A_1339 = arith.index_cast %add3A_1338 : i32 to index
      %get3A_1340 = tpu.vector_load %arg7[%get3A_1339] {strides = array<i32>} : memref<4096xf32, #tpu.memory_space<vmem>>, vector<16xf32>,
      %add3A_1341 = arith.addf %add3A_1336, %get3A_1340 : vector<16xf32>
      %add3A_1342 = arith.constant 2176 : i32
      %add3A_1343 = arith.addi %add3A_1342, %mul3A_1255 : i32
      %get3A_1344 = arith.index_cast %add3A_1343 : i32 to index
      %get3A_1345 = tpu.vector_load %arg7[%get3A_1344] {strides = array<i32>} : memref<4096xf32, #tpu.memory_space<vmem>>, vector<16xf32>,
      %add3A_1346 = arith.addf %add3A_1341, %get3A_1345 : vector<16xf32>
      %add3A_1347 = arith.constant 2304 : i32
      %add3A_1348 = arith.addi %add3A_1347, %mul3A_1255 : i32
      %get3A_1349 = arith.index_cast %add3A_1348 : i32 to index
      %get3A_1350 = tpu.vector_load %arg7[%get3A_1349] {strides = array<i32>} : memref<4096xf32, #tpu.memory_space<vmem>>, vector<16xf32>,
      %add3A_1351 = arith.addf %add3A_1346, %get3A_1350 : vector<16xf32>
      %add3A_1352 = arith.constant 2432 : i32
      %add3A_1353 = arith.addi %add3A_1352, %mul3A_1255 : i32
      %get3A_1354 = arith.index_cast %add3A_1353 : i32 to index
      %get3A_1355 = tpu.vector_load %arg7[%get3A_1354] {strides = array<i32>} : memref<4096xf32, #tpu.memory_space<vmem>>, vector<16xf32>,
      %add3A_1356 = arith.addf %add3A_1351, %get3A_1355 : vector<16xf32>
      %add3A_1357 = arith.constant 2560 : i32
      %add3A_1358 = arith.addi %add3A_1357, %mul3A_1255 : i32
      %get3A_1359 = arith.index_cast %add3A_1358 : i32 to index
      %get3A_1360 = tpu.vector_load %arg7[%get3A_1359] {strides = array<i32>} : memref<4096xf32, #tpu.memory_space<vmem>>, vector<16xf32>,
      %add3A_1361 = arith.addf %add3A_1356, %get3A_1360 : vector<16xf32>
      %add3A_1362 = arith.constant 2688 : i32
      %add3A_1363 = arith.addi %add3A_1362, %mul3A_1255 : i32
      %get3A_1364 = arith.index_cast %add3A_1363 : i32 to index
      %get3A_1365 = tpu.vector_load %arg7[%get3A_1364] {strides = array<i32>} : memref<4096xf32, #tpu.memory_space<vmem>>, vector<16xf32>,
      %add3A_1366 = arith.addf %add3A_1361, %get3A_1365 : vector<16xf32>
      %add3A_1367 = arith.constant 2816 : i32
      %add3A_1368 = arith.addi %add3A_1367, %mul3A_1255 : i32
      %get3A_1369 = arith.index_cast %add3A_1368 : i32 to index
      %get3A_1370 = tpu.vector_load %arg7[%get3A_1369] {strides = array<i32>} : memref<4096xf32, #tpu.memory_space<vmem>>, vector<16xf32>,
      %add3A_1371 = arith.addf %add3A_1366, %get3A_1370 : vector<16xf32>
      %add3A_1372 = arith.constant 2944 : i32
      %add3A_1373 = arith.addi %add3A_1372, %mul3A_1255 : i32
      %get3A_1374 = arith.index_cast %add3A_1373 : i32 to index
      %get3A_1375 = tpu.vector_load %arg7[%get3A_1374] {strides = array<i32>} : memref<4096xf32, #tpu.memory_space<vmem>>, vector<16xf32>,
      %add3A_1376 = arith.addf %add3A_1371, %get3A_1375 : vector<16xf32>
      %add3A_1377 = arith.constant 3072 : i32
      %add3A_1378 = arith.addi %add3A_1377, %mul3A_1255 : i32
      %get3A_1379 = arith.index_cast %add3A_1378 : i32 to index
      %get3A_1380 = tpu.vector_load %arg7[%get3A_1379] {strides = array<i32>} : memref<4096xf32, #tpu.memory_space<vmem>>, vector<16xf32>,
      %add3A_1381 = arith.addf %add3A_1376, %get3A_1380 : vector<16xf32>
      %add3A_1382 = arith.constant 3200 : i32
      %add3A_1383 = arith.addi %add3A_1382, %mul3A_1255 : i32
      %get3A_1384 = arith.index_cast %add3A_1383 : i32 to index
      %get3A_1385 = tpu.vector_load %arg7[%get3A_1384] {strides = array<i32>} : memref<4096xf32, #tpu.memory_space<vmem>>, vector<16xf32>,
      %add3A_1386 = arith.addf %add3A_1381, %get3A_1385 : vector<16xf32>
      %add3A_1387 = arith.constant 3328 : i32
      %add3A_1388 = arith.addi %add3A_1387, %mul3A_1255 : i32
      %get3A_1389 = arith.index_cast %add3A_1388 : i32 to index
      %get3A_1390 = tpu.vector_load %arg7[%get3A_1389] {strides = array<i32>} : memref<4096xf32, #tpu.memory_space<vmem>>, vector<16xf32>,
      %add3A_1391 = arith.addf %add3A_1386, %get3A_1390 : vector<16xf32>
      %add3A_1392 = arith.constant 3456 : i32
      %add3A_1393 = arith.addi %add3A_1392, %mul3A_1255 : i32
      %get3A_1394 = arith.index_cast %add3A_1393 : i32 to index
      %get3A_1395 = tpu.vector_load %arg7[%get3A_1394] {strides = array<i32>} : memref<4096xf32, #tpu.memory_space<vmem>>, vector<16xf32>,
      %add3A_1396 = arith.addf %add3A_1391, %get3A_1395 : vector<16xf32>
      %add3A_1397 = arith.constant 3584 : i32
      %add3A_1398 = arith.addi %add3A_1397, %mul3A_1255 : i32
      %get3A_1399 = arith.index_cast %add3A_1398 : i32 to index
      %get3A_1400 = tpu.vector_load %arg7[%get3A_1399] {strides = array<i32>} : memref<4096xf32, #tpu.memory_space<vmem>>, vector<16xf32>,
      %add3A_1401 = arith.addf %add3A_1396, %get3A_1400 : vector<16xf32>
      %add3A_1402 = arith.constant 3712 : i32
      %add3A_1403 = arith.addi %add3A_1402, %mul3A_1255 : i32
      %get3A_1404 = arith.index_cast %add3A_1403 : i32 to index
      %get3A_1405 = tpu.vector_load %arg7[%get3A_1404] {strides = array<i32>} : memref<4096xf32, #tpu.memory_space<vmem>>, vector<16xf32>,
      %add3A_1406 = arith.addf %add3A_1401, %get3A_1405 : vector<16xf32>
      %add3A_1407 = arith.constant 3840 : i32
      %add3A_1408 = arith.addi %add3A_1407, %mul3A_1255 : i32
      %get3A_1409 = arith.index_cast %add3A_1408 : i32 to index
      %get3A_1410 = tpu.vector_load %arg7[%get3A_1409] {strides = array<i32>} : memref<4096xf32, #tpu.memory_space<vmem>>, vector<16xf32>,
      %add3A_1411 = arith.addf %add3A_1406, %get3A_1410 : vector<16xf32>
      %add3A_1412 = arith.constant 3968 : i32
      %add3A_1413 = arith.addi %add3A_1412, %mul3A_1255 : i32
      %get3A_1414 = arith.index_cast %add3A_1413 : i32 to index
      %get3A_1415 = tpu.vector_load %arg7[%get3A_1414] {strides = array<i32>} : memref<4096xf32, #tpu.memory_space<vmem>>, vector<16xf32>,
      %add3A_1416 = arith.addf %add3A_1411, %get3A_1415 : vector<16xf32>
      %add3A_1417 = arith.constant 0 : i32
      %add3A_1418 = arith.addi %add3A_1417, %mul3A_1255 : i32
      %get3A_1419 = arith.index_cast %add3A_1418 : i32 to index
      %get3A_1420 = tpu.vector_load %arg10[%get3A_1419] {strides = array<i32>} : memref<3328xf32, #tpu.memory_space<vmem>>, vector<16xf32>,
      %add3A_1421 = arith.addf %get3A_1244, %get3A_1420 : vector<16xf32>
      %add3A_1422 = arith.constant 128 : i32
      %add3A_1423 = arith.addi %add3A_1422, %mul3A_1255 : i32
      %get3A_1424 = arith.index_cast %add3A_1423 : i32 to index
      %get3A_1425 = tpu.vector_load %arg10[%get3A_1424] {strides = array<i32>} : memref<3328xf32, #tpu.memory_space<vmem>>, vector<16xf32>,
      %add3A_1426 = arith.addf %add3A_1421, %get3A_1425 : vector<16xf32>
      %add3A_1427 = arith.constant 256 : i32
      %add3A_1428 = arith.addi %add3A_1427, %mul3A_1255 : i32
      %get3A_1429 = arith.index_cast %add3A_1428 : i32 to index
      %get3A_1430 = tpu.vector_load %arg10[%get3A_1429] {strides = array<i32>} : memref<3328xf32, #tpu.memory_space<vmem>>, vector<16xf32>,
      %add3A_1431 = arith.addf %add3A_1426, %get3A_1430 : vector<16xf32>
      %add3A_1432 = arith.constant 384 : i32
      %add3A_1433 = arith.addi %add3A_1432, %mul3A_1255 : i32
      %get3A_1434 = arith.index_cast %add3A_1433 : i32 to index
      %get3A_1435 = tpu.vector_load %arg10[%get3A_1434] {strides = array<i32>} : memref<3328xf32, #tpu.memory_space<vmem>>, vector<16xf32>,
      %add3A_1436 = arith.addf %add3A_1431, %get3A_1435 : vector<16xf32>
      %add3A_1437 = arith.constant 512 : i32
      %add3A_1438 = arith.addi %add3A_1437, %mul3A_1255 : i32
      %get3A_1439 = arith.index_cast %add3A_1438 : i32 to index
      %get3A_1440 = tpu.vector_load %arg10[%get3A_1439] {strides = array<i32>} : memref<3328xf32, #tpu.memory_space<vmem>>, vector<16xf32>,
      %add3A_1441 = arith.addf %add3A_1436, %get3A_1440 : vector<16xf32>
      %add3A_1442 = arith.constant 640 : i32
      %add3A_1443 = arith.addi %add3A_1442, %mul3A_1255 : i32
      %get3A_1444 = arith.index_cast %add3A_1443 : i32 to index
      %get3A_1445 = tpu.vector_load %arg10[%get3A_1444] {strides = array<i32>} : memref<3328xf32, #tpu.memory_space<vmem>>, vector<16xf32>,
      %add3A_1446 = arith.addf %add3A_1441, %get3A_1445 : vector<16xf32>
      %add3A_1447 = arith.constant 768 : i32
      %add3A_1448 = arith.addi %add3A_1447, %mul3A_1255 : i32
      %get3A_1449 = arith.index_cast %add3A_1448 : i32 to index
      %get3A_1450 = tpu.vector_load %arg10[%get3A_1449] {strides = array<i32>} : memref<3328xf32, #tpu.memory_space<vmem>>, vector<16xf32>,
      %add3A_1451 = arith.addf %add3A_1446, %get3A_1450 : vector<16xf32>
      %add3A_1452 = arith.constant 896 : i32
      %add3A_1453 = arith.addi %add3A_1452, %mul3A_1255 : i32
      %get3A_1454 = arith.index_cast %add3A_1453 : i32 to index
      %get3A_1455 = tpu.vector_load %arg10[%get3A_1454] {strides = array<i32>} : memref<3328xf32, #tpu.memory_space<vmem>>, vector<16xf32>,
      %add3A_1456 = arith.addf %add3A_1451, %get3A_1455 : vector<16xf32>
      %add3A_1457 = arith.constant 1024 : i32
      %add3A_1458 = arith.addi %add3A_1457, %mul3A_1255 : i32
      %get3A_1459 = arith.index_cast %add3A_1458 : i32 to index
      %get3A_1460 = tpu.vector_load %arg10[%get3A_1459] {strides = array<i32>} : memref<3328xf32, #tpu.memory_space<vmem>>, vector<16xf32>,
      %add3A_1461 = arith.addf %add3A_1456, %get3A_1460 : vector<16xf32>
      %add3A_1462 = arith.constant 1152 : i32
      %add3A_1463 = arith.addi %add3A_1462, %mul3A_1255 : i32
      %get3A_1464 = arith.index_cast %add3A_1463 : i32 to index
      %get3A_1465 = tpu.vector_load %arg10[%get3A_1464] {strides = array<i32>} : memref<3328xf32, #tpu.memory_space<vmem>>, vector<16xf32>,
      %add3A_1466 = arith.addf %add3A_1461, %get3A_1465 : vector<16xf32>
      %add3A_1467 = arith.constant 1280 : i32
      %add3A_1468 = arith.addi %add3A_1467, %mul3A_1255 : i32
      %get3A_1469 = arith.index_cast %add3A_1468 : i32 to index
      %get3A_1470 = tpu.vector_load %arg10[%get3A_1469] {strides = array<i32>} : memref<3328xf32, #tpu.memory_space<vmem>>, vector<16xf32>,
      %add3A_1471 = arith.addf %add3A_1466, %get3A_1470 : vector<16xf32>
      %add3A_1472 = arith.constant 1408 : i32
      %add3A_1473 = arith.addi %add3A_1472, %mul3A_1255 : i32
      %get3A_1474 = arith.index_cast %add3A_1473 : i32 to index
      %get3A_1475 = tpu.vector_load %arg10[%get3A_1474] {strides = array<i32>} : memref<3328xf32, #tpu.memory_space<vmem>>, vector<16xf32>,
      %add3A_1476 = arith.addf %add3A_1471, %get3A_1475 : vector<16xf32>
      %add3A_1477 = arith.constant 1536 : i32
      %add3A_1478 = arith.addi %add3A_1477, %mul3A_1255 : i32
      %get3A_1479 = arith.index_cast %add3A_1478 : i32 to index
      %get3A_1480 = tpu.vector_load %arg10[%get3A_1479] {strides = array<i32>} : memref<3328xf32, #tpu.memory_space<vmem>>, vector<16xf32>,
      %add3A_1481 = arith.addf %add3A_1476, %get3A_1480 : vector<16xf32>
      %add3A_1482 = arith.constant 1664 : i32
      %add3A_1483 = arith.addi %add3A_1482, %mul3A_1255 : i32
      %get3A_1484 = arith.index_cast %add3A_1483 : i32 to index
      %get3A_1485 = tpu.vector_load %arg10[%get3A_1484] {strides = array<i32>} : memref<3328xf32, #tpu.memory_space<vmem>>, vector<16xf32>,
      %add3A_1486 = arith.addf %add3A_1481, %get3A_1485 : vector<16xf32>
      %add3A_1487 = arith.constant 1792 : i32
      %add3A_1488 = arith.addi %add3A_1487, %mul3A_1255 : i32
      %get3A_1489 = arith.index_cast %add3A_1488 : i32 to index
      %get3A_1490 = tpu.vector_load %arg10[%get3A_1489] {strides = array<i32>} : memref<3328xf32, #tpu.memory_space<vmem>>, vector<16xf32>,
      %add3A_1491 = arith.addf %add3A_1486, %get3A_1490 : vector<16xf32>
      %add3A_1492 = arith.constant 1920 : i32
      %add3A_1493 = arith.addi %add3A_1492, %mul3A_1255 : i32
      %get3A_1494 = arith.index_cast %add3A_1493 : i32 to index
      %get3A_1495 = tpu.vector_load %arg10[%get3A_1494] {strides = array<i32>} : memref<3328xf32, #tpu.memory_space<vmem>>, vector<16xf32>,
      %add3A_1496 = arith.addf %add3A_1491, %get3A_1495 : vector<16xf32>
      %add3A_1497 = arith.constant 2048 : i32
      %add3A_1498 = arith.addi %add3A_1497, %mul3A_1255 : i32
      %get3A_1499 = arith.index_cast %add3A_1498 : i32 to index
      %get3A_1500 = tpu.vector_load %arg10[%get3A_1499] {strides = array<i32>} : memref<3328xf32, #tpu.memory_space<vmem>>, vector<16xf32>,
      %add3A_1501 = arith.addf %add3A_1496, %get3A_1500 : vector<16xf32>
      %add3A_1502 = arith.constant 2176 : i32
      %add3A_1503 = arith.addi %add3A_1502, %mul3A_1255 : i32
      %get3A_1504 = arith.index_cast %add3A_1503 : i32 to index
      %get3A_1505 = tpu.vector_load %arg10[%get3A_1504] {strides = array<i32>} : memref<3328xf32, #tpu.memory_space<vmem>>, vector<16xf32>,
      %add3A_1506 = arith.addf %add3A_1501, %get3A_1505 : vector<16xf32>
      %add3A_1507 = arith.constant 2304 : i32
      %add3A_1508 = arith.addi %add3A_1507, %mul3A_1255 : i32
      %get3A_1509 = arith.index_cast %add3A_1508 : i32 to index
      %get3A_1510 = tpu.vector_load %arg10[%get3A_1509] {strides = array<i32>} : memref<3328xf32, #tpu.memory_space<vmem>>, vector<16xf32>,
      %add3A_1511 = arith.addf %add3A_1506, %get3A_1510 : vector<16xf32>
      %add3A_1512 = arith.constant 2432 : i32
      %add3A_1513 = arith.addi %add3A_1512, %mul3A_1255 : i32
      %get3A_1514 = arith.index_cast %add3A_1513 : i32 to index
      %get3A_1515 = tpu.vector_load %arg10[%get3A_1514] {strides = array<i32>} : memref<3328xf32, #tpu.memory_space<vmem>>, vector<16xf32>,
      %add3A_1516 = arith.addf %add3A_1511, %get3A_1515 : vector<16xf32>
      %add3A_1517 = arith.constant 2560 : i32
      %add3A_1518 = arith.addi %add3A_1517, %mul3A_1255 : i32
      %get3A_1519 = arith.index_cast %add3A_1518 : i32 to index
      %get3A_1520 = tpu.vector_load %arg10[%get3A_1519] {strides = array<i32>} : memref<3328xf32, #tpu.memory_space<vmem>>, vector<16xf32>,
      %add3A_1521 = arith.addf %add3A_1516, %get3A_1520 : vector<16xf32>
      %add3A_1522 = arith.constant 2688 : i32
      %add3A_1523 = arith.addi %add3A_1522, %mul3A_1255 : i32
      %get3A_1524 = arith.index_cast %add3A_1523 : i32 to index
      %get3A_1525 = tpu.vector_load %arg10[%get3A_1524] {strides = array<i32>} : memref<3328xf32, #tpu.memory_space<vmem>>, vector<16xf32>,
      %add3A_1526 = arith.addf %add3A_1521, %get3A_1525 : vector<16xf32>
      %add3A_1527 = arith.constant 2816 : i32
      %add3A_1528 = arith.addi %add3A_1527, %mul3A_1255 : i32
      %get3A_1529 = arith.index_cast %add3A_1528 : i32 to index
      %get3A_1530 = tpu.vector_load %arg10[%get3A_1529] {strides = array<i32>} : memref<3328xf32, #tpu.memory_space<vmem>>, vector<16xf32>,
      %add3A_1531 = arith.addf %add3A_1526, %get3A_1530 : vector<16xf32>
      %add3A_1532 = arith.constant 2944 : i32
      %add3A_1533 = arith.addi %add3A_1532, %mul3A_1255 : i32
      %get3A_1534 = arith.index_cast %add3A_1533 : i32 to index
      %get3A_1535 = tpu.vector_load %arg10[%get3A_1534] {strides = array<i32>} : memref<3328xf32, #tpu.memory_space<vmem>>, vector<16xf32>,
      %add3A_1536 = arith.addf %add3A_1531, %get3A_1535 : vector<16xf32>
      %add3A_1537 = arith.constant 3072 : i32
      %add3A_1538 = arith.addi %add3A_1537, %mul3A_1255 : i32
      %get3A_1539 = arith.index_cast %add3A_1538 : i32 to index
      %get3A_1540 = tpu.vector_load %arg10[%get3A_1539] {strides = array<i32>} : memref<3328xf32, #tpu.memory_space<vmem>>, vector<16xf32>,
      %add3A_1541 = arith.addf %add3A_1536, %get3A_1540 : vector<16xf32>
      %add3A_1542 = arith.constant 3200 : i32
      %add3A_1543 = arith.addi %add3A_1542, %mul3A_1255 : i32
      %get3A_1544 = arith.index_cast %add3A_1543 : i32 to index
      %get3A_1545 = tpu.vector_load %arg10[%get3A_1544] {strides = array<i32>} : memref<3328xf32, #tpu.memory_space<vmem>>, vector<16xf32>,
      %add3A_1546 = arith.addf %add3A_1541, %get3A_1545 : vector<16xf32>
      %mul3A_1547 = arith.constant 5.000000e-01 : f32
      %mul3A_1548 = vector.broadcast %mul3A_1547 : f32 to vector<16xf32>
      %mul3A_1549 = arith.mulf %mul3A_1548, %add3A_1416 : vector<16xf32>
      %add3A_1550 = arith.addf %mul3A_1549, %add3A_1546 : vector<16xf32>
      %swap3A = arith.index_cast %mul3A_1255 : i32 to index
      %swap3A_1551 = tpu.vector_load %arg11[%swap3A] {strides = array<i32>} : memref<128xf32, #tpu.memory_space<vmem>>, vector<16xf32>,
      tpu.vector_store %arg11[%swap3A], %add3A_1550 {strides = array<i32>} : memref<128xf32, #tpu.memory_space<vmem>>, vector<16xf32>,
    }
    %scan3A_1250 = arith.constant 8 : i32
    %mul3A_1251 = arith.constant 128 : i32
    %mul3A_1252 = arith.muli %add3A, %mul3A_1251 : i32
    "tpu.region"() ({
      %run_scoped3A = tpu.sem_alloc : memref<!tpu.dma_semaphore, #tpu.memory_space<semaphore_mem>>
      %dma_start3A_1253 = tpu.memref_slice %arg6[%mul3A_1252] : memref<4096xf32, #tpu.memory_space<hbm>> -> memref<128xf32, #tpu.memory_space<hbm>>
      %dma_start3A_1254 = tpu.memref_slice %arg6[%mul3A_1252] : memref<4096xf32, #tpu.memory_space<hbm>> -> memref<128xf32, #tpu.memory_space<hbm>>
      tpu.enqueue_dma source(%arg11 : memref<128xf32, #tpu.memory_space<vmem>>) target(%dma_start3A_1254 : memref<128xf32, #tpu.memory_space<hbm>>) target_semaphore(%run_scoped3A : memref<!tpu.dma_semaphore, #tpu.memory_space<semaphore_mem>>)
      %dma_wait3A_1255 = tpu.memref_slice %arg6[%mul3A_1252] : memref<4096xf32, #tpu.memory_space<hbm>> -> memref<128xf32, #tpu.memory_space<hbm>>
      %dma_wait3A_1256 = tpu.memref_slice %arg6[%mul3A_1252] : memref<4096xf32, #tpu.memory_space<hbm>> -> memref<128xf32, #tpu.memory_space<hbm>>
      tpu.wait_dma2 semaphore(%run_scoped3A : memref<!tpu.dma_semaphore, #tpu.memory_space<semaphore_mem>>) src(%arg11 : memref<128xf32, #tpu.memory_space<vmem>>) dst(%dma_wait3A_1256 : memref<128xf32, #tpu.memory_space<hbm>>)
      tpu.yield
    }) : () -> ()
    return
  }
}

</mosaic_0001>

<sc_bundles>
// kernel: kernel.4.cloned.1.call-start
scs
__scs_entry_jumppad:
0x0: {  	(pc) =	sbr.rel $0x88, $3  }
0x1: {  	(tag) =	ssettag $0x0;
	lr =	simm.s32 $0x1  }
0x2: {  	[smem:$0x3F9D] =	sst lr;
	_ =	strace $0xD0000000  }
0x3: {  	_ = 	snop  }
0x4: {  	_ = 	snop  }
0x5: {  	_ = 	snop  }
0x6: {  	_ = 	snop  }
0x7: {  	_ = 	snop  }
__scs_overlays_trampoline_lowered:
0x8: {  	[smem:$0x3FAC] =	sst s0  }
0x9: {  	[smem:$0x3FAD] =	sst s1  }
0xa: {  	[smem:$0x3FAE] =	sst s2  }
0xb: {  	[smem:$0x3FAF] =	sst s3  }
0xc: {  	[smem:$0x3FB0] =	sst s4  }
0xd: {  	[smem:$0x3FB1] =	sst s5  }
0xe: {  	[smem:$0x3FB2] =	sst s6  }
0xf: {  	[smem:$0x3FB3] =	sst s7  }
0x10: {  	[smem:$0x3FB4] =	sst s8  }
0x11: {  	[smem:$0x3FB5] =	sst s9;
	s0 =	simm.s32 @!p0 $0x0  }
0x12: {  	s1 =	sld [smem:$0x3F9B];
	s0 =	simm.s32 @p0 $0x1  }
0x13: {  	[smem:$0x3FB6] =	sst s0;
	s0 =	simm.s32 @!p1 $0x0  }
0x14: {  	s2 =	sld [smem:$0x3F9A];
	s0 =	simm.s32 @p1 $0x1  }
0x15: {  	[smem:$0x3FB7] =	sst s0;
	s0 =	simm.s32 @!p2 $0x0  }
0x16: {  	s3 =	sld [smem:$0x3FDB];
	s0 =	simm.s32 @p2 $0x1  }
0x17: {  	s4 =	simm.s32 $0x1BF5;
	[smem:$0x3FB9] =	sst s0  }
0x18: {  	s0 =	sld [smem:$0x3F9C];
	_ =	swait.ge [sflag:s4], $0x0  }
0x19: {  	s7 =	sld [smem:$0x3F9D]  }
0x1a: {  	s8 =	sadd.s32 $0xFFFFE003, lr  }
0x1b: {  	s9 =	sadd.s32 $0xFFFFFEF7, lr;
	s5 =	simm.s32 $0xFFFFFFFF;
	p2 =	slt.u32 s8, $0xFFFFF086  }
0x1c: {  	p1 =	slt.u32 s9, $0xF7A;
	s5 =	simm.s32 @!p2 $0x0  }
0x1d: {  	s5 =	simm.s32 @p1 $0x1;
	p0 =	seq.s32 s7, s2  }
0x1e: {  	s7 =	smul.u32 @!p0 $0xF7A, s2;
	p2 =	seq.s32 @!p0 s5, $0x0  }
0x1f: {  	s9 =	smul.u32 $0xF7A, s1;
	s8 =	simm.s32 @!p0 $0x1BF5;
	p2 =	por !p2, p0  }
0x20: {  	[sflag:s8] =	ssyncset.s32 @!p0 $0xFFFFF086;
	s6 =	sadd.s32 @!p0 s3, s7;
	s7 =	simm.s32 @!p0 $0x108  }
0x21: {  	s3 =	sadd.s32 s3, s9;
	s6 =	sadd.s32 @!p0 $0x88, s6;
	s7 =	simm.s32 @p2 $0x1082  }
0x22: {  	[simem:s7], [sflag:s8] =	dma.local @!p0 [hbm:s6], $0xF7A  }
0x23: {  	s9 =	sor.u32 $0xD0000000, s2;
	s6 =	simm.s32 $0x108;
	_ =	swait.ge @!p0 [sflag:s8], $0x0  }
0x24: {  	s3 =	sadd.s32 $0x88, s3;
	s6 =	simm.s32 @!p1 $0x1082;
	[sflag:s4] =	ssyncset.s32 $0xFFFFF086  }
0x25: {  	[simem:s6], [sflag:s4] =	dma.local [hbm:s3], $0xF7A  }
0x26: {  	[smem:$0x3F9D] =	sst s1;
	(tag) =	ssettag s2;
	_ =	strace s9  }
0x27: {  	s1 =	sld [smem:$0x3FAD]  }
0x28: {  	s2 =	sld [smem:$0x3FAE]  }
0x29: {  	s4 =	sld [smem:$0x3FB0]  }
0x2a: {  	p0 =	seq.s32 s5, $0x0;
	s5 =	sld [smem:$0x3FB1]  }
0x2b: {  	s6 =	sld [smem:$0x3FB2]  }
0x2c: {  	s7 =	sld [smem:$0x3FB3]  }
0x2d: {  	s3 =	simm.s32 $0x108;
	s8 =	sld [smem:$0x3FB4]  }
0x2e: {  	s3 =	simm.s32 @!p0 $0x1082;
	s9 =	sld [smem:$0x3FB5]  }
0x2f: {  	lr =	sadd.s32 s0, s3;
	s0 =	sld [smem:$0x3FAC]  }
0x30: {  	s3 =	sld [smem:$0x3FAF]  }
0x31: {  	[smem:$0x3FB8] =	sst s10  }
0x32: {  	s10 =	sld [smem:$0x3FB6];
	_ =	sdelay $0x3  }
0x33: {  	p0 =	seq.s32 s10, $0x1;
	s10 =	sld [smem:$0x3FB8];
	_ =	sdelay $0x3  }
0x34: {  	[smem:$0x3FB8] =	sst s10  }
0x35: {  	s10 =	sld [smem:$0x3FB7];
	_ =	sdelay $0x3  }
0x36: {  	p1 =	seq.s32 s10, $0x1;
	s10 =	sld [smem:$0x3FB8];
	_ =	sdelay $0x3  }
0x37: {  	[smem:$0x3FB8] =	sst s10  }
0x38: {  	s10 =	sld [smem:$0x3FB9]  }
0x39: {  	_ = 	snop;
	(pc) =	sbr.ind lr, $3  }
0x3a: {  	_ = 	snop  }
0x3b: {  	_ = 	snop  }
0x3c: {  	p2 =	seq.s32 s10, $0x1;
	s10 =	sld [smem:$0x3FB8]  }
0x3d: {  	_ =	shalt  }
0x3e: {  	_ =	shalt  }
0x3f: {  	_ =	shalt  }
0x40: {  	_ =	shalt  }
0x41: {  	_ =	shalt  }
0x42: {  	_ =	shalt  }
0x43: {  	_ =	shalt  }
0x44: {  	_ =	shalt  }
0x45: {  	_ =	shalt  }
0x46: {  	_ =	shalt  }
0x47: {  	_ =	shalt  }
0x48: {  	_ =	shalt  }
0x49: {  	_ =	shalt  }
0x4a: {  	_ =	shalt  }
0x4b: {  	_ =	shalt  }
0x4c: {  	_ =	shalt  }
0x4d: {  	_ =	shalt  }
0x4e: {  	_ =	shalt  }
0x4f: {  	_ =	shalt  }
0x50: {  	_ =	shalt  }
0x51: {  	_ =	shalt  }
0x52: {  	_ =	shalt  }
0x53: {  	_ =	shalt  }
0x54: {  	_ =	shalt  }
0x55: {  	_ =	shalt  }
0x56: {  	_ =	shalt  }
0x57: {  	_ =	shalt  }
0x58: {  	_ =	shalt  }
0x59: {  	_ =	shalt  }
0x5a: {  	_ =	shalt  }
0x5b: {  	_ =	shalt  }
0x5c: {  	_ =	shalt  }
0x5d: {  	_ =	shalt  }
0x5e: {  	_ =	shalt  }
0x5f: {  	_ =	shalt  }
0x60: {  	_ =	shalt  }
0x61: {  	_ =	shalt  }
0x62: {  	_ =	shalt  }
0x63: {  	_ =	shalt  }
0x64: {  	_ =	shalt  }
0x65: {  	_ =	shalt  }
0x66: {  	_ =	shalt  }
0x67: {  	_ =	shalt  }
0x68: {  	_ =	shalt  }
0x69: {  	_ =	shalt  }
0x6a: {  	_ =	shalt  }
0x6b: {  	_ =	shalt  }
0x6c: {  	_ =	shalt  }
0x6d: {  	_ =	shalt  }
0x6e: {  	_ =	shalt  }
0x6f: {  	_ =	shalt  }
0x70: {  	_ =	shalt  }
0x71: {  	_ =	shalt  }
0x72: {  	_ =	shalt  }
0x73: {  	_ =	shalt  }
0x74: {  	_ =	shalt  }
0x75: {  	_ =	shalt  }
0x76: {  	_ =	shalt  }
0x77: {  	_ =	shalt  }
0x78: {  	_ =	shalt  }
0x79: {  	_ =	shalt  }
0x7a: {  	_ =	shalt  }
0x7b: {  	_ =	shalt  }
0x7c: {  	_ =	shalt  }
0x7d: {  	_ =	shalt  }
0x7e: {  	_ =	shalt  }
0x7f: {  	_ =	shalt  }
0x80: {  	_ =	shalt  }
0x81: {  	_ =	shalt  }
0x82: {  	_ =	shalt  }
0x83: {  	_ =	shalt  }
0x84: {  	_ =	shalt  }
0x85: {  	_ =	shalt  }
0x86: {  	_ =	shalt  }
0x87: {  	_ =	shalt  }
.Lfunc_end0:
.L_simem_size_0:
called_computation_lowered:
.L_overlay_start_0:
0x88: {  	s2 =	sld [smem:$0x3FD9]  }
0x89: {  	s3 =	sld [smem:$0x3FFE];
	_ =	sdelay $0x1  }
0x8a: {  	s1 =	srdreg.scid  }
0x8b: {  	s0 =	sand.u32 $0x1, s1  }
0x8c: {  	s17 =	sshll.u32 s0, $0xA;
	s2 =	sadd.s32 s3, s2  }
0x8d: {  	s2 =	sadd.s32 s2, s17  }
0x8e: {  	[smem:$0x3FC4] =	sst s2  }
0x8f: {  	_ = 	snop  }
0x90: {  	s2 =	sld [smem:$0x3FC7];
	(tm) =	ssettm $0x1  }
0x91: {  	s18 =	sld [smem:$0x3FFB];
	_ =	sdelay $0x3  }
0x92: {  	_ =	strace s18  }
0x93: {  	s3 =	sld [smem:$0x3FFC];
	_ =	sdelay $0x3  }
0x94: {  	_ =	strace s3  }
0x95: {  	s3 =	sld [smem:$0x3FFD];
	_ =	sdelay $0x3  }
0x96: {  	_ =	strace s3  }
0x97: {  	_ =	strace $0x8FFFFFFF  }
0x98: {  	s19 =	sld [smem:$0x3FDB];
	_ =	sdelay $0x1  }
0x99: {  	s4 =	simm.s32 $_scs_section_size  }
0x9a: {  	s5 =	simm.s32 $_size__tile_overlayer_lowered;
	s6 =	simm.s32 $_tile_overlayer_lowered  }
0x9b: {  	s22 =	simm.s32 $0x1BFF;
	s21 =	sshll.u32 s6, $0x1;
	s3 =	sadd.s32 s4, s19  }
0x9c: {  	s7 =	simm.s32 $0x0;
	s20 =	sshll.u32 s5, $0x1;
	s5 =	sadd.s32 s21, s3  }
0x9d: {  	[timem:s7], [sflag:s22] =	dma.local [hbm:s5], s20  }
0x9e: {  	_ =	swait.ge [sflag:s22], s20  }
0x9f: {  	s4 =	ssub.s32 $0x0, s20;
	[sflag:s22] =	ssyncset.done $0x0  }
0xa0: {  	[sflag:s22] =	ssyncadd.s32 s4;
	_ =	sdelay $0x1  }
0xa1: {  	s23 =	simm.s32 $0x1B8B  }
0xa2: {  	_ =	swait.ge [sflag:s23], $0x1  }
0xa3: {  	[sflag:s23] =	ssyncset.done $0x0  }
0xa4: {  	s25 =	simm.s32 $0x1B8E;
	s24 =	sld [smem:$0x3FFE];
	[sflag:s23] =	ssyncadd.s32 $0xFFFFFFFF  }
0xa5: {  	s26 =	simm.s32 $execute0_lowered;
	[smem:$0x3FD2] =	sst s25  }
0xa6: {  	s5 =	sshll.u32 s26, $0x1;
	_ =	strace $0x80000046;
	[dreg:$0x1] =	wrdreg $0xFFFFFFFF  }
0xa7: {  	s28 =	simm.s32 $_size_execute0_lowered;
	s3 =	sadd.s32 s3, s5;
	[dreg:$0x0] =	wrdreg $0x0  }
0xa8: {  	s5 =	sshll.u32 s28, $0x1;
	[dreg:$0x2] =	wrdreg s3  }
0xa9: {  	[dreg:$0x3] =	wrdreg s5  }
0xaa: {  	[dreg:$0x4] =	wrdreg $0xC0  }
0xab: {  	_ =	task [dreg:s7], $0x5FFFF  }
0xac: {  	[dreg:$0x1] =	wrdreg $0xFFFFFFFF  }
0xad: {  	[dreg:$0x0] =	wrdreg $0x60  }
0xae: {  	[dreg:$0x2] =	wrdreg s24  }
0xaf: {  	[dreg:$0x3] =	wrdreg s2  }
0xb0: {  	[dreg:$0x4] =	wrdreg $0x9  }
0xb1: {  	_ =	task.clear_ibuf [dreg:s7], $0x5FFFF;
	_ =	strace $0x90000046  }
0xb2: {  	s29 =	simm.s32 $0x9;
	_ =	strace $0x80000048  }
0xb3: {  	_ =	swait.ge [sflag:s29], $0x1  }
0xb4: {  	[sflag:s29] =	ssyncadd.s32 $0xFFFFFFFF  }
0xb5: {  	_ =	strace $0x90000048  }
0xb6: {  	_ =	sfence  }
0xb7: {  	s30 =	sld [smem:$0x0];
	_ =	sdelay $0x2  }
0xb8: {  	s31 =	sshll.u32 s1, $0xD;
	s1 =	sshrl.u32 s1, $0x2  }
0xb9: {  	s3 =	sand.u32 $0x4000, s31;
	s1 =	sadd.s32 s1, s30  }
0xba: {  	s0 =	sor.u32 s3, s0;
	s1 =	sshll.u32 s1, $0x11  }
0xbb: {  	s0 =	sor.u32 s1, s0  }
0xbc: {  	s0 =	sadd.s32 $0x8F2B, s0  }
0xbd: {  	[sflag:s0] =	ssyncadd.remote.s32 $0x1  }
0xbe: {  	_ =	sfence.sel $0xFFFF  }
0xbf: {  	[dreg:$0x0] =	wrdreg $0xFFFFFFFF;
	(pc) =	sbr.abs _section_cstart, $3  }
0xc0: {  	[dreg:$0x1] =	wrdreg $0xFFFFFFFF  }
0xc1: {  	_ =	task.clear_ibuf [dreg:s7], $0x2FFFF;
	_ =	strace $0x9FFFFFFF  }
0xc2: {  	(tm) =	ssettm $0x7FFFFFFF  }
0xc3: {  	_ =	shalt  }
tec
execute0_lowered:
.L_overlay_start_1:
0x0: {  	(tag) =	ssettag $0x1  }
0x1: {  	s2 =	simm.s32 $0x0;
	s24 =	srdreg.scid;
	s6 =	stileid.u32  }
0x2: {  	[smem:$0x7FF] =	sst s2;
	s2 =	sand.u32 $0x1, s24;
	s4 =	sshll.u32 s6, $0x1  }
0x3: {  	s0 =	rddreg [dreg:$0x0];
	s3 =	sor.u32 s2, s4  }
0x4: {  	s1 =	rddreg [dreg:$0x1];
	_ =	strace $0x80000047;
	s7 =	sshll.u32 s3, $0x4  }
0x5: {  	s2 =	ssub.s32 $0x2, s2;
	s9 =	sshll.u32 s3, $0x7;
	s7 =	sadd.s32 s7, s0  }
0x6: {  	s3 =	sshll.u32 s3, $0x9;
	s10 =	sshrl.u32 s2, $0x1;
	s26 =	sadd.s32 $0x3A00, s7  }
0x7: {  	s10 =	ssub.s32 s2, s10;
	s2 =	sadd.s32 $0x3C00, s7;
	[dreg:$0x4] =	wrdreg s26  }
0x8: {  	s11 =	sadd.s32 s3, s0;
	s3 =	sadd.s32 $0x3E00, s7;
	[dreg:$0x5] =	wrdreg s2  }
0x9: {  	s12 =	sadd.s32 $0x4200, s7;
	[dreg:$0x6] =	wrdreg s3  }
0xa: {  	s13 =	sadd.s32 $0x4400, s7;
	[dreg:$0x8] =	wrdreg s12  }
0xb: {  	s5 =	sadd.s32 $0x600, s0;
	s14 =	sadd.s32 $0x4600, s7;
	[dreg:$0x9] =	wrdreg s13  }
0xc: {  	s6 =	sshrl.u32 s6, $0x2;
	s15 =	sadd.s32 $0x4800, s7;
	[dreg:$0xa] =	wrdreg s14  }
0xd: {  	s8 =	smul.u32 $0xC3800, s6;
	s16 =	sadd.s32 $0x4A00, s7;
	[dreg:$0xb] =	wrdreg s15  }
0xe: {  	s6 =	sand.u32 $0x380, s9;
	s17 =	sadd.s32 $0x4C00, s7;
	[dreg:$0xc] =	wrdreg s16  }
0xf: {  	s8 =	sor.u32 s8, s6;
	s18 =	sadd.s32 $0x4E00, s7;
	[dreg:$0xd] =	wrdreg s17  }
0x10: {  	s19 =	sadd.s32 $0x5000, s7;
	s20 =	sadd.s32 $0x5200, s7;
	[dreg:$0xe] =	wrdreg s18  }
0x11: {  	s21 =	sadd.s32 $0x5400, s7;
	s22 =	sadd.s32 $0x5600, s7;
	[dreg:$0xf] =	wrdreg s19  }
0x12: {  	s23 =	sadd.s32 $0x5800, s7;
	s24 =	sadd.s32 $0x5A00, s7;
	[dreg:$0x10] =	wrdreg s20  }
0x13: {  	s28 =	sadd.s32 $0x6000, s7;
	s29 =	sadd.s32 $0x6200, s7;
	[dreg:$0x11] =	wrdreg s21  }
0x14: {  	s30 =	sadd.s32 $0x6400, s7;
	s31 =	sadd.s32 $0x6600, s7;
	[dreg:$0x12] =	wrdreg s22  }
0x15: {  	s25 =	sshrl.u32 s8, $0x3;
	s8 =	sadd.s32 $0x4000, s7;
	[dreg:$0x13] =	wrdreg s23  }
0x16: {  	[dreg:$0x14] =	wrdreg s24;
	s26 =	sadd.s32 $0x5E00, s7;
	s2 =	sadd.s32 $0x6A00, s7  }
0x17: {  	s3 =	sadd.s32 $0x6C00, s7;
	s12 =	simm.s32 $0x1000;
	s13 =	simm.s32 $0x19700  }
0x18: {  	s14 =	simm.s32 $0x3;
	s15 =	simm.s32 $0x4;
	s16 =	simm.s32 $0xD380  }
0x19: {  	s17 =	simm.s32 $0x1;
	s18 =	simm.s32 $0x2;
	[dreg:$0x7] =	wrdreg s8  }
0x1a: {  	s19 =	simm.s32 $0x0;
	s0 =	sadd.s32 s1, s25;
	[dreg:$0x16] =	wrdreg s26  }
0x1b: {  	s25 =	sadd.s32 $0x5C00, s7;
	s8 =	sadd.s32 $0x6E00, s11;
	[dreg:$0x3] =	wrdreg s0  }
0x1c: {  	s11 =	simm.s32 $0x400;
	[dreg:$0x15] =	wrdreg s25;
	s0 =	sadd.s32 $0x6800, s7  }
0x1d: {  	v0 =	vimm.f32 $0.0e+00;
	s7 =	sor.u32 $0x61C00, s9;
	s9 =	smax.u32 s10, $0x1;
	s10 =	simm.s32 $0x80  }
.LBB2_1:
0x1e: {  	s20 =	simm.s32 $0x40;
	s21 =	simm.s32 $0x0  }
.LBB2_2:
0x1f: {  	p0 =	sne.s32 s20, $0x3FC0;
	[tilespmem:s21+$0x1A400] =	vst v0;
	s22 =	smov.u32 s20;
	s20 =	sadd.s32 $0x40, s20  }
.Ltmp0:
0x20: {  	[tilespmem:s21+$0x1B400] =	vst v0;
	(pc) =	sbr.rel @p0 .LBB2_2-.Ltmp0, $2  }
0x21: {  	_ =	sdelay $0x2  }
0x22: {  	s21 =	sshra.s32 s22, $0x2  }
0x23: {  	[tilespmem:s21+$0x1A400] =	vst v0  }
0x24: {  	[tilespmem:s21+$0x1B400] =	vst v0;
	s20 =	rddreg [dreg:$0x3]  }
0x25: {  	[tilespmem:s12], [sflag:$0x1] =	stream.strided.gather [hbm4b:s20+s10], $0xC380, s11, s10, $0x38;
	[tilespmem:$0x1C400] =	vst v63  }
0x26: {  	s25 =	rddreg [dreg:$0x4];
	s20 =	simm.s32 $0x0  }
0x27: {  	[tilespmem:s13], [sflag:$0x3] =	stream.linear.gather [hbm4b:s25+s20], $0x80, $0x38;
	[tilespmem:$0x1C400] =	vst v63  }
0x28: {  	s26 =	rddreg [dreg:$0x5];
	s22 =	simm.s32 $0x19780  }
0x29: {  	[tilespmem:s22], [sflag:$0x3] =	stream.linear.gather [hbm4b:s26+s20], $0x80, $0x38;
	[tilespmem:$0x1C400] =	vst v63  }
0x2a: {  	s23 =	rddreg [dreg:$0x6];
	s24 =	simm.s32 $0x19800  }
0x2b: {  	[tilespmem:s24], [sflag:$0x3] =	stream.linear.gather [hbm4b:s23+s20], $0x80, $0x38;
	[tilespmem:$0x1C400] =	vst v63  }
0x2c: {  	s25 =	rddreg [dreg:$0x7];
	s26 =	simm.s32 $0x19880  }
0x2d: {  	[tilespmem:s26], [sflag:$0x3] =	stream.linear.gather [hbm4b:s25+s20], $0x80, $0x38;
	[tilespmem:$0x1C400] =	vst v63  }
0x2e: {  	s23 =	rddreg [dreg:$0x8];
	s24 =	simm.s32 $0x19900  }
0x2f: {  	[tilespmem:s24], [sflag:$0x3] =	stream.linear.gather [hbm4b:s23+s20], $0x80, $0x38;
	[tilespmem:$0x1C400] =	vst v63  }
0x30: {  	s25 =	rddreg [dreg:$0x9];
	s26 =	simm.s32 $0x19980  }
0x31: {  	[tilespmem:s26], [sflag:$0x3] =	stream.linear.gather [hbm4b:s25+s20], $0x80, $0x38;
	[tilespmem:$0x1C400] =	vst v63  }
0x32: {  	s23 =	rddreg [dreg:$0xa];
	s24 =	simm.s32 $0x19A00  }
0x33: {  	[tilespmem:s24], [sflag:$0x3] =	stream.linear.gather [hbm4b:s23+s20], $0x80, $0x38;
	[tilespmem:$0x1C400] =	vst v63  }
0x34: {  	s25 =	rddreg [dreg:$0xb];
	s26 =	simm.s32 $0x19A80  }
0x35: {  	[tilespmem:s26], [sflag:$0x3] =	stream.linear.gather [hbm4b:s25+s20], $0x80, $0x38;
	[tilespmem:$0x1C400] =	vst v63  }
0x36: {  	s23 =	rddreg [dreg:$0xc];
	s24 =	simm.s32 $0x19B00  }
0x37: {  	[tilespmem:s24], [sflag:$0x3] =	stream.linear.gather [hbm4b:s23+s20], $0x80, $0x38;
	[tilespmem:$0x1C400] =	vst v63  }
0x38: {  	s25 =	rddreg [dreg:$0xd];
	s26 =	simm.s32 $0x19B80  }
0x39: {  	[tilespmem:s26], [sflag:$0x3] =	stream.linear.gather [hbm4b:s25+s20], $0x80, $0x38;
	[tilespmem:$0x1C400] =	vst v63  }
0x3a: {  	s23 =	rddreg [dreg:$0xe];
	s24 =	simm.s32 $0x19C00  }
0x3b: {  	[tilespmem:s24], [sflag:$0x3] =	stream.linear.gather [hbm4b:s23+s20], $0x80, $0x38;
	[tilespmem:$0x1C400] =	vst v63  }
0x3c: {  	s25 =	rddreg [dreg:$0xf];
	s26 =	simm.s32 $0x19C80  }
0x3d: {  	[tilespmem:s26], [sflag:$0x3] =	stream.linear.gather [hbm4b:s25+s20], $0x80, $0x38;
	[tilespmem:$0x1C400] =	vst v63  }
0x3e: {  	s23 =	rddreg [dreg:$0x10];
	s24 =	simm.s32 $0x19D00  }
0x3f: {  	[tilespmem:s24], [sflag:$0x3] =	stream.linear.gather [hbm4b:s23+s20], $0x80, $0x38;
	[tilespmem:$0x1C400] =	vst v63  }
0x40: {  	s25 =	rddreg [dreg:$0x11];
	s26 =	simm.s32 $0x19D80  }
0x41: {  	[tilespmem:s26], [sflag:$0x3] =	stream.linear.gather [hbm4b:s25+s20], $0x80, $0x38;
	[tilespmem:$0x1C400] =	vst v63  }
0x42: {  	s23 =	rddreg [dreg:$0x12];
	s24 =	simm.s32 $0x19E00  }
0x43: {  	[tilespmem:s24], [sflag:$0x3] =	stream.linear.gather [hbm4b:s23+s20], $0x80, $0x38;
	[tilespmem:$0x1C400] =	vst v63  }
0x44: {  	s25 =	rddreg [dreg:$0x13];
	s26 =	simm.s32 $0x19E80  }
0x45: {  	[tilespmem:s26], [sflag:$0x3] =	stream.linear.gather [hbm4b:s25+s20], $0x80, $0x38;
	[tilespmem:$0x1C400] =	vst v63  }
0x46: {  	s23 =	rddreg [dreg:$0x14];
	s24 =	simm.s32 $0x19F00  }
0x47: {  	[tilespmem:s24], [sflag:$0x3] =	stream.linear.gather [hbm4b:s23+s20], $0x80, $0x38;
	[tilespmem:$0x1C400] =	vst v63  }
0x48: {  	s25 =	rddreg [dreg:$0x15];
	s26 =	simm.s32 $0x19F80  }
0x49: {  	[tilespmem:s26], [sflag:$0x3] =	stream.linear.gather [hbm4b:s25+s20], $0x80, $0x38;
	[tilespmem:$0x1C400] =	vst v63  }
0x4a: {  	s23 =	rddreg [dreg:$0x16];
	s24 =	simm.s32 $0x1A000  }
0x4b: {  	[tilespmem:s24], [sflag:$0x3] =	stream.linear.gather [hbm4b:s23+s20], $0x80, $0x38;
	[tilespmem:$0x1C400] =	vst v63  }
0x4c: {  	s25 =	simm.s32 $0x1A080  }
0x4d: {  	[tilespmem:s25], [sflag:$0x3] =	stream.linear.gather [hbm4b:s28+s20], $0x80, $0x38;
	[tilespmem:$0x1C400] =	vst v63  }
0x4e: {  	s26 =	simm.s32 $0x1A100  }
0x4f: {  	[tilespmem:s26], [sflag:$0x3] =	stream.linear.gather [hbm4b:s29+s20], $0x80, $0x38;
	[tilespmem:$0x1C400] =	vst v63  }
0x50: {  	s22 =	simm.s32 $0x1A180  }
0x51: {  	[tilespmem:s22], [sflag:$0x3] =	stream.linear.gather [hbm4b:s30+s20], $0x80, $0x38;
	[tilespmem:$0x1C400] =	vst v63  }
0x52: {  	s23 =	simm.s32 $0x1A200  }
0x53: {  	[tilespmem:s23], [sflag:$0x3] =	stream.linear.gather [hbm4b:s31+s20], $0x80, $0x38;
	[tilespmem:$0x1C400] =	vst v63  }
0x54: {  	s24 =	simm.s32 $0x1A280  }
0x55: {  	[tilespmem:s24], [sflag:$0x3] =	stream.linear.gather [hbm4b:s0+s20], $0x80, $0x38;
	[tilespmem:$0x1C400] =	vst v63  }
0x56: {  	s25 =	simm.s32 $0x1A300  }
0x57: {  	[tilespmem:s25], [sflag:$0x3] =	stream.linear.gather [hbm4b:s2+s20], $0x80, $0x38;
	[tilespmem:$0x1C400] =	vst v63  }
0x58: {  	s26 =	simm.s32 $0x1A380  }
0x59: {  	[tilespmem:s26], [sflag:$0x3] =	stream.linear.gather [hbm4b:s3+s20], $0x80, $0x38;
	[tilespmem:$0x1C400] =	vst v63  }
0x5a: {  	_ =	swait.ge [sflag:s14], $0x80  }
0x5b: {  	[sflag:s14] =	ssyncset.done $0x0  }
0x5c: {  	[sflag:s14] =	ssyncadd.s32 $0xFFFFFF80  }
0x5d: {  	_ =	swait.ge [sflag:s14], $0x80  }
0x5e: {  	[sflag:s14] =	ssyncset.done $0x0  }
0x5f: {  	[sflag:s14] =	ssyncadd.s32 $0xFFFFFF80  }
0x60: {  	_ =	swait.ge [sflag:s14], $0x80  }
0x61: {  	[sflag:s14] =	ssyncset.done $0x0  }
0x62: {  	[sflag:s14] =	ssyncadd.s32 $0xFFFFFF80  }
0x63: {  	_ =	swait.ge [sflag:s14], $0x80  }
0x64: {  	[sflag:s14] =	ssyncset.done $0x0  }
0x65: {  	[sflag:s14] =	ssyncadd.s32 $0xFFFFFF80  }
0x66: {  	_ =	swait.ge [sflag:s14], $0x80  }
0x67: {  	[sflag:s14] =	ssyncset.done $0x0  }
0x68: {  	[sflag:s14] =	ssyncadd.s32 $0xFFFFFF80  }
0x69: {  	_ =	swait.ge [sflag:s14], $0x80  }
0x6a: {  	[sflag:s14] =	ssyncset.done $0x0  }
0x6b: {  	[sflag:s14] =	ssyncadd.s32 $0xFFFFFF80  }
0x6c: {  	_ =	swait.ge [sflag:s14], $0x80  }
0x6d: {  	[sflag:s14] =	ssyncset.done $0x0  }
0x6e: {  	[sflag:s14] =	ssyncadd.s32 $0xFFFFFF80  }
0x6f: {  	_ =	swait.ge [sflag:s14], $0x80  }
0x70: {  	[sflag:s14] =	ssyncset.done $0x0  }
0x71: {  	[sflag:s14] =	ssyncadd.s32 $0xFFFFFF80  }
0x72: {  	_ =	swait.ge [sflag:s14], $0x80  }
0x73: {  	[sflag:s14] =	ssyncset.done $0x0  }
0x74: {  	[sflag:s14] =	ssyncadd.s32 $0xFFFFFF80  }
0x75: {  	_ =	swait.ge [sflag:s14], $0x80  }
0x76: {  	[sflag:s14] =	ssyncset.done $0x0  }
0x77: {  	[sflag:s14] =	ssyncadd.s32 $0xFFFFFF80  }
0x78: {  	_ =	swait.ge [sflag:s14], $0x80  }
0x79: {  	[sflag:s14] =	ssyncset.done $0x0  }
0x7a: {  	[sflag:s14] =	ssyncadd.s32 $0xFFFFFF80  }
0x7b: {  	_ =	swait.ge [sflag:s14], $0x80  }
0x7c: {  	[sflag:s14] =	ssyncset.done $0x0  }
0x7d: {  	[sflag:s14] =	ssyncadd.s32 $0xFFFFFF80  }
0x7e: {  	_ =	swait.ge [sflag:s14], $0x80  }
0x7f: {  	[sflag:s14] =	ssyncset.done $0x0  }
0x80: {  	[sflag:s14] =	ssyncadd.s32 $0xFFFFFF80  }
0x81: {  	_ =	swait.ge [sflag:s14], $0x80  }
0x82: {  	[sflag:s14] =	ssyncset.done $0x0  }
0x83: {  	[sflag:s14] =	ssyncadd.s32 $0xFFFFFF80  }
0x84: {  	_ =	swait.ge [sflag:s14], $0x80  }
0x85: {  	[sflag:s14] =	ssyncset.done $0x0  }
0x86: {  	[sflag:s14] =	ssyncadd.s32 $0xFFFFFF80  }
0x87: {  	_ =	swait.ge [sflag:s14], $0x80  }
0x88: {  	[sflag:s14] =	ssyncset.done $0x0  }
0x89: {  	[sflag:s14] =	ssyncadd.s32 $0xFFFFFF80  }
0x8a: {  	_ =	swait.ge [sflag:s14], $0x80  }
0x8b: {  	[sflag:s14] =	ssyncset.done $0x0  }
0x8c: {  	[sflag:s14] =	ssyncadd.s32 $0xFFFFFF80  }
0x8d: {  	_ =	swait.ge [sflag:s14], $0x80  }
0x8e: {  	[sflag:s14] =	ssyncset.done $0x0  }
0x8f: {  	[sflag:s14] =	ssyncadd.s32 $0xFFFFFF80  }
0x90: {  	_ =	swait.ge [sflag:s14], $0x80  }
0x91: {  	[sflag:s14] =	ssyncset.done $0x0  }
0x92: {  	[sflag:s14] =	ssyncadd.s32 $0xFFFFFF80  }
0x93: {  	_ =	swait.ge [sflag:s14], $0x80  }
0x94: {  	[sflag:s14] =	ssyncset.done $0x0  }
0x95: {  	[sflag:s14] =	ssyncadd.s32 $0xFFFFFF80  }
0x96: {  	_ =	swait.ge [sflag:s14], $0x80  }
0x97: {  	[sflag:s14] =	ssyncset.done $0x0  }
0x98: {  	[sflag:s14] =	ssyncadd.s32 $0xFFFFFF80  }
0x99: {  	_ =	swait.ge [sflag:s14], $0x80  }
0x9a: {  	[sflag:s14] =	ssyncset.done $0x0  }
0x9b: {  	[sflag:s14] =	ssyncadd.s32 $0xFFFFFF80  }
0x9c: {  	_ =	swait.ge [sflag:s14], $0x80  }
0x9d: {  	[sflag:s14] =	ssyncset.done $0x0  }
0x9e: {  	[sflag:s14] =	ssyncadd.s32 $0xFFFFFF80  }
0x9f: {  	_ =	swait.ge [sflag:s14], $0x80  }
0xa0: {  	[sflag:s14] =	ssyncset.done $0x0  }
0xa1: {  	[sflag:s14] =	ssyncadd.s32 $0xFFFFFF80  }
0xa2: {  	_ =	swait.ge [sflag:s14], $0x80  }
0xa3: {  	[sflag:s14] =	ssyncset.done $0x0  }
0xa4: {  	[sflag:s14] =	ssyncadd.s32 $0xFFFFFF80  }
0xa5: {  	_ =	swait.ge [sflag:s14], $0x80  }
0xa6: {  	[sflag:s14] =	ssyncset.done $0x0  }
0xa7: {  	s22 =	simm.s32 $0x0;
	[sflag:s14] =	ssyncadd.s32 $0xFFFFFF80  }
.LBB2_5:
0xa8: {  	s26 =	sshll.u32 s22, $0x5  }
0xa9: {  	s21 =	smov.u32 s22;
	s22 =	sor.u32 s4, s26  }
0xaa: {  	s23 =	sshll.u32 s21, $0x9;
	s22 =	sshrl.u32 s22, $0x3  }
0xab: {  	s23 =	sadd.s32 s5, s23;
	s22 =	smul.u32 $0xC3800, s22  }
0xac: {  	[tilespmem:s20], [sflag:$0x4] =	stream.linear.gather [hbm4b:s23+s20], $0x1000, $0x38;
	[tilespmem:$0x1C400] =	vst v63  }
0xad: {  	_ =	swait.ge [sflag:s15], $0x1000;
	s22 =	sadd.s32 s7, s22  }
0xae: {  	[sflag:s15] =	ssyncset.done $0x0;
	s22 =	sshrl.u32 s22, $0x3  }
0xaf: {  	[sflag:s15] =	ssyncadd.s32 $0xFFFFF000;
	s22 =	sadd.s32 s1, s22  }
0xb0: {  	[tilespmem:s16], [sflag:$0x2] =	stream.strided.gather [hbm4b:s22+s10], $0xC300, s11, s10, $0x38;
	[tilespmem:$0x1C400] =	vst v63  }
0xb1: {  	_ =	swait.ge [sflag:s17], $0xC380  }
0xb2: {  	[sflag:s17] =	ssyncset.done $0x0  }
0xb3: {  	s22 =	simm.s32 $0x0;
	[sflag:s17] =	ssyncadd.s32 $0xFFFF3C80  }
0xb4: {  	v1 =	vld [tilespmem:s22+$0x0];
	_ =	sdelay $0x4  }
0xb5: {  	vm0 =	vlt.u32 v1, $0xC380  }
0xb6: {  	v1 =	vnsel vm0, $0x0, v1;
	_ =	sdelay $0x4  }
0xb7: {  	s24 =	simm.s32 $0x80;
	s23 =	simm.s32 $0x10;
	v1 =	vld.idx.msk [tilespmem:v1+s12+$0x0], vm0  }
.LBB2_6:
0xb8: {  	p0 =	sne.s32 s24, $0x3FC0;
	v2 =	vld [tilespmem:s23+$0x0]  }
0xb9: {  	v3 =	vld [tilespmem:s22+$0x1A400];
	_ =	sdelay $0x1  }
0xba: {  	v4 =	vld [tilespmem:s22+$0x1B400];
	_ =	sdelay $0x1  }
0xbb: {  	v1 =	vnsel vm0, $0x0, v1;
	vm0 =	vlt.u32 v2, $0xC380  }
0xbc: {  	v2 =	vnsel vm0, $0x0, v2;
	v3 =	vadd.f32 v1, v3;
	v1 =	vmul.f32 v1, v1  }
.Ltmp1:
0xbd: {  	(pc) =	sbr.rel @p0 .LBB2_6-.Ltmp1, $3  }
0xbe: {  	[tilespmem:s22+$0x1A400] =	vst v3;
	v1 =	vadd.f32 v4, v1;
	_ =	sdelay $0x1  }
0xbf: {  	[tilespmem:s22+$0x1B400] =	vst v1;
	s22 =	smov.u32 s23  }
0xc0: {  	s23 =	sshra.s32 s24, $0x2;
	s24 =	sadd.s32 $0x40, s24;
	v1 =	vld.idx.msk [tilespmem:v2+s12+$0x0], vm0  }
0xc1: {  	v2 =	vld [tilespmem:s23+$0x0];
	_ =	sdelay $0x1  }
0xc2: {  	v3 =	vld [tilespmem:s22+$0x1A400]  }
0xc3: {  	v4 =	vld [tilespmem:s22+$0x1B400];
	_ =	sdelay $0x1  }
0xc4: {  	v1 =	vnsel vm0, $0x0, v1;
	vm1 =	vlt.u32 v2, $0xC380  }
0xc5: {  	v5 =	vmul.f32 v1, v1;
	v2 =	vnsel vm1, $0x0, v2  }
0xc6: {  	v1 =	vadd.f32 v1, v3  }
0xc7: {  	v3 =	vadd.f32 v4, v5  }
0xc8: {  	[tilespmem:s22+$0x1A400] =	vst v1  }
0xc9: {  	[tilespmem:s22+$0x1B400] =	vst v3  }
0xca: {  	v1 =	vld.idx.msk [tilespmem:v2+s12+$0x0], vm1;
	_ =	sdelay $0x1  }
0xcb: {  	p0 =	seq.s32 s21, $0x19;
	s22 =	sadd.s32 $0x1, s21;
	v2 =	vld [tilespmem:s23+$0x1A400]  }
0xcc: {  	s24 =	sshll.u32 @!p0 s22, $0x5;
	v3 =	vld [tilespmem:s23+$0x1B400]  }
0xcd: {  	s24 =	sor.u32 @!p0 s4, s24  }
0xce: {  	s24 =	sshrl.u32 @!p0 s24, $0x3;
	v1 =	vnsel vm1, $0x0, v1  }
0xcf: {  	s24 =	smul.u32 @!p0 $0xC3800, s24;
	v4 =	vmul.f32 v1, v1  }
0xd0: {  	v1 =	vadd.f32 v1, v2  }
0xd1: {  	s24 =	sor.u32 @!p0 s6, s24;
	v2 =	vadd.f32 v3, v4  }
0xd2: {  	s25 =	simm.s32 @!p0 $0x400;
	s24 =	sshrl.u32 @!p0 s24, $0x3;
	[tilespmem:s23+$0x1A400] =	vst v1  }
0xd3: {  	s26 =	simm.s32 @!p0 $0x1000;
	s24 =	sadd.s32 @!p0 s1, s24;
	[tilespmem:s23+$0x1B400] =	vst v2;
	s23 =	simm.s32 @!p0 $0x80  }
0xd4: {  	[tilespmem:s26], [sflag:$0x1] =	stream.strided.gather @!p0 [hbm4b:s24+s23], $0xC380, s25, s23, $0x38;
	[tilespmem:$0x1C400] =	vst v63  }
0xd5: {  	_ =	swait.ge [sflag:s18], $0xC300  }
0xd6: {  	[sflag:s18] =	ssyncset.done $0x0  }
0xd7: {  	s23 =	simm.s32 $0x0;
	[sflag:s18] =	ssyncadd.s32 $0xFFFF3D00  }
0xd8: {  	v2 =	vld [tilespmem:s23+$0x0];
	_ =	sdelay $0x4  }
0xd9: {  	v3 =	vadd.s32 $0xFFFF3C80, v2  }
0xda: {  	v4 =	vadd.s32 $0xFFFE7980, v2;
	vm0 =	vlt.u32 v3, $0xC300  }
0xdb: {  	s26 =	sshll.u32 s21, $0x7;
	vm2 =	vgt.s32 v4, $0x0;
	v2 =	vnsel vm0, $0xC380, v2  }
0xdc: {  	v1 =	vmov s26;
	vm1 =	vgt.s32 v4, $0xFFFFFFFF;
	v3 =	vnsel vm2, $0x0, v4  }
0xdd: {  	v4 =	vadd.s32 v1, v3;
	_ =	sdelay $0x2  }
0xde: {  	s21 =	simm.s32 $0x10;
	v3 =	vld.idx.msk [tilespmem:v2+s12+$0x0], vm0  }
0xdf: {  	v2 =	vld [tilespmem:s21+$0x0]  }
0xe0: {  	s24 =	simm.s32 $0x80;
	v4 =	vld.idx.msk [tilespmem:v4+s13+$0x0], vm1  }
.LBB2_8:
0xe1: {  	p0 =	seq.s32 s24, $0x3FC0;
	_ =	sdelay $0x1  }
0xe2: {  	v5 =	vld [tilespmem:s23+$0x1A400];
	_ =	sdelay $0x1  }
0xe3: {  	v3 =	vnsel vm0, $0x0, v3;
	v4 =	vnsel vm1, $0x0, v4;
	v6 =	vadd.s32 $0xFFFF3C80, v2;
	v7 =	vld [tilespmem:s23+$0x1B400]  }
0xe4: {  	v3 =	vadd.f32 v4, v3;
	vm0 =	vlt.u32 v6, $0xC300;
	v6 =	vadd.s32 $0xFFFE7980, v2  }
0xe5: {  	v2 =	vnsel vm0, $0xC380, v2;
	vm1 =	vgt.s32 v6, $0xFFFFFFFF;
	vm2 =	vgt.s32 v6, $0x0  }
0xe6: {  	v4 =	vnsel vm2, $0x0, v6;
	v5 =	vadd.f32 v3, v5;
	v3 =	vmul.f32 v3, v3  }
0xe7: {  	v4 =	vadd.s32 v1, v4  }
0xe8: {  	[tilespmem:s23+$0x1A400] =	vst v5;
	v3 =	vadd.f32 v3, v7  }
.Ltmp2:
0xe9: {  	(pc) =	sbr.rel @!p0 .LBB2_8-.Ltmp2, $4  }
0xea: {  	[tilespmem:s23+$0x1B400] =	vst v3;
	s23 =	smov.u32 s21  }
0xeb: {  	v3 =	vld.idx.msk [tilespmem:v2+s12+$0x0], vm0  }
0xec: {  	s21 =	sshra.s32 s24, $0x2;
	v4 =	vld.idx.msk [tilespmem:v4+s13+$0x0], vm1  }
0xed: {  	s24 =	sadd.s32 $0x40, s24;
	v2 =	vld [tilespmem:s21+$0x0]  }
0xee: {  	_ =	sdelay $0x1  }
0xef: {  	v5 =	vld [tilespmem:s23+$0x1A400]  }
0xf0: {  	v7 =	vld [tilespmem:s23+$0x1B400];
	v3 =	vnsel vm0, $0x0, v3;
	v4 =	vnsel vm1, $0x0, v4  }
0xf1: {  	v6 =	vadd.s32 $0xFFFF3C80, v2;
	v60 =	vadd.s32 $0xFFFE7980, v2;
	v3 =	vadd.f32 v4, v3  }
0xf2: {  	vm14 =	vlt.u32 v6, $0xC300;
	vm15 =	vgt.s32 v60, $0x0;
	vm2 =	vgt.s32 v60, $0xFFFFFFFF  }
0xf3: {  	v2 =	vnsel vm14, $0xC380, v2;
	v61 =	vnsel vm15, $0x0, v60;
	v62 =	vmul.f32 v3, v3  }
0xf4: {  	v3 =	vadd.f32 v3, v5;
	v1 =	vadd.s32 v1, v61  }
0xf5: {  	v63 =	vadd.f32 v62, v7  }
0xf6: {  	[tilespmem:s23+$0x1A400] =	vst v3  }
0xf7: {  	[tilespmem:s23+$0x1B400] =	vst v63  }
0xf8: {  	v2 =	vld.idx.msk [tilespmem:v2+s12+$0x0], vm14  }
0xf9: {  	v1 =	vld.idx.msk [tilespmem:v1+s13+$0x0], vm2;
	_ =	sdelay $0x3  }
0xfa: {  	v3 =	vld [tilespmem:s21+$0x1A400]  }
0xfb: {  	v4 =	vld [tilespmem:s21+$0x1B400];
	v2 =	vnsel vm14, $0x0, v2;
	v1 =	vnsel vm2, $0x0, v1  }
0xfc: {  	v1 =	vadd.f32 v1, v2;
	_ =	sdelay $0x1  }
0xfd: {  	v2 =	vmul.f32 v1, v1  }
0xfe: {  	v1 =	vadd.f32 v1, v3  }
0xff: {  	v2 =	vadd.f32 v2, v4  }
0x100: {  	[tilespmem:s21+$0x1A400] =	vst v1  }
0x101: {  	[tilespmem:s21+$0x1B400] =	vst v2  }
0x102: {  	p0 =	seq.s32 s22, $0x1A  }
.Ltmp3:
0x103: {  	_ = 	snop;
	(pc) =	sbr.rel @!p0 .LBB2_5-.Ltmp3, $1  }
0x104: {  	_ =	sdelay $0x3  }
0x105: {  	s20 =	simm.s32 $0x0;
	s21 =	simm.s32 $0x40  }
.LBB2_11:
0x106: {  	p0 =	sne.s32 s21, $0x3FC0;
	v1 =	vld [tilespmem:s20+$0x1A400];
	_ =	sdelay $0x1  }
0x107: {  	v2 =	vld [tilespmem:s20+$0x1B400];
	_ =	sdelay $0x2  }
.Ltmp4:
0x108: {  	v1 =	vmul.f32 v1, v1;
	(pc) =	sbr.rel @p0 .LBB2_11-.Ltmp4, $3  }
0x109: {  	_ = 	snop  }
0x10a: {  	v1 =	vsub.f32 v1, v2;
	_ =	sdelay $0x1  }
0x10b: {  	[tilespmem:s20+$0x1A400] =	vst v1;
	s20 =	sshra.s32 s21, $0x2;
	s21 =	sadd.s32 $0x40, s21  }
0x10c: {  	v1 =	vld [tilespmem:s20+$0x1A400];
	_ =	sdelay $0x1  }
0x10d: {  	v2 =	vld [tilespmem:s20+$0x1B400];
	_ =	sdelay $0x2  }
0x10e: {  	v1 =	vmul.f32 v1, v1;
	_ =	sdelay $0x1  }
0x10f: {  	s19 =	sadd.s32 $0x1, s19;
	v1 =	vsub.f32 v1, v2  }
0x110: {  	p0 =	sne.s32 s19, s9  }
.Ltmp5:
0x111: {  	s26 =	simm.s32 $0x0;
	s21 =	simm.s32 $0x1A400;
	[tilespmem:s20+$0x1A400] =	vst v1;
	(pc) =	sbr.rel @p0 .LBB2_1-.Ltmp5, $4  }
0x112: {  	[hbm4b:s8+s26] =	stream.linear.scatter [tilespmem:s21], [sflag:$0x4], $0x1000, $0x38;
	[tilespmem:$0x1C400] =	vst v63  }
0x113: {  	_ =	swait.ge [sflag:s15], $0x1000  }
0x114: {  	[sflag:s15] =	ssyncset.done $0x0  }
0x115: {  	[sflag:s15] =	ssyncadd.s32 $0xFFFFF000  }
0x116: {  	_ =	sfence.sel $0x180000  }
0x117: {  	[bflag:$0x0] =	sbarrier.arrive $0xFFFF  }
0x118: {  	_ =	strace $0x90000047  }
0x119: {  	s0 =	stileid.u32;
	[bflag:$0x2] =	sbarrier.arrive $0xFFFF  }
0x11a: {  	p0 =	sne.s32 s0, $0x0;
	s0 =	rddreg [dreg:$0x2]  }
0x11b: {  	s0 =	sadd.s32 @!p0 $0x100000, s0  }
0x11c: {  	[sflag:s0] =	ssyncadd.tile.s32 @!p0 $0x1;
	_ =	shalt  }
.Lfunc_end2:
_tile_overlayer_lowered:
.L_overlay_start_2:
0x11d: {  	(tag) =	ssettag $0x2  }
0x11e: {  	s0 =	rddreg [dreg:$0x0];
	s2 =	stileid.u32  }
0x11f: {  	s1 =	rddreg [dreg:$0x1];
	p0 =	sne.s32 s2, $0x0  }
0x120: {  	s3 =	rddreg [dreg:$0x2];
	[bflag:$0x3] =	sbarrier.arrive $0xFFFF;
	s2 =	simm.s32 @!p0 $0x1C04  }
0x121: {  	[timem:s3], [sflag:s2] =	dma.local @!p0 [hbm:s0], s1  }
0x122: {  	s0 =	simm.s32 @!p0 $0x4  }
0x123: {  	_ =	swait.ge @!p0 [sflag:s0], s1  }
0x124: {  	s1 =	ssub.s32 @!p0 $0x0, s1;
	[sflag:s0] =	ssyncset.done @!p0 $0x0  }
0x125: {  	[sflag:s0] =	ssyncadd.s32 @!p0 s1  }
0x126: {  	[bflag:$0x3] =	sbarrier.arrive $0xFFFF  }
0x127: {  	_ =	shalt  }

// kernel: kernel.7.cloned.1.call-start
scs
__scs_entry_jumppad:
0x0: {  	(pc) =	sbr.rel $0x88, $3  }
0x1: {  	(tag) =	ssettag $0x0;
	lr =	simm.s32 $0x1  }
0x2: {  	[smem:$0x3F9D] =	sst lr;
	_ =	strace $0xD0000000  }
0x3: {  	_ = 	snop  }
0x4: {  	_ = 	snop  }
0x5: {  	_ = 	snop  }
0x6: {  	_ = 	snop  }
0x7: {  	_ = 	snop  }
__scs_overlays_trampoline_lowered:
0x8: {  	[smem:$0x3FAC] =	sst s0  }
0x9: {  	[smem:$0x3FAD] =	sst s1  }
0xa: {  	[smem:$0x3FAE] =	sst s2  }
0xb: {  	[smem:$0x3FAF] =	sst s3  }
0xc: {  	[smem:$0x3FB0] =	sst s4  }
0xd: {  	[smem:$0x3FB1] =	sst s5  }
0xe: {  	[smem:$0x3FB2] =	sst s6  }
0xf: {  	[smem:$0x3FB3] =	sst s7  }
0x10: {  	[smem:$0x3FB4] =	sst s8  }
0x11: {  	[smem:$0x3FB5] =	sst s9;
	s0 =	simm.s32 @!p0 $0x0  }
0x12: {  	s1 =	sld [smem:$0x3F9B];
	s0 =	simm.s32 @p0 $0x1  }
0x13: {  	[smem:$0x3FB6] =	sst s0;
	s0 =	simm.s32 @!p1 $0x0  }
0x14: {  	s2 =	sld [smem:$0x3F9A];
	s0 =	simm.s32 @p1 $0x1  }
0x15: {  	[smem:$0x3FB7] =	sst s0;
	s0 =	simm.s32 @!p2 $0x0  }
0x16: {  	s3 =	sld [smem:$0x3FDB];
	s0 =	simm.s32 @p2 $0x1  }
0x17: {  	s4 =	simm.s32 $0x1BF5;
	[smem:$0x3FB9] =	sst s0  }
0x18: {  	s0 =	sld [smem:$0x3F9C];
	_ =	swait.ge [sflag:s4], $0x0  }
0x19: {  	s7 =	sld [smem:$0x3F9D]  }
0x1a: {  	s8 =	sadd.s32 $0xFFFFE003, lr  }
0x1b: {  	s9 =	sadd.s32 $0xFFFFFEF7, lr;
	s5 =	simm.s32 $0xFFFFFFFF;
	p2 =	slt.u32 s8, $0xFFFFF086  }
0x1c: {  	p1 =	slt.u32 s9, $0xF7A;
	s5 =	simm.s32 @!p2 $0x0  }
0x1d: {  	s5 =	simm.s32 @p1 $0x1;
	p0 =	seq.s32 s7, s2  }
0x1e: {  	s7 =	smul.u32 @!p0 $0xF7A, s2;
	p2 =	seq.s32 @!p0 s5, $0x0  }
0x1f: {  	s9 =	smul.u32 $0xF7A, s1;
	s8 =	simm.s32 @!p0 $0x1BF5;
	p2 =	por !p2, p0  }
0x20: {  	[sflag:s8] =	ssyncset.s32 @!p0 $0xFFFFF086;
	s6 =	sadd.s32 @!p0 s3, s7;
	s7 =	simm.s32 @!p0 $0x108  }
0x21: {  	s3 =	sadd.s32 s3, s9;
	s6 =	sadd.s32 @!p0 $0x88, s6;
	s7 =	simm.s32 @p2 $0x1082  }
0x22: {  	[simem:s7], [sflag:s8] =	dma.local @!p0 [hbm:s6], $0xF7A  }
0x23: {  	s9 =	sor.u32 $0xD0000000, s2;
	s6 =	simm.s32 $0x108;
	_ =	swait.ge @!p0 [sflag:s8], $0x0  }
0x24: {  	s3 =	sadd.s32 $0x88, s3;
	s6 =	simm.s32 @!p1 $0x1082;
	[sflag:s4] =	ssyncset.s32 $0xFFFFF086  }
0x25: {  	[simem:s6], [sflag:s4] =	dma.local [hbm:s3], $0xF7A  }
0x26: {  	[smem:$0x3F9D] =	sst s1;
	(tag) =	ssettag s2;
	_ =	strace s9  }
0x27: {  	s1 =	sld [smem:$0x3FAD]  }
0x28: {  	s2 =	sld [smem:$0x3FAE]  }
0x29: {  	s4 =	sld [smem:$0x3FB0]  }
0x2a: {  	p0 =	seq.s32 s5, $0x0;
	s5 =	sld [smem:$0x3FB1]  }
0x2b: {  	s6 =	sld [smem:$0x3FB2]  }
0x2c: {  	s7 =	sld [smem:$0x3FB3]  }
0x2d: {  	s3 =	simm.s32 $0x108;
	s8 =	sld [smem:$0x3FB4]  }
0x2e: {  	s3 =	simm.s32 @!p0 $0x1082;
	s9 =	sld [smem:$0x3FB5]  }
0x2f: {  	lr =	sadd.s32 s0, s3;
	s0 =	sld [smem:$0x3FAC]  }
0x30: {  	s3 =	sld [smem:$0x3FAF]  }
0x31: {  	[smem:$0x3FB8] =	sst s10  }
0x32: {  	s10 =	sld [smem:$0x3FB6];
	_ =	sdelay $0x3  }
0x33: {  	p0 =	seq.s32 s10, $0x1;
	s10 =	sld [smem:$0x3FB8];
	_ =	sdelay $0x3  }
0x34: {  	[smem:$0x3FB8] =	sst s10  }
0x35: {  	s10 =	sld [smem:$0x3FB7];
	_ =	sdelay $0x3  }
0x36: {  	p1 =	seq.s32 s10, $0x1;
	s10 =	sld [smem:$0x3FB8];
	_ =	sdelay $0x3  }
0x37: {  	[smem:$0x3FB8] =	sst s10  }
0x38: {  	s10 =	sld [smem:$0x3FB9]  }
0x39: {  	_ = 	snop;
	(pc) =	sbr.ind lr, $3  }
0x3a: {  	_ = 	snop  }
0x3b: {  	_ = 	snop  }
0x3c: {  	p2 =	seq.s32 s10, $0x1;
	s10 =	sld [smem:$0x3FB8]  }
0x3d: {  	_ =	shalt  }
0x3e: {  	_ =	shalt  }
0x3f: {  	_ =	shalt  }
0x40: {  	_ =	shalt  }
0x41: {  	_ =	shalt  }
0x42: {  	_ =	shalt  }
0x43: {  	_ =	shalt  }
0x44: {  	_ =	shalt  }
0x45: {  	_ =	shalt  }
0x46: {  	_ =	shalt  }
0x47: {  	_ =	shalt  }
0x48: {  	_ =	shalt  }
0x49: {  	_ =	shalt  }
0x4a: {  	_ =	shalt  }
0x4b: {  	_ =	shalt  }
0x4c: {  	_ =	shalt  }
0x4d: {  	_ =	shalt  }
0x4e: {  	_ =	shalt  }
0x4f: {  	_ =	shalt  }
0x50: {  	_ =	shalt  }
0x51: {  	_ =	shalt  }
0x52: {  	_ =	shalt  }
0x53: {  	_ =	shalt  }
0x54: {  	_ =	shalt  }
0x55: {  	_ =	shalt  }
0x56: {  	_ =	shalt  }
0x57: {  	_ =	shalt  }
0x58: {  	_ =	shalt  }
0x59: {  	_ =	shalt  }
0x5a: {  	_ =	shalt  }
0x5b: {  	_ =	shalt  }
0x5c: {  	_ =	shalt  }
0x5d: {  	_ =	shalt  }
0x5e: {  	_ =	shalt  }
0x5f: {  	_ =	shalt  }
0x60: {  	_ =	shalt  }
0x61: {  	_ =	shalt  }
0x62: {  	_ =	shalt  }
0x63: {  	_ =	shalt  }
0x64: {  	_ =	shalt  }
0x65: {  	_ =	shalt  }
0x66: {  	_ =	shalt  }
0x67: {  	_ =	shalt  }
0x68: {  	_ =	shalt  }
0x69: {  	_ =	shalt  }
0x6a: {  	_ =	shalt  }
0x6b: {  	_ =	shalt  }
0x6c: {  	_ =	shalt  }
0x6d: {  	_ =	shalt  }
0x6e: {  	_ =	shalt  }
0x6f: {  	_ =	shalt  }
0x70: {  	_ =	shalt  }
0x71: {  	_ =	shalt  }
0x72: {  	_ =	shalt  }
0x73: {  	_ =	shalt  }
0x74: {  	_ =	shalt  }
0x75: {  	_ =	shalt  }
0x76: {  	_ =	shalt  }
0x77: {  	_ =	shalt  }
0x78: {  	_ =	shalt  }
0x79: {  	_ =	shalt  }
0x7a: {  	_ =	shalt  }
0x7b: {  	_ =	shalt  }
0x7c: {  	_ =	shalt  }
0x7d: {  	_ =	shalt  }
0x7e: {  	_ =	shalt  }
0x7f: {  	_ =	shalt  }
0x80: {  	_ =	shalt  }
0x81: {  	_ =	shalt  }
0x82: {  	_ =	shalt  }
0x83: {  	_ =	shalt  }
0x84: {  	_ =	shalt  }
0x85: {  	_ =	shalt  }
0x86: {  	_ =	shalt  }
0x87: {  	_ =	shalt  }
.Lfunc_end0:
.L_simem_size_0:
called_computation.1_lowered:
.L_overlay_start_0:
0x88: {  	s2 =	sld [smem:$0x3FD9]  }
0x89: {  	s3 =	sld [smem:$0x3FFE];
	_ =	sdelay $0x1  }
0x8a: {  	s1 =	srdreg.scid  }
0x8b: {  	s0 =	sand.u32 $0x1, s1  }
0x8c: {  	s17 =	sshll.u32 s0, $0xA;
	s2 =	sadd.s32 s3, s2  }
0x8d: {  	s2 =	sadd.s32 s2, s17  }
0x8e: {  	[smem:$0x3FC4] =	sst s2  }
0x8f: {  	_ = 	snop  }
0x90: {  	s2 =	sld [smem:$0x3FD0];
	(tm) =	ssettm $0x1  }
0x91: {  	s18 =	sld [smem:$0x3FFB];
	_ =	sdelay $0x3  }
0x92: {  	_ =	strace s18  }
0x93: {  	s3 =	sld [smem:$0x3FFC];
	_ =	sdelay $0x3  }
0x94: {  	_ =	strace s3  }
0x95: {  	s3 =	sld [smem:$0x3FFD];
	_ =	sdelay $0x3  }
0x96: {  	_ =	strace s3  }
0x97: {  	_ =	strace $0x8FFFFFFF  }
0x98: {  	s19 =	sld [smem:$0x3FDB];
	_ =	sdelay $0x1  }
0x99: {  	s4 =	simm.s32 $_scs_section_size  }
0x9a: {  	s5 =	simm.s32 $_size__tile_overlayer_lowered;
	s6 =	simm.s32 $_tile_overlayer_lowered  }
0x9b: {  	s22 =	simm.s32 $0x1BFF;
	s21 =	sshll.u32 s6, $0x1;
	s3 =	sadd.s32 s4, s19  }
0x9c: {  	s7 =	simm.s32 $0x0;
	s20 =	sshll.u32 s5, $0x1;
	s5 =	sadd.s32 s21, s3  }
0x9d: {  	[timem:s7], [sflag:s22] =	dma.local [hbm:s5], s20  }
0x9e: {  	_ =	swait.ge [sflag:s22], s20  }
0x9f: {  	s4 =	ssub.s32 $0x0, s20;
	[sflag:s22] =	ssyncset.done $0x0  }
0xa0: {  	[sflag:s22] =	ssyncadd.s32 s4;
	_ =	sdelay $0x1  }
0xa1: {  	s23 =	simm.s32 $0x1B8B  }
0xa2: {  	_ =	swait.ge [sflag:s23], $0x1  }
0xa3: {  	[sflag:s23] =	ssyncset.done $0x0  }
0xa4: {  	s25 =	simm.s32 $0x1B8E;
	s24 =	sld [smem:$0x3FFE];
	[sflag:s23] =	ssyncadd.s32 $0xFFFFFFFF  }
0xa5: {  	s26 =	simm.s32 $execute0_lowered;
	[smem:$0x3FD2] =	sst s25  }
0xa6: {  	s5 =	sshll.u32 s26, $0x1;
	_ =	strace $0x80000049;
	[dreg:$0x1] =	wrdreg $0xFFFFFFFF  }
0xa7: {  	s28 =	simm.s32 $_size_execute0_lowered;
	s3 =	sadd.s32 s3, s5;
	[dreg:$0x0] =	wrdreg $0x0  }
0xa8: {  	s5 =	sshll.u32 s28, $0x1;
	[dreg:$0x2] =	wrdreg s3  }
0xa9: {  	[dreg:$0x3] =	wrdreg s5  }
0xaa: {  	[dreg:$0x4] =	wrdreg $0xC0  }
0xab: {  	_ =	task [dreg:s7], $0x5FFFF  }
0xac: {  	[dreg:$0x1] =	wrdreg $0xFFFFFFFF  }
0xad: {  	[dreg:$0x0] =	wrdreg $0x60  }
0xae: {  	[dreg:$0x2] =	wrdreg s24  }
0xaf: {  	[dreg:$0x3] =	wrdreg s2  }
0xb0: {  	[dreg:$0x4] =	wrdreg $0x9  }
0xb1: {  	_ =	task.clear_ibuf [dreg:s7], $0x5FFFF;
	_ =	strace $0x90000049  }
0xb2: {  	s29 =	simm.s32 $0x9;
	_ =	strace $0x8000004B  }
0xb3: {  	_ =	swait.ge [sflag:s29], $0x1  }
0xb4: {  	[sflag:s29] =	ssyncadd.s32 $0xFFFFFFFF  }
0xb5: {  	_ =	strace $0x9000004B  }
0xb6: {  	_ =	sfence  }
0xb7: {  	s30 =	sld [smem:$0x0];
	_ =	sdelay $0x2  }
0xb8: {  	s31 =	sshll.u32 s1, $0xD;
	s1 =	sshrl.u32 s1, $0x2  }
0xb9: {  	s3 =	sand.u32 $0x4000, s31;
	s1 =	sadd.s32 s1, s30  }
0xba: {  	s0 =	sor.u32 s3, s0;
	s1 =	sshll.u32 s1, $0x11  }
0xbb: {  	s0 =	sor.u32 s1, s0  }
0xbc: {  	s0 =	sadd.s32 $0x8F2B, s0  }
0xbd: {  	[sflag:s0] =	ssyncadd.remote.s32 $0x1  }
0xbe: {  	_ =	sfence.sel $0xFFFF  }
0xbf: {  	[dreg:$0x0] =	wrdreg $0xFFFFFFFF;
	(pc) =	sbr.abs _section_cstart, $3  }
0xc0: {  	[dreg:$0x1] =	wrdreg $0xFFFFFFFF  }
0xc1: {  	_ =	task.clear_ibuf [dreg:s7], $0x2FFFF;
	_ =	strace $0x9FFFFFFF  }
0xc2: {  	(tm) =	ssettm $0x7FFFFFFF  }
0xc3: {  	_ =	shalt  }
tec
execute0_lowered:
.L_overlay_start_1:
0x0: {  	(tag) =	ssettag $0x1  }
0x1: {  	s5 =	rddreg [dreg:$0x0];
	s2 =	srdreg.scid  }
0x2: {  	s1 =	simm.s32 $0x0;
	s0 =	stileid.u32;
	s2 =	sand.u32 $0x1, s2  }
0x3: {  	s4 =	sshll.u32 s0, $0x5;
	s3 =	ssub.s32 $0x2, s2;
	s2 =	sshll.u32 s2, $0x4  }
0x4: {  	[smem:$0x7FF] =	sst s1;
	s7 =	sshrl.u32 s3, $0x1;
	s4 =	sor.u32 s2, s4  }
0x5: {  	s6 =	sadd.s32 $0x6E00, s5;
	s9 =	ssub.s32 s3, s7;
	s7 =	sor.u32 $0x200, s4  }
0x6: {  	s8 =	sor.u32 $0x400, s4;
	[smem:$0x7FD] =	sst s9;
	s10 =	sadd.s32 s6, s7  }
0x7: {  	s5 =	sadd.s32 $0x600, s5;
	s11 =	sadd.s32 s6, s8;
	[dreg:$0x3] =	wrdreg s10  }
0x8: {  	s7 =	sadd.s32 s5, s7;
	[dreg:$0x4] =	wrdreg s11  }
0x9: {  	s9 =	sor.u32 $0x600, s4;
	s8 =	sadd.s32 s5, s8;
	[dreg:$0x1c] =	wrdreg s7  }
0xa: {  	s12 =	sadd.s32 s6, s9;
	[dreg:$0x1d] =	wrdreg s8  }
0xb: {  	s10 =	sor.u32 $0x800, s4;
	s9 =	sadd.s32 s5, s9;
	[dreg:$0x5] =	wrdreg s12  }
0xc: {  	s11 =	sor.u32 $0xA00, s4;
	s13 =	sadd.s32 s6, s10;
	[dreg:$0x1e] =	wrdreg s9  }
0xd: {  	s14 =	sadd.s32 s6, s11;
	[dreg:$0x6] =	wrdreg s13  }
0xe: {  	s10 =	sadd.s32 s5, s10;
	[dreg:$0x7] =	wrdreg s14  }
0xf: {  	s12 =	sor.u32 $0xC00, s4;
	s11 =	sadd.s32 s5, s11;
	[dreg:$0x1f] =	wrdreg s10  }
0x10: {  	s15 =	sadd.s32 s6, s12;
	[smem:$0x7F1] =	sst s11  }
0x11: {  	s12 =	sadd.s32 s5, s12;
	[dreg:$0x8] =	wrdreg s15  }
0x12: {  	s2 =	sadd.s32 s6, s4;
	s13 =	sor.u32 $0xE00, s4;
	[smem:$0x7F2] =	sst s12  }
0x13: {  	s14 =	sor.u32 $0x1000, s4;
	s16 =	sadd.s32 s6, s13;
	s12 =	rddreg [dreg:$0x1]  }
0x14: {  	s28 =	sor.u32 $0x2A00, s4;
	s17 =	sadd.s32 s6, s14;
	[dreg:$0x9] =	wrdreg s16  }
0x15: {  	s29 =	sor.u32 $0x2C00, s4;
	s13 =	sadd.s32 s5, s13;
	[dreg:$0xa] =	wrdreg s17  }
0x16: {  	s15 =	sor.u32 $0x1200, s4;
	s14 =	sadd.s32 s5, s14;
	[smem:$0x7F3] =	sst s13  }
0x17: {  	s30 =	sor.u32 $0x2E00, s4;
	s18 =	sadd.s32 s6, s15;
	[smem:$0x7F4] =	sst s14  }
0x18: {  	s16 =	sor.u32 $0x1400, s4;
	s15 =	sadd.s32 s5, s15;
	[dreg:$0xb] =	wrdreg s18  }
0x19: {  	s17 =	sor.u32 $0x1600, s4;
	s19 =	sadd.s32 s6, s16;
	[smem:$0x7F5] =	sst s15  }
0x1a: {  	s31 =	sor.u32 $0x3000, s4;
	s20 =	sadd.s32 s6, s17;
	[dreg:$0xc] =	wrdreg s19  }
0x1b: {  	s18 =	sor.u32 $0x1800, s4;
	s16 =	sadd.s32 s5, s16;
	[dreg:$0xd] =	wrdreg s20  }
0x1c: {  	s0 =	sor.u32 $0x3200, s4;
	s21 =	sadd.s32 s6, s18;
	[smem:$0x7F6] =	sst s16  }
0x1d: {  	s19 =	sor.u32 $0x1A00, s4;
	s7 =	sadd.s32 s5, s18;
	[dreg:$0xe] =	wrdreg s21  }
0x1e: {  	s20 =	sor.u32 $0x1C00, s4;
	s22 =	sadd.s32 s6, s19;
	[smem:$0x7F8] =	sst s7  }
0x1f: {  	s23 =	sadd.s32 s6, s20;
	s21 =	sor.u32 $0x1E00, s4;
	[dreg:$0xf] =	wrdreg s22  }
0x20: {  	s8 =	sadd.s32 s5, s19;
	s9 =	sadd.s32 s5, s20;
	[dreg:$0x10] =	wrdreg s23  }
0x21: {  	s19 =	sadd.s32 s5, s28;
	s20 =	sadd.s32 s5, s29;
	[smem:$0x7F9] =	sst s8  }
0x22: {  	s7 =	simm.s32 $0x80;
	s24 =	sadd.s32 s6, s21;
	[smem:$0x7FA] =	sst s9  }
0x23: {  	s22 =	sor.u32 $0x2000, s4;
	s10 =	sadd.s32 s5, s21;
	[dreg:$0x11] =	wrdreg s24  }
0x24: {  	s23 =	sor.u32 $0x2200, s4;
	s25 =	sadd.s32 s6, s22;
	[smem:$0x7FB] =	sst s10  }
0x25: {  	s21 =	sadd.s32 s5, s30;
	s26 =	sadd.s32 s6, s23;
	[dreg:$0x12] =	wrdreg s25  }
0x26: {  	s11 =	sadd.s32 s5, s22;
	[dreg:$0x13] =	wrdreg s26;
	s25 =	sor.u32 $0x2600, s4  }
0x27: {  	s24 =	sor.u32 $0x2400, s4;
	[smem:$0x7FC] =	sst s11;
	s26 =	sadd.s32 s6, s25  }
0x28: {  	s3 =	sadd.s32 s6, s24;
	[dreg:$0x15] =	wrdreg s26;
	s26 =	sor.u32 $0x2800, s4  }
0x29: {  	s8 =	simm.s32 $0x1;
	[dreg:$0x14] =	wrdreg s3;
	s3 =	sadd.s32 s6, s26  }
0x2a: {  	s9 =	simm.s32 $0x2;
	[dreg:$0x16] =	wrdreg s3;
	s3 =	sadd.s32 s6, s28  }
0x2b: {  	s15 =	sadd.s32 s5, s23;
	[dreg:$0x17] =	wrdreg s3;
	s3 =	sadd.s32 s6, s29  }
0x2c: {  	s22 =	sadd.s32 s5, s31;
	[dreg:$0x18] =	wrdreg s3;
	s3 =	sadd.s32 s6, s30  }
0x2d: {  	s23 =	sadd.s32 s5, s0;
	[dreg:$0x19] =	wrdreg s3;
	s3 =	sadd.s32 s6, s31  }
0x2e: {  	s10 =	simm.s32 $0x0;
	s6 =	sadd.s32 s6, s0;
	[dreg:$0x1a] =	wrdreg s3  }
0x2f: {  	s16 =	sadd.s32 s5, s24;
	[dreg:$0x1b] =	wrdreg s6;
	s6 =	sadd.s32 s5, s17  }
0x30: {  	s24 =	sadd.s32 s5, s4;
	s18 =	sadd.s32 s5, s26;
	[smem:$0x7F7] =	sst s6  }
0x31: {  	s30 =	sadd.s32 $0x3400, s2;
	s31 =	sadd.s32 $0x3600, s2;
	_ =	strace $0x8000004A  }
0x32: {  	s0 =	sadd.s32 $0x3800, s2;
	s17 =	sadd.s32 s5, s25;
	s14 =	sld [smem:$0x7FD]  }
0x33: {  	s25 =	sadd.s32 s12, s4;
	s3 =	sadd.s32 $0x3A00, s2;
	s4 =	sadd.s32 $0x3C00, s2  }
0x34: {  	s5 =	sadd.s32 $0x3E00, s2;
	s6 =	simm.s32 $0x3;
	s13 =	rddreg [dreg:$0x0]  }
0x35: {  	s26 =	sadd.s32 $0xAE00, s13;
	s28 =	sadd.s32 $0x3A00, s13;
	s29 =	smax.u32 s14, $0x1  }
.LBB2_1:
0x36: {  	s11 =	simm.s32 $0x3780  }
0x37: {  	[tilespmem:s11], [sflag:$0x3] =	stream.linear.gather [hbm4b:s28+s1], $0x10, $0x38;
	[tilespmem:$0x3790] =	vst v63  }
0x38: {  	_ =	swait.ge [sflag:s6], $0x10  }
0x39: {  	[sflag:s6] =	ssyncset.done $0x0  }
0x3a: {  	[sflag:s6] =	ssyncadd.s32 $0xFFFFFFF0  }
0x3b: {  	[tilespmem:s1], [sflag:$0x1] =	stream.linear.gather [hbm4b:s2+s1], $0x80, $0x38;
	[tilespmem:$0x3790] =	vst v63  }
0x3c: {  	s13 =	rddreg [dreg:$0x3]  }
0x3d: {  	[tilespmem:s7], [sflag:$0x1] =	stream.linear.gather [hbm4b:s13+s1], $0x80, $0x38;
	[tilespmem:$0x3790] =	vst v63  }
0x3e: {  	s12 =	simm.s32 $0x100;
	s14 =	rddreg [dreg:$0x4]  }
0x3f: {  	[tilespmem:s12], [sflag:$0x1] =	stream.linear.gather [hbm4b:s14+s1], $0x80, $0x38;
	[tilespmem:$0x3790] =	vst v63  }
0x40: {  	s13 =	rddreg [dreg:$0x5];
	s14 =	simm.s32 $0x180  }
0x41: {  	[tilespmem:s14], [sflag:$0x1] =	stream.linear.gather [hbm4b:s13+s1], $0x80, $0x38;
	[tilespmem:$0x3790] =	vst v63  }
0x42: {  	s13 =	rddreg [dreg:$0x6];
	s14 =	simm.s32 $0x200  }
0x43: {  	[tilespmem:s14], [sflag:$0x1] =	stream.linear.gather [hbm4b:s13+s1], $0x80, $0x38;
	[tilespmem:$0x3790] =	vst v63  }
0x44: {  	s13 =	rddreg [dreg:$0x7];
	s14 =	simm.s32 $0x280  }
0x45: {  	[tilespmem:s14], [sflag:$0x1] =	stream.linear.gather [hbm4b:s13+s1], $0x80, $0x38;
	[tilespmem:$0x3790] =	vst v63  }
0x46: {  	s13 =	rddreg [dreg:$0x8];
	s14 =	simm.s32 $0x300  }
0x47: {  	[tilespmem:s14], [sflag:$0x1] =	stream.linear.gather [hbm4b:s13+s1], $0x80, $0x38;
	[tilespmem:$0x3790] =	vst v63  }
0x48: {  	s13 =	rddreg [dreg:$0x9];
	s14 =	simm.s32 $0x380  }
0x49: {  	[tilespmem:s14], [sflag:$0x1] =	stream.linear.gather [hbm4b:s13+s1], $0x80, $0x38;
	[tilespmem:$0x3790] =	vst v63  }
0x4a: {  	s13 =	rddreg [dreg:$0xa];
	s14 =	simm.s32 $0x400  }
0x4b: {  	[tilespmem:s14], [sflag:$0x1] =	stream.linear.gather [hbm4b:s13+s1], $0x80, $0x38;
	[tilespmem:$0x3790] =	vst v63  }
0x4c: {  	s13 =	rddreg [dreg:$0xb];
	s14 =	simm.s32 $0x480  }
0x4d: {  	[tilespmem:s14], [sflag:$0x1] =	stream.linear.gather [hbm4b:s13+s1], $0x80, $0x38;
	[tilespmem:$0x3790] =	vst v63  }
0x4e: {  	s13 =	rddreg [dreg:$0xc];
	s14 =	simm.s32 $0x500  }
0x4f: {  	[tilespmem:s14], [sflag:$0x1] =	stream.linear.gather [hbm4b:s13+s1], $0x80, $0x38;
	[tilespmem:$0x3790] =	vst v63  }
0x50: {  	s13 =	rddreg [dreg:$0xd];
	s14 =	simm.s32 $0x580  }
0x51: {  	[tilespmem:s14], [sflag:$0x1] =	stream.linear.gather [hbm4b:s13+s1], $0x80, $0x38;
	[tilespmem:$0x3790] =	vst v63  }
0x52: {  	s13 =	rddreg [dreg:$0xe];
	s14 =	simm.s32 $0x600  }
0x53: {  	[tilespmem:s14], [sflag:$0x1] =	stream.linear.gather [hbm4b:s13+s1], $0x80, $0x38;
	[tilespmem:$0x3790] =	vst v63  }
0x54: {  	s13 =	rddreg [dreg:$0xf];
	s14 =	simm.s32 $0x680  }
0x55: {  	[tilespmem:s14], [sflag:$0x1] =	stream.linear.gather [hbm4b:s13+s1], $0x80, $0x38;
	[tilespmem:$0x3790] =	vst v63  }
0x56: {  	s13 =	rddreg [dreg:$0x10];
	s14 =	simm.s32 $0x700  }
0x57: {  	[tilespmem:s14], [sflag:$0x1] =	stream.linear.gather [hbm4b:s13+s1], $0x80, $0x38;
	[tilespmem:$0x3790] =	vst v63  }
0x58: {  	s13 =	rddreg [dreg:$0x11];
	s14 =	simm.s32 $0x780  }
0x59: {  	[tilespmem:s14], [sflag:$0x1] =	stream.linear.gather [hbm4b:s13+s1], $0x80, $0x38;
	[tilespmem:$0x3790] =	vst v63  }
0x5a: {  	s13 =	rddreg [dreg:$0x12];
	s14 =	simm.s32 $0x800  }
0x5b: {  	[tilespmem:s14], [sflag:$0x1] =	stream.linear.gather [hbm4b:s13+s1], $0x80, $0x38;
	[tilespmem:$0x3790] =	vst v63  }
0x5c: {  	s13 =	rddreg [dreg:$0x13];
	s14 =	simm.s32 $0x880  }
0x5d: {  	[tilespmem:s14], [sflag:$0x1] =	stream.linear.gather [hbm4b:s13+s1], $0x80, $0x38;
	[tilespmem:$0x3790] =	vst v63  }
0x5e: {  	s13 =	rddreg [dreg:$0x14];
	s14 =	simm.s32 $0x900  }
0x5f: {  	[tilespmem:s14], [sflag:$0x1] =	stream.linear.gather [hbm4b:s13+s1], $0x80, $0x38;
	[tilespmem:$0x3790] =	vst v63  }
0x60: {  	s13 =	rddreg [dreg:$0x15];
	s14 =	simm.s32 $0x980  }
0x61: {  	[tilespmem:s14], [sflag:$0x1] =	stream.linear.gather [hbm4b:s13+s1], $0x80, $0x38;
	[tilespmem:$0x3790] =	vst v63  }
0x62: {  	s13 =	rddreg [dreg:$0x16];
	s14 =	simm.s32 $0xA00  }
0x63: {  	[tilespmem:s14], [sflag:$0x1] =	stream.linear.gather [hbm4b:s13+s1], $0x80, $0x38;
	[tilespmem:$0x3790] =	vst v63  }
0x64: {  	s13 =	rddreg [dreg:$0x17];
	s14 =	simm.s32 $0xA80  }
0x65: {  	[tilespmem:s14], [sflag:$0x1] =	stream.linear.gather [hbm4b:s13+s1], $0x80, $0x38;
	[tilespmem:$0x3790] =	vst v63  }
0x66: {  	s13 =	rddreg [dreg:$0x18];
	s14 =	simm.s32 $0xB00  }
0x67: {  	[tilespmem:s14], [sflag:$0x1] =	stream.linear.gather [hbm4b:s13+s1], $0x80, $0x38;
	[tilespmem:$0x3790] =	vst v63  }
0x68: {  	s13 =	rddreg [dreg:$0x19];
	s14 =	simm.s32 $0xB80  }
0x69: {  	[tilespmem:s14], [sflag:$0x1] =	stream.linear.gather [hbm4b:s13+s1], $0x80, $0x38;
	[tilespmem:$0x3790] =	vst v63  }
0x6a: {  	s13 =	rddreg [dreg:$0x1a];
	s14 =	simm.s32 $0xC00  }
0x6b: {  	[tilespmem:s14], [sflag:$0x1] =	stream.linear.gather [hbm4b:s13+s1], $0x80, $0x38;
	[tilespmem:$0x3790] =	vst v63  }
0x6c: {  	s13 =	rddreg [dreg:$0x1b];
	s14 =	simm.s32 $0xC80  }
0x6d: {  	[tilespmem:s14], [sflag:$0x1] =	stream.linear.gather [hbm4b:s13+s1], $0x80, $0x38;
	[tilespmem:$0x3790] =	vst v63  }
0x6e: {  	s12 =	simm.s32 $0xD00  }
0x6f: {  	[tilespmem:s12], [sflag:$0x1] =	stream.linear.gather [hbm4b:s30+s1], $0x80, $0x38;
	[tilespmem:$0x3790] =	vst v63  }
0x70: {  	s13 =	simm.s32 $0xD80  }
0x71: {  	[tilespmem:s13], [sflag:$0x1] =	stream.linear.gather [hbm4b:s31+s1], $0x80, $0x38;
	[tilespmem:$0x3790] =	vst v63  }
0x72: {  	s14 =	simm.s32 $0xE00  }
0x73: {  	[tilespmem:s14], [sflag:$0x1] =	stream.linear.gather [hbm4b:s0+s1], $0x80, $0x38;
	[tilespmem:$0x3790] =	vst v63  }
0x74: {  	s12 =	simm.s32 $0xE80  }
0x75: {  	[tilespmem:s12], [sflag:$0x1] =	stream.linear.gather [hbm4b:s3+s1], $0x80, $0x38;
	[tilespmem:$0x3790] =	vst v63  }
0x76: {  	s13 =	simm.s32 $0xF00  }
0x77: {  	[tilespmem:s13], [sflag:$0x1] =	stream.linear.gather [hbm4b:s4+s1], $0x80, $0x38;
	[tilespmem:$0x3790] =	vst v63  }
0x78: {  	s14 =	simm.s32 $0xF80  }
0x79: {  	[tilespmem:s14], [sflag:$0x1] =	stream.linear.gather [hbm4b:s5+s1], $0x80, $0x38;
	[tilespmem:$0x3790] =	vst v63  }
0x7a: {  	s12 =	simm.s32 $0x1000  }
0x7b: {  	[tilespmem:s12], [sflag:$0x1] =	stream.linear.gather [hbm4b:s24+s1], $0x80, $0x38;
	[tilespmem:$0x3790] =	vst v63  }
0x7c: {  	s13 =	rddreg [dreg:$0x1c];
	s14 =	simm.s32 $0x1080  }
0x7d: {  	[tilespmem:s14], [sflag:$0x1] =	stream.linear.gather [hbm4b:s13+s1], $0x80, $0x38;
	[tilespmem:$0x3790] =	vst v63  }
0x7e: {  	s13 =	rddreg [dreg:$0x1d];
	s14 =	simm.s32 $0x1100  }
0x7f: {  	[tilespmem:s14], [sflag:$0x1] =	stream.linear.gather [hbm4b:s13+s1], $0x80, $0x38;
	[tilespmem:$0x3790] =	vst v63  }
0x80: {  	s13 =	rddreg [dreg:$0x1e];
	s14 =	simm.s32 $0x1180  }
0x81: {  	[tilespmem:s14], [sflag:$0x1] =	stream.linear.gather [hbm4b:s13+s1], $0x80, $0x38;
	[tilespmem:$0x3790] =	vst v63  }
0x82: {  	s13 =	rddreg [dreg:$0x1f];
	s14 =	simm.s32 $0x1200  }
0x83: {  	[tilespmem:s14], [sflag:$0x1] =	stream.linear.gather [hbm4b:s13+s1], $0x80, $0x38;
	[tilespmem:$0x3790] =	vst v63  }
0x84: {  	s13 =	sld [smem:$0x7F1];
	_ =	sdelay $0x1  }
0x85: {  	s14 =	simm.s32 $0x1280  }
0x86: {  	[tilespmem:s14], [sflag:$0x1] =	stream.linear.gather [hbm4b:s13+s1], $0x80, $0x38;
	[tilespmem:$0x3790] =	vst v63  }
0x87: {  	s13 =	sld [smem:$0x7F2];
	_ =	sdelay $0x1  }
0x88: {  	s14 =	simm.s32 $0x1300  }
0x89: {  	[tilespmem:s14], [sflag:$0x1] =	stream.linear.gather [hbm4b:s13+s1], $0x80, $0x38;
	[tilespmem:$0x3790] =	vst v63  }
0x8a: {  	s13 =	sld [smem:$0x7F3];
	_ =	sdelay $0x1  }
0x8b: {  	s14 =	simm.s32 $0x1380  }
0x8c: {  	[tilespmem:s14], [sflag:$0x1] =	stream.linear.gather [hbm4b:s13+s1], $0x80, $0x38;
	[tilespmem:$0x3790] =	vst v63  }
0x8d: {  	s13 =	sld [smem:$0x7F4];
	_ =	sdelay $0x1  }
0x8e: {  	s14 =	simm.s32 $0x1400  }
0x8f: {  	[tilespmem:s14], [sflag:$0x1] =	stream.linear.gather [hbm4b:s13+s1], $0x80, $0x38;
	[tilespmem:$0x3790] =	vst v63  }
0x90: {  	s13 =	sld [smem:$0x7F5];
	_ =	sdelay $0x1  }
0x91: {  	s14 =	simm.s32 $0x1480  }
0x92: {  	[tilespmem:s14], [sflag:$0x1] =	stream.linear.gather [hbm4b:s13+s1], $0x80, $0x38;
	[tilespmem:$0x3790] =	vst v63  }
0x93: {  	s13 =	sld [smem:$0x7F6];
	_ =	sdelay $0x1  }
0x94: {  	s14 =	simm.s32 $0x1500  }
0x95: {  	[tilespmem:s14], [sflag:$0x1] =	stream.linear.gather [hbm4b:s13+s1], $0x80, $0x38;
	[tilespmem:$0x3790] =	vst v63  }
0x96: {  	s13 =	sld [smem:$0x7F7];
	_ =	sdelay $0x1  }
0x97: {  	s14 =	simm.s32 $0x1580  }
0x98: {  	[tilespmem:s14], [sflag:$0x1] =	stream.linear.gather [hbm4b:s13+s1], $0x80, $0x38;
	[tilespmem:$0x3790] =	vst v63  }
0x99: {  	s13 =	sld [smem:$0x7F8];
	_ =	sdelay $0x1  }
0x9a: {  	s14 =	simm.s32 $0x1600  }
0x9b: {  	[tilespmem:s14], [sflag:$0x1] =	stream.linear.gather [hbm4b:s13+s1], $0x80, $0x38;
	[tilespmem:$0x3790] =	vst v63  }
0x9c: {  	s13 =	sld [smem:$0x7F9];
	_ =	sdelay $0x1  }
0x9d: {  	s14 =	simm.s32 $0x1680  }
0x9e: {  	[tilespmem:s14], [sflag:$0x1] =	stream.linear.gather [hbm4b:s13+s1], $0x80, $0x38;
	[tilespmem:$0x3790] =	vst v63  }
0x9f: {  	s13 =	sld [smem:$0x7FA];
	_ =	sdelay $0x1  }
0xa0: {  	s14 =	simm.s32 $0x1700  }
0xa1: {  	[tilespmem:s14], [sflag:$0x1] =	stream.linear.gather [hbm4b:s13+s1], $0x80, $0x38;
	[tilespmem:$0x3790] =	vst v63  }
0xa2: {  	s13 =	sld [smem:$0x7FB];
	_ =	sdelay $0x1  }
0xa3: {  	s12 =	sld [smem:$0x7FC];
	s14 =	simm.s32 $0x1780  }
0xa4: {  	[tilespmem:s14], [sflag:$0x1] =	stream.linear.gather [hbm4b:s13+s1], $0x80, $0x38;
	[tilespmem:$0x3790] =	vst v63  }
0xa5: {  	s13 =	simm.s32 $0x1800  }
0xa6: {  	[tilespmem:s13], [sflag:$0x1] =	stream.linear.gather [hbm4b:s12+s1], $0x80, $0x38;
	[tilespmem:$0x3790] =	vst v63  }
0xa7: {  	s14 =	simm.s32 $0x1880  }
0xa8: {  	[tilespmem:s14], [sflag:$0x1] =	stream.linear.gather [hbm4b:s15+s1], $0x80, $0x38;
	[tilespmem:$0x3790] =	vst v63  }
0xa9: {  	s12 =	simm.s32 $0x1900  }
0xaa: {  	[tilespmem:s12], [sflag:$0x1] =	stream.linear.gather [hbm4b:s16+s1], $0x80, $0x38;
	[tilespmem:$0x3790] =	vst v63  }
0xab: {  	s13 =	simm.s32 $0x1980  }
0xac: {  	[tilespmem:s13], [sflag:$0x1] =	stream.linear.gather [hbm4b:s17+s1], $0x80, $0x38;
	[tilespmem:$0x3790] =	vst v63  }
0xad: {  	s14 =	simm.s32 $0x1A00  }
0xae: {  	[tilespmem:s14], [sflag:$0x1] =	stream.linear.gather [hbm4b:s18+s1], $0x80, $0x38;
	[tilespmem:$0x3790] =	vst v63  }
0xaf: {  	s12 =	simm.s32 $0x1A80  }
0xb0: {  	[tilespmem:s12], [sflag:$0x1] =	stream.linear.gather [hbm4b:s19+s1], $0x80, $0x38;
	[tilespmem:$0x3790] =	vst v63  }
0xb1: {  	s13 =	simm.s32 $0x1B00  }
0xb2: {  	[tilespmem:s13], [sflag:$0x1] =	stream.linear.gather [hbm4b:s20+s1], $0x80, $0x38;
	[tilespmem:$0x3790] =	vst v63  }
0xb3: {  	s14 =	simm.s32 $0x1B80  }
0xb4: {  	[tilespmem:s14], [sflag:$0x1] =	stream.linear.gather [hbm4b:s21+s1], $0x80, $0x38;
	[tilespmem:$0x3790] =	vst v63  }
0xb5: {  	s12 =	simm.s32 $0x1C00  }
0xb6: {  	[tilespmem:s12], [sflag:$0x1] =	stream.linear.gather [hbm4b:s22+s1], $0x80, $0x38;
	[tilespmem:$0x3790] =	vst v63  }
0xb7: {  	s13 =	simm.s32 $0x1C80  }
0xb8: {  	[tilespmem:s13], [sflag:$0x1] =	stream.linear.gather [hbm4b:s23+s1], $0x80, $0x38;
	[tilespmem:$0x3790] =	vst v63  }
0xb9: {  	_ =	swait.ge [sflag:s8], $0x80  }
0xba: {  	[sflag:s8] =	ssyncset.done $0x0  }
0xbb: {  	[sflag:s8] =	ssyncadd.s32 $0xFFFFFF80  }
0xbc: {  	_ =	swait.ge [sflag:s8], $0x80  }
0xbd: {  	[sflag:s8] =	ssyncset.done $0x0  }
0xbe: {  	[sflag:s8] =	ssyncadd.s32 $0xFFFFFF80  }
0xbf: {  	_ =	swait.ge [sflag:s8], $0x80  }
0xc0: {  	[sflag:s8] =	ssyncset.done $0x0  }
0xc1: {  	[sflag:s8] =	ssyncadd.s32 $0xFFFFFF80  }
0xc2: {  	_ =	swait.ge [sflag:s8], $0x80  }
0xc3: {  	[sflag:s8] =	ssyncset.done $0x0  }
0xc4: {  	[sflag:s8] =	ssyncadd.s32 $0xFFFFFF80  }
0xc5: {  	_ =	swait.ge [sflag:s8], $0x80  }
0xc6: {  	[sflag:s8] =	ssyncset.done $0x0  }
0xc7: {  	[sflag:s8] =	ssyncadd.s32 $0xFFFFFF80  }
0xc8: {  	_ =	swait.ge [sflag:s8], $0x80  }
0xc9: {  	[sflag:s8] =	ssyncset.done $0x0  }
0xca: {  	[sflag:s8] =	ssyncadd.s32 $0xFFFFFF80  }
0xcb: {  	_ =	swait.ge [sflag:s8], $0x80  }
0xcc: {  	[sflag:s8] =	ssyncset.done $0x0  }
0xcd: {  	[sflag:s8] =	ssyncadd.s32 $0xFFFFFF80  }
0xce: {  	_ =	swait.ge [sflag:s8], $0x80  }
0xcf: {  	[sflag:s8] =	ssyncset.done $0x0  }
0xd0: {  	[sflag:s8] =	ssyncadd.s32 $0xFFFFFF80  }
0xd1: {  	_ =	swait.ge [sflag:s8], $0x80  }
0xd2: {  	[sflag:s8] =	ssyncset.done $0x0  }
0xd3: {  	[sflag:s8] =	ssyncadd.s32 $0xFFFFFF80  }
0xd4: {  	_ =	swait.ge [sflag:s8], $0x80  }
0xd5: {  	[sflag:s8] =	ssyncset.done $0x0  }
0xd6: {  	[sflag:s8] =	ssyncadd.s32 $0xFFFFFF80  }
0xd7: {  	_ =	swait.ge [sflag:s8], $0x80  }
0xd8: {  	[sflag:s8] =	ssyncset.done $0x0  }
0xd9: {  	[sflag:s8] =	ssyncadd.s32 $0xFFFFFF80  }
0xda: {  	_ =	swait.ge [sflag:s8], $0x80  }
0xdb: {  	[sflag:s8] =	ssyncset.done $0x0  }
0xdc: {  	[sflag:s8] =	ssyncadd.s32 $0xFFFFFF80  }
0xdd: {  	_ =	swait.ge [sflag:s8], $0x80  }
0xde: {  	[sflag:s8] =	ssyncset.done $0x0  }
0xdf: {  	[sflag:s8] =	ssyncadd.s32 $0xFFFFFF80  }
0xe0: {  	_ =	swait.ge [sflag:s8], $0x80  }
0xe1: {  	[sflag:s8] =	ssyncset.done $0x0  }
0xe2: {  	[sflag:s8] =	ssyncadd.s32 $0xFFFFFF80  }
0xe3: {  	_ =	swait.ge [sflag:s8], $0x80  }
0xe4: {  	[sflag:s8] =	ssyncset.done $0x0  }
0xe5: {  	[sflag:s8] =	ssyncadd.s32 $0xFFFFFF80  }
0xe6: {  	_ =	swait.ge [sflag:s8], $0x80  }
0xe7: {  	[sflag:s8] =	ssyncset.done $0x0  }
0xe8: {  	[sflag:s8] =	ssyncadd.s32 $0xFFFFFF80  }
0xe9: {  	_ =	swait.ge [sflag:s8], $0x80  }
0xea: {  	[sflag:s8] =	ssyncset.done $0x0  }
0xeb: {  	[sflag:s8] =	ssyncadd.s32 $0xFFFFFF80  }
0xec: {  	_ =	swait.ge [sflag:s8], $0x80  }
0xed: {  	[sflag:s8] =	ssyncset.done $0x0  }
0xee: {  	[sflag:s8] =	ssyncadd.s32 $0xFFFFFF80  }
0xef: {  	_ =	swait.ge [sflag:s8], $0x80  }
0xf0: {  	[sflag:s8] =	ssyncset.done $0x0  }
0xf1: {  	[sflag:s8] =	ssyncadd.s32 $0xFFFFFF80  }
0xf2: {  	_ =	swait.ge [sflag:s8], $0x80  }
0xf3: {  	[sflag:s8] =	ssyncset.done $0x0  }
0xf4: {  	[sflag:s8] =	ssyncadd.s32 $0xFFFFFF80  }
0xf5: {  	_ =	swait.ge [sflag:s8], $0x80  }
0xf6: {  	[sflag:s8] =	ssyncset.done $0x0  }
0xf7: {  	[sflag:s8] =	ssyncadd.s32 $0xFFFFFF80  }
0xf8: {  	_ =	swait.ge [sflag:s8], $0x80  }
0xf9: {  	[sflag:s8] =	ssyncset.done $0x0  }
0xfa: {  	[sflag:s8] =	ssyncadd.s32 $0xFFFFFF80  }
0xfb: {  	_ =	swait.ge [sflag:s8], $0x80  }
0xfc: {  	[sflag:s8] =	ssyncset.done $0x0  }
0xfd: {  	[sflag:s8] =	ssyncadd.s32 $0xFFFFFF80  }
0xfe: {  	_ =	swait.ge [sflag:s8], $0x80  }
0xff: {  	[sflag:s8] =	ssyncset.done $0x0  }
0x100: {  	[sflag:s8] =	ssyncadd.s32 $0xFFFFFF80  }
0x101: {  	_ =	swait.ge [sflag:s8], $0x80  }
0x102: {  	[sflag:s8] =	ssyncset.done $0x0  }
0x103: {  	[sflag:s8] =	ssyncadd.s32 $0xFFFFFF80  }
0x104: {  	_ =	swait.ge [sflag:s8], $0x80  }
0x105: {  	[sflag:s8] =	ssyncset.done $0x0  }
0x106: {  	[sflag:s8] =	ssyncadd.s32 $0xFFFFFF80  }
0x107: {  	_ =	swait.ge [sflag:s8], $0x80  }
0x108: {  	[sflag:s8] =	ssyncset.done $0x0  }
0x109: {  	[sflag:s8] =	ssyncadd.s32 $0xFFFFFF80  }
0x10a: {  	_ =	swait.ge [sflag:s8], $0x80  }
0x10b: {  	[sflag:s8] =	ssyncset.done $0x0  }
0x10c: {  	[sflag:s8] =	ssyncadd.s32 $0xFFFFFF80  }
0x10d: {  	_ =	swait.ge [sflag:s8], $0x80  }
0x10e: {  	[sflag:s8] =	ssyncset.done $0x0  }
0x10f: {  	[sflag:s8] =	ssyncadd.s32 $0xFFFFFF80  }
0x110: {  	_ =	swait.ge [sflag:s8], $0x80  }
0x111: {  	[sflag:s8] =	ssyncset.done $0x0  }
0x112: {  	[sflag:s8] =	ssyncadd.s32 $0xFFFFFF80  }
0x113: {  	_ =	swait.ge [sflag:s8], $0x80  }
0x114: {  	[sflag:s8] =	ssyncset.done $0x0  }
0x115: {  	[sflag:s8] =	ssyncadd.s32 $0xFFFFFF80  }
0x116: {  	_ =	swait.ge [sflag:s8], $0x80  }
0x117: {  	[sflag:s8] =	ssyncset.done $0x0  }
0x118: {  	[sflag:s8] =	ssyncadd.s32 $0xFFFFFF80  }
0x119: {  	_ =	swait.ge [sflag:s8], $0x80  }
0x11a: {  	[sflag:s8] =	ssyncset.done $0x0  }
0x11b: {  	[sflag:s8] =	ssyncadd.s32 $0xFFFFFF80  }
0x11c: {  	_ =	swait.ge [sflag:s8], $0x80  }
0x11d: {  	[sflag:s8] =	ssyncset.done $0x0  }
0x11e: {  	[sflag:s8] =	ssyncadd.s32 $0xFFFFFF80  }
0x11f: {  	_ =	swait.ge [sflag:s8], $0x80  }
0x120: {  	[sflag:s8] =	ssyncset.done $0x0  }
0x121: {  	[sflag:s8] =	ssyncadd.s32 $0xFFFFFF80  }
0x122: {  	_ =	swait.ge [sflag:s8], $0x80  }
0x123: {  	[sflag:s8] =	ssyncset.done $0x0  }
0x124: {  	[sflag:s8] =	ssyncadd.s32 $0xFFFFFF80  }
0x125: {  	_ =	swait.ge [sflag:s8], $0x80  }
0x126: {  	[sflag:s8] =	ssyncset.done $0x0  }
0x127: {  	[sflag:s8] =	ssyncadd.s32 $0xFFFFFF80  }
0x128: {  	_ =	swait.ge [sflag:s8], $0x80  }
0x129: {  	[sflag:s8] =	ssyncset.done $0x0  }
0x12a: {  	[sflag:s8] =	ssyncadd.s32 $0xFFFFFF80  }
0x12b: {  	_ =	swait.ge [sflag:s8], $0x80  }
0x12c: {  	[sflag:s8] =	ssyncset.done $0x0  }
0x12d: {  	[sflag:s8] =	ssyncadd.s32 $0xFFFFFF80  }
0x12e: {  	_ =	swait.ge [sflag:s8], $0x80  }
0x12f: {  	[sflag:s8] =	ssyncset.done $0x0  }
0x130: {  	[sflag:s8] =	ssyncadd.s32 $0xFFFFFF80  }
0x131: {  	_ =	swait.ge [sflag:s8], $0x80  }
0x132: {  	[sflag:s8] =	ssyncset.done $0x0  }
0x133: {  	[sflag:s8] =	ssyncadd.s32 $0xFFFFFF80  }
0x134: {  	_ =	swait.ge [sflag:s8], $0x80  }
0x135: {  	[sflag:s8] =	ssyncset.done $0x0  }
0x136: {  	[sflag:s8] =	ssyncadd.s32 $0xFFFFFF80  }
0x137: {  	_ =	swait.ge [sflag:s8], $0x80  }
0x138: {  	[sflag:s8] =	ssyncset.done $0x0  }
0x139: {  	[sflag:s8] =	ssyncadd.s32 $0xFFFFFF80  }
0x13a: {  	_ =	swait.ge [sflag:s8], $0x80  }
0x13b: {  	[sflag:s8] =	ssyncset.done $0x0  }
0x13c: {  	[sflag:s8] =	ssyncadd.s32 $0xFFFFFF80  }
0x13d: {  	_ =	swait.ge [sflag:s8], $0x80  }
0x13e: {  	[sflag:s8] =	ssyncset.done $0x0  }
0x13f: {  	[sflag:s8] =	ssyncadd.s32 $0xFFFFFF80  }
0x140: {  	_ =	swait.ge [sflag:s8], $0x80  }
0x141: {  	[sflag:s8] =	ssyncset.done $0x0  }
0x142: {  	[sflag:s8] =	ssyncadd.s32 $0xFFFFFF80  }
0x143: {  	_ =	swait.ge [sflag:s8], $0x80  }
0x144: {  	[sflag:s8] =	ssyncset.done $0x0  }
0x145: {  	[sflag:s8] =	ssyncadd.s32 $0xFFFFFF80  }
0x146: {  	_ =	swait.ge [sflag:s8], $0x80  }
0x147: {  	[sflag:s8] =	ssyncset.done $0x0  }
0x148: {  	[sflag:s8] =	ssyncadd.s32 $0xFFFFFF80  }
0x149: {  	_ =	swait.ge [sflag:s8], $0x80  }
0x14a: {  	[sflag:s8] =	ssyncset.done $0x0  }
0x14b: {  	[sflag:s8] =	ssyncadd.s32 $0xFFFFFF80  }
0x14c: {  	_ =	swait.ge [sflag:s8], $0x80  }
0x14d: {  	[sflag:s8] =	ssyncset.done $0x0  }
0x14e: {  	[sflag:s8] =	ssyncadd.s32 $0xFFFFFF80  }
0x14f: {  	_ =	swait.ge [sflag:s8], $0x80  }
0x150: {  	[sflag:s8] =	ssyncset.done $0x0  }
0x151: {  	[sflag:s8] =	ssyncadd.s32 $0xFFFFFF80  }
0x152: {  	_ =	swait.ge [sflag:s8], $0x80  }
0x153: {  	[sflag:s8] =	ssyncset.done $0x0  }
0x154: {  	[sflag:s8] =	ssyncadd.s32 $0xFFFFFF80  }
0x155: {  	_ =	swait.ge [sflag:s8], $0x80  }
0x156: {  	[sflag:s8] =	ssyncset.done $0x0  }
0x157: {  	[sflag:s8] =	ssyncadd.s32 $0xFFFFFF80  }
0x158: {  	_ =	swait.ge [sflag:s8], $0x80  }
0x159: {  	[sflag:s8] =	ssyncset.done $0x0  }
0x15a: {  	[sflag:s8] =	ssyncadd.s32 $0xFFFFFF80  }
0x15b: {  	_ =	swait.ge [sflag:s8], $0x80  }
0x15c: {  	[sflag:s8] =	ssyncset.done $0x0  }
0x15d: {  	[sflag:s8] =	ssyncadd.s32 $0xFFFFFF80  }
0x15e: {  	_ =	swait.ge [sflag:s8], $0x80  }
0x15f: {  	[sflag:s8] =	ssyncset.done $0x0  }
0x160: {  	[sflag:s8] =	ssyncadd.s32 $0xFFFFFF80  }
0x161: {  	_ =	swait.ge [sflag:s8], $0x80  }
0x162: {  	[sflag:s8] =	ssyncset.done $0x0  }
0x163: {  	[sflag:s8] =	ssyncadd.s32 $0xFFFFFF80  }
0x164: {  	_ =	swait.ge [sflag:s8], $0x80  }
0x165: {  	[sflag:s8] =	ssyncset.done $0x0  }
0x166: {  	s14 =	simm.s32 $0x1040;
	[sflag:s8] =	ssyncadd.s32 $0xFFFFFF80  }
0x167: {  	v0 =	vld [tilespmem:s14+$0xFFFFFFC0];
	_ =	sdelay $0x4  }
0x168: {  	s11 =	simm.s32 $0x1D40;
	v0 =	vadd.s32 s1, v0  }
0x169: {  	[tilespmem:s11+$0xFFFFFFC0] =	vst v0  }
0x16a: {  	v0 =	vld [tilespmem:s14+$0xFFFFFFD0];
	_ =	sdelay $0x4  }
0x16b: {  	v0 =	vadd.s32 s1, v0  }
0x16c: {  	[tilespmem:s11+$0xFFFFFFD0] =	vst v0  }
0x16d: {  	v0 =	vld [tilespmem:s14+$0xFFFFFFE0];
	_ =	sdelay $0x4  }
0x16e: {  	v0 =	vadd.s32 s1, v0  }
0x16f: {  	[tilespmem:s11+$0xFFFFFFE0] =	vst v0  }
0x170: {  	v0 =	vld [tilespmem:s14+$0xFFFFFFF0];
	_ =	sdelay $0x4  }
0x171: {  	v0 =	vadd.s32 s1, v0  }
0x172: {  	[tilespmem:s11+$0xFFFFFFF0] =	vst v0  }
0x173: {  	v0 =	vld [tilespmem:s14+$0x0];
	_ =	sdelay $0x4  }
0x174: {  	v0 =	vadd.s32 s1, v0  }
0x175: {  	[tilespmem:s11+$0x0] =	vst v0  }
0x176: {  	v0 =	vld [tilespmem:s14+$0x10];
	_ =	sdelay $0x4  }
0x177: {  	v0 =	vadd.s32 s1, v0  }
0x178: {  	[tilespmem:s11+$0x10] =	vst v0  }
0x179: {  	v0 =	vld [tilespmem:s14+$0x20];
	_ =	sdelay $0x4  }
0x17a: {  	v0 =	vadd.s32 s1, v0  }
0x17b: {  	[tilespmem:s11+$0x20] =	vst v0  }
0x17c: {  	v0 =	vld [tilespmem:s14+$0x30];
	_ =	sdelay $0x4  }
0x17d: {  	v0 =	vadd.s32 s1, v0  }
0x17e: {  	s12 =	simm.s32 $0x10C0;
	[tilespmem:s11+$0x30] =	vst v0  }
0x17f: {  	s13 =	simm.s32 $0x186A0;
	s14 =	simm.s32 $0x30D40;
	v0 =	vld [tilespmem:s12+$0xFFFFFFC0]  }
.LBB2_2:
0x180: {  	p0 =	sne.s32 s14, $0x2625A0;
	_ =	sdelay $0x3  }
0x181: {  	s11 =	sadd.s32 $0x80, s11;
	v0 =	vadd.s32 s13, v0  }
0x182: {  	[tilespmem:s11+$0xFFFFFFC0] =	vst v0  }
0x183: {  	v0 =	vld [tilespmem:s12+$0xFFFFFFD0];
	_ =	sdelay $0x4  }
0x184: {  	v0 =	vadd.s32 s13, v0  }
0x185: {  	[tilespmem:s11+$0xFFFFFFD0] =	vst v0  }
0x186: {  	v0 =	vld [tilespmem:s12+$0xFFFFFFE0];
	_ =	sdelay $0x4  }
0x187: {  	v0 =	vadd.s32 s13, v0  }
0x188: {  	[tilespmem:s11+$0xFFFFFFE0] =	vst v0  }
0x189: {  	v0 =	vld [tilespmem:s12+$0xFFFFFFF0];
	_ =	sdelay $0x4  }
0x18a: {  	v0 =	vadd.s32 s13, v0  }
0x18b: {  	[tilespmem:s11+$0xFFFFFFF0] =	vst v0  }
0x18c: {  	v0 =	vld [tilespmem:s12+$0x0];
	_ =	sdelay $0x4  }
0x18d: {  	v0 =	vadd.s32 s13, v0  }
0x18e: {  	[tilespmem:s11+$0x0] =	vst v0  }
0x18f: {  	v0 =	vld [tilespmem:s12+$0x10];
	_ =	sdelay $0x4  }
0x190: {  	v0 =	vadd.s32 s13, v0  }
0x191: {  	[tilespmem:s11+$0x10] =	vst v0  }
0x192: {  	v0 =	vld [tilespmem:s12+$0x20];
	_ =	sdelay $0x4  }
0x193: {  	v0 =	vadd.s32 s13, v0  }
0x194: {  	[tilespmem:s11+$0x20] =	vst v0  }
0x195: {  	v0 =	vld [tilespmem:s12+$0x30];
	_ =	sdelay $0x2  }
.Ltmp0:
0x196: {  	(pc) =	sbr.rel @p0 .LBB2_2-.Ltmp0, $4  }
0x197: {  	_ = 	snop  }
0x198: {  	v0 =	vadd.s32 s13, v0;
	s13 =	smov.u32 s14  }
0x199: {  	s12 =	sadd.s32 $0x80, s12;
	[tilespmem:s11+$0x30] =	vst v0  }
0x19a: {  	s14 =	sadd.s32 $0x186A0, s14;
	v0 =	vld [tilespmem:s12+$0xFFFFFFC0]  }
0x19b: {  	_ =	sdelay $0x3  }
0x19c: {  	s11 =	sadd.s32 $0x80, s11;
	v0 =	vadd.s32 s13, v0  }
0x19d: {  	[tilespmem:s11+$0xFFFFFFC0] =	vst v0  }
0x19e: {  	v0 =	vld [tilespmem:s12+$0xFFFFFFD0];
	_ =	sdelay $0x4  }
0x19f: {  	v0 =	vadd.s32 s13, v0  }
0x1a0: {  	[tilespmem:s11+$0xFFFFFFD0] =	vst v0  }
0x1a1: {  	v0 =	vld [tilespmem:s12+$0xFFFFFFE0];
	_ =	sdelay $0x4  }
0x1a2: {  	v0 =	vadd.s32 s13, v0  }
0x1a3: {  	[tilespmem:s11+$0xFFFFFFE0] =	vst v0  }
0x1a4: {  	v0 =	vld [tilespmem:s12+$0xFFFFFFF0];
	_ =	sdelay $0x4  }
0x1a5: {  	v0 =	vadd.s32 s13, v0  }
0x1a6: {  	[tilespmem:s11+$0xFFFFFFF0] =	vst v0  }
0x1a7: {  	v0 =	vld [tilespmem:s12+$0x0];
	_ =	sdelay $0x4  }
0x1a8: {  	v0 =	vadd.s32 s13, v0  }
0x1a9: {  	[tilespmem:s11+$0x0] =	vst v0  }
0x1aa: {  	v0 =	vld [tilespmem:s12+$0x10];
	_ =	sdelay $0x4  }
0x1ab: {  	v0 =	vadd.s32 s13, v0  }
0x1ac: {  	[tilespmem:s11+$0x10] =	vst v0  }
0x1ad: {  	v0 =	vld [tilespmem:s12+$0x20];
	_ =	sdelay $0x4  }
0x1ae: {  	v0 =	vadd.s32 s13, v0  }
0x1af: {  	[tilespmem:s11+$0x20] =	vst v0  }
0x1b0: {  	v0 =	vld [tilespmem:s12+$0x30];
	_ =	sdelay $0x4  }
0x1b1: {  	v0 =	vadd.s32 s13, v0  }
0x1b2: {  	s14 =	simm.s32 $0x2A00;
	s13 =	simm.s32 $0x1D00;
	[tilespmem:s11+$0x30] =	vst v0  }
0x1b3: {  	[tilespmem:s14], [sflag:$0x2] =	stream.indirect.gather [hbm4b:s26+s7], $0x1, s13, s7, $0xb8;
	[tilespmem:$0x3790] =	vst v63  }
0x1b4: {  	s13 =	simm.s32 $0x1D80;
	s14 =	simm.s32 $0x2A80  }
0x1b5: {  	[tilespmem:s14], [sflag:$0x2] =	stream.indirect.gather [hbm4b:s26+s7], $0x1, s13, s7, $0xb8;
	[tilespmem:$0x3790] =	vst v63  }
0x1b6: {  	s13 =	simm.s32 $0x1E00;
	s14 =	simm.s32 $0x2B00  }
0x1b7: {  	[tilespmem:s14], [sflag:$0x2] =	stream.indirect.gather [hbm4b:s26+s7], $0x1, s13, s7, $0xb8;
	[tilespmem:$0x3790] =	vst v63  }
0x1b8: {  	s13 =	simm.s32 $0x1E80;
	s14 =	simm.s32 $0x2B80  }
0x1b9: {  	[tilespmem:s14], [sflag:$0x2] =	stream.indirect.gather [hbm4b:s26+s7], $0x1, s13, s7, $0xb8;
	[tilespmem:$0x3790] =	vst v63  }
0x1ba: {  	s13 =	simm.s32 $0x1F00;
	s14 =	simm.s32 $0x2C00  }
0x1bb: {  	[tilespmem:s14], [sflag:$0x2] =	stream.indirect.gather [hbm4b:s26+s7], $0x1, s13, s7, $0xb8;
	[tilespmem:$0x3790] =	vst v63  }
0x1bc: {  	s13 =	simm.s32 $0x1F80;
	s14 =	simm.s32 $0x2C80  }
0x1bd: {  	[tilespmem:s14], [sflag:$0x2] =	stream.indirect.gather [hbm4b:s26+s7], $0x1, s13, s7, $0xb8;
	[tilespmem:$0x3790] =	vst v63  }
0x1be: {  	s13 =	simm.s32 $0x2000;
	s14 =	simm.s32 $0x2D00  }
0x1bf: {  	[tilespmem:s14], [sflag:$0x2] =	stream.indirect.gather [hbm4b:s26+s7], $0x1, s13, s7, $0xb8;
	[tilespmem:$0x3790] =	vst v63  }
0x1c0: {  	s13 =	simm.s32 $0x2080;
	s14 =	simm.s32 $0x2D80  }
0x1c1: {  	[tilespmem:s14], [sflag:$0x2] =	stream.indirect.gather [hbm4b:s26+s7], $0x1, s13, s7, $0xb8;
	[tilespmem:$0x3790] =	vst v63  }
0x1c2: {  	s13 =	simm.s32 $0x2100;
	s14 =	simm.s32 $0x2E00  }
0x1c3: {  	[tilespmem:s14], [sflag:$0x2] =	stream.indirect.gather [hbm4b:s26+s7], $0x1, s13, s7, $0xb8;
	[tilespmem:$0x3790] =	vst v63  }
0x1c4: {  	s13 =	simm.s32 $0x2180;
	s14 =	simm.s32 $0x2E80  }
0x1c5: {  	[tilespmem:s14], [sflag:$0x2] =	stream.indirect.gather [hbm4b:s26+s7], $0x1, s13, s7, $0xb8;
	[tilespmem:$0x3790] =	vst v63  }
0x1c6: {  	s13 =	simm.s32 $0x2200;
	s14 =	simm.s32 $0x2F00  }
0x1c7: {  	[tilespmem:s14], [sflag:$0x2] =	stream.indirect.gather [hbm4b:s26+s7], $0x1, s13, s7, $0xb8;
	[tilespmem:$0x3790] =	vst v63  }
0x1c8: {  	s13 =	simm.s32 $0x2280;
	s14 =	simm.s32 $0x2F80  }
0x1c9: {  	[tilespmem:s14], [sflag:$0x2] =	stream.indirect.gather [hbm4b:s26+s7], $0x1, s13, s7, $0xb8;
	[tilespmem:$0x3790] =	vst v63  }
0x1ca: {  	s13 =	simm.s32 $0x2300;
	s14 =	simm.s32 $0x3000  }
0x1cb: {  	[tilespmem:s14], [sflag:$0x2] =	stream.indirect.gather [hbm4b:s26+s7], $0x1, s13, s7, $0xb8;
	[tilespmem:$0x3790] =	vst v63  }
0x1cc: {  	s13 =	simm.s32 $0x2380;
	s14 =	simm.s32 $0x3080  }
0x1cd: {  	[tilespmem:s14], [sflag:$0x2] =	stream.indirect.gather [hbm4b:s26+s7], $0x1, s13, s7, $0xb8;
	[tilespmem:$0x3790] =	vst v63  }
0x1ce: {  	s13 =	simm.s32 $0x2400;
	s14 =	simm.s32 $0x3100  }
0x1cf: {  	[tilespmem:s14], [sflag:$0x2] =	stream.indirect.gather [hbm4b:s26+s7], $0x1, s13, s7, $0xb8;
	[tilespmem:$0x3790] =	vst v63  }
0x1d0: {  	s13 =	simm.s32 $0x2480;
	s14 =	simm.s32 $0x3180  }
0x1d1: {  	[tilespmem:s14], [sflag:$0x2] =	stream.indirect.gather [hbm4b:s26+s7], $0x1, s13, s7, $0xb8;
	[tilespmem:$0x3790] =	vst v63  }
0x1d2: {  	s13 =	simm.s32 $0x2500;
	s14 =	simm.s32 $0x3200  }
0x1d3: {  	[tilespmem:s14], [sflag:$0x2] =	stream.indirect.gather [hbm4b:s26+s7], $0x1, s13, s7, $0xb8;
	[tilespmem:$0x3790] =	vst v63  }
0x1d4: {  	s13 =	simm.s32 $0x2580;
	s14 =	simm.s32 $0x3280  }
0x1d5: {  	[tilespmem:s14], [sflag:$0x2] =	stream.indirect.gather [hbm4b:s26+s7], $0x1, s13, s7, $0xb8;
	[tilespmem:$0x3790] =	vst v63  }
0x1d6: {  	s13 =	simm.s32 $0x2600;
	s14 =	simm.s32 $0x3300  }
0x1d7: {  	[tilespmem:s14], [sflag:$0x2] =	stream.indirect.gather [hbm4b:s26+s7], $0x1, s13, s7, $0xb8;
	[tilespmem:$0x3790] =	vst v63  }
0x1d8: {  	s13 =	simm.s32 $0x2680;
	s14 =	simm.s32 $0x3380  }
0x1d9: {  	[tilespmem:s14], [sflag:$0x2] =	stream.indirect.gather [hbm4b:s26+s7], $0x1, s13, s7, $0xb8;
	[tilespmem:$0x3790] =	vst v63  }
0x1da: {  	s13 =	simm.s32 $0x2700;
	s14 =	simm.s32 $0x3400  }
0x1db: {  	[tilespmem:s14], [sflag:$0x2] =	stream.indirect.gather [hbm4b:s26+s7], $0x1, s13, s7, $0xb8;
	[tilespmem:$0x3790] =	vst v63  }
0x1dc: {  	s13 =	simm.s32 $0x2780;
	s14 =	simm.s32 $0x3480  }
0x1dd: {  	[tilespmem:s14], [sflag:$0x2] =	stream.indirect.gather [hbm4b:s26+s7], $0x1, s13, s7, $0xb8;
	[tilespmem:$0x3790] =	vst v63  }
0x1de: {  	s13 =	simm.s32 $0x2800;
	s14 =	simm.s32 $0x3500  }
0x1df: {  	[tilespmem:s14], [sflag:$0x2] =	stream.indirect.gather [hbm4b:s26+s7], $0x1, s13, s7, $0xb8;
	[tilespmem:$0x3790] =	vst v63  }
0x1e0: {  	s13 =	simm.s32 $0x2880;
	s14 =	simm.s32 $0x3580  }
0x1e1: {  	[tilespmem:s14], [sflag:$0x2] =	stream.indirect.gather [hbm4b:s26+s7], $0x1, s13, s7, $0xb8;
	[tilespmem:$0x3790] =	vst v63  }
0x1e2: {  	s13 =	simm.s32 $0x2900;
	s14 =	simm.s32 $0x3600  }
0x1e3: {  	[tilespmem:s14], [sflag:$0x2] =	stream.indirect.gather [hbm4b:s26+s7], $0x1, s13, s7, $0xb8;
	[tilespmem:$0x3790] =	vst v63  }
0x1e4: {  	s13 =	simm.s32 $0x2980;
	s14 =	simm.s32 $0x3680  }
0x1e5: {  	[tilespmem:s14], [sflag:$0x2] =	stream.indirect.gather [hbm4b:s26+s7], $0x1, s13, s7, $0xb8;
	[tilespmem:$0x3790] =	vst v63  }
0x1e6: {  	_ =	swait.ge [sflag:s9], $0x80  }
0x1e7: {  	[sflag:s9] =	ssyncset.done $0x0  }
0x1e8: {  	[sflag:s9] =	ssyncadd.s32 $0xFFFFFF80  }
0x1e9: {  	_ =	swait.ge [sflag:s9], $0x80  }
0x1ea: {  	[sflag:s9] =	ssyncset.done $0x0  }
0x1eb: {  	[sflag:s9] =	ssyncadd.s32 $0xFFFFFF80  }
0x1ec: {  	_ =	swait.ge [sflag:s9], $0x80  }
0x1ed: {  	[sflag:s9] =	ssyncset.done $0x0  }
0x1ee: {  	[sflag:s9] =	ssyncadd.s32 $0xFFFFFF80  }
0x1ef: {  	_ =	swait.ge [sflag:s9], $0x80  }
0x1f0: {  	[sflag:s9] =	ssyncset.done $0x0  }
0x1f1: {  	[sflag:s9] =	ssyncadd.s32 $0xFFFFFF80  }
0x1f2: {  	_ =	swait.ge [sflag:s9], $0x80  }
0x1f3: {  	[sflag:s9] =	ssyncset.done $0x0  }
0x1f4: {  	[sflag:s9] =	ssyncadd.s32 $0xFFFFFF80  }
0x1f5: {  	_ =	swait.ge [sflag:s9], $0x80  }
0x1f6: {  	[sflag:s9] =	ssyncset.done $0x0  }
0x1f7: {  	[sflag:s9] =	ssyncadd.s32 $0xFFFFFF80  }
0x1f8: {  	_ =	swait.ge [sflag:s9], $0x80  }
0x1f9: {  	[sflag:s9] =	ssyncset.done $0x0  }
0x1fa: {  	[sflag:s9] =	ssyncadd.s32 $0xFFFFFF80  }
0x1fb: {  	_ =	swait.ge [sflag:s9], $0x80  }
0x1fc: {  	[sflag:s9] =	ssyncset.done $0x0  }
0x1fd: {  	[sflag:s9] =	ssyncadd.s32 $0xFFFFFF80  }
0x1fe: {  	_ =	swait.ge [sflag:s9], $0x80  }
0x1ff: {  	[sflag:s9] =	ssyncset.done $0x0  }
0x200: {  	[sflag:s9] =	ssyncadd.s32 $0xFFFFFF80  }
0x201: {  	_ =	swait.ge [sflag:s9], $0x80  }
0x202: {  	[sflag:s9] =	ssyncset.done $0x0  }
0x203: {  	[sflag:s9] =	ssyncadd.s32 $0xFFFFFF80  }
0x204: {  	_ =	swait.ge [sflag:s9], $0x80  }
0x205: {  	[sflag:s9] =	ssyncset.done $0x0  }
0x206: {  	[sflag:s9] =	ssyncadd.s32 $0xFFFFFF80  }
0x207: {  	_ =	swait.ge [sflag:s9], $0x80  }
0x208: {  	[sflag:s9] =	ssyncset.done $0x0  }
0x209: {  	[sflag:s9] =	ssyncadd.s32 $0xFFFFFF80  }
0x20a: {  	_ =	swait.ge [sflag:s9], $0x80  }
0x20b: {  	[sflag:s9] =	ssyncset.done $0x0  }
0x20c: {  	[sflag:s9] =	ssyncadd.s32 $0xFFFFFF80  }
0x20d: {  	_ =	swait.ge [sflag:s9], $0x80  }
0x20e: {  	[sflag:s9] =	ssyncset.done $0x0  }
0x20f: {  	[sflag:s9] =	ssyncadd.s32 $0xFFFFFF80  }
0x210: {  	_ =	swait.ge [sflag:s9], $0x80  }
0x211: {  	[sflag:s9] =	ssyncset.done $0x0  }
0x212: {  	[sflag:s9] =	ssyncadd.s32 $0xFFFFFF80  }
0x213: {  	_ =	swait.ge [sflag:s9], $0x80  }
0x214: {  	[sflag:s9] =	ssyncset.done $0x0  }
0x215: {  	[sflag:s9] =	ssyncadd.s32 $0xFFFFFF80  }
0x216: {  	_ =	swait.ge [sflag:s9], $0x80  }
0x217: {  	[sflag:s9] =	ssyncset.done $0x0  }
0x218: {  	[sflag:s9] =	ssyncadd.s32 $0xFFFFFF80  }
0x219: {  	_ =	swait.ge [sflag:s9], $0x80  }
0x21a: {  	[sflag:s9] =	ssyncset.done $0x0  }
0x21b: {  	[sflag:s9] =	ssyncadd.s32 $0xFFFFFF80  }
0x21c: {  	_ =	swait.ge [sflag:s9], $0x80  }
0x21d: {  	[sflag:s9] =	ssyncset.done $0x0  }
0x21e: {  	[sflag:s9] =	ssyncadd.s32 $0xFFFFFF80  }
0x21f: {  	_ =	swait.ge [sflag:s9], $0x80  }
0x220: {  	[sflag:s9] =	ssyncset.done $0x0  }
0x221: {  	[sflag:s9] =	ssyncadd.s32 $0xFFFFFF80  }
0x222: {  	_ =	swait.ge [sflag:s9], $0x80  }
0x223: {  	[sflag:s9] =	ssyncset.done $0x0  }
0x224: {  	[sflag:s9] =	ssyncadd.s32 $0xFFFFFF80  }
0x225: {  	_ =	swait.ge [sflag:s9], $0x80  }
0x226: {  	[sflag:s9] =	ssyncset.done $0x0  }
0x227: {  	[sflag:s9] =	ssyncadd.s32 $0xFFFFFF80  }
0x228: {  	_ =	swait.ge [sflag:s9], $0x80  }
0x229: {  	[sflag:s9] =	ssyncset.done $0x0  }
0x22a: {  	[sflag:s9] =	ssyncadd.s32 $0xFFFFFF80  }
0x22b: {  	_ =	swait.ge [sflag:s9], $0x80  }
0x22c: {  	[sflag:s9] =	ssyncset.done $0x0  }
0x22d: {  	[sflag:s9] =	ssyncadd.s32 $0xFFFFFF80  }
0x22e: {  	_ =	swait.ge [sflag:s9], $0x80  }
0x22f: {  	[sflag:s9] =	ssyncset.done $0x0  }
0x230: {  	[sflag:s9] =	ssyncadd.s32 $0xFFFFFF80  }
0x231: {  	_ =	swait.ge [sflag:s9], $0x80  }
0x232: {  	[sflag:s9] =	ssyncset.done $0x0  }
0x233: {  	s11 =	simm.s32 $0x0;
	[sflag:s9] =	ssyncadd.s32 $0xFFFFFF80  }
0x234: {  	v1 =	vld [tilespmem:s11+$0x0];
	_ =	sdelay $0x1  }
0x235: {  	v2 =	vld [tilespmem:s11+$0x80];
	_ =	sdelay $0x1  }
0x236: {  	v3 =	vld [tilespmem:s11+$0x100]  }
0x237: {  	v0 =	vld [tilespmem:$0x3780];
	v1 =	vadd.f32 $0.0e+00, v1  }
0x238: {  	v4 =	vld [tilespmem:s11+$0x180]  }
0x239: {  	v5 =	vld [tilespmem:s11+$0x200];
	v2 =	vadd.f32 v2, v1  }
0x23a: {  	v6 =	vld [tilespmem:s11+$0x280]  }
0x23b: {  	v7 =	vld [tilespmem:s11+$0x300];
	v3 =	vadd.f32 v3, v2  }
0x23c: {  	v8 =	vld [tilespmem:s11+$0x2A00]  }
0x23d: {  	v9 =	vld [tilespmem:s11+$0x2A80];
	v4 =	vadd.f32 v4, v3  }
0x23e: {  	v10 =	vld [tilespmem:s11+$0x2B00]  }
0x23f: {  	v11 =	vld [tilespmem:s11+$0x2B80];
	v4 =	vadd.f32 v5, v4  }
0x240: {  	v5 =	vld [tilespmem:s11+$0x380]  }
0x241: {  	v12 =	vld [tilespmem:s11+$0xD00];
	v4 =	vadd.f32 v6, v4  }
0x242: {  	v6 =	vld [tilespmem:s11+$0x400]  }
0x243: {  	v13 =	vld [tilespmem:s11+$0x3380];
	v4 =	vadd.f32 v7, v4  }
0x244: {  	v7 =	vld [tilespmem:s11+$0x480]  }
0x245: {  	v8 =	vadd.f32 v8, v0;
	v1 =	vld [tilespmem:s11+$0xF80];
	v4 =	vadd.f32 v5, v4  }
0x246: {  	v5 =	vld [tilespmem:s11+$0x500]  }
0x247: {  	v8 =	vadd.f32 v9, v8;
	v9 =	vld [tilespmem:s11+$0x2C00];
	v4 =	vadd.f32 v6, v4  }
0x248: {  	v6 =	vld [tilespmem:s11+$0x580]  }
0x249: {  	v8 =	vadd.f32 v10, v8;
	v10 =	vld [tilespmem:s11+$0x2C80];
	v4 =	vadd.f32 v7, v4  }
0x24a: {  	v7 =	vld [tilespmem:s11+$0x600]  }
0x24b: {  	v8 =	vadd.f32 v11, v8;
	v11 =	vld [tilespmem:s11+$0x2D00];
	v4 =	vadd.f32 v5, v4  }
0x24c: {  	v5 =	vld [tilespmem:s11+$0x680]  }
0x24d: {  	v8 =	vadd.f32 v9, v8;
	v9 =	vld [tilespmem:s11+$0x2D80];
	v4 =	vadd.f32 v6, v4  }
0x24e: {  	v6 =	vld [tilespmem:s11+$0x700]  }
0x24f: {  	v8 =	vadd.f32 v10, v8;
	v10 =	vld [tilespmem:s11+$0x2E00];
	v4 =	vadd.f32 v7, v4  }
0x250: {  	v7 =	vld [tilespmem:s11+$0x780]  }
0x251: {  	v8 =	vadd.f32 v11, v8;
	v11 =	vld [tilespmem:s11+$0x2E80];
	v4 =	vadd.f32 v5, v4  }
0x252: {  	v5 =	vld [tilespmem:s11+$0x800]  }
0x253: {  	v8 =	vadd.f32 v9, v8;
	v9 =	vld [tilespmem:s11+$0x2F00];
	v4 =	vadd.f32 v6, v4  }
0x254: {  	v6 =	vld [tilespmem:s11+$0x880]  }
0x255: {  	v8 =	vadd.f32 v10, v8;
	v10 =	vld [tilespmem:s11+$0x2F80];
	v4 =	vadd.f32 v7, v4  }
0x256: {  	v7 =	vld [tilespmem:s11+$0x900]  }
0x257: {  	v8 =	vadd.f32 v11, v8;
	v11 =	vld [tilespmem:s11+$0x3000];
	v4 =	vadd.f32 v5, v4  }
0x258: {  	v5 =	vld [tilespmem:s11+$0x980]  }
0x259: {  	v8 =	vadd.f32 v9, v8;
	v9 =	vld [tilespmem:s11+$0x3080];
	v4 =	vadd.f32 v6, v4  }
0x25a: {  	v6 =	vld [tilespmem:s11+$0xA00]  }
0x25b: {  	v8 =	vadd.f32 v10, v8;
	v10 =	vld [tilespmem:s11+$0x3100];
	v4 =	vadd.f32 v7, v4  }
0x25c: {  	v7 =	vld [tilespmem:s11+$0xA80]  }
0x25d: {  	v8 =	vadd.f32 v11, v8;
	v11 =	vld [tilespmem:s11+$0x3180];
	v4 =	vadd.f32 v5, v4  }
0x25e: {  	v5 =	vld [tilespmem:s11+$0xB00]  }
0x25f: {  	v8 =	vadd.f32 v9, v8;
	v9 =	vld [tilespmem:s11+$0x3200];
	v4 =	vadd.f32 v6, v4  }
0x260: {  	v6 =	vld [tilespmem:s11+$0xB80]  }
0x261: {  	v8 =	vadd.f32 v10, v8;
	v10 =	vld [tilespmem:s11+$0x3280];
	v4 =	vadd.f32 v7, v4  }
0x262: {  	v7 =	vld [tilespmem:s11+$0xC00]  }
0x263: {  	v8 =	vadd.f32 v11, v8;
	v11 =	vld [tilespmem:s11+$0x3300];
	v4 =	vadd.f32 v5, v4  }
0x264: {  	v5 =	vld [tilespmem:s11+$0xC80]  }
0x265: {  	v2 =	vld [tilespmem:s11+$0xF00];
	v4 =	vadd.f32 v6, v4;
	v6 =	vadd.f32 v9, v8  }
0x266: {  	v3 =	vld [tilespmem:s11+$0xE80]  }
0x267: {  	v7 =	vadd.f32 v7, v4;
	v4 =	vld [tilespmem:s11+$0xD80];
	v8 =	vadd.f32 v10, v6  }
0x268: {  	v6 =	vld [tilespmem:s11+$0x3400]  }
0x269: {  	v9 =	vadd.f32 v5, v7;
	v5 =	vld [tilespmem:s11+$0xE00];
	v10 =	vadd.f32 v11, v8  }
0x26a: {  	s12 =	simm.s32 $0x10;
	v8 =	vld [tilespmem:s11+$0x3480]  }
0x26b: {  	s13 =	simm.s32 $0x80;
	v7 =	vld [tilespmem:s12+$0x0];
	v9 =	vadd.f32 v12, v9;
	v10 =	vadd.f32 v13, v10  }
.LBB2_4:
0x26c: {  	p0 =	sne.s32 s13, $0x1C0;
	v11 =	vld [tilespmem:s11+$0x3500]  }
0x26d: {  	v12 =	vld [tilespmem:s12+$0x80];
	v4 =	vadd.f32 v4, v9;
	v6 =	vadd.f32 v6, v10  }
0x26e: {  	v9 =	vld [tilespmem:s11+$0x3580]  }
0x26f: {  	v10 =	vld [tilespmem:s12+$0x100];
	v4 =	vadd.f32 v5, v4;
	v5 =	vadd.f32 v8, v6  }
0x270: {  	v6 =	vadd.f32 $0.0e+00, v7;
	v7 =	vld [tilespmem:s11+$0x3600]  }
0x271: {  	v3 =	vadd.f32 v3, v4;
	v4 =	vadd.f32 v11, v5;
	v5 =	vld [tilespmem:s11+$0x3680]  }
0x272: {  	v6 =	vadd.f32 v12, v6;
	v8 =	vld [tilespmem:s12+$0x180]  }
0x273: {  	v11 =	vld [tilespmem:s12+$0xF80];
	v3 =	vadd.f32 v2, v3;
	v4 =	vadd.f32 v9, v4  }
0x274: {  	v6 =	vadd.f32 v10, v6;
	v9 =	vld [tilespmem:s12+$0x200]  }
0x275: {  	v2 =	vld [tilespmem:s12+$0xF00];
	v10 =	vadd.f32 v1, v3;
	v4 =	vadd.f32 v7, v4  }
0x276: {  	v7 =	vld [tilespmem:s12+$0x280]  }
0x277: {  	v6 =	vadd.f32 v8, v6;
	v3 =	vld [tilespmem:s12+$0xE80];
	v4 =	vadd.f32 v5, v4;
	v5 =	vmul.f32 $5.000000000e-01, v10  }
0x278: {  	v8 =	vld [tilespmem:s12+$0x300];
	v1 =	vmov v11  }
0x279: {  	v6 =	vadd.f32 v9, v6;
	v9 =	vld [tilespmem:s12+$0x380];
	v4 =	vadd.f32 v4, v5  }
0x27a: {  	v5 =	vld [tilespmem:s12+$0x2A00]  }
0x27b: {  	v6 =	vadd.f32 v7, v6;
	v7 =	vld [tilespmem:s12+$0x400];
	[tilespmem:s11+$0x3700] =	vst v4;
	s11 =	smov.u32 s12  }
0x27c: {  	v4 =	vld [tilespmem:s11+$0x2A80]  }
0x27d: {  	v6 =	vadd.f32 v8, v6;
	v8 =	vld [tilespmem:s11+$0x480]  }
0x27e: {  	v10 =	vld [tilespmem:s11+$0x2B00]  }
0x27f: {  	v6 =	vadd.f32 v9, v6;
	v9 =	vld [tilespmem:s11+$0x500];
	v5 =	vadd.f32 v5, v0  }
0x280: {  	v11 =	vld [tilespmem:s11+$0x2B80]  }
0x281: {  	v6 =	vadd.f32 v7, v6;
	v7 =	vld [tilespmem:s11+$0x580];
	v4 =	vadd.f32 v4, v5  }
0x282: {  	v5 =	vld [tilespmem:s11+$0x2C00]  }
0x283: {  	v6 =	vadd.f32 v8, v6;
	v8 =	vld [tilespmem:s11+$0x600];
	v4 =	vadd.f32 v10, v4  }
0x284: {  	v10 =	vld [tilespmem:s11+$0x2C80]  }
0x285: {  	v6 =	vadd.f32 v9, v6;
	v9 =	vld [tilespmem:s11+$0x680];
	v4 =	vadd.f32 v11, v4  }
0x286: {  	v11 =	vld [tilespmem:s11+$0x2D00]  }
0x287: {  	v6 =	vadd.f32 v7, v6;
	v7 =	vld [tilespmem:s11+$0x700];
	v4 =	vadd.f32 v5, v4  }
0x288: {  	v5 =	vld [tilespmem:s11+$0x2D80]  }
0x289: {  	v6 =	vadd.f32 v8, v6;
	v8 =	vld [tilespmem:s11+$0x780];
	v4 =	vadd.f32 v10, v4  }
0x28a: {  	v10 =	vld [tilespmem:s11+$0x2E00]  }
0x28b: {  	v6 =	vadd.f32 v9, v6;
	v9 =	vld [tilespmem:s11+$0x800];
	v4 =	vadd.f32 v11, v4  }
0x28c: {  	v11 =	vld [tilespmem:s11+$0x2E80]  }
0x28d: {  	v6 =	vadd.f32 v7, v6;
	v7 =	vld [tilespmem:s11+$0x880];
	v4 =	vadd.f32 v5, v4  }
0x28e: {  	v5 =	vld [tilespmem:s11+$0x2F00]  }
0x28f: {  	v6 =	vadd.f32 v8, v6;
	v8 =	vld [tilespmem:s11+$0x900];
	v4 =	vadd.f32 v10, v4  }
0x290: {  	v10 =	vld [tilespmem:s11+$0x2F80]  }
0x291: {  	v6 =	vadd.f32 v9, v6;
	v9 =	vld [tilespmem:s11+$0x980];
	v4 =	vadd.f32 v11, v4  }
0x292: {  	v11 =	vld [tilespmem:s11+$0x3000]  }
0x293: {  	v6 =	vadd.f32 v7, v6;
	v7 =	vld [tilespmem:s11+$0xA00];
	v4 =	vadd.f32 v5, v4  }
0x294: {  	v5 =	vld [tilespmem:s11+$0x3080]  }
0x295: {  	v6 =	vadd.f32 v8, v6;
	v8 =	vld [tilespmem:s11+$0xA80];
	v4 =	vadd.f32 v10, v4  }
0x296: {  	v10 =	vld [tilespmem:s11+$0x3100]  }
0x297: {  	v6 =	vadd.f32 v9, v6;
	v9 =	vld [tilespmem:s11+$0xB00];
	v4 =	vadd.f32 v11, v4  }
0x298: {  	v11 =	vld [tilespmem:s11+$0x3180]  }
0x299: {  	v6 =	vadd.f32 v7, v6;
	v7 =	vld [tilespmem:s11+$0xB80];
	v4 =	vadd.f32 v5, v4  }
0x29a: {  	v5 =	vld [tilespmem:s11+$0x3200]  }
0x29b: {  	v6 =	vadd.f32 v8, v6;
	v8 =	vld [tilespmem:s11+$0xC00];
	v4 =	vadd.f32 v10, v4  }
0x29c: {  	v10 =	vld [tilespmem:s11+$0x3280]  }
0x29d: {  	v6 =	vadd.f32 v9, v6;
	v9 =	vld [tilespmem:s11+$0xC80];
	v4 =	vadd.f32 v11, v4  }
0x29e: {  	v11 =	vld [tilespmem:s11+$0x3300]  }
0x29f: {  	v6 =	vadd.f32 v7, v6;
	v12 =	vld [tilespmem:s11+$0xD00];
	v5 =	vadd.f32 v5, v4  }
0x2a0: {  	v13 =	vld [tilespmem:s11+$0x3380]  }
.Ltmp1:
0x2a1: {  	v7 =	vadd.f32 v8, v6;
	v4 =	vld [tilespmem:s11+$0xD80];
	v8 =	vadd.f32 v10, v5;
	(pc) =	sbr.rel @p0 .LBB2_4-.Ltmp1, $4  }
0x2a2: {  	v6 =	vld [tilespmem:s11+$0x3400]  }
0x2a3: {  	v9 =	vadd.f32 v9, v7;
	v5 =	vld [tilespmem:s11+$0xE00];
	v10 =	vadd.f32 v11, v8  }
0x2a4: {  	s12 =	sshra.s32 s13, $0x2;
	v8 =	vld [tilespmem:s11+$0x3480]  }
0x2a5: {  	s13 =	sadd.s32 $0x40, s13;
	v7 =	vld [tilespmem:s12+$0x0];
	v9 =	vadd.f32 v12, v9;
	v10 =	vadd.f32 v13, v10  }
0x2a6: {  	v11 =	vld [tilespmem:s11+$0x3500]  }
0x2a7: {  	v12 =	vld [tilespmem:s12+$0x80];
	v4 =	vadd.f32 v4, v9;
	v6 =	vadd.f32 v6, v10  }
0x2a8: {  	v54 =	vld [tilespmem:s11+$0x3580]  }
0x2a9: {  	v55 =	vld [tilespmem:s12+$0x100];
	v4 =	vadd.f32 v5, v4;
	v56 =	vadd.f32 v8, v6  }
0x2aa: {  	v57 =	vld [tilespmem:s11+$0x3600];
	v7 =	vadd.f32 $0.0e+00, v7  }
0x2ab: {  	v58 =	vld [tilespmem:s11+$0x3680];
	v3 =	vadd.f32 v3, v4;
	v59 =	vadd.f32 v11, v56  }
0x2ac: {  	v60 =	vld [tilespmem:s12+$0x180];
	v7 =	vadd.f32 v12, v7  }
0x2ad: {  	v62 =	vld [tilespmem:s12+$0x200];
	v2 =	vadd.f32 v2, v3;
	v61 =	vadd.f32 v54, v59  }
0x2ae: {  	v63 =	vld [tilespmem:s12+$0xF00];
	v7 =	vadd.f32 v55, v7  }
0x2af: {  	v13 =	vld [tilespmem:s12+$0x280];
	v1 =	vadd.f32 v1, v2;
	v12 =	vadd.f32 v57, v61  }
0x2b0: {  	v14 =	vld [tilespmem:s12+$0xE80]  }
0x2b1: {  	v15 =	vld [tilespmem:s12+$0x300];
	v5 =	vadd.f32 v60, v7;
	v2 =	vadd.f32 v58, v12;
	v1 =	vmul.f32 $5.000000000e-01, v1  }
0x2b2: {  	v16 =	vld [tilespmem:s12+$0x380]  }
0x2b3: {  	v17 =	vld [tilespmem:s12+$0x2A00];
	v4 =	vadd.f32 v62, v5;
	v1 =	vadd.f32 v2, v1  }
0x2b4: {  	v18 =	vld [tilespmem:s12+$0x400]  }
0x2b5: {  	v11 =	vld [tilespmem:s12+$0xF80];
	v3 =	vadd.f32 v13, v4;
	[tilespmem:s11+$0x3700] =	vst v1  }
0x2b6: {  	v1 =	vld [tilespmem:s12+$0x2A80]  }
0x2b7: {  	v3 =	vadd.f32 v15, v3;
	v19 =	vld [tilespmem:s12+$0x480]  }
0x2b8: {  	v20 =	vld [tilespmem:s12+$0x2B00]  }
0x2b9: {  	v0 =	vadd.f32 v17, v0;
	v21 =	vld [tilespmem:s12+$0x500];
	v3 =	vadd.f32 v16, v3  }
0x2ba: {  	v22 =	vld [tilespmem:s12+$0x2B80]  }
0x2bb: {  	v23 =	vld [tilespmem:s12+$0x580];
	v3 =	vadd.f32 v18, v3;
	v0 =	vadd.f32 v1, v0  }
0x2bc: {  	v24 =	vld [tilespmem:s12+$0x2C00]  }
0x2bd: {  	v25 =	vld [tilespmem:s12+$0x600];
	v3 =	vadd.f32 v19, v3;
	v0 =	vadd.f32 v20, v0  }
0x2be: {  	v26 =	vld [tilespmem:s12+$0x2C80]  }
0x2bf: {  	v27 =	vld [tilespmem:s12+$0x680];
	v3 =	vadd.f32 v21, v3;
	v0 =	vadd.f32 v22, v0  }
0x2c0: {  	v28 =	vld [tilespmem:s12+$0x2D00]  }
0x2c1: {  	v29 =	vld [tilespmem:s12+$0x700];
	v3 =	vadd.f32 v23, v3;
	v0 =	vadd.f32 v24, v0  }
0x2c2: {  	v30 =	vld [tilespmem:s12+$0x2D80]  }
0x2c3: {  	v31 =	vld [tilespmem:s12+$0x780];
	v3 =	vadd.f32 v25, v3;
	v0 =	vadd.f32 v26, v0  }
0x2c4: {  	v32 =	vld [tilespmem:s12+$0x2E00]  }
0x2c5: {  	v33 =	vld [tilespmem:s12+$0x800];
	v3 =	vadd.f32 v27, v3;
	v0 =	vadd.f32 v28, v0  }
0x2c6: {  	v34 =	vld [tilespmem:s12+$0x2E80]  }
0x2c7: {  	v35 =	vld [tilespmem:s12+$0x880];
	v3 =	vadd.f32 v29, v3;
	v0 =	vadd.f32 v30, v0  }
0x2c8: {  	v36 =	vld [tilespmem:s12+$0x2F00]  }
0x2c9: {  	v37 =	vld [tilespmem:s12+$0x900];
	v3 =	vadd.f32 v31, v3;
	v0 =	vadd.f32 v32, v0  }
0x2ca: {  	v38 =	vld [tilespmem:s12+$0x2F80]  }
0x2cb: {  	v39 =	vld [tilespmem:s12+$0x980];
	v3 =	vadd.f32 v33, v3;
	v0 =	vadd.f32 v34, v0  }
0x2cc: {  	v40 =	vld [tilespmem:s12+$0x3000]  }
0x2cd: {  	v41 =	vld [tilespmem:s12+$0xA00];
	v3 =	vadd.f32 v35, v3;
	v0 =	vadd.f32 v36, v0  }
0x2ce: {  	v42 =	vld [tilespmem:s12+$0x3080]  }
0x2cf: {  	v43 =	vld [tilespmem:s12+$0xA80];
	v3 =	vadd.f32 v37, v3;
	v0 =	vadd.f32 v38, v0  }
0x2d0: {  	v44 =	vld [tilespmem:s12+$0x3100]  }
0x2d1: {  	v45 =	vld [tilespmem:s12+$0xB00];
	v3 =	vadd.f32 v39, v3;
	v0 =	vadd.f32 v40, v0  }
0x2d2: {  	v46 =	vld [tilespmem:s12+$0x3180]  }
0x2d3: {  	v47 =	vld [tilespmem:s12+$0xB80];
	v3 =	vadd.f32 v41, v3;
	v0 =	vadd.f32 v42, v0  }
0x2d4: {  	v48 =	vld [tilespmem:s12+$0x3200]  }
0x2d5: {  	v49 =	vld [tilespmem:s12+$0xC00];
	v3 =	vadd.f32 v43, v3;
	v0 =	vadd.f32 v44, v0  }
0x2d6: {  	v50 =	vld [tilespmem:s12+$0x3280]  }
0x2d7: {  	v51 =	vld [tilespmem:s12+$0xC80];
	v3 =	vadd.f32 v45, v3;
	v0 =	vadd.f32 v46, v0  }
0x2d8: {  	v52 =	vld [tilespmem:s12+$0x3300]  }
0x2d9: {  	v53 =	vld [tilespmem:s12+$0xD00];
	v3 =	vadd.f32 v47, v3;
	v0 =	vadd.f32 v48, v0  }
0x2da: {  	v54 =	vld [tilespmem:s12+$0x3380]  }
0x2db: {  	v55 =	vld [tilespmem:s12+$0xD80];
	v3 =	vadd.f32 v49, v3;
	v0 =	vadd.f32 v50, v0  }
0x2dc: {  	v56 =	vld [tilespmem:s12+$0x3400]  }
0x2dd: {  	v57 =	vld [tilespmem:s12+$0xE00];
	v3 =	vadd.f32 v51, v3;
	v0 =	vadd.f32 v52, v0  }
0x2de: {  	v58 =	vld [tilespmem:s12+$0x3480]  }
0x2df: {  	v3 =	vadd.f32 v53, v3;
	v0 =	vadd.f32 v54, v0  }
0x2e0: {  	v59 =	vld [tilespmem:s12+$0x3500]  }
0x2e1: {  	v3 =	vadd.f32 v55, v3;
	v0 =	vadd.f32 v56, v0  }
0x2e2: {  	v60 =	vld [tilespmem:s12+$0x3580]  }
0x2e3: {  	v3 =	vadd.f32 v57, v3;
	v0 =	vadd.f32 v58, v0  }
0x2e4: {  	v61 =	vld [tilespmem:s12+$0x3600]  }
0x2e5: {  	v3 =	vadd.f32 v14, v3;
	v0 =	vadd.f32 v59, v0  }
0x2e6: {  	v62 =	vld [tilespmem:s12+$0x3680]  }
0x2e7: {  	v3 =	vadd.f32 v63, v3;
	v0 =	vadd.f32 v60, v0;
	_ =	sdelay $0x1  }
0x2e8: {  	v3 =	vadd.f32 v11, v3;
	v0 =	vadd.f32 v61, v0;
	_ =	sdelay $0x1  }
0x2e9: {  	v63 =	vmul.f32 $5.000000000e-01, v3;
	v0 =	vadd.f32 v62, v0;
	_ =	sdelay $0x1  }
0x2ea: {  	s10 =	sadd.s32 $0x1, s10;
	v0 =	vadd.f32 v0, v63  }
0x2eb: {  	p0 =	sne.s32 s10, s29  }
.Ltmp2:
0x2ec: {  	s14 =	simm.s32 $0x3700;
	[tilespmem:s12+$0x3700] =	vst v0;
	(pc) =	sbr.rel @p0 .LBB2_1-.Ltmp2, $4  }
0x2ed: {  	[hbm4b:s25+s1] =	stream.linear.scatter [tilespmem:s14], [sflag:$0x3], $0x80, $0x38;
	[tilespmem:$0x3790] =	vst v63  }
0x2ee: {  	_ =	swait.ge [sflag:s6], $0x80  }
0x2ef: {  	[sflag:s6] =	ssyncset.done $0x0  }
0x2f0: {  	[sflag:s6] =	ssyncadd.s32 $0xFFFFFF80  }
0x2f1: {  	_ =	sfence.sel $0x180000  }
0x2f2: {  	[bflag:$0x0] =	sbarrier.arrive $0xFFFF  }
0x2f3: {  	_ =	strace $0x9000004A  }
0x2f4: {  	s0 =	stileid.u32;
	[bflag:$0x2] =	sbarrier.arrive $0xFFFF  }
0x2f5: {  	p0 =	sne.s32 s0, $0x0;
	s0 =	rddreg [dreg:$0x2]  }
0x2f6: {  	s0 =	sadd.s32 @!p0 $0x100000, s0  }
0x2f7: {  	[sflag:s0] =	ssyncadd.tile.s32 @!p0 $0x1;
	_ =	shalt  }
.Lfunc_end2:
_tile_overlayer_lowered:
.L_overlay_start_2:
0x2f8: {  	(tag) =	ssettag $0x2  }
0x2f9: {  	s0 =	rddreg [dreg:$0x0];
	s2 =	stileid.u32  }
0x2fa: {  	s1 =	rddreg [dreg:$0x1];
	p0 =	sne.s32 s2, $0x0  }
0x2fb: {  	s3 =	rddreg [dreg:$0x2];
	[bflag:$0x3] =	sbarrier.arrive $0xFFFF;
	s2 =	simm.s32 @!p0 $0x1C03  }
0x2fc: {  	[timem:s3], [sflag:s2] =	dma.local @!p0 [hbm:s0], s1  }
0x2fd: {  	s0 =	simm.s32 @!p0 $0x3  }
0x2fe: {  	_ =	swait.ge @!p0 [sflag:s0], s1  }
0x2ff: {  	s1 =	ssub.s32 @!p0 $0x0, s1;
	[sflag:s0] =	ssyncset.done @!p0 $0x0  }
0x300: {  	[sflag:s0] =	ssyncadd.s32 @!p0 s1  }
0x301: {  	[bflag:$0x3] =	sbarrier.arrive $0xFFFF  }
0x302: {  	_ =	shalt  }

</sc_bundles>
